<compile_context>
chip_gen: v7x
topology: tpu7x:2x2x1
jax: 0.10.2.dev20260603
libtpu: 0.0.44.dev20260713+nightly
codegen_flags: <defaults>
</compile_context>

<pallas_src>
import functools
import math

import jax
import jax.numpy as jnp
from jax import lax
from jax.experimental import pallas as pl
from jax.experimental.pallas import tpu as pltpu
from jax.experimental.pallas import tpu_sc as plsc

NUM_BUCKETS = 32
MAX_DISTANCE = 128
NUM_HEADS = 16
QUERY_LEN = 2048
KEY_LEN = 2048

VW = 4096
W = 3968
P = 16
CLASSES = 8
UNITS_PER_TILE = 4
BLOCKS_PER_UNIT = 16
LANES = 16


def _build_v_kernel(tbl_ref, v_ref):
    half = NUM_BUCKETS // 2
    max_exact = half // 2
    scale = (half - max_exact) / math.log(MAX_DISTANCE / max_exact)
    j_iota = lax.broadcasted_iota(jnp.int32, (NUM_BUCKETS, VW), 1)
    b_iota = lax.broadcasted_iota(jnp.int32, (NUM_BUCKETS, VW), 0)
    n = 2047 - j_iota
    ret = jnp.where(n < 0, half, 0)
    na = jnp.abs(n)
    is_small = na < max_exact
    safe = jnp.maximum(na, 1)
    log_val = (jnp.log(safe.astype(jnp.float32) / max_exact) * scale)
    log_val = log_val.astype(jnp.int32)
    bucket = jnp.where(is_small, na, max_exact + log_val)
    bucket = jnp.clip(bucket, 0, half - 1) + ret
    one_hot = (bucket == b_iota).astype(jnp.float32)
    v_ref[...] = lax.dot_general(tbl_ref[...], one_hot,
                                 (((0,), (0,)), ((), ())),
                                 precision=lax.Precision.HIGHEST,
                                 preferred_element_type=jnp.float32)


def _build_v(bias_table):
    v2 = pl.pallas_call(
        _build_v_kernel,
        out_shape=jax.ShapeDtypeStruct((NUM_HEADS, VW), jnp.float32),
    )(bias_table)
    return v2.reshape(NUM_HEADS * VW)


def _expand(v):
    mesh = plsc.VectorSubcoreMesh(core_axis_name="c", subcore_axis_name="s")

    @functools.partial(
        pl.kernel,
        out_type=jax.ShapeDtypeStruct((1, NUM_HEADS, QUERY_LEN, KEY_LEN),
                                      jnp.float32),
        mesh=mesh,
        scratch_types=[pltpu.VMEM((VW,), jnp.float32),
                       pltpu.VMEM((P, W), jnp.float32),
                       pltpu.VMEM((P, W), jnp.float32),
                       pltpu.SemaphoreType.DMA,
                       pltpu.SemaphoreType.DMA],
    )
    def expand_kernel(v_hbm, out_hbm, vbuf, buf0, buf1, sem0, sem1):
        wid = lax.axis_index("c") * 16 + lax.axis_index("s")
        h = wid // 2
        bufs = (buf0, buf1)
        sems = (sem0, sem1)
        pltpu.sync_copy(v_hbm.at[pl.ds(h * VW, VW)], vbuf)

        def drain_unit(b, sm):
            for _ in range(BLOCKS_PER_UNIT):
                pltpu.make_async_copy(b.at[:, pl.ds(0, KEY_LEN)],
                                      out_hbm.at[0, 0, pl.ds(0, P), :],
                                      sm).wait()

        for t in range(UNITS_PER_TILE):
            c = ((wid * UNITS_PER_TILE + t) % CLASSES) * P
            b = bufs[t % 2]
            sm = sems[t % 2]
            if t >= 2:
                drain_unit(b, sm)

            @pl.loop(0, W // LANES)
            def _(cc, b=b, c=c):
                col = cc * LANES
                for r in range(P):
                    start = col + (127 - c - r)
                    b[r, pl.ds(col, LANES)] = vbuf[pl.ds(start, LANES)]

            for m in range(BLOCKS_PER_UNIT):
                i0 = 1920 - 128 * m
                q0 = c + 128 * m
                pltpu.async_copy(b.at[:, pl.ds(i0, KEY_LEN)],
                                 out_hbm.at[0, h, pl.ds(q0, P), :], sm)

        for t in range(2):
            drain_unit(bufs[t], sems[t])

    return expand_kernel(v)


def kernel(query_len, key_len, bias_table):
    del query_len, key_len
    v = _build_v(bias_table)
    return _expand(v)

# --- scband reference (transcript-rebuilt; emitter-appended) ---
"""Pipeline reference for scband-relative-position-bias-43087111914061 (READ-ONLY COPY).

The authoritative reference and input builder live on the scoring server;
editing this copy changes nothing except your own understanding.
"""

import math
import jax, jax.numpy as jnp
import numpy as np

NUM_BUCKETS = 32
MAX_DISTANCE = 128
NUM_HEADS = 16

QUERY_LEN = 2048
KEY_LEN = 2048


def setup_inputs(seed: int = 0) -> dict:
    key = jax.random.key(seed)
    bias_table = jax.random.normal(key, (NUM_BUCKETS, NUM_HEADS), dtype=jnp.float32)
    return {"query_len": 2048, "key_len": 2048, "bias_table": bias_table}


def _compute_bucket(relative_position):
    n = -relative_position
    half_buckets = NUM_BUCKETS // 2
    ret = (n < 0).astype(jnp.int32) * half_buckets
    n = jnp.abs(n)
    max_exact = half_buckets // 2
    is_small = n < max_exact
    scale = (half_buckets - max_exact) / math.log(MAX_DISTANCE / max_exact)
    # guard against log(0): those entries are masked out by is_small anyway
    safe_n = jnp.maximum(n, 1)
    log_val = (jnp.log(safe_n.astype(jnp.float32) / max_exact) * scale).astype(jnp.int32)
    bucket = jnp.where(is_small, n, max_exact + log_val)
    bucket = jnp.clip(bucket, 0, half_buckets - 1)
    return ret + bucket


def reference(query_len, key_len, bias_table):
    q_zero = (jnp.asarray(query_len) - jnp.asarray(query_len)).astype(jnp.int32)
    k_zero = (jnp.asarray(key_len) - jnp.asarray(key_len)).astype(jnp.int32)
    query_pos = jnp.arange(QUERY_LEN, dtype=jnp.int32) + q_zero
    key_pos = jnp.arange(KEY_LEN, dtype=jnp.int32) + k_zero
    relative_position = key_pos[None, :] - query_pos[:, None]
    buckets = _compute_bucket(relative_position)
    bias = jnp.take(bias_table, buckets, axis=0)  # [q, k, H]
    bias = jnp.transpose(bias, (2, 0, 1))[None]   # [1, H, q, k]
    return bias

if __name__ == "__main__":
    import jax
    _d = setup_inputs()
    print(jax.jit(kernel)(*tuple(_d.values())))

</pallas_src>

<mosaic_0001>
#map = affine_map<(d0, d1) -> (0)>
#map1 = affine_map<(d0, d1) -> (0, 0, 0, 0)>
module attributes {stable_mosaic.version = 14 : i64} {
  func.func @expand_kernel(%arg0: i32, %arg1: i32, %arg2: memref<65536xf32, #tpu.memory_space<hbm>>, %arg3: memref<1x16x2048x2048xf32, #tpu.memory_space<hbm>>, %arg4: memref<4096xf32, #tpu.memory_space<vmem>>, %arg5: memref<16x3968xf32, #tpu.memory_space<vmem>>, %arg6: memref<16x3968xf32, #tpu.memory_space<vmem>>, %arg7: memref<!tpu.dma_semaphore, #tpu.memory_space<semaphore_mem>>, %arg8: memref<!tpu.dma_semaphore, #tpu.memory_space<semaphore_mem>>) attributes {dimension_semantics = [#tpu.dimension_semantics<core_parallel>, #tpu.dimension_semantics<subcore_parallel>], iteration_bounds = array<i64: 2, 16>, scalar_prefetch = 0 : i64, scratch_operands = 5 : i64, tpu.core_type = #tpu.core_type<sc_vector_subcore>, window_params = [{transform_indices = #map}, {transform_indices = #map1}]} {
    %mul3A = arith.constant 16 : i32
    %mul3A_0 = arith.muli %arg0, %mul3A : i32
    %add3A = arith.addi %mul3A_0, %arg1 : i32
    %jit3A = arith.constant 2 : i32
    %div3A = arith.divsi %add3A, %jit3A : i32
    %sign3A = arith.constant 0 : i32
    %sign3A_1 = arith.cmpi sgt, %add3A, %sign3A : i32
    %sign3A_2 = arith.extui %sign3A_1 : i1 to i32
    %sign3A_3 = arith.constant 0 : i32
    %sign3A_4 = arith.cmpi slt, %add3A, %sign3A_3 : i32
    %sign3A_5 = arith.extui %sign3A_4 : i1 to i32
    %sign3A_6 = arith.subi %sign3A_2, %sign3A_5 : i32
    %sign3A_7 = arith.constant 0 : i32
    %sign3A_8 = arith.cmpi sgt, %jit3A, %sign3A_7 : i32
    %sign3A_9 = arith.extui %sign3A_8 : i1 to i32
    %sign3A_10 = arith.constant 0 : i32
    %sign3A_11 = arith.cmpi slt, %jit3A, %sign3A_10 : i32
    %sign3A_12 = arith.extui %sign3A_11 : i1 to i32
    %sign3A_13 = arith.subi %sign3A_9, %sign3A_12 : i32
    %ne3A = arith.cmpi ne, %sign3A_6, %sign3A_13 : i32
    %rem3A = arith.remsi %add3A, %jit3A : i32
    %ne3A_14 = arith.constant 0 : i32
    %ne3A_15 = arith.cmpi ne, %rem3A, %ne3A_14 : i32
    %and3A = arith.andi %ne3A, %ne3A_15 : i1
    %sub3A = arith.constant 1 : i32
    %sub3A_16 = arith.subi %div3A, %sub3A : i32
    %select_n3A = arith.select %and3A, %sub3A_16, %div3A : i32
    %mul3A_17 = arith.constant 4096 : i32
    %mul3A_18 = arith.muli %select_n3A, %mul3A_17 : i32
    "tpu.region"() ({
      %run_scoped3A = tpu.sem_alloc : memref<!tpu.dma_semaphore, #tpu.memory_space<semaphore_mem>>
      %dma_start3A_2106 = tpu.memref_slice %arg2[%mul3A_18] : memref<65536xf32, #tpu.memory_space<hbm>> -> memref<4096xf32, #tpu.memory_space<hbm>>
      %dma_start3A_2107 = tpu.memref_slice %arg2[%mul3A_18] : memref<65536xf32, #tpu.memory_space<hbm>> -> memref<4096xf32, #tpu.memory_space<hbm>>
      tpu.enqueue_dma source(%dma_start3A_2107 : memref<4096xf32, #tpu.memory_space<hbm>>) target(%arg4 : memref<4096xf32, #tpu.memory_space<vmem>>) target_semaphore(%run_scoped3A : memref<!tpu.dma_semaphore, #tpu.memory_space<semaphore_mem>>)
      %dma_wait3A_2108 = tpu.memref_slice %arg2[%mul3A_18] : memref<65536xf32, #tpu.memory_space<hbm>> -> memref<4096xf32, #tpu.memory_space<hbm>>
      %dma_wait3A_2109 = tpu.memref_slice %arg2[%mul3A_18] : memref<65536xf32, #tpu.memory_space<hbm>> -> memref<4096xf32, #tpu.memory_space<hbm>>
      tpu.wait_dma2 semaphore(%run_scoped3A : memref<!tpu.dma_semaphore, #tpu.memory_space<semaphore_mem>>) src(%dma_wait3A_2109 : memref<4096xf32, #tpu.memory_space<hbm>>) dst(%arg4 : memref<4096xf32, #tpu.memory_space<vmem>>)
      tpu.yield
    }) : () -> ()
    %mul3A_19 = arith.constant 4 : i32
    %mul3A_20 = arith.muli %add3A, %mul3A_19 : i32
    %add3A_21 = arith.constant 0 : i32
    %add3A_22 = arith.addi %mul3A_20, %add3A_21 : i32
    %jit3A_23 = arith.constant 8 : i32
    %eq3A = arith.constant 0 : i32
    %eq3A_24 = arith.cmpi eq, %jit3A_23, %eq3A : i32
    %jit3A_25 = arith.constant 1 : i32
    %select_n3A_26 = arith.select %eq3A_24, %jit3A_25, %jit3A_23 : i32
    %rem3A_27 = arith.remsi %add3A_22, %select_n3A_26 : i32
    %ne3A_28 = arith.constant 0 : i32
    %ne3A_29 = arith.cmpi ne, %rem3A_27, %ne3A_28 : i32
    %lt3A = arith.constant 0 : i32
    %lt3A_30 = arith.cmpi slt, %rem3A_27, %lt3A : i32
    %lt3A_31 = arith.constant 0 : i32
    %lt3A_32 = arith.cmpi slt, %select_n3A_26, %lt3A_31 : i32
    %ne3A_33 = arith.xori %lt3A_30, %lt3A_32 : i1
    %and3A_34 = arith.andi %ne3A_33, %ne3A_29 : i1
    %add3A_35 = arith.addi %rem3A_27, %select_n3A_26 : i32
    %select_n3A_36 = arith.select %and3A_34, %add3A_35, %rem3A_27 : i32
    %mul3A_37 = arith.constant 16 : i32
    %mul3A_38 = arith.muli %select_n3A_36, %mul3A_37 : i32
    %scan3A = arith.constant 0 : i32
    %scan3A_39 = arith.constant 248 : i32
    %scan3A_40 = arith.addi %scan3A, %scan3A_39 : i32
    %scan3A_41 = arith.constant 1 : i32
    scf.for %scan3A_2106 = %scan3A to %scan3A_40 step %scan3A_41  : i32 {
      %mul3A_2107 = arith.constant 1 : i32
      %mul3A_2108 = arith.muli %scan3A_2106, %mul3A_2107 : i32
      %add3A_2109 = arith.constant 0 : i32
      %add3A_2110 = arith.addi %add3A_2109, %mul3A_2108 : i32
      %mul3A_2111 = arith.constant 16 : i32
      %mul3A_2112 = arith.muli %add3A_2110, %mul3A_2111 : i32
      %sub3A_2113 = arith.constant 127 : i32
      %sub3A_2114 = arith.subi %sub3A_2113, %mul3A_38 : i32
      %sub3A_2115 = arith.constant 0 : i32
      %sub3A_2116 = arith.subi %sub3A_2114, %sub3A_2115 : i32
      %add3A_2117 = arith.addi %mul3A_2112, %sub3A_2116 : i32
      %get3A = arith.index_cast %add3A_2117 : i32 to index
      %get3A_2118 = tpu.vector_load %arg4[%get3A] {strides = array<i32>} : memref<4096xf32, #tpu.memory_space<vmem>>, vector<16xf32>,
      %get3A_2119 = vector.shape_cast %get3A_2118 : vector<16xf32> to vector<16xf32>
      %swap3A = arith.constant 0 : i32
      %swap3A_2120 = arith.index_cast %swap3A : i32 to index
      %swap3A_2121 = arith.index_cast %mul3A_2112 : i32 to index
      %swap3A_2122 = tpu.vector_load %arg5[%swap3A_2120, %swap3A_2121] {strides = array<i32>} : memref<16x3968xf32, #tpu.memory_space<vmem>>, vector<1x16xf32>,
      %swap3A_2123 = vector.shape_cast %swap3A_2122 : vector<1x16xf32> to vector<16xf32>
      %swap3A_2124 = vector.shape_cast %get3A_2119 : vector<16xf32> to vector<1x16xf32>
      tpu.vector_store %arg5[%swap3A_2120, %swap3A_2121], %swap3A_2124 {strides = array<i32>} : memref<16x3968xf32, #tpu.memory_space<vmem>>, vector<1x16xf32>,
      %sub3A_2125 = arith.constant 127 : i32
      %sub3A_2126 = arith.subi %sub3A_2125, %mul3A_38 : i32
      %sub3A_2127 = arith.constant 1 : i32
      %sub3A_2128 = arith.subi %sub3A_2126, %sub3A_2127 : i32
      %add3A_2129 = arith.addi %mul3A_2112, %sub3A_2128 : i32
      %get3A_2130 = arith.index_cast %add3A_2129 : i32 to index
      %get3A_2131 = tpu.vector_load %arg4[%get3A_2130] {strides = array<i32>} : memref<4096xf32, #tpu.memory_space<vmem>>, vector<16xf32>,
      %get3A_2132 = vector.shape_cast %get3A_2131 : vector<16xf32> to vector<16xf32>
      %swap3A_2133 = arith.constant 1 : i32
      %swap3A_2134 = arith.index_cast %swap3A_2133 : i32 to index
      %swap3A_2135 = arith.index_cast %mul3A_2112 : i32 to index
      %swap3A_2136 = tpu.vector_load %arg5[%swap3A_2134, %swap3A_2135] {strides = array<i32>} : memref<16x3968xf32, #tpu.memory_space<vmem>>, vector<1x16xf32>,
      %swap3A_2137 = vector.shape_cast %swap3A_2136 : vector<1x16xf32> to vector<16xf32>
      %swap3A_2138 = vector.shape_cast %get3A_2132 : vector<16xf32> to vector<1x16xf32>
      tpu.vector_store %arg5[%swap3A_2134, %swap3A_2135], %swap3A_2138 {strides = array<i32>} : memref<16x3968xf32, #tpu.memory_space<vmem>>, vector<1x16xf32>,
      %sub3A_2139 = arith.constant 127 : i32
      %sub3A_2140 = arith.subi %sub3A_2139, %mul3A_38 : i32
      %sub3A_2141 = arith.constant 2 : i32
      %sub3A_2142 = arith.subi %sub3A_2140, %sub3A_2141 : i32
      %add3A_2143 = arith.addi %mul3A_2112, %sub3A_2142 : i32
      %get3A_2144 = arith.index_cast %add3A_2143 : i32 to index
      %get3A_2145 = tpu.vector_load %arg4[%get3A_2144] {strides = array<i32>} : memref<4096xf32, #tpu.memory_space<vmem>>, vector<16xf32>,
      %get3A_2146 = vector.shape_cast %get3A_2145 : vector<16xf32> to vector<16xf32>
      %swap3A_2147 = arith.constant 2 : i32
      %swap3A_2148 = arith.index_cast %swap3A_2147 : i32 to index
      %swap3A_2149 = arith.index_cast %mul3A_2112 : i32 to index
      %swap3A_2150 = tpu.vector_load %arg5[%swap3A_2148, %swap3A_2149] {strides = array<i32>} : memref<16x3968xf32, #tpu.memory_space<vmem>>, vector<1x16xf32>,
      %swap3A_2151 = vector.shape_cast %swap3A_2150 : vector<1x16xf32> to vector<16xf32>
      %swap3A_2152 = vector.shape_cast %get3A_2146 : vector<16xf32> to vector<1x16xf32>
      tpu.vector_store %arg5[%swap3A_2148, %swap3A_2149], %swap3A_2152 {strides = array<i32>} : memref<16x3968xf32, #tpu.memory_space<vmem>>, vector<1x16xf32>,
      %sub3A_2153 = arith.constant 127 : i32
      %sub3A_2154 = arith.subi %sub3A_2153, %mul3A_38 : i32
      %sub3A_2155 = arith.constant 3 : i32
      %sub3A_2156 = arith.subi %sub3A_2154, %sub3A_2155 : i32
      %add3A_2157 = arith.addi %mul3A_2112, %sub3A_2156 : i32
      %get3A_2158 = arith.index_cast %add3A_2157 : i32 to index
      %get3A_2159 = tpu.vector_load %arg4[%get3A_2158] {strides = array<i32>} : memref<4096xf32, #tpu.memory_space<vmem>>, vector<16xf32>,
      %get3A_2160 = vector.shape_cast %get3A_2159 : vector<16xf32> to vector<16xf32>
      %swap3A_2161 = arith.constant 3 : i32
      %swap3A_2162 = arith.index_cast %swap3A_2161 : i32 to index
      %swap3A_2163 = arith.index_cast %mul3A_2112 : i32 to index
      %swap3A_2164 = tpu.vector_load %arg5[%swap3A_2162, %swap3A_2163] {strides = array<i32>} : memref<16x3968xf32, #tpu.memory_space<vmem>>, vector<1x16xf32>,
      %swap3A_2165 = vector.shape_cast %swap3A_2164 : vector<1x16xf32> to vector<16xf32>
      %swap3A_2166 = vector.shape_cast %get3A_2160 : vector<16xf32> to vector<1x16xf32>
      tpu.vector_store %arg5[%swap3A_2162, %swap3A_2163], %swap3A_2166 {strides = array<i32>} : memref<16x3968xf32, #tpu.memory_space<vmem>>, vector<1x16xf32>,
      %sub3A_2167 = arith.constant 127 : i32
      %sub3A_2168 = arith.subi %sub3A_2167, %mul3A_38 : i32
      %sub3A_2169 = arith.constant 4 : i32
      %sub3A_2170 = arith.subi %sub3A_2168, %sub3A_2169 : i32
      %add3A_2171 = arith.addi %mul3A_2112, %sub3A_2170 : i32
      %get3A_2172 = arith.index_cast %add3A_2171 : i32 to index
      %get3A_2173 = tpu.vector_load %arg4[%get3A_2172] {strides = array<i32>} : memref<4096xf32, #tpu.memory_space<vmem>>, vector<16xf32>,
      %get3A_2174 = vector.shape_cast %get3A_2173 : vector<16xf32> to vector<16xf32>
      %swap3A_2175 = arith.constant 4 : i32
      %swap3A_2176 = arith.index_cast %swap3A_2175 : i32 to index
      %swap3A_2177 = arith.index_cast %mul3A_2112 : i32 to index
      %swap3A_2178 = tpu.vector_load %arg5[%swap3A_2176, %swap3A_2177] {strides = array<i32>} : memref<16x3968xf32, #tpu.memory_space<vmem>>, vector<1x16xf32>,
      %swap3A_2179 = vector.shape_cast %swap3A_2178 : vector<1x16xf32> to vector<16xf32>
      %swap3A_2180 = vector.shape_cast %get3A_2174 : vector<16xf32> to vector<1x16xf32>
      tpu.vector_store %arg5[%swap3A_2176, %swap3A_2177], %swap3A_2180 {strides = array<i32>} : memref<16x3968xf32, #tpu.memory_space<vmem>>, vector<1x16xf32>,
      %sub3A_2181 = arith.constant 127 : i32
      %sub3A_2182 = arith.subi %sub3A_2181, %mul3A_38 : i32
      %sub3A_2183 = arith.constant 5 : i32
      %sub3A_2184 = arith.subi %sub3A_2182, %sub3A_2183 : i32
      %add3A_2185 = arith.addi %mul3A_2112, %sub3A_2184 : i32
      %get3A_2186 = arith.index_cast %add3A_2185 : i32 to index
      %get3A_2187 = tpu.vector_load %arg4[%get3A_2186] {strides = array<i32>} : memref<4096xf32, #tpu.memory_space<vmem>>, vector<16xf32>,
      %get3A_2188 = vector.shape_cast %get3A_2187 : vector<16xf32> to vector<16xf32>
      %swap3A_2189 = arith.constant 5 : i32
      %swap3A_2190 = arith.index_cast %swap3A_2189 : i32 to index
      %swap3A_2191 = arith.index_cast %mul3A_2112 : i32 to index
      %swap3A_2192 = tpu.vector_load %arg5[%swap3A_2190, %swap3A_2191] {strides = array<i32>} : memref<16x3968xf32, #tpu.memory_space<vmem>>, vector<1x16xf32>,
      %swap3A_2193 = vector.shape_cast %swap3A_2192 : vector<1x16xf32> to vector<16xf32>
      %swap3A_2194 = vector.shape_cast %get3A_2188 : vector<16xf32> to vector<1x16xf32>
      tpu.vector_store %arg5[%swap3A_2190, %swap3A_2191], %swap3A_2194 {strides = array<i32>} : memref<16x3968xf32, #tpu.memory_space<vmem>>, vector<1x16xf32>,
      %sub3A_2195 = arith.constant 127 : i32
      %sub3A_2196 = arith.subi %sub3A_2195, %mul3A_38 : i32
      %sub3A_2197 = arith.constant 6 : i32
      %sub3A_2198 = arith.subi %sub3A_2196, %sub3A_2197 : i32
      %add3A_2199 = arith.addi %mul3A_2112, %sub3A_2198 : i32
      %get3A_2200 = arith.index_cast %add3A_2199 : i32 to index
      %get3A_2201 = tpu.vector_load %arg4[%get3A_2200] {strides = array<i32>} : memref<4096xf32, #tpu.memory_space<vmem>>, vector<16xf32>,
      %get3A_2202 = vector.shape_cast %get3A_2201 : vector<16xf32> to vector<16xf32>
      %swap3A_2203 = arith.constant 6 : i32
      %swap3A_2204 = arith.index_cast %swap3A_2203 : i32 to index
      %swap3A_2205 = arith.index_cast %mul3A_2112 : i32 to index
      %swap3A_2206 = tpu.vector_load %arg5[%swap3A_2204, %swap3A_2205] {strides = array<i32>} : memref<16x3968xf32, #tpu.memory_space<vmem>>, vector<1x16xf32>,
      %swap3A_2207 = vector.shape_cast %swap3A_2206 : vector<1x16xf32> to vector<16xf32>
      %swap3A_2208 = vector.shape_cast %get3A_2202 : vector<16xf32> to vector<1x16xf32>
      tpu.vector_store %arg5[%swap3A_2204, %swap3A_2205], %swap3A_2208 {strides = array<i32>} : memref<16x3968xf32, #tpu.memory_space<vmem>>, vector<1x16xf32>,
      %sub3A_2209 = arith.constant 127 : i32
      %sub3A_2210 = arith.subi %sub3A_2209, %mul3A_38 : i32
      %sub3A_2211 = arith.constant 7 : i32
      %sub3A_2212 = arith.subi %sub3A_2210, %sub3A_2211 : i32
      %add3A_2213 = arith.addi %mul3A_2112, %sub3A_2212 : i32
      %get3A_2214 = arith.index_cast %add3A_2213 : i32 to index
      %get3A_2215 = tpu.vector_load %arg4[%get3A_2214] {strides = array<i32>} : memref<4096xf32, #tpu.memory_space<vmem>>, vector<16xf32>,
      %get3A_2216 = vector.shape_cast %get3A_2215 : vector<16xf32> to vector<16xf32>
      %swap3A_2217 = arith.constant 7 : i32
      %swap3A_2218 = arith.index_cast %swap3A_2217 : i32 to index
      %swap3A_2219 = arith.index_cast %mul3A_2112 : i32 to index
      %swap3A_2220 = tpu.vector_load %arg5[%swap3A_2218, %swap3A_2219] {strides = array<i32>} : memref<16x3968xf32, #tpu.memory_space<vmem>>, vector<1x16xf32>,
      %swap3A_2221 = vector.shape_cast %swap3A_2220 : vector<1x16xf32> to vector<16xf32>
      %swap3A_2222 = vector.shape_cast %get3A_2216 : vector<16xf32> to vector<1x16xf32>
      tpu.vector_store %arg5[%swap3A_2218, %swap3A_2219], %swap3A_2222 {strides = array<i32>} : memref<16x3968xf32, #tpu.memory_space<vmem>>, vector<1x16xf32>,
      %sub3A_2223 = arith.constant 127 : i32
      %sub3A_2224 = arith.subi %sub3A_2223, %mul3A_38 : i32
      %sub3A_2225 = arith.constant 8 : i32
      %sub3A_2226 = arith.subi %sub3A_2224, %sub3A_2225 : i32
      %add3A_2227 = arith.addi %mul3A_2112, %sub3A_2226 : i32
      %get3A_2228 = arith.index_cast %add3A_2227 : i32 to index
      %get3A_2229 = tpu.vector_load %arg4[%get3A_2228] {strides = array<i32>} : memref<4096xf32, #tpu.memory_space<vmem>>, vector<16xf32>,
      %get3A_2230 = vector.shape_cast %get3A_2229 : vector<16xf32> to vector<16xf32>
      %swap3A_2231 = arith.constant 8 : i32
      %swap3A_2232 = arith.index_cast %swap3A_2231 : i32 to index
      %swap3A_2233 = arith.index_cast %mul3A_2112 : i32 to index
      %swap3A_2234 = tpu.vector_load %arg5[%swap3A_2232, %swap3A_2233] {strides = array<i32>} : memref<16x3968xf32, #tpu.memory_space<vmem>>, vector<1x16xf32>,
      %swap3A_2235 = vector.shape_cast %swap3A_2234 : vector<1x16xf32> to vector<16xf32>
      %swap3A_2236 = vector.shape_cast %get3A_2230 : vector<16xf32> to vector<1x16xf32>
      tpu.vector_store %arg5[%swap3A_2232, %swap3A_2233], %swap3A_2236 {strides = array<i32>} : memref<16x3968xf32, #tpu.memory_space<vmem>>, vector<1x16xf32>,
      %sub3A_2237 = arith.constant 127 : i32
      %sub3A_2238 = arith.subi %sub3A_2237, %mul3A_38 : i32
      %sub3A_2239 = arith.constant 9 : i32
      %sub3A_2240 = arith.subi %sub3A_2238, %sub3A_2239 : i32
      %add3A_2241 = arith.addi %mul3A_2112, %sub3A_2240 : i32
      %get3A_2242 = arith.index_cast %add3A_2241 : i32 to index
      %get3A_2243 = tpu.vector_load %arg4[%get3A_2242] {strides = array<i32>} : memref<4096xf32, #tpu.memory_space<vmem>>, vector<16xf32>,
      %get3A_2244 = vector.shape_cast %get3A_2243 : vector<16xf32> to vector<16xf32>
      %swap3A_2245 = arith.constant 9 : i32
      %swap3A_2246 = arith.index_cast %swap3A_2245 : i32 to index
      %swap3A_2247 = arith.index_cast %mul3A_2112 : i32 to index
      %swap3A_2248 = tpu.vector_load %arg5[%swap3A_2246, %swap3A_2247] {strides = array<i32>} : memref<16x3968xf32, #tpu.memory_space<vmem>>, vector<1x16xf32>,
      %swap3A_2249 = vector.shape_cast %swap3A_2248 : vector<1x16xf32> to vector<16xf32>
      %swap3A_2250 = vector.shape_cast %get3A_2244 : vector<16xf32> to vector<1x16xf32>
      tpu.vector_store %arg5[%swap3A_2246, %swap3A_2247], %swap3A_2250 {strides = array<i32>} : memref<16x3968xf32, #tpu.memory_space<vmem>>, vector<1x16xf32>,
      %sub3A_2251 = arith.constant 127 : i32
      %sub3A_2252 = arith.subi %sub3A_2251, %mul3A_38 : i32
      %sub3A_2253 = arith.constant 10 : i32
      %sub3A_2254 = arith.subi %sub3A_2252, %sub3A_2253 : i32
      %add3A_2255 = arith.addi %mul3A_2112, %sub3A_2254 : i32
      %get3A_2256 = arith.index_cast %add3A_2255 : i32 to index
      %get3A_2257 = tpu.vector_load %arg4[%get3A_2256] {strides = array<i32>} : memref<4096xf32, #tpu.memory_space<vmem>>, vector<16xf32>,
      %get3A_2258 = vector.shape_cast %get3A_2257 : vector<16xf32> to vector<16xf32>
      %swap3A_2259 = arith.constant 10 : i32
      %swap3A_2260 = arith.index_cast %swap3A_2259 : i32 to index
      %swap3A_2261 = arith.index_cast %mul3A_2112 : i32 to index
      %swap3A_2262 = tpu.vector_load %arg5[%swap3A_2260, %swap3A_2261] {strides = array<i32>} : memref<16x3968xf32, #tpu.memory_space<vmem>>, vector<1x16xf32>,
      %swap3A_2263 = vector.shape_cast %swap3A_2262 : vector<1x16xf32> to vector<16xf32>
      %swap3A_2264 = vector.shape_cast %get3A_2258 : vector<16xf32> to vector<1x16xf32>
      tpu.vector_store %arg5[%swap3A_2260, %swap3A_2261], %swap3A_2264 {strides = array<i32>} : memref<16x3968xf32, #tpu.memory_space<vmem>>, vector<1x16xf32>,
      %sub3A_2265 = arith.constant 127 : i32
      %sub3A_2266 = arith.subi %sub3A_2265, %mul3A_38 : i32
      %sub3A_2267 = arith.constant 11 : i32
      %sub3A_2268 = arith.subi %sub3A_2266, %sub3A_2267 : i32
      %add3A_2269 = arith.addi %mul3A_2112, %sub3A_2268 : i32
      %get3A_2270 = arith.index_cast %add3A_2269 : i32 to index
      %get3A_2271 = tpu.vector_load %arg4[%get3A_2270] {strides = array<i32>} : memref<4096xf32, #tpu.memory_space<vmem>>, vector<16xf32>,
      %get3A_2272 = vector.shape_cast %get3A_2271 : vector<16xf32> to vector<16xf32>
      %swap3A_2273 = arith.constant 11 : i32
      %swap3A_2274 = arith.index_cast %swap3A_2273 : i32 to index
      %swap3A_2275 = arith.index_cast %mul3A_2112 : i32 to index
      %swap3A_2276 = tpu.vector_load %arg5[%swap3A_2274, %swap3A_2275] {strides = array<i32>} : memref<16x3968xf32, #tpu.memory_space<vmem>>, vector<1x16xf32>,
      %swap3A_2277 = vector.shape_cast %swap3A_2276 : vector<1x16xf32> to vector<16xf32>
      %swap3A_2278 = vector.shape_cast %get3A_2272 : vector<16xf32> to vector<1x16xf32>
      tpu.vector_store %arg5[%swap3A_2274, %swap3A_2275], %swap3A_2278 {strides = array<i32>} : memref<16x3968xf32, #tpu.memory_space<vmem>>, vector<1x16xf32>,
      %sub3A_2279 = arith.constant 127 : i32
      %sub3A_2280 = arith.subi %sub3A_2279, %mul3A_38 : i32
      %sub3A_2281 = arith.constant 12 : i32
      %sub3A_2282 = arith.subi %sub3A_2280, %sub3A_2281 : i32
      %add3A_2283 = arith.addi %mul3A_2112, %sub3A_2282 : i32
      %get3A_2284 = arith.index_cast %add3A_2283 : i32 to index
      %get3A_2285 = tpu.vector_load %arg4[%get3A_2284] {strides = array<i32>} : memref<4096xf32, #tpu.memory_space<vmem>>, vector<16xf32>,
      %get3A_2286 = vector.shape_cast %get3A_2285 : vector<16xf32> to vector<16xf32>
      %swap3A_2287 = arith.constant 12 : i32
      %swap3A_2288 = arith.index_cast %swap3A_2287 : i32 to index
      %swap3A_2289 = arith.index_cast %mul3A_2112 : i32 to index
      %swap3A_2290 = tpu.vector_load %arg5[%swap3A_2288, %swap3A_2289] {strides = array<i32>} : memref<16x3968xf32, #tpu.memory_space<vmem>>, vector<1x16xf32>,
      %swap3A_2291 = vector.shape_cast %swap3A_2290 : vector<1x16xf32> to vector<16xf32>
      %swap3A_2292 = vector.shape_cast %get3A_2286 : vector<16xf32> to vector<1x16xf32>
      tpu.vector_store %arg5[%swap3A_2288, %swap3A_2289], %swap3A_2292 {strides = array<i32>} : memref<16x3968xf32, #tpu.memory_space<vmem>>, vector<1x16xf32>,
      %sub3A_2293 = arith.constant 127 : i32
      %sub3A_2294 = arith.subi %sub3A_2293, %mul3A_38 : i32
      %sub3A_2295 = arith.constant 13 : i32
      %sub3A_2296 = arith.subi %sub3A_2294, %sub3A_2295 : i32
      %add3A_2297 = arith.addi %mul3A_2112, %sub3A_2296 : i32
      %get3A_2298 = arith.index_cast %add3A_2297 : i32 to index
      %get3A_2299 = tpu.vector_load %arg4[%get3A_2298] {strides = array<i32>} : memref<4096xf32, #tpu.memory_space<vmem>>, vector<16xf32>,
      %get3A_2300 = vector.shape_cast %get3A_2299 : vector<16xf32> to vector<16xf32>
      %swap3A_2301 = arith.constant 13 : i32
      %swap3A_2302 = arith.index_cast %swap3A_2301 : i32 to index
      %swap3A_2303 = arith.index_cast %mul3A_2112 : i32 to index
      %swap3A_2304 = tpu.vector_load %arg5[%swap3A_2302, %swap3A_2303] {strides = array<i32>} : memref<16x3968xf32, #tpu.memory_space<vmem>>, vector<1x16xf32>,
      %swap3A_2305 = vector.shape_cast %swap3A_2304 : vector<1x16xf32> to vector<16xf32>
      %swap3A_2306 = vector.shape_cast %get3A_2300 : vector<16xf32> to vector<1x16xf32>
      tpu.vector_store %arg5[%swap3A_2302, %swap3A_2303], %swap3A_2306 {strides = array<i32>} : memref<16x3968xf32, #tpu.memory_space<vmem>>, vector<1x16xf32>,
      %sub3A_2307 = arith.constant 127 : i32
      %sub3A_2308 = arith.subi %sub3A_2307, %mul3A_38 : i32
      %sub3A_2309 = arith.constant 14 : i32
      %sub3A_2310 = arith.subi %sub3A_2308, %sub3A_2309 : i32
      %add3A_2311 = arith.addi %mul3A_2112, %sub3A_2310 : i32
      %get3A_2312 = arith.index_cast %add3A_2311 : i32 to index
      %get3A_2313 = tpu.vector_load %arg4[%get3A_2312] {strides = array<i32>} : memref<4096xf32, #tpu.memory_space<vmem>>, vector<16xf32>,
      %get3A_2314 = vector.shape_cast %get3A_2313 : vector<16xf32> to vector<16xf32>
      %swap3A_2315 = arith.constant 14 : i32
      %swap3A_2316 = arith.index_cast %swap3A_2315 : i32 to index
      %swap3A_2317 = arith.index_cast %mul3A_2112 : i32 to index
      %swap3A_2318 = tpu.vector_load %arg5[%swap3A_2316, %swap3A_2317] {strides = array<i32>} : memref<16x3968xf32, #tpu.memory_space<vmem>>, vector<1x16xf32>,
      %swap3A_2319 = vector.shape_cast %swap3A_2318 : vector<1x16xf32> to vector<16xf32>
      %swap3A_2320 = vector.shape_cast %get3A_2314 : vector<16xf32> to vector<1x16xf32>
      tpu.vector_store %arg5[%swap3A_2316, %swap3A_2317], %swap3A_2320 {strides = array<i32>} : memref<16x3968xf32, #tpu.memory_space<vmem>>, vector<1x16xf32>,
      %sub3A_2321 = arith.constant 127 : i32
      %sub3A_2322 = arith.subi %sub3A_2321, %mul3A_38 : i32
      %sub3A_2323 = arith.constant 15 : i32
      %sub3A_2324 = arith.subi %sub3A_2322, %sub3A_2323 : i32
      %add3A_2325 = arith.addi %mul3A_2112, %sub3A_2324 : i32
      %get3A_2326 = arith.index_cast %add3A_2325 : i32 to index
      %get3A_2327 = tpu.vector_load %arg4[%get3A_2326] {strides = array<i32>} : memref<4096xf32, #tpu.memory_space<vmem>>, vector<16xf32>,
      %get3A_2328 = vector.shape_cast %get3A_2327 : vector<16xf32> to vector<16xf32>
      %swap3A_2329 = arith.constant 15 : i32
      %swap3A_2330 = arith.index_cast %swap3A_2329 : i32 to index
      %swap3A_2331 = arith.index_cast %mul3A_2112 : i32 to index
      %swap3A_2332 = tpu.vector_load %arg5[%swap3A_2330, %swap3A_2331] {strides = array<i32>} : memref<16x3968xf32, #tpu.memory_space<vmem>>, vector<1x16xf32>,
      %swap3A_2333 = vector.shape_cast %swap3A_2332 : vector<1x16xf32> to vector<16xf32>
      %swap3A_2334 = vector.shape_cast %get3A_2328 : vector<16xf32> to vector<1x16xf32>
      tpu.vector_store %arg5[%swap3A_2330, %swap3A_2331], %swap3A_2334 {strides = array<i32>} : memref<16x3968xf32, #tpu.memory_space<vmem>>, vector<1x16xf32>,
    }
    %scan3A_42 = arith.constant 248 : i32
    %add3A_43 = arith.constant 0 : i32
    %add3A_44 = arith.addi %mul3A_38, %add3A_43 : i32
    %dma_start3A = arith.constant 0 : i32
    %dma_start3A_45 = arith.constant 0 : i32
    %dma_start3A_46 = arith.constant 1920 : i32
    %dma_start3A_47 = tpu.memref_slice %arg5[%dma_start3A_45, %dma_start3A_46] : memref<16x3968xf32, #tpu.memory_space<vmem>> -> memref<16x2048xf32, #tpu.memory_space<vmem>>
    %dma_start3A_48 = arith.constant 0 : i32
    %dma_start3A_49 = tpu.memref_slice %arg3[%dma_start3A, %select_n3A, %add3A_44, %dma_start3A_48] : memref<1x16x2048x2048xf32, #tpu.memory_space<hbm>> -> memref<1x1x16x2048xf32, #tpu.memory_space<hbm>>
    %dma_start3A_50 = tpu.memref_squeeze %dma_start3A_49 : memref<1x1x16x2048xf32, #tpu.memory_space<hbm>> -> memref<16x2048xf32, #tpu.memory_space<hbm>>
    %dma_start3A_51 = arith.constant 0 : i32
    %dma_start3A_52 = tpu.memref_slice %arg3[%dma_start3A, %select_n3A, %add3A_44, %dma_start3A_51] : memref<1x16x2048x2048xf32, #tpu.memory_space<hbm>> -> memref<1x1x16x2048xf32, #tpu.memory_space<hbm>>
    %dma_start3A_53 = tpu.memref_squeeze %dma_start3A_52 : memref<1x1x16x2048xf32, #tpu.memory_space<hbm>> -> memref<16x2048xf32, #tpu.memory_space<hbm>>
    %dma_start3A_54 = arith.constant 0 : i32
    %dma_start3A_55 = arith.constant 1920 : i32
    %dma_start3A_56 = tpu.memref_slice %arg5[%dma_start3A_54, %dma_start3A_55] : memref<16x3968xf32, #tpu.memory_space<vmem>> -> memref<16x2048xf32, #tpu.memory_space<vmem>>
    tpu.enqueue_dma source(%dma_start3A_56 : memref<16x2048xf32, #tpu.memory_space<vmem>>) target(%dma_start3A_53 : memref<16x2048xf32, #tpu.memory_space<hbm>>) target_semaphore(%arg7 : memref<!tpu.dma_semaphore, #tpu.memory_space<semaphore_mem>>)
    %add3A_57 = arith.constant 128 : i32
    %add3A_58 = arith.addi %mul3A_38, %add3A_57 : i32
    %dma_start3A_59 = arith.constant 0 : i32
    %dma_start3A_60 = arith.constant 0 : i32
    %dma_start3A_61 = arith.constant 1792 : i32
    %dma_start3A_62 = tpu.memref_slice %arg5[%dma_start3A_60, %dma_start3A_61] : memref<16x3968xf32, #tpu.memory_space<vmem>> -> memref<16x2048xf32, #tpu.memory_space<vmem>>
    %dma_start3A_63 = arith.constant 0 : i32
    %dma_start3A_64 = tpu.memref_slice %arg3[%dma_start3A_59, %select_n3A, %add3A_58, %dma_start3A_63] : memref<1x16x2048x2048xf32, #tpu.memory_space<hbm>> -> memref<1x1x16x2048xf32, #tpu.memory_space<hbm>>
    %dma_start3A_65 = tpu.memref_squeeze %dma_start3A_64 : memref<1x1x16x2048xf32, #tpu.memory_space<hbm>> -> memref<16x2048xf32, #tpu.memory_space<hbm>>
    %dma_start3A_66 = arith.constant 0 : i32
    %dma_start3A_67 = tpu.memref_slice %arg3[%dma_start3A_59, %select_n3A, %add3A_58, %dma_start3A_66] : memref<1x16x2048x2048xf32, #tpu.memory_space<hbm>> -> memref<1x1x16x2048xf32, #tpu.memory_space<hbm>>
    %dma_start3A_68 = tpu.memref_squeeze %dma_start3A_67 : memref<1x1x16x2048xf32, #tpu.memory_space<hbm>> -> memref<16x2048xf32, #tpu.memory_space<hbm>>
    %dma_start3A_69 = arith.constant 0 : i32
    %dma_start3A_70 = arith.constant 1792 : i32
    %dma_start3A_71 = tpu.memref_slice %arg5[%dma_start3A_69, %dma_start3A_70] : memref<16x3968xf32, #tpu.memory_space<vmem>> -> memref<16x2048xf32, #tpu.memory_space<vmem>>
    tpu.enqueue_dma source(%dma_start3A_71 : memref<16x2048xf32, #tpu.memory_space<vmem>>) target(%dma_start3A_68 : memref<16x2048xf32, #tpu.memory_space<hbm>>) target_semaphore(%arg7 : memref<!tpu.dma_semaphore, #tpu.memory_space<semaphore_mem>>)
    %add3A_72 = arith.constant 256 : i32
    %add3A_73 = arith.addi %mul3A_38, %add3A_72 : i32
    %dma_start3A_74 = arith.constant 0 : i32
    %dma_start3A_75 = arith.constant 0 : i32
    %dma_start3A_76 = arith.constant 1664 : i32
    %dma_start3A_77 = tpu.memref_slice %arg5[%dma_start3A_75, %dma_start3A_76] : memref<16x3968xf32, #tpu.memory_space<vmem>> -> memref<16x2048xf32, #tpu.memory_space<vmem>>
    %dma_start3A_78 = arith.constant 0 : i32
    %dma_start3A_79 = tpu.memref_slice %arg3[%dma_start3A_74, %select_n3A, %add3A_73, %dma_start3A_78] : memref<1x16x2048x2048xf32, #tpu.memory_space<hbm>> -> memref<1x1x16x2048xf32, #tpu.memory_space<hbm>>
    %dma_start3A_80 = tpu.memref_squeeze %dma_start3A_79 : memref<1x1x16x2048xf32, #tpu.memory_space<hbm>> -> memref<16x2048xf32, #tpu.memory_space<hbm>>
    %dma_start3A_81 = arith.constant 0 : i32
    %dma_start3A_82 = tpu.memref_slice %arg3[%dma_start3A_74, %select_n3A, %add3A_73, %dma_start3A_81] : memref<1x16x2048x2048xf32, #tpu.memory_space<hbm>> -> memref<1x1x16x2048xf32, #tpu.memory_space<hbm>>
    %dma_start3A_83 = tpu.memref_squeeze %dma_start3A_82 : memref<1x1x16x2048xf32, #tpu.memory_space<hbm>> -> memref<16x2048xf32, #tpu.memory_space<hbm>>
    %dma_start3A_84 = arith.constant 0 : i32
    %dma_start3A_85 = arith.constant 1664 : i32
    %dma_start3A_86 = tpu.memref_slice %arg5[%dma_start3A_84, %dma_start3A_85] : memref<16x3968xf32, #tpu.memory_space<vmem>> -> memref<16x2048xf32, #tpu.memory_space<vmem>>
    tpu.enqueue_dma source(%dma_start3A_86 : memref<16x2048xf32, #tpu.memory_space<vmem>>) target(%dma_start3A_83 : memref<16x2048xf32, #tpu.memory_space<hbm>>) target_semaphore(%arg7 : memref<!tpu.dma_semaphore, #tpu.memory_space<semaphore_mem>>)
    %add3A_87 = arith.constant 384 : i32
    %add3A_88 = arith.addi %mul3A_38, %add3A_87 : i32
    %dma_start3A_89 = arith.constant 0 : i32
    %dma_start3A_90 = arith.constant 0 : i32
    %dma_start3A_91 = arith.constant 1536 : i32
    %dma_start3A_92 = tpu.memref_slice %arg5[%dma_start3A_90, %dma_start3A_91] : memref<16x3968xf32, #tpu.memory_space<vmem>> -> memref<16x2048xf32, #tpu.memory_space<vmem>>
    %dma_start3A_93 = arith.constant 0 : i32
    %dma_start3A_94 = tpu.memref_slice %arg3[%dma_start3A_89, %select_n3A, %add3A_88, %dma_start3A_93] : memref<1x16x2048x2048xf32, #tpu.memory_space<hbm>> -> memref<1x1x16x2048xf32, #tpu.memory_space<hbm>>
    %dma_start3A_95 = tpu.memref_squeeze %dma_start3A_94 : memref<1x1x16x2048xf32, #tpu.memory_space<hbm>> -> memref<16x2048xf32, #tpu.memory_space<hbm>>
    %dma_start3A_96 = arith.constant 0 : i32
    %dma_start3A_97 = tpu.memref_slice %arg3[%dma_start3A_89, %select_n3A, %add3A_88, %dma_start3A_96] : memref<1x16x2048x2048xf32, #tpu.memory_space<hbm>> -> memref<1x1x16x2048xf32, #tpu.memory_space<hbm>>
    %dma_start3A_98 = tpu.memref_squeeze %dma_start3A_97 : memref<1x1x16x2048xf32, #tpu.memory_space<hbm>> -> memref<16x2048xf32, #tpu.memory_space<hbm>>
    %dma_start3A_99 = arith.constant 0 : i32
    %dma_start3A_100 = arith.constant 1536 : i32
    %dma_start3A_101 = tpu.memref_slice %arg5[%dma_start3A_99, %dma_start3A_100] : memref<16x3968xf32, #tpu.memory_space<vmem>> -> memref<16x2048xf32, #tpu.memory_space<vmem>>
    tpu.enqueue_dma source(%dma_start3A_101 : memref<16x2048xf32, #tpu.memory_space<vmem>>) target(%dma_start3A_98 : memref<16x2048xf32, #tpu.memory_space<hbm>>) target_semaphore(%arg7 : memref<!tpu.dma_semaphore, #tpu.memory_space<semaphore_mem>>)
    %add3A_102 = arith.constant 512 : i32
    %add3A_103 = arith.addi %mul3A_38, %add3A_102 : i32
    %dma_start3A_104 = arith.constant 0 : i32
    %dma_start3A_105 = arith.constant 0 : i32
    %dma_start3A_106 = arith.constant 1408 : i32
    %dma_start3A_107 = tpu.memref_slice %arg5[%dma_start3A_105, %dma_start3A_106] : memref<16x3968xf32, #tpu.memory_space<vmem>> -> memref<16x2048xf32, #tpu.memory_space<vmem>>
    %dma_start3A_108 = arith.constant 0 : i32
    %dma_start3A_109 = tpu.memref_slice %arg3[%dma_start3A_104, %select_n3A, %add3A_103, %dma_start3A_108] : memref<1x16x2048x2048xf32, #tpu.memory_space<hbm>> -> memref<1x1x16x2048xf32, #tpu.memory_space<hbm>>
    %dma_start3A_110 = tpu.memref_squeeze %dma_start3A_109 : memref<1x1x16x2048xf32, #tpu.memory_space<hbm>> -> memref<16x2048xf32, #tpu.memory_space<hbm>>
    %dma_start3A_111 = arith.constant 0 : i32
    %dma_start3A_112 = tpu.memref_slice %arg3[%dma_start3A_104, %select_n3A, %add3A_103, %dma_start3A_111] : memref<1x16x2048x2048xf32, #tpu.memory_space<hbm>> -> memref<1x1x16x2048xf32, #tpu.memory_space<hbm>>
    %dma_start3A_113 = tpu.memref_squeeze %dma_start3A_112 : memref<1x1x16x2048xf32, #tpu.memory_space<hbm>> -> memref<16x2048xf32, #tpu.memory_space<hbm>>
    %dma_start3A_114 = arith.constant 0 : i32
    %dma_start3A_115 = arith.constant 1408 : i32
    %dma_start3A_116 = tpu.memref_slice %arg5[%dma_start3A_114, %dma_start3A_115] : memref<16x3968xf32, #tpu.memory_space<vmem>> -> memref<16x2048xf32, #tpu.memory_space<vmem>>
    tpu.enqueue_dma source(%dma_start3A_116 : memref<16x2048xf32, #tpu.memory_space<vmem>>) target(%dma_start3A_113 : memref<16x2048xf32, #tpu.memory_space<hbm>>) target_semaphore(%arg7 : memref<!tpu.dma_semaphore, #tpu.memory_space<semaphore_mem>>)
    %add3A_117 = arith.constant 640 : i32
    %add3A_118 = arith.addi %mul3A_38, %add3A_117 : i32
    %dma_start3A_119 = arith.constant 0 : i32
    %dma_start3A_120 = arith.constant 0 : i32
    %dma_start3A_121 = arith.constant 1280 : i32
    %dma_start3A_122 = tpu.memref_slice %arg5[%dma_start3A_120, %dma_start3A_121] : memref<16x3968xf32, #tpu.memory_space<vmem>> -> memref<16x2048xf32, #tpu.memory_space<vmem>>
    %dma_start3A_123 = arith.constant 0 : i32
    %dma_start3A_124 = tpu.memref_slice %arg3[%dma_start3A_119, %select_n3A, %add3A_118, %dma_start3A_123] : memref<1x16x2048x2048xf32, #tpu.memory_space<hbm>> -> memref<1x1x16x2048xf32, #tpu.memory_space<hbm>>
    %dma_start3A_125 = tpu.memref_squeeze %dma_start3A_124 : memref<1x1x16x2048xf32, #tpu.memory_space<hbm>> -> memref<16x2048xf32, #tpu.memory_space<hbm>>
    %dma_start3A_126 = arith.constant 0 : i32
    %dma_start3A_127 = tpu.memref_slice %arg3[%dma_start3A_119, %select_n3A, %add3A_118, %dma_start3A_126] : memref<1x16x2048x2048xf32, #tpu.memory_space<hbm>> -> memref<1x1x16x2048xf32, #tpu.memory_space<hbm>>
    %dma_start3A_128 = tpu.memref_squeeze %dma_start3A_127 : memref<1x1x16x2048xf32, #tpu.memory_space<hbm>> -> memref<16x2048xf32, #tpu.memory_space<hbm>>
    %dma_start3A_129 = arith.constant 0 : i32
    %dma_start3A_130 = arith.constant 1280 : i32
    %dma_start3A_131 = tpu.memref_slice %arg5[%dma_start3A_129, %dma_start3A_130] : memref<16x3968xf32, #tpu.memory_space<vmem>> -> memref<16x2048xf32, #tpu.memory_space<vmem>>
    tpu.enqueue_dma source(%dma_start3A_131 : memref<16x2048xf32, #tpu.memory_space<vmem>>) target(%dma_start3A_128 : memref<16x2048xf32, #tpu.memory_space<hbm>>) target_semaphore(%arg7 : memref<!tpu.dma_semaphore, #tpu.memory_space<semaphore_mem>>)
    %add3A_132 = arith.constant 768 : i32
    %add3A_133 = arith.addi %mul3A_38, %add3A_132 : i32
    %dma_start3A_134 = arith.constant 0 : i32
    %dma_start3A_135 = arith.constant 0 : i32
    %dma_start3A_136 = arith.constant 1152 : i32
    %dma_start3A_137 = tpu.memref_slice %arg5[%dma_start3A_135, %dma_start3A_136] : memref<16x3968xf32, #tpu.memory_space<vmem>> -> memref<16x2048xf32, #tpu.memory_space<vmem>>
    %dma_start3A_138 = arith.constant 0 : i32
    %dma_start3A_139 = tpu.memref_slice %arg3[%dma_start3A_134, %select_n3A, %add3A_133, %dma_start3A_138] : memref<1x16x2048x2048xf32, #tpu.memory_space<hbm>> -> memref<1x1x16x2048xf32, #tpu.memory_space<hbm>>
    %dma_start3A_140 = tpu.memref_squeeze %dma_start3A_139 : memref<1x1x16x2048xf32, #tpu.memory_space<hbm>> -> memref<16x2048xf32, #tpu.memory_space<hbm>>
    %dma_start3A_141 = arith.constant 0 : i32
    %dma_start3A_142 = tpu.memref_slice %arg3[%dma_start3A_134, %select_n3A, %add3A_133, %dma_start3A_141] : memref<1x16x2048x2048xf32, #tpu.memory_space<hbm>> -> memref<1x1x16x2048xf32, #tpu.memory_space<hbm>>
    %dma_start3A_143 = tpu.memref_squeeze %dma_start3A_142 : memref<1x1x16x2048xf32, #tpu.memory_space<hbm>> -> memref<16x2048xf32, #tpu.memory_space<hbm>>
    %dma_start3A_144 = arith.constant 0 : i32
    %dma_start3A_145 = arith.constant 1152 : i32
    %dma_start3A_146 = tpu.memref_slice %arg5[%dma_start3A_144, %dma_start3A_145] : memref<16x3968xf32, #tpu.memory_space<vmem>> -> memref<16x2048xf32, #tpu.memory_space<vmem>>
    tpu.enqueue_dma source(%dma_start3A_146 : memref<16x2048xf32, #tpu.memory_space<vmem>>) target(%dma_start3A_143 : memref<16x2048xf32, #tpu.memory_space<hbm>>) target_semaphore(%arg7 : memref<!tpu.dma_semaphore, #tpu.memory_space<semaphore_mem>>)
    %add3A_147 = arith.constant 896 : i32
    %add3A_148 = arith.addi %mul3A_38, %add3A_147 : i32
    %dma_start3A_149 = arith.constant 0 : i32
    %dma_start3A_150 = arith.constant 0 : i32
    %dma_start3A_151 = arith.constant 1024 : i32
    %dma_start3A_152 = tpu.memref_slice %arg5[%dma_start3A_150, %dma_start3A_151] : memref<16x3968xf32, #tpu.memory_space<vmem>> -> memref<16x2048xf32, #tpu.memory_space<vmem>>
    %dma_start3A_153 = arith.constant 0 : i32
    %dma_start3A_154 = tpu.memref_slice %arg3[%dma_start3A_149, %select_n3A, %add3A_148, %dma_start3A_153] : memref<1x16x2048x2048xf32, #tpu.memory_space<hbm>> -> memref<1x1x16x2048xf32, #tpu.memory_space<hbm>>
    %dma_start3A_155 = tpu.memref_squeeze %dma_start3A_154 : memref<1x1x16x2048xf32, #tpu.memory_space<hbm>> -> memref<16x2048xf32, #tpu.memory_space<hbm>>
    %dma_start3A_156 = arith.constant 0 : i32
    %dma_start3A_157 = tpu.memref_slice %arg3[%dma_start3A_149, %select_n3A, %add3A_148, %dma_start3A_156] : memref<1x16x2048x2048xf32, #tpu.memory_space<hbm>> -> memref<1x1x16x2048xf32, #tpu.memory_space<hbm>>
    %dma_start3A_158 = tpu.memref_squeeze %dma_start3A_157 : memref<1x1x16x2048xf32, #tpu.memory_space<hbm>> -> memref<16x2048xf32, #tpu.memory_space<hbm>>
    %dma_start3A_159 = arith.constant 0 : i32
    %dma_start3A_160 = arith.constant 1024 : i32
    %dma_start3A_161 = tpu.memref_slice %arg5[%dma_start3A_159, %dma_start3A_160] : memref<16x3968xf32, #tpu.memory_space<vmem>> -> memref<16x2048xf32, #tpu.memory_space<vmem>>
    tpu.enqueue_dma source(%dma_start3A_161 : memref<16x2048xf32, #tpu.memory_space<vmem>>) target(%dma_start3A_158 : memref<16x2048xf32, #tpu.memory_space<hbm>>) target_semaphore(%arg7 : memref<!tpu.dma_semaphore, #tpu.memory_space<semaphore_mem>>)
    %add3A_162 = arith.constant 1024 : i32
    %add3A_163 = arith.addi %mul3A_38, %add3A_162 : i32
    %dma_start3A_164 = arith.constant 0 : i32
    %dma_start3A_165 = arith.constant 0 : i32
    %dma_start3A_166 = arith.constant 896 : i32
    %dma_start3A_167 = tpu.memref_slice %arg5[%dma_start3A_165, %dma_start3A_166] : memref<16x3968xf32, #tpu.memory_space<vmem>> -> memref<16x2048xf32, #tpu.memory_space<vmem>>
    %dma_start3A_168 = arith.constant 0 : i32
    %dma_start3A_169 = tpu.memref_slice %arg3[%dma_start3A_164, %select_n3A, %add3A_163, %dma_start3A_168] : memref<1x16x2048x2048xf32, #tpu.memory_space<hbm>> -> memref<1x1x16x2048xf32, #tpu.memory_space<hbm>>
    %dma_start3A_170 = tpu.memref_squeeze %dma_start3A_169 : memref<1x1x16x2048xf32, #tpu.memory_space<hbm>> -> memref<16x2048xf32, #tpu.memory_space<hbm>>
    %dma_start3A_171 = arith.constant 0 : i32
    %dma_start3A_172 = tpu.memref_slice %arg3[%dma_start3A_164, %select_n3A, %add3A_163, %dma_start3A_171] : memref<1x16x2048x2048xf32, #tpu.memory_space<hbm>> -> memref<1x1x16x2048xf32, #tpu.memory_space<hbm>>
    %dma_start3A_173 = tpu.memref_squeeze %dma_start3A_172 : memref<1x1x16x2048xf32, #tpu.memory_space<hbm>> -> memref<16x2048xf32, #tpu.memory_space<hbm>>
    %dma_start3A_174 = arith.constant 0 : i32
    %dma_start3A_175 = arith.constant 896 : i32
    %dma_start3A_176 = tpu.memref_slice %arg5[%dma_start3A_174, %dma_start3A_175] : memref<16x3968xf32, #tpu.memory_space<vmem>> -> memref<16x2048xf32, #tpu.memory_space<vmem>>
    tpu.enqueue_dma source(%dma_start3A_176 : memref<16x2048xf32, #tpu.memory_space<vmem>>) target(%dma_start3A_173 : memref<16x2048xf32, #tpu.memory_space<hbm>>) target_semaphore(%arg7 : memref<!tpu.dma_semaphore, #tpu.memory_space<semaphore_mem>>)
    %add3A_177 = arith.constant 1152 : i32
    %add3A_178 = arith.addi %mul3A_38, %add3A_177 : i32
    %dma_start3A_179 = arith.constant 0 : i32
    %dma_start3A_180 = arith.constant 0 : i32
    %dma_start3A_181 = arith.constant 768 : i32
    %dma_start3A_182 = tpu.memref_slice %arg5[%dma_start3A_180, %dma_start3A_181] : memref<16x3968xf32, #tpu.memory_space<vmem>> -> memref<16x2048xf32, #tpu.memory_space<vmem>>
    %dma_start3A_183 = arith.constant 0 : i32
    %dma_start3A_184 = tpu.memref_slice %arg3[%dma_start3A_179, %select_n3A, %add3A_178, %dma_start3A_183] : memref<1x16x2048x2048xf32, #tpu.memory_space<hbm>> -> memref<1x1x16x2048xf32, #tpu.memory_space<hbm>>
    %dma_start3A_185 = tpu.memref_squeeze %dma_start3A_184 : memref<1x1x16x2048xf32, #tpu.memory_space<hbm>> -> memref<16x2048xf32, #tpu.memory_space<hbm>>
    %dma_start3A_186 = arith.constant 0 : i32
    %dma_start3A_187 = tpu.memref_slice %arg3[%dma_start3A_179, %select_n3A, %add3A_178, %dma_start3A_186] : memref<1x16x2048x2048xf32, #tpu.memory_space<hbm>> -> memref<1x1x16x2048xf32, #tpu.memory_space<hbm>>
    %dma_start3A_188 = tpu.memref_squeeze %dma_start3A_187 : memref<1x1x16x2048xf32, #tpu.memory_space<hbm>> -> memref<16x2048xf32, #tpu.memory_space<hbm>>
    %dma_start3A_189 = arith.constant 0 : i32
    %dma_start3A_190 = arith.constant 768 : i32
    %dma_start3A_191 = tpu.memref_slice %arg5[%dma_start3A_189, %dma_start3A_190] : memref<16x3968xf32, #tpu.memory_space<vmem>> -> memref<16x2048xf32, #tpu.memory_space<vmem>>
    tpu.enqueue_dma source(%dma_start3A_191 : memref<16x2048xf32, #tpu.memory_space<vmem>>) target(%dma_start3A_188 : memref<16x2048xf32, #tpu.memory_space<hbm>>) target_semaphore(%arg7 : memref<!tpu.dma_semaphore, #tpu.memory_space<semaphore_mem>>)
    %add3A_192 = arith.constant 1280 : i32
    %add3A_193 = arith.addi %mul3A_38, %add3A_192 : i32
    %dma_start3A_194 = arith.constant 0 : i32
    %dma_start3A_195 = arith.constant 0 : i32
    %dma_start3A_196 = arith.constant 640 : i32
    %dma_start3A_197 = tpu.memref_slice %arg5[%dma_start3A_195, %dma_start3A_196] : memref<16x3968xf32, #tpu.memory_space<vmem>> -> memref<16x2048xf32, #tpu.memory_space<vmem>>
    %dma_start3A_198 = arith.constant 0 : i32
    %dma_start3A_199 = tpu.memref_slice %arg3[%dma_start3A_194, %select_n3A, %add3A_193, %dma_start3A_198] : memref<1x16x2048x2048xf32, #tpu.memory_space<hbm>> -> memref<1x1x16x2048xf32, #tpu.memory_space<hbm>>
    %dma_start3A_200 = tpu.memref_squeeze %dma_start3A_199 : memref<1x1x16x2048xf32, #tpu.memory_space<hbm>> -> memref<16x2048xf32, #tpu.memory_space<hbm>>
    %dma_start3A_201 = arith.constant 0 : i32
    %dma_start3A_202 = tpu.memref_slice %arg3[%dma_start3A_194, %select_n3A, %add3A_193, %dma_start3A_201] : memref<1x16x2048x2048xf32, #tpu.memory_space<hbm>> -> memref<1x1x16x2048xf32, #tpu.memory_space<hbm>>
    %dma_start3A_203 = tpu.memref_squeeze %dma_start3A_202 : memref<1x1x16x2048xf32, #tpu.memory_space<hbm>> -> memref<16x2048xf32, #tpu.memory_space<hbm>>
    %dma_start3A_204 = arith.constant 0 : i32
    %dma_start3A_205 = arith.constant 640 : i32
    %dma_start3A_206 = tpu.memref_slice %arg5[%dma_start3A_204, %dma_start3A_205] : memref<16x3968xf32, #tpu.memory_space<vmem>> -> memref<16x2048xf32, #tpu.memory_space<vmem>>
    tpu.enqueue_dma source(%dma_start3A_206 : memref<16x2048xf32, #tpu.memory_space<vmem>>) target(%dma_start3A_203 : memref<16x2048xf32, #tpu.memory_space<hbm>>) target_semaphore(%arg7 : memref<!tpu.dma_semaphore, #tpu.memory_space<semaphore_mem>>)
    %add3A_207 = arith.constant 1408 : i32
    %add3A_208 = arith.addi %mul3A_38, %add3A_207 : i32
    %dma_start3A_209 = arith.constant 0 : i32
    %dma_start3A_210 = arith.constant 0 : i32
    %dma_start3A_211 = arith.constant 512 : i32
    %dma_start3A_212 = tpu.memref_slice %arg5[%dma_start3A_210, %dma_start3A_211] : memref<16x3968xf32, #tpu.memory_space<vmem>> -> memref<16x2048xf32, #tpu.memory_space<vmem>>
    %dma_start3A_213 = arith.constant 0 : i32
    %dma_start3A_214 = tpu.memref_slice %arg3[%dma_start3A_209, %select_n3A, %add3A_208, %dma_start3A_213] : memref<1x16x2048x2048xf32, #tpu.memory_space<hbm>> -> memref<1x1x16x2048xf32, #tpu.memory_space<hbm>>
    %dma_start3A_215 = tpu.memref_squeeze %dma_start3A_214 : memref<1x1x16x2048xf32, #tpu.memory_space<hbm>> -> memref<16x2048xf32, #tpu.memory_space<hbm>>
    %dma_start3A_216 = arith.constant 0 : i32
    %dma_start3A_217 = tpu.memref_slice %arg3[%dma_start3A_209, %select_n3A, %add3A_208, %dma_start3A_216] : memref<1x16x2048x2048xf32, #tpu.memory_space<hbm>> -> memref<1x1x16x2048xf32, #tpu.memory_space<hbm>>
    %dma_start3A_218 = tpu.memref_squeeze %dma_start3A_217 : memref<1x1x16x2048xf32, #tpu.memory_space<hbm>> -> memref<16x2048xf32, #tpu.memory_space<hbm>>
    %dma_start3A_219 = arith.constant 0 : i32
    %dma_start3A_220 = arith.constant 512 : i32
    %dma_start3A_221 = tpu.memref_slice %arg5[%dma_start3A_219, %dma_start3A_220] : memref<16x3968xf32, #tpu.memory_space<vmem>> -> memref<16x2048xf32, #tpu.memory_space<vmem>>
    tpu.enqueue_dma source(%dma_start3A_221 : memref<16x2048xf32, #tpu.memory_space<vmem>>) target(%dma_start3A_218 : memref<16x2048xf32, #tpu.memory_space<hbm>>) target_semaphore(%arg7 : memref<!tpu.dma_semaphore, #tpu.memory_space<semaphore_mem>>)
    %add3A_222 = arith.constant 1536 : i32
    %add3A_223 = arith.addi %mul3A_38, %add3A_222 : i32
    %dma_start3A_224 = arith.constant 0 : i32
    %dma_start3A_225 = arith.constant 0 : i32
    %dma_start3A_226 = arith.constant 384 : i32
    %dma_start3A_227 = tpu.memref_slice %arg5[%dma_start3A_225, %dma_start3A_226] : memref<16x3968xf32, #tpu.memory_space<vmem>> -> memref<16x2048xf32, #tpu.memory_space<vmem>>
    %dma_start3A_228 = arith.constant 0 : i32
    %dma_start3A_229 = tpu.memref_slice %arg3[%dma_start3A_224, %select_n3A, %add3A_223, %dma_start3A_228] : memref<1x16x2048x2048xf32, #tpu.memory_space<hbm>> -> memref<1x1x16x2048xf32, #tpu.memory_space<hbm>>
    %dma_start3A_230 = tpu.memref_squeeze %dma_start3A_229 : memref<1x1x16x2048xf32, #tpu.memory_space<hbm>> -> memref<16x2048xf32, #tpu.memory_space<hbm>>
    %dma_start3A_231 = arith.constant 0 : i32
    %dma_start3A_232 = tpu.memref_slice %arg3[%dma_start3A_224, %select_n3A, %add3A_223, %dma_start3A_231] : memref<1x16x2048x2048xf32, #tpu.memory_space<hbm>> -> memref<1x1x16x2048xf32, #tpu.memory_space<hbm>>
    %dma_start3A_233 = tpu.memref_squeeze %dma_start3A_232 : memref<1x1x16x2048xf32, #tpu.memory_space<hbm>> -> memref<16x2048xf32, #tpu.memory_space<hbm>>
    %dma_start3A_234 = arith.constant 0 : i32
    %dma_start3A_235 = arith.constant 384 : i32
    %dma_start3A_236 = tpu.memref_slice %arg5[%dma_start3A_234, %dma_start3A_235] : memref<16x3968xf32, #tpu.memory_space<vmem>> -> memref<16x2048xf32, #tpu.memory_space<vmem>>
    tpu.enqueue_dma source(%dma_start3A_236 : memref<16x2048xf32, #tpu.memory_space<vmem>>) target(%dma_start3A_233 : memref<16x2048xf32, #tpu.memory_space<hbm>>) target_semaphore(%arg7 : memref<!tpu.dma_semaphore, #tpu.memory_space<semaphore_mem>>)
    %add3A_237 = arith.constant 1664 : i32
    %add3A_238 = arith.addi %mul3A_38, %add3A_237 : i32
    %dma_start3A_239 = arith.constant 0 : i32
    %dma_start3A_240 = arith.constant 0 : i32
    %dma_start3A_241 = arith.constant 256 : i32
    %dma_start3A_242 = tpu.memref_slice %arg5[%dma_start3A_240, %dma_start3A_241] : memref<16x3968xf32, #tpu.memory_space<vmem>> -> memref<16x2048xf32, #tpu.memory_space<vmem>>
    %dma_start3A_243 = arith.constant 0 : i32
    %dma_start3A_244 = tpu.memref_slice %arg3[%dma_start3A_239, %select_n3A, %add3A_238, %dma_start3A_243] : memref<1x16x2048x2048xf32, #tpu.memory_space<hbm>> -> memref<1x1x16x2048xf32, #tpu.memory_space<hbm>>
    %dma_start3A_245 = tpu.memref_squeeze %dma_start3A_244 : memref<1x1x16x2048xf32, #tpu.memory_space<hbm>> -> memref<16x2048xf32, #tpu.memory_space<hbm>>
    %dma_start3A_246 = arith.constant 0 : i32
    %dma_start3A_247 = tpu.memref_slice %arg3[%dma_start3A_239, %select_n3A, %add3A_238, %dma_start3A_246] : memref<1x16x2048x2048xf32, #tpu.memory_space<hbm>> -> memref<1x1x16x2048xf32, #tpu.memory_space<hbm>>
    %dma_start3A_248 = tpu.memref_squeeze %dma_start3A_247 : memref<1x1x16x2048xf32, #tpu.memory_space<hbm>> -> memref<16x2048xf32, #tpu.memory_space<hbm>>
    %dma_start3A_249 = arith.constant 0 : i32
    %dma_start3A_250 = arith.constant 256 : i32
    %dma_start3A_251 = tpu.memref_slice %arg5[%dma_start3A_249, %dma_start3A_250] : memref<16x3968xf32, #tpu.memory_space<vmem>> -> memref<16x2048xf32, #tpu.memory_space<vmem>>
    tpu.enqueue_dma source(%dma_start3A_251 : memref<16x2048xf32, #tpu.memory_space<vmem>>) target(%dma_start3A_248 : memref<16x2048xf32, #tpu.memory_space<hbm>>) target_semaphore(%arg7 : memref<!tpu.dma_semaphore, #tpu.memory_space<semaphore_mem>>)
    %add3A_252 = arith.constant 1792 : i32
    %add3A_253 = arith.addi %mul3A_38, %add3A_252 : i32
    %dma_start3A_254 = arith.constant 0 : i32
    %dma_start3A_255 = arith.constant 0 : i32
    %dma_start3A_256 = arith.constant 128 : i32
    %dma_start3A_257 = tpu.memref_slice %arg5[%dma_start3A_255, %dma_start3A_256] : memref<16x3968xf32, #tpu.memory_space<vmem>> -> memref<16x2048xf32, #tpu.memory_space<vmem>>
    %dma_start3A_258 = arith.constant 0 : i32
    %dma_start3A_259 = tpu.memref_slice %arg3[%dma_start3A_254, %select_n3A, %add3A_253, %dma_start3A_258] : memref<1x16x2048x2048xf32, #tpu.memory_space<hbm>> -> memref<1x1x16x2048xf32, #tpu.memory_space<hbm>>
    %dma_start3A_260 = tpu.memref_squeeze %dma_start3A_259 : memref<1x1x16x2048xf32, #tpu.memory_space<hbm>> -> memref<16x2048xf32, #tpu.memory_space<hbm>>
    %dma_start3A_261 = arith.constant 0 : i32
    %dma_start3A_262 = tpu.memref_slice %arg3[%dma_start3A_254, %select_n3A, %add3A_253, %dma_start3A_261] : memref<1x16x2048x2048xf32, #tpu.memory_space<hbm>> -> memref<1x1x16x2048xf32, #tpu.memory_space<hbm>>
    %dma_start3A_263 = tpu.memref_squeeze %dma_start3A_262 : memref<1x1x16x2048xf32, #tpu.memory_space<hbm>> -> memref<16x2048xf32, #tpu.memory_space<hbm>>
    %dma_start3A_264 = arith.constant 0 : i32
    %dma_start3A_265 = arith.constant 128 : i32
    %dma_start3A_266 = tpu.memref_slice %arg5[%dma_start3A_264, %dma_start3A_265] : memref<16x3968xf32, #tpu.memory_space<vmem>> -> memref<16x2048xf32, #tpu.memory_space<vmem>>
    tpu.enqueue_dma source(%dma_start3A_266 : memref<16x2048xf32, #tpu.memory_space<vmem>>) target(%dma_start3A_263 : memref<16x2048xf32, #tpu.memory_space<hbm>>) target_semaphore(%arg7 : memref<!tpu.dma_semaphore, #tpu.memory_space<semaphore_mem>>)
    %add3A_267 = arith.constant 1920 : i32
    %add3A_268 = arith.addi %mul3A_38, %add3A_267 : i32
    %dma_start3A_269 = arith.constant 0 : i32
    %dma_start3A_270 = arith.constant 0 : i32
    %dma_start3A_271 = arith.constant 0 : i32
    %dma_start3A_272 = tpu.memref_slice %arg5[%dma_start3A_270, %dma_start3A_271] : memref<16x3968xf32, #tpu.memory_space<vmem>> -> memref<16x2048xf32, #tpu.memory_space<vmem>>
    %dma_start3A_273 = arith.constant 0 : i32
    %dma_start3A_274 = tpu.memref_slice %arg3[%dma_start3A_269, %select_n3A, %add3A_268, %dma_start3A_273] : memref<1x16x2048x2048xf32, #tpu.memory_space<hbm>> -> memref<1x1x16x2048xf32, #tpu.memory_space<hbm>>
    %dma_start3A_275 = tpu.memref_squeeze %dma_start3A_274 : memref<1x1x16x2048xf32, #tpu.memory_space<hbm>> -> memref<16x2048xf32, #tpu.memory_space<hbm>>
    %dma_start3A_276 = arith.constant 0 : i32
    %dma_start3A_277 = tpu.memref_slice %arg3[%dma_start3A_269, %select_n3A, %add3A_268, %dma_start3A_276] : memref<1x16x2048x2048xf32, #tpu.memory_space<hbm>> -> memref<1x1x16x2048xf32, #tpu.memory_space<hbm>>
    %dma_start3A_278 = tpu.memref_squeeze %dma_start3A_277 : memref<1x1x16x2048xf32, #tpu.memory_space<hbm>> -> memref<16x2048xf32, #tpu.memory_space<hbm>>
    %dma_start3A_279 = arith.constant 0 : i32
    %dma_start3A_280 = arith.constant 0 : i32
    %dma_start3A_281 = tpu.memref_slice %arg5[%dma_start3A_279, %dma_start3A_280] : memref<16x3968xf32, #tpu.memory_space<vmem>> -> memref<16x2048xf32, #tpu.memory_space<vmem>>
    tpu.enqueue_dma source(%dma_start3A_281 : memref<16x2048xf32, #tpu.memory_space<vmem>>) target(%dma_start3A_278 : memref<16x2048xf32, #tpu.memory_space<hbm>>) target_semaphore(%arg7 : memref<!tpu.dma_semaphore, #tpu.memory_space<semaphore_mem>>)
    %mul3A_282 = arith.constant 4 : i32
    %mul3A_283 = arith.muli %add3A, %mul3A_282 : i32
    %add3A_284 = arith.constant 1 : i32
    %add3A_285 = arith.addi %mul3A_283, %add3A_284 : i32
    %jit3A_286 = arith.constant 8 : i32
    %eq3A_287 = arith.constant 0 : i32
    %eq3A_288 = arith.cmpi eq, %jit3A_286, %eq3A_287 : i32
    %jit3A_289 = arith.constant 1 : i32
    %select_n3A_290 = arith.select %eq3A_288, %jit3A_289, %jit3A_286 : i32
    %rem3A_291 = arith.remsi %add3A_285, %select_n3A_290 : i32
    %ne3A_292 = arith.constant 0 : i32
    %ne3A_293 = arith.cmpi ne, %rem3A_291, %ne3A_292 : i32
    %lt3A_294 = arith.constant 0 : i32
    %lt3A_295 = arith.cmpi slt, %rem3A_291, %lt3A_294 : i32
    %lt3A_296 = arith.constant 0 : i32
    %lt3A_297 = arith.cmpi slt, %select_n3A_290, %lt3A_296 : i32
    %ne3A_298 = arith.xori %lt3A_295, %lt3A_297 : i1
    %and3A_299 = arith.andi %ne3A_298, %ne3A_293 : i1
    %add3A_300 = arith.addi %rem3A_291, %select_n3A_290 : i32
    %select_n3A_301 = arith.select %and3A_299, %add3A_300, %rem3A_291 : i32
    %mul3A_302 = arith.constant 16 : i32
    %mul3A_303 = arith.muli %select_n3A_301, %mul3A_302 : i32
    %scan3A_304 = arith.constant 0 : i32
    %scan3A_305 = arith.constant 248 : i32
    %scan3A_306 = arith.addi %scan3A_304, %scan3A_305 : i32
    %scan3A_307 = arith.constant 1 : i32
    scf.for %scan3A_2106 = %scan3A_304 to %scan3A_306 step %scan3A_307  : i32 {
      %mul3A_2107 = arith.constant 1 : i32
      %mul3A_2108 = arith.muli %scan3A_2106, %mul3A_2107 : i32
      %add3A_2109 = arith.constant 0 : i32
      %add3A_2110 = arith.addi %add3A_2109, %mul3A_2108 : i32
      %mul3A_2111 = arith.constant 16 : i32
      %mul3A_2112 = arith.muli %add3A_2110, %mul3A_2111 : i32
      %sub3A_2113 = arith.constant 127 : i32
      %sub3A_2114 = arith.subi %sub3A_2113, %mul3A_303 : i32
      %sub3A_2115 = arith.constant 0 : i32
      %sub3A_2116 = arith.subi %sub3A_2114, %sub3A_2115 : i32
      %add3A_2117 = arith.addi %mul3A_2112, %sub3A_2116 : i32
      %get3A = arith.index_cast %add3A_2117 : i32 to index
      %get3A_2118 = tpu.vector_load %arg4[%get3A] {strides = array<i32>} : memref<4096xf32, #tpu.memory_space<vmem>>, vector<16xf32>,
      %get3A_2119 = vector.shape_cast %get3A_2118 : vector<16xf32> to vector<16xf32>
      %swap3A = arith.constant 0 : i32
      %swap3A_2120 = arith.index_cast %swap3A : i32 to index
      %swap3A_2121 = arith.index_cast %mul3A_2112 : i32 to index
      %swap3A_2122 = tpu.vector_load %arg6[%swap3A_2120, %swap3A_2121] {strides = array<i32>} : memref<16x3968xf32, #tpu.memory_space<vmem>>, vector<1x16xf32>,
      %swap3A_2123 = vector.shape_cast %swap3A_2122 : vector<1x16xf32> to vector<16xf32>
      %swap3A_2124 = vector.shape_cast %get3A_2119 : vector<16xf32> to vector<1x16xf32>
      tpu.vector_store %arg6[%swap3A_2120, %swap3A_2121], %swap3A_2124 {strides = array<i32>} : memref<16x3968xf32, #tpu.memory_space<vmem>>, vector<1x16xf32>,
      %sub3A_2125 = arith.constant 127 : i32
      %sub3A_2126 = arith.subi %sub3A_2125, %mul3A_303 : i32
      %sub3A_2127 = arith.constant 1 : i32
      %sub3A_2128 = arith.subi %sub3A_2126, %sub3A_2127 : i32
      %add3A_2129 = arith.addi %mul3A_2112, %sub3A_2128 : i32
      %get3A_2130 = arith.index_cast %add3A_2129 : i32 to index
      %get3A_2131 = tpu.vector_load %arg4[%get3A_2130] {strides = array<i32>} : memref<4096xf32, #tpu.memory_space<vmem>>, vector<16xf32>,
      %get3A_2132 = vector.shape_cast %get3A_2131 : vector<16xf32> to vector<16xf32>
      %swap3A_2133 = arith.constant 1 : i32
      %swap3A_2134 = arith.index_cast %swap3A_2133 : i32 to index
      %swap3A_2135 = arith.index_cast %mul3A_2112 : i32 to index
      %swap3A_2136 = tpu.vector_load %arg6[%swap3A_2134, %swap3A_2135] {strides = array<i32>} : memref<16x3968xf32, #tpu.memory_space<vmem>>, vector<1x16xf32>,
      %swap3A_2137 = vector.shape_cast %swap3A_2136 : vector<1x16xf32> to vector<16xf32>
      %swap3A_2138 = vector.shape_cast %get3A_2132 : vector<16xf32> to vector<1x16xf32>
      tpu.vector_store %arg6[%swap3A_2134, %swap3A_2135], %swap3A_2138 {strides = array<i32>} : memref<16x3968xf32, #tpu.memory_space<vmem>>, vector<1x16xf32>,
      %sub3A_2139 = arith.constant 127 : i32
      %sub3A_2140 = arith.subi %sub3A_2139, %mul3A_303 : i32
      %sub3A_2141 = arith.constant 2 : i32
      %sub3A_2142 = arith.subi %sub3A_2140, %sub3A_2141 : i32
      %add3A_2143 = arith.addi %mul3A_2112, %sub3A_2142 : i32
      %get3A_2144 = arith.index_cast %add3A_2143 : i32 to index
      %get3A_2145 = tpu.vector_load %arg4[%get3A_2144] {strides = array<i32>} : memref<4096xf32, #tpu.memory_space<vmem>>, vector<16xf32>,
      %get3A_2146 = vector.shape_cast %get3A_2145 : vector<16xf32> to vector<16xf32>
      %swap3A_2147 = arith.constant 2 : i32
      %swap3A_2148 = arith.index_cast %swap3A_2147 : i32 to index
      %swap3A_2149 = arith.index_cast %mul3A_2112 : i32 to index
      %swap3A_2150 = tpu.vector_load %arg6[%swap3A_2148, %swap3A_2149] {strides = array<i32>} : memref<16x3968xf32, #tpu.memory_space<vmem>>, vector<1x16xf32>,
      %swap3A_2151 = vector.shape_cast %swap3A_2150 : vector<1x16xf32> to vector<16xf32>
      %swap3A_2152 = vector.shape_cast %get3A_2146 : vector<16xf32> to vector<1x16xf32>
      tpu.vector_store %arg6[%swap3A_2148, %swap3A_2149], %swap3A_2152 {strides = array<i32>} : memref<16x3968xf32, #tpu.memory_space<vmem>>, vector<1x16xf32>,
      %sub3A_2153 = arith.constant 127 : i32
      %sub3A_2154 = arith.subi %sub3A_2153, %mul3A_303 : i32
      %sub3A_2155 = arith.constant 3 : i32
      %sub3A_2156 = arith.subi %sub3A_2154, %sub3A_2155 : i32
      %add3A_2157 = arith.addi %mul3A_2112, %sub3A_2156 : i32
      %get3A_2158 = arith.index_cast %add3A_2157 : i32 to index
      %get3A_2159 = tpu.vector_load %arg4[%get3A_2158] {strides = array<i32>} : memref<4096xf32, #tpu.memory_space<vmem>>, vector<16xf32>,
      %get3A_2160 = vector.shape_cast %get3A_2159 : vector<16xf32> to vector<16xf32>
      %swap3A_2161 = arith.constant 3 : i32
      %swap3A_2162 = arith.index_cast %swap3A_2161 : i32 to index
      %swap3A_2163 = arith.index_cast %mul3A_2112 : i32 to index
      %swap3A_2164 = tpu.vector_load %arg6[%swap3A_2162, %swap3A_2163] {strides = array<i32>} : memref<16x3968xf32, #tpu.memory_space<vmem>>, vector<1x16xf32>,
      %swap3A_2165 = vector.shape_cast %swap3A_2164 : vector<1x16xf32> to vector<16xf32>
      %swap3A_2166 = vector.shape_cast %get3A_2160 : vector<16xf32> to vector<1x16xf32>
      tpu.vector_store %arg6[%swap3A_2162, %swap3A_2163], %swap3A_2166 {strides = array<i32>} : memref<16x3968xf32, #tpu.memory_space<vmem>>, vector<1x16xf32>,
      %sub3A_2167 = arith.constant 127 : i32
      %sub3A_2168 = arith.subi %sub3A_2167, %mul3A_303 : i32
      %sub3A_2169 = arith.constant 4 : i32
      %sub3A_2170 = arith.subi %sub3A_2168, %sub3A_2169 : i32
      %add3A_2171 = arith.addi %mul3A_2112, %sub3A_2170 : i32
      %get3A_2172 = arith.index_cast %add3A_2171 : i32 to index
      %get3A_2173 = tpu.vector_load %arg4[%get3A_2172] {strides = array<i32>} : memref<4096xf32, #tpu.memory_space<vmem>>, vector<16xf32>,
      %get3A_2174 = vector.shape_cast %get3A_2173 : vector<16xf32> to vector<16xf32>
      %swap3A_2175 = arith.constant 4 : i32
      %swap3A_2176 = arith.index_cast %swap3A_2175 : i32 to index
      %swap3A_2177 = arith.index_cast %mul3A_2112 : i32 to index
      %swap3A_2178 = tpu.vector_load %arg6[%swap3A_2176, %swap3A_2177] {strides = array<i32>} : memref<16x3968xf32, #tpu.memory_space<vmem>>, vector<1x16xf32>,
      %swap3A_2179 = vector.shape_cast %swap3A_2178 : vector<1x16xf32> to vector<16xf32>
      %swap3A_2180 = vector.shape_cast %get3A_2174 : vector<16xf32> to vector<1x16xf32>
      tpu.vector_store %arg6[%swap3A_2176, %swap3A_2177], %swap3A_2180 {strides = array<i32>} : memref<16x3968xf32, #tpu.memory_space<vmem>>, vector<1x16xf32>,
      %sub3A_2181 = arith.constant 127 : i32
      %sub3A_2182 = arith.subi %sub3A_2181, %mul3A_303 : i32
      %sub3A_2183 = arith.constant 5 : i32
      %sub3A_2184 = arith.subi %sub3A_2182, %sub3A_2183 : i32
      %add3A_2185 = arith.addi %mul3A_2112, %sub3A_2184 : i32
      %get3A_2186 = arith.index_cast %add3A_2185 : i32 to index
      %get3A_2187 = tpu.vector_load %arg4[%get3A_2186] {strides = array<i32>} : memref<4096xf32, #tpu.memory_space<vmem>>, vector<16xf32>,
      %get3A_2188 = vector.shape_cast %get3A_2187 : vector<16xf32> to vector<16xf32>
      %swap3A_2189 = arith.constant 5 : i32
      %swap3A_2190 = arith.index_cast %swap3A_2189 : i32 to index
      %swap3A_2191 = arith.index_cast %mul3A_2112 : i32 to index
      %swap3A_2192 = tpu.vector_load %arg6[%swap3A_2190, %swap3A_2191] {strides = array<i32>} : memref<16x3968xf32, #tpu.memory_space<vmem>>, vector<1x16xf32>,
      %swap3A_2193 = vector.shape_cast %swap3A_2192 : vector<1x16xf32> to vector<16xf32>
      %swap3A_2194 = vector.shape_cast %get3A_2188 : vector<16xf32> to vector<1x16xf32>
      tpu.vector_store %arg6[%swap3A_2190, %swap3A_2191], %swap3A_2194 {strides = array<i32>} : memref<16x3968xf32, #tpu.memory_space<vmem>>, vector<1x16xf32>,
      %sub3A_2195 = arith.constant 127 : i32
      %sub3A_2196 = arith.subi %sub3A_2195, %mul3A_303 : i32
      %sub3A_2197 = arith.constant 6 : i32
      %sub3A_2198 = arith.subi %sub3A_2196, %sub3A_2197 : i32
      %add3A_2199 = arith.addi %mul3A_2112, %sub3A_2198 : i32
      %get3A_2200 = arith.index_cast %add3A_2199 : i32 to index
      %get3A_2201 = tpu.vector_load %arg4[%get3A_2200] {strides = array<i32>} : memref<4096xf32, #tpu.memory_space<vmem>>, vector<16xf32>,
      %get3A_2202 = vector.shape_cast %get3A_2201 : vector<16xf32> to vector<16xf32>
      %swap3A_2203 = arith.constant 6 : i32
      %swap3A_2204 = arith.index_cast %swap3A_2203 : i32 to index
      %swap3A_2205 = arith.index_cast %mul3A_2112 : i32 to index
      %swap3A_2206 = tpu.vector_load %arg6[%swap3A_2204, %swap3A_2205] {strides = array<i32>} : memref<16x3968xf32, #tpu.memory_space<vmem>>, vector<1x16xf32>,
      %swap3A_2207 = vector.shape_cast %swap3A_2206 : vector<1x16xf32> to vector<16xf32>
      %swap3A_2208 = vector.shape_cast %get3A_2202 : vector<16xf32> to vector<1x16xf32>
      tpu.vector_store %arg6[%swap3A_2204, %swap3A_2205], %swap3A_2208 {strides = array<i32>} : memref<16x3968xf32, #tpu.memory_space<vmem>>, vector<1x16xf32>,
      %sub3A_2209 = arith.constant 127 : i32
      %sub3A_2210 = arith.subi %sub3A_2209, %mul3A_303 : i32
      %sub3A_2211 = arith.constant 7 : i32
      %sub3A_2212 = arith.subi %sub3A_2210, %sub3A_2211 : i32
      %add3A_2213 = arith.addi %mul3A_2112, %sub3A_2212 : i32
      %get3A_2214 = arith.index_cast %add3A_2213 : i32 to index
      %get3A_2215 = tpu.vector_load %arg4[%get3A_2214] {strides = array<i32>} : memref<4096xf32, #tpu.memory_space<vmem>>, vector<16xf32>,
      %get3A_2216 = vector.shape_cast %get3A_2215 : vector<16xf32> to vector<16xf32>
      %swap3A_2217 = arith.constant 7 : i32
      %swap3A_2218 = arith.index_cast %swap3A_2217 : i32 to index
      %swap3A_2219 = arith.index_cast %mul3A_2112 : i32 to index
      %swap3A_2220 = tpu.vector_load %arg6[%swap3A_2218, %swap3A_2219] {strides = array<i32>} : memref<16x3968xf32, #tpu.memory_space<vmem>>, vector<1x16xf32>,
      %swap3A_2221 = vector.shape_cast %swap3A_2220 : vector<1x16xf32> to vector<16xf32>
      %swap3A_2222 = vector.shape_cast %get3A_2216 : vector<16xf32> to vector<1x16xf32>
      tpu.vector_store %arg6[%swap3A_2218, %swap3A_2219], %swap3A_2222 {strides = array<i32>} : memref<16x3968xf32, #tpu.memory_space<vmem>>, vector<1x16xf32>,
      %sub3A_2223 = arith.constant 127 : i32
      %sub3A_2224 = arith.subi %sub3A_2223, %mul3A_303 : i32
      %sub3A_2225 = arith.constant 8 : i32
      %sub3A_2226 = arith.subi %sub3A_2224, %sub3A_2225 : i32
      %add3A_2227 = arith.addi %mul3A_2112, %sub3A_2226 : i32
      %get3A_2228 = arith.index_cast %add3A_2227 : i32 to index
      %get3A_2229 = tpu.vector_load %arg4[%get3A_2228] {strides = array<i32>} : memref<4096xf32, #tpu.memory_space<vmem>>, vector<16xf32>,
      %get3A_2230 = vector.shape_cast %get3A_2229 : vector<16xf32> to vector<16xf32>
      %swap3A_2231 = arith.constant 8 : i32
      %swap3A_2232 = arith.index_cast %swap3A_2231 : i32 to index
      %swap3A_2233 = arith.index_cast %mul3A_2112 : i32 to index
      %swap3A_2234 = tpu.vector_load %arg6[%swap3A_2232, %swap3A_2233] {strides = array<i32>} : memref<16x3968xf32, #tpu.memory_space<vmem>>, vector<1x16xf32>,
      %swap3A_2235 = vector.shape_cast %swap3A_2234 : vector<1x16xf32> to vector<16xf32>
      %swap3A_2236 = vector.shape_cast %get3A_2230 : vector<16xf32> to vector<1x16xf32>
      tpu.vector_store %arg6[%swap3A_2232, %swap3A_2233], %swap3A_2236 {strides = array<i32>} : memref<16x3968xf32, #tpu.memory_space<vmem>>, vector<1x16xf32>,
      %sub3A_2237 = arith.constant 127 : i32
      %sub3A_2238 = arith.subi %sub3A_2237, %mul3A_303 : i32
      %sub3A_2239 = arith.constant 9 : i32
      %sub3A_2240 = arith.subi %sub3A_2238, %sub3A_2239 : i32
      %add3A_2241 = arith.addi %mul3A_2112, %sub3A_2240 : i32
      %get3A_2242 = arith.index_cast %add3A_2241 : i32 to index
      %get3A_2243 = tpu.vector_load %arg4[%get3A_2242] {strides = array<i32>} : memref<4096xf32, #tpu.memory_space<vmem>>, vector<16xf32>,
      %get3A_2244 = vector.shape_cast %get3A_2243 : vector<16xf32> to vector<16xf32>
      %swap3A_2245 = arith.constant 9 : i32
      %swap3A_2246 = arith.index_cast %swap3A_2245 : i32 to index
      %swap3A_2247 = arith.index_cast %mul3A_2112 : i32 to index
      %swap3A_2248 = tpu.vector_load %arg6[%swap3A_2246, %swap3A_2247] {strides = array<i32>} : memref<16x3968xf32, #tpu.memory_space<vmem>>, vector<1x16xf32>,
      %swap3A_2249 = vector.shape_cast %swap3A_2248 : vector<1x16xf32> to vector<16xf32>
      %swap3A_2250 = vector.shape_cast %get3A_2244 : vector<16xf32> to vector<1x16xf32>
      tpu.vector_store %arg6[%swap3A_2246, %swap3A_2247], %swap3A_2250 {strides = array<i32>} : memref<16x3968xf32, #tpu.memory_space<vmem>>, vector<1x16xf32>,
      %sub3A_2251 = arith.constant 127 : i32
      %sub3A_2252 = arith.subi %sub3A_2251, %mul3A_303 : i32
      %sub3A_2253 = arith.constant 10 : i32
      %sub3A_2254 = arith.subi %sub3A_2252, %sub3A_2253 : i32
      %add3A_2255 = arith.addi %mul3A_2112, %sub3A_2254 : i32
      %get3A_2256 = arith.index_cast %add3A_2255 : i32 to index
      %get3A_2257 = tpu.vector_load %arg4[%get3A_2256] {strides = array<i32>} : memref<4096xf32, #tpu.memory_space<vmem>>, vector<16xf32>,
      %get3A_2258 = vector.shape_cast %get3A_2257 : vector<16xf32> to vector<16xf32>
      %swap3A_2259 = arith.constant 10 : i32
      %swap3A_2260 = arith.index_cast %swap3A_2259 : i32 to index
      %swap3A_2261 = arith.index_cast %mul3A_2112 : i32 to index
      %swap3A_2262 = tpu.vector_load %arg6[%swap3A_2260, %swap3A_2261] {strides = array<i32>} : memref<16x3968xf32, #tpu.memory_space<vmem>>, vector<1x16xf32>,
      %swap3A_2263 = vector.shape_cast %swap3A_2262 : vector<1x16xf32> to vector<16xf32>
      %swap3A_2264 = vector.shape_cast %get3A_2258 : vector<16xf32> to vector<1x16xf32>
      tpu.vector_store %arg6[%swap3A_2260, %swap3A_2261], %swap3A_2264 {strides = array<i32>} : memref<16x3968xf32, #tpu.memory_space<vmem>>, vector<1x16xf32>,
      %sub3A_2265 = arith.constant 127 : i32
      %sub3A_2266 = arith.subi %sub3A_2265, %mul3A_303 : i32
      %sub3A_2267 = arith.constant 11 : i32
      %sub3A_2268 = arith.subi %sub3A_2266, %sub3A_2267 : i32
      %add3A_2269 = arith.addi %mul3A_2112, %sub3A_2268 : i32
      %get3A_2270 = arith.index_cast %add3A_2269 : i32 to index
      %get3A_2271 = tpu.vector_load %arg4[%get3A_2270] {strides = array<i32>} : memref<4096xf32, #tpu.memory_space<vmem>>, vector<16xf32>,
      %get3A_2272 = vector.shape_cast %get3A_2271 : vector<16xf32> to vector<16xf32>
      %swap3A_2273 = arith.constant 11 : i32
      %swap3A_2274 = arith.index_cast %swap3A_2273 : i32 to index
      %swap3A_2275 = arith.index_cast %mul3A_2112 : i32 to index
      %swap3A_2276 = tpu.vector_load %arg6[%swap3A_2274, %swap3A_2275] {strides = array<i32>} : memref<16x3968xf32, #tpu.memory_space<vmem>>, vector<1x16xf32>,
      %swap3A_2277 = vector.shape_cast %swap3A_2276 : vector<1x16xf32> to vector<16xf32>
      %swap3A_2278 = vector.shape_cast %get3A_2272 : vector<16xf32> to vector<1x16xf32>
      tpu.vector_store %arg6[%swap3A_2274, %swap3A_2275], %swap3A_2278 {strides = array<i32>} : memref<16x3968xf32, #tpu.memory_space<vmem>>, vector<1x16xf32>,
      %sub3A_2279 = arith.constant 127 : i32
      %sub3A_2280 = arith.subi %sub3A_2279, %mul3A_303 : i32
      %sub3A_2281 = arith.constant 12 : i32
      %sub3A_2282 = arith.subi %sub3A_2280, %sub3A_2281 : i32
      %add3A_2283 = arith.addi %mul3A_2112, %sub3A_2282 : i32
      %get3A_2284 = arith.index_cast %add3A_2283 : i32 to index
      %get3A_2285 = tpu.vector_load %arg4[%get3A_2284] {strides = array<i32>} : memref<4096xf32, #tpu.memory_space<vmem>>, vector<16xf32>,
      %get3A_2286 = vector.shape_cast %get3A_2285 : vector<16xf32> to vector<16xf32>
      %swap3A_2287 = arith.constant 12 : i32
      %swap3A_2288 = arith.index_cast %swap3A_2287 : i32 to index
      %swap3A_2289 = arith.index_cast %mul3A_2112 : i32 to index
      %swap3A_2290 = tpu.vector_load %arg6[%swap3A_2288, %swap3A_2289] {strides = array<i32>} : memref<16x3968xf32, #tpu.memory_space<vmem>>, vector<1x16xf32>,
      %swap3A_2291 = vector.shape_cast %swap3A_2290 : vector<1x16xf32> to vector<16xf32>
      %swap3A_2292 = vector.shape_cast %get3A_2286 : vector<16xf32> to vector<1x16xf32>
      tpu.vector_store %arg6[%swap3A_2288, %swap3A_2289], %swap3A_2292 {strides = array<i32>} : memref<16x3968xf32, #tpu.memory_space<vmem>>, vector<1x16xf32>,
      %sub3A_2293 = arith.constant 127 : i32
      %sub3A_2294 = arith.subi %sub3A_2293, %mul3A_303 : i32
      %sub3A_2295 = arith.constant 13 : i32
      %sub3A_2296 = arith.subi %sub3A_2294, %sub3A_2295 : i32
      %add3A_2297 = arith.addi %mul3A_2112, %sub3A_2296 : i32
      %get3A_2298 = arith.index_cast %add3A_2297 : i32 to index
      %get3A_2299 = tpu.vector_load %arg4[%get3A_2298] {strides = array<i32>} : memref<4096xf32, #tpu.memory_space<vmem>>, vector<16xf32>,
      %get3A_2300 = vector.shape_cast %get3A_2299 : vector<16xf32> to vector<16xf32>
      %swap3A_2301 = arith.constant 13 : i32
      %swap3A_2302 = arith.index_cast %swap3A_2301 : i32 to index
      %swap3A_2303 = arith.index_cast %mul3A_2112 : i32 to index
      %swap3A_2304 = tpu.vector_load %arg6[%swap3A_2302, %swap3A_2303] {strides = array<i32>} : memref<16x3968xf32, #tpu.memory_space<vmem>>, vector<1x16xf32>,
      %swap3A_2305 = vector.shape_cast %swap3A_2304 : vector<1x16xf32> to vector<16xf32>
      %swap3A_2306 = vector.shape_cast %get3A_2300 : vector<16xf32> to vector<1x16xf32>
      tpu.vector_store %arg6[%swap3A_2302, %swap3A_2303], %swap3A_2306 {strides = array<i32>} : memref<16x3968xf32, #tpu.memory_space<vmem>>, vector<1x16xf32>,
      %sub3A_2307 = arith.constant 127 : i32
      %sub3A_2308 = arith.subi %sub3A_2307, %mul3A_303 : i32
      %sub3A_2309 = arith.constant 14 : i32
      %sub3A_2310 = arith.subi %sub3A_2308, %sub3A_2309 : i32
      %add3A_2311 = arith.addi %mul3A_2112, %sub3A_2310 : i32
      %get3A_2312 = arith.index_cast %add3A_2311 : i32 to index
      %get3A_2313 = tpu.vector_load %arg4[%get3A_2312] {strides = array<i32>} : memref<4096xf32, #tpu.memory_space<vmem>>, vector<16xf32>,
      %get3A_2314 = vector.shape_cast %get3A_2313 : vector<16xf32> to vector<16xf32>
      %swap3A_2315 = arith.constant 14 : i32
      %swap3A_2316 = arith.index_cast %swap3A_2315 : i32 to index
      %swap3A_2317 = arith.index_cast %mul3A_2112 : i32 to index
      %swap3A_2318 = tpu.vector_load %arg6[%swap3A_2316, %swap3A_2317] {strides = array<i32>} : memref<16x3968xf32, #tpu.memory_space<vmem>>, vector<1x16xf32>,
      %swap3A_2319 = vector.shape_cast %swap3A_2318 : vector<1x16xf32> to vector<16xf32>
      %swap3A_2320 = vector.shape_cast %get3A_2314 : vector<16xf32> to vector<1x16xf32>
      tpu.vector_store %arg6[%swap3A_2316, %swap3A_2317], %swap3A_2320 {strides = array<i32>} : memref<16x3968xf32, #tpu.memory_space<vmem>>, vector<1x16xf32>,
      %sub3A_2321 = arith.constant 127 : i32
      %sub3A_2322 = arith.subi %sub3A_2321, %mul3A_303 : i32
      %sub3A_2323 = arith.constant 15 : i32
      %sub3A_2324 = arith.subi %sub3A_2322, %sub3A_2323 : i32
      %add3A_2325 = arith.addi %mul3A_2112, %sub3A_2324 : i32
      %get3A_2326 = arith.index_cast %add3A_2325 : i32 to index
      %get3A_2327 = tpu.vector_load %arg4[%get3A_2326] {strides = array<i32>} : memref<4096xf32, #tpu.memory_space<vmem>>, vector<16xf32>,
      %get3A_2328 = vector.shape_cast %get3A_2327 : vector<16xf32> to vector<16xf32>
      %swap3A_2329 = arith.constant 15 : i32
      %swap3A_2330 = arith.index_cast %swap3A_2329 : i32 to index
      %swap3A_2331 = arith.index_cast %mul3A_2112 : i32 to index
      %swap3A_2332 = tpu.vector_load %arg6[%swap3A_2330, %swap3A_2331] {strides = array<i32>} : memref<16x3968xf32, #tpu.memory_space<vmem>>, vector<1x16xf32>,
      %swap3A_2333 = vector.shape_cast %swap3A_2332 : vector<1x16xf32> to vector<16xf32>
      %swap3A_2334 = vector.shape_cast %get3A_2328 : vector<16xf32> to vector<1x16xf32>
      tpu.vector_store %arg6[%swap3A_2330, %swap3A_2331], %swap3A_2334 {strides = array<i32>} : memref<16x3968xf32, #tpu.memory_space<vmem>>, vector<1x16xf32>,
    }
    %scan3A_308 = arith.constant 248 : i32
    %add3A_309 = arith.constant 0 : i32
    %add3A_310 = arith.addi %mul3A_303, %add3A_309 : i32
    %dma_start3A_311 = arith.constant 0 : i32
    %dma_start3A_312 = arith.constant 0 : i32
    %dma_start3A_313 = arith.constant 1920 : i32
    %dma_start3A_314 = tpu.memref_slice %arg6[%dma_start3A_312, %dma_start3A_313] : memref<16x3968xf32, #tpu.memory_space<vmem>> -> memref<16x2048xf32, #tpu.memory_space<vmem>>
    %dma_start3A_315 = arith.constant 0 : i32
    %dma_start3A_316 = tpu.memref_slice %arg3[%dma_start3A_311, %select_n3A, %add3A_310, %dma_start3A_315] : memref<1x16x2048x2048xf32, #tpu.memory_space<hbm>> -> memref<1x1x16x2048xf32, #tpu.memory_space<hbm>>
    %dma_start3A_317 = tpu.memref_squeeze %dma_start3A_316 : memref<1x1x16x2048xf32, #tpu.memory_space<hbm>> -> memref<16x2048xf32, #tpu.memory_space<hbm>>
    %dma_start3A_318 = arith.constant 0 : i32
    %dma_start3A_319 = tpu.memref_slice %arg3[%dma_start3A_311, %select_n3A, %add3A_310, %dma_start3A_318] : memref<1x16x2048x2048xf32, #tpu.memory_space<hbm>> -> memref<1x1x16x2048xf32, #tpu.memory_space<hbm>>
    %dma_start3A_320 = tpu.memref_squeeze %dma_start3A_319 : memref<1x1x16x2048xf32, #tpu.memory_space<hbm>> -> memref<16x2048xf32, #tpu.memory_space<hbm>>
    %dma_start3A_321 = arith.constant 0 : i32
    %dma_start3A_322 = arith.constant 1920 : i32
    %dma_start3A_323 = tpu.memref_slice %arg6[%dma_start3A_321, %dma_start3A_322] : memref<16x3968xf32, #tpu.memory_space<vmem>> -> memref<16x2048xf32, #tpu.memory_space<vmem>>
    tpu.enqueue_dma source(%dma_start3A_323 : memref<16x2048xf32, #tpu.memory_space<vmem>>) target(%dma_start3A_320 : memref<16x2048xf32, #tpu.memory_space<hbm>>) target_semaphore(%arg8 : memref<!tpu.dma_semaphore, #tpu.memory_space<semaphore_mem>>)
    %add3A_324 = arith.constant 128 : i32
    %add3A_325 = arith.addi %mul3A_303, %add3A_324 : i32
    %dma_start3A_326 = arith.constant 0 : i32
    %dma_start3A_327 = arith.constant 0 : i32
    %dma_start3A_328 = arith.constant 1792 : i32
    %dma_start3A_329 = tpu.memref_slice %arg6[%dma_start3A_327, %dma_start3A_328] : memref<16x3968xf32, #tpu.memory_space<vmem>> -> memref<16x2048xf32, #tpu.memory_space<vmem>>
    %dma_start3A_330 = arith.constant 0 : i32
    %dma_start3A_331 = tpu.memref_slice %arg3[%dma_start3A_326, %select_n3A, %add3A_325, %dma_start3A_330] : memref<1x16x2048x2048xf32, #tpu.memory_space<hbm>> -> memref<1x1x16x2048xf32, #tpu.memory_space<hbm>>
    %dma_start3A_332 = tpu.memref_squeeze %dma_start3A_331 : memref<1x1x16x2048xf32, #tpu.memory_space<hbm>> -> memref<16x2048xf32, #tpu.memory_space<hbm>>
    %dma_start3A_333 = arith.constant 0 : i32
    %dma_start3A_334 = tpu.memref_slice %arg3[%dma_start3A_326, %select_n3A, %add3A_325, %dma_start3A_333] : memref<1x16x2048x2048xf32, #tpu.memory_space<hbm>> -> memref<1x1x16x2048xf32, #tpu.memory_space<hbm>>
    %dma_start3A_335 = tpu.memref_squeeze %dma_start3A_334 : memref<1x1x16x2048xf32, #tpu.memory_space<hbm>> -> memref<16x2048xf32, #tpu.memory_space<hbm>>
    %dma_start3A_336 = arith.constant 0 : i32
    %dma_start3A_337 = arith.constant 1792 : i32
    %dma_start3A_338 = tpu.memref_slice %arg6[%dma_start3A_336, %dma_start3A_337] : memref<16x3968xf32, #tpu.memory_space<vmem>> -> memref<16x2048xf32, #tpu.memory_space<vmem>>
    tpu.enqueue_dma source(%dma_start3A_338 : memref<16x2048xf32, #tpu.memory_space<vmem>>) target(%dma_start3A_335 : memref<16x2048xf32, #tpu.memory_space<hbm>>) target_semaphore(%arg8 : memref<!tpu.dma_semaphore, #tpu.memory_space<semaphore_mem>>)
    %add3A_339 = arith.constant 256 : i32
    %add3A_340 = arith.addi %mul3A_303, %add3A_339 : i32
    %dma_start3A_341 = arith.constant 0 : i32
    %dma_start3A_342 = arith.constant 0 : i32
    %dma_start3A_343 = arith.constant 1664 : i32
    %dma_start3A_344 = tpu.memref_slice %arg6[%dma_start3A_342, %dma_start3A_343] : memref<16x3968xf32, #tpu.memory_space<vmem>> -> memref<16x2048xf32, #tpu.memory_space<vmem>>
    %dma_start3A_345 = arith.constant 0 : i32
    %dma_start3A_346 = tpu.memref_slice %arg3[%dma_start3A_341, %select_n3A, %add3A_340, %dma_start3A_345] : memref<1x16x2048x2048xf32, #tpu.memory_space<hbm>> -> memref<1x1x16x2048xf32, #tpu.memory_space<hbm>>
    %dma_start3A_347 = tpu.memref_squeeze %dma_start3A_346 : memref<1x1x16x2048xf32, #tpu.memory_space<hbm>> -> memref<16x2048xf32, #tpu.memory_space<hbm>>
    %dma_start3A_348 = arith.constant 0 : i32
    %dma_start3A_349 = tpu.memref_slice %arg3[%dma_start3A_341, %select_n3A, %add3A_340, %dma_start3A_348] : memref<1x16x2048x2048xf32, #tpu.memory_space<hbm>> -> memref<1x1x16x2048xf32, #tpu.memory_space<hbm>>
    %dma_start3A_350 = tpu.memref_squeeze %dma_start3A_349 : memref<1x1x16x2048xf32, #tpu.memory_space<hbm>> -> memref<16x2048xf32, #tpu.memory_space<hbm>>
    %dma_start3A_351 = arith.constant 0 : i32
    %dma_start3A_352 = arith.constant 1664 : i32
    %dma_start3A_353 = tpu.memref_slice %arg6[%dma_start3A_351, %dma_start3A_352] : memref<16x3968xf32, #tpu.memory_space<vmem>> -> memref<16x2048xf32, #tpu.memory_space<vmem>>
    tpu.enqueue_dma source(%dma_start3A_353 : memref<16x2048xf32, #tpu.memory_space<vmem>>) target(%dma_start3A_350 : memref<16x2048xf32, #tpu.memory_space<hbm>>) target_semaphore(%arg8 : memref<!tpu.dma_semaphore, #tpu.memory_space<semaphore_mem>>)
    %add3A_354 = arith.constant 384 : i32
    %add3A_355 = arith.addi %mul3A_303, %add3A_354 : i32
    %dma_start3A_356 = arith.constant 0 : i32
    %dma_start3A_357 = arith.constant 0 : i32
    %dma_start3A_358 = arith.constant 1536 : i32
    %dma_start3A_359 = tpu.memref_slice %arg6[%dma_start3A_357, %dma_start3A_358] : memref<16x3968xf32, #tpu.memory_space<vmem>> -> memref<16x2048xf32, #tpu.memory_space<vmem>>
    %dma_start3A_360 = arith.constant 0 : i32
    %dma_start3A_361 = tpu.memref_slice %arg3[%dma_start3A_356, %select_n3A, %add3A_355, %dma_start3A_360] : memref<1x16x2048x2048xf32, #tpu.memory_space<hbm>> -> memref<1x1x16x2048xf32, #tpu.memory_space<hbm>>
    %dma_start3A_362 = tpu.memref_squeeze %dma_start3A_361 : memref<1x1x16x2048xf32, #tpu.memory_space<hbm>> -> memref<16x2048xf32, #tpu.memory_space<hbm>>
    %dma_start3A_363 = arith.constant 0 : i32
    %dma_start3A_364 = tpu.memref_slice %arg3[%dma_start3A_356, %select_n3A, %add3A_355, %dma_start3A_363] : memref<1x16x2048x2048xf32, #tpu.memory_space<hbm>> -> memref<1x1x16x2048xf32, #tpu.memory_space<hbm>>
    %dma_start3A_365 = tpu.memref_squeeze %dma_start3A_364 : memref<1x1x16x2048xf32, #tpu.memory_space<hbm>> -> memref<16x2048xf32, #tpu.memory_space<hbm>>
    %dma_start3A_366 = arith.constant 0 : i32
    %dma_start3A_367 = arith.constant 1536 : i32
    %dma_start3A_368 = tpu.memref_slice %arg6[%dma_start3A_366, %dma_start3A_367] : memref<16x3968xf32, #tpu.memory_space<vmem>> -> memref<16x2048xf32, #tpu.memory_space<vmem>>
    tpu.enqueue_dma source(%dma_start3A_368 : memref<16x2048xf32, #tpu.memory_space<vmem>>) target(%dma_start3A_365 : memref<16x2048xf32, #tpu.memory_space<hbm>>) target_semaphore(%arg8 : memref<!tpu.dma_semaphore, #tpu.memory_space<semaphore_mem>>)
    %add3A_369 = arith.constant 512 : i32
    %add3A_370 = arith.addi %mul3A_303, %add3A_369 : i32
    %dma_start3A_371 = arith.constant 0 : i32
    %dma_start3A_372 = arith.constant 0 : i32
    %dma_start3A_373 = arith.constant 1408 : i32
    %dma_start3A_374 = tpu.memref_slice %arg6[%dma_start3A_372, %dma_start3A_373] : memref<16x3968xf32, #tpu.memory_space<vmem>> -> memref<16x2048xf32, #tpu.memory_space<vmem>>
    %dma_start3A_375 = arith.constant 0 : i32
    %dma_start3A_376 = tpu.memref_slice %arg3[%dma_start3A_371, %select_n3A, %add3A_370, %dma_start3A_375] : memref<1x16x2048x2048xf32, #tpu.memory_space<hbm>> -> memref<1x1x16x2048xf32, #tpu.memory_space<hbm>>
    %dma_start3A_377 = tpu.memref_squeeze %dma_start3A_376 : memref<1x1x16x2048xf32, #tpu.memory_space<hbm>> -> memref<16x2048xf32, #tpu.memory_space<hbm>>
    %dma_start3A_378 = arith.constant 0 : i32
    %dma_start3A_379 = tpu.memref_slice %arg3[%dma_start3A_371, %select_n3A, %add3A_370, %dma_start3A_378] : memref<1x16x2048x2048xf32, #tpu.memory_space<hbm>> -> memref<1x1x16x2048xf32, #tpu.memory_space<hbm>>
    %dma_start3A_380 = tpu.memref_squeeze %dma_start3A_379 : memref<1x1x16x2048xf32, #tpu.memory_space<hbm>> -> memref<16x2048xf32, #tpu.memory_space<hbm>>
    %dma_start3A_381 = arith.constant 0 : i32
    %dma_start3A_382 = arith.constant 1408 : i32
    %dma_start3A_383 = tpu.memref_slice %arg6[%dma_start3A_381, %dma_start3A_382] : memref<16x3968xf32, #tpu.memory_space<vmem>> -> memref<16x2048xf32, #tpu.memory_space<vmem>>
    tpu.enqueue_dma source(%dma_start3A_383 : memref<16x2048xf32, #tpu.memory_space<vmem>>) target(%dma_start3A_380 : memref<16x2048xf32, #tpu.memory_space<hbm>>) target_semaphore(%arg8 : memref<!tpu.dma_semaphore, #tpu.memory_space<semaphore_mem>>)
    %add3A_384 = arith.constant 640 : i32
    %add3A_385 = arith.addi %mul3A_303, %add3A_384 : i32
    %dma_start3A_386 = arith.constant 0 : i32
    %dma_start3A_387 = arith.constant 0 : i32
    %dma_start3A_388 = arith.constant 1280 : i32
    %dma_start3A_389 = tpu.memref_slice %arg6[%dma_start3A_387, %dma_start3A_388] : memref<16x3968xf32, #tpu.memory_space<vmem>> -> memref<16x2048xf32, #tpu.memory_space<vmem>>
    %dma_start3A_390 = arith.constant 0 : i32
    %dma_start3A_391 = tpu.memref_slice %arg3[%dma_start3A_386, %select_n3A, %add3A_385, %dma_start3A_390] : memref<1x16x2048x2048xf32, #tpu.memory_space<hbm>> -> memref<1x1x16x2048xf32, #tpu.memory_space<hbm>>
    %dma_start3A_392 = tpu.memref_squeeze %dma_start3A_391 : memref<1x1x16x2048xf32, #tpu.memory_space<hbm>> -> memref<16x2048xf32, #tpu.memory_space<hbm>>
    %dma_start3A_393 = arith.constant 0 : i32
    %dma_start3A_394 = tpu.memref_slice %arg3[%dma_start3A_386, %select_n3A, %add3A_385, %dma_start3A_393] : memref<1x16x2048x2048xf32, #tpu.memory_space<hbm>> -> memref<1x1x16x2048xf32, #tpu.memory_space<hbm>>
    %dma_start3A_395 = tpu.memref_squeeze %dma_start3A_394 : memref<1x1x16x2048xf32, #tpu.memory_space<hbm>> -> memref<16x2048xf32, #tpu.memory_space<hbm>>
    %dma_start3A_396 = arith.constant 0 : i32
    %dma_start3A_397 = arith.constant 1280 : i32
    %dma_start3A_398 = tpu.memref_slice %arg6[%dma_start3A_396, %dma_start3A_397] : memref<16x3968xf32, #tpu.memory_space<vmem>> -> memref<16x2048xf32, #tpu.memory_space<vmem>>
    tpu.enqueue_dma source(%dma_start3A_398 : memref<16x2048xf32, #tpu.memory_space<vmem>>) target(%dma_start3A_395 : memref<16x2048xf32, #tpu.memory_space<hbm>>) target_semaphore(%arg8 : memref<!tpu.dma_semaphore, #tpu.memory_space<semaphore_mem>>)
    %add3A_399 = arith.constant 768 : i32
    %add3A_400 = arith.addi %mul3A_303, %add3A_399 : i32
    %dma_start3A_401 = arith.constant 0 : i32
    %dma_start3A_402 = arith.constant 0 : i32
    %dma_start3A_403 = arith.constant 1152 : i32
    %dma_start3A_404 = tpu.memref_slice %arg6[%dma_start3A_402, %dma_start3A_403] : memref<16x3968xf32, #tpu.memory_space<vmem>> -> memref<16x2048xf32, #tpu.memory_space<vmem>>
    %dma_start3A_405 = arith.constant 0 : i32
    %dma_start3A_406 = tpu.memref_slice %arg3[%dma_start3A_401, %select_n3A, %add3A_400, %dma_start3A_405] : memref<1x16x2048x2048xf32, #tpu.memory_space<hbm>> -> memref<1x1x16x2048xf32, #tpu.memory_space<hbm>>
    %dma_start3A_407 = tpu.memref_squeeze %dma_start3A_406 : memref<1x1x16x2048xf32, #tpu.memory_space<hbm>> -> memref<16x2048xf32, #tpu.memory_space<hbm>>
    %dma_start3A_408 = arith.constant 0 : i32
    %dma_start3A_409 = tpu.memref_slice %arg3[%dma_start3A_401, %select_n3A, %add3A_400, %dma_start3A_408] : memref<1x16x2048x2048xf32, #tpu.memory_space<hbm>> -> memref<1x1x16x2048xf32, #tpu.memory_space<hbm>>
    %dma_start3A_410 = tpu.memref_squeeze %dma_start3A_409 : memref<1x1x16x2048xf32, #tpu.memory_space<hbm>> -> memref<16x2048xf32, #tpu.memory_space<hbm>>
    %dma_start3A_411 = arith.constant 0 : i32
    %dma_start3A_412 = arith.constant 1152 : i32
    %dma_start3A_413 = tpu.memref_slice %arg6[%dma_start3A_411, %dma_start3A_412] : memref<16x3968xf32, #tpu.memory_space<vmem>> -> memref<16x2048xf32, #tpu.memory_space<vmem>>
    tpu.enqueue_dma source(%dma_start3A_413 : memref<16x2048xf32, #tpu.memory_space<vmem>>) target(%dma_start3A_410 : memref<16x2048xf32, #tpu.memory_space<hbm>>) target_semaphore(%arg8 : memref<!tpu.dma_semaphore, #tpu.memory_space<semaphore_mem>>)
    %add3A_414 = arith.constant 896 : i32
    %add3A_415 = arith.addi %mul3A_303, %add3A_414 : i32
    %dma_start3A_416 = arith.constant 0 : i32
    %dma_start3A_417 = arith.constant 0 : i32
    %dma_start3A_418 = arith.constant 1024 : i32
    %dma_start3A_419 = tpu.memref_slice %arg6[%dma_start3A_417, %dma_start3A_418] : memref<16x3968xf32, #tpu.memory_space<vmem>> -> memref<16x2048xf32, #tpu.memory_space<vmem>>
    %dma_start3A_420 = arith.constant 0 : i32
    %dma_start3A_421 = tpu.memref_slice %arg3[%dma_start3A_416, %select_n3A, %add3A_415, %dma_start3A_420] : memref<1x16x2048x2048xf32, #tpu.memory_space<hbm>> -> memref<1x1x16x2048xf32, #tpu.memory_space<hbm>>
    %dma_start3A_422 = tpu.memref_squeeze %dma_start3A_421 : memref<1x1x16x2048xf32, #tpu.memory_space<hbm>> -> memref<16x2048xf32, #tpu.memory_space<hbm>>
    %dma_start3A_423 = arith.constant 0 : i32
    %dma_start3A_424 = tpu.memref_slice %arg3[%dma_start3A_416, %select_n3A, %add3A_415, %dma_start3A_423] : memref<1x16x2048x2048xf32, #tpu.memory_space<hbm>> -> memref<1x1x16x2048xf32, #tpu.memory_space<hbm>>
    %dma_start3A_425 = tpu.memref_squeeze %dma_start3A_424 : memref<1x1x16x2048xf32, #tpu.memory_space<hbm>> -> memref<16x2048xf32, #tpu.memory_space<hbm>>
    %dma_start3A_426 = arith.constant 0 : i32
    %dma_start3A_427 = arith.constant 1024 : i32
    %dma_start3A_428 = tpu.memref_slice %arg6[%dma_start3A_426, %dma_start3A_427] : memref<16x3968xf32, #tpu.memory_space<vmem>> -> memref<16x2048xf32, #tpu.memory_space<vmem>>
    tpu.enqueue_dma source(%dma_start3A_428 : memref<16x2048xf32, #tpu.memory_space<vmem>>) target(%dma_start3A_425 : memref<16x2048xf32, #tpu.memory_space<hbm>>) target_semaphore(%arg8 : memref<!tpu.dma_semaphore, #tpu.memory_space<semaphore_mem>>)
    %add3A_429 = arith.constant 1024 : i32
    %add3A_430 = arith.addi %mul3A_303, %add3A_429 : i32
    %dma_start3A_431 = arith.constant 0 : i32
    %dma_start3A_432 = arith.constant 0 : i32
    %dma_start3A_433 = arith.constant 896 : i32
    %dma_start3A_434 = tpu.memref_slice %arg6[%dma_start3A_432, %dma_start3A_433] : memref<16x3968xf32, #tpu.memory_space<vmem>> -> memref<16x2048xf32, #tpu.memory_space<vmem>>
    %dma_start3A_435 = arith.constant 0 : i32
    %dma_start3A_436 = tpu.memref_slice %arg3[%dma_start3A_431, %select_n3A, %add3A_430, %dma_start3A_435] : memref<1x16x2048x2048xf32, #tpu.memory_space<hbm>> -> memref<1x1x16x2048xf32, #tpu.memory_space<hbm>>
    %dma_start3A_437 = tpu.memref_squeeze %dma_start3A_436 : memref<1x1x16x2048xf32, #tpu.memory_space<hbm>> -> memref<16x2048xf32, #tpu.memory_space<hbm>>
    %dma_start3A_438 = arith.constant 0 : i32
    %dma_start3A_439 = tpu.memref_slice %arg3[%dma_start3A_431, %select_n3A, %add3A_430, %dma_start3A_438] : memref<1x16x2048x2048xf32, #tpu.memory_space<hbm>> -> memref<1x1x16x2048xf32, #tpu.memory_space<hbm>>
    %dma_start3A_440 = tpu.memref_squeeze %dma_start3A_439 : memref<1x1x16x2048xf32, #tpu.memory_space<hbm>> -> memref<16x2048xf32, #tpu.memory_space<hbm>>
    %dma_start3A_441 = arith.constant 0 : i32
    %dma_start3A_442 = arith.constant 896 : i32
    %dma_start3A_443 = tpu.memref_slice %arg6[%dma_start3A_441, %dma_start3A_442] : memref<16x3968xf32, #tpu.memory_space<vmem>> -> memref<16x2048xf32, #tpu.memory_space<vmem>>
    tpu.enqueue_dma source(%dma_start3A_443 : memref<16x2048xf32, #tpu.memory_space<vmem>>) target(%dma_start3A_440 : memref<16x2048xf32, #tpu.memory_space<hbm>>) target_semaphore(%arg8 : memref<!tpu.dma_semaphore, #tpu.memory_space<semaphore_mem>>)
    %add3A_444 = arith.constant 1152 : i32
    %add3A_445 = arith.addi %mul3A_303, %add3A_444 : i32
    %dma_start3A_446 = arith.constant 0 : i32
    %dma_start3A_447 = arith.constant 0 : i32
    %dma_start3A_448 = arith.constant 768 : i32
    %dma_start3A_449 = tpu.memref_slice %arg6[%dma_start3A_447, %dma_start3A_448] : memref<16x3968xf32, #tpu.memory_space<vmem>> -> memref<16x2048xf32, #tpu.memory_space<vmem>>
    %dma_start3A_450 = arith.constant 0 : i32
    %dma_start3A_451 = tpu.memref_slice %arg3[%dma_start3A_446, %select_n3A, %add3A_445, %dma_start3A_450] : memref<1x16x2048x2048xf32, #tpu.memory_space<hbm>> -> memref<1x1x16x2048xf32, #tpu.memory_space<hbm>>
    %dma_start3A_452 = tpu.memref_squeeze %dma_start3A_451 : memref<1x1x16x2048xf32, #tpu.memory_space<hbm>> -> memref<16x2048xf32, #tpu.memory_space<hbm>>
    %dma_start3A_453 = arith.constant 0 : i32
    %dma_start3A_454 = tpu.memref_slice %arg3[%dma_start3A_446, %select_n3A, %add3A_445, %dma_start3A_453] : memref<1x16x2048x2048xf32, #tpu.memory_space<hbm>> -> memref<1x1x16x2048xf32, #tpu.memory_space<hbm>>
    %dma_start3A_455 = tpu.memref_squeeze %dma_start3A_454 : memref<1x1x16x2048xf32, #tpu.memory_space<hbm>> -> memref<16x2048xf32, #tpu.memory_space<hbm>>
    %dma_start3A_456 = arith.constant 0 : i32
    %dma_start3A_457 = arith.constant 768 : i32
    %dma_start3A_458 = tpu.memref_slice %arg6[%dma_start3A_456, %dma_start3A_457] : memref<16x3968xf32, #tpu.memory_space<vmem>> -> memref<16x2048xf32, #tpu.memory_space<vmem>>
    tpu.enqueue_dma source(%dma_start3A_458 : memref<16x2048xf32, #tpu.memory_space<vmem>>) target(%dma_start3A_455 : memref<16x2048xf32, #tpu.memory_space<hbm>>) target_semaphore(%arg8 : memref<!tpu.dma_semaphore, #tpu.memory_space<semaphore_mem>>)
    %add3A_459 = arith.constant 1280 : i32
    %add3A_460 = arith.addi %mul3A_303, %add3A_459 : i32
    %dma_start3A_461 = arith.constant 0 : i32
    %dma_start3A_462 = arith.constant 0 : i32
    %dma_start3A_463 = arith.constant 640 : i32
    %dma_start3A_464 = tpu.memref_slice %arg6[%dma_start3A_462, %dma_start3A_463] : memref<16x3968xf32, #tpu.memory_space<vmem>> -> memref<16x2048xf32, #tpu.memory_space<vmem>>
    %dma_start3A_465 = arith.constant 0 : i32
    %dma_start3A_466 = tpu.memref_slice %arg3[%dma_start3A_461, %select_n3A, %add3A_460, %dma_start3A_465] : memref<1x16x2048x2048xf32, #tpu.memory_space<hbm>> -> memref<1x1x16x2048xf32, #tpu.memory_space<hbm>>
    %dma_start3A_467 = tpu.memref_squeeze %dma_start3A_466 : memref<1x1x16x2048xf32, #tpu.memory_space<hbm>> -> memref<16x2048xf32, #tpu.memory_space<hbm>>
    %dma_start3A_468 = arith.constant 0 : i32
    %dma_start3A_469 = tpu.memref_slice %arg3[%dma_start3A_461, %select_n3A, %add3A_460, %dma_start3A_468] : memref<1x16x2048x2048xf32, #tpu.memory_space<hbm>> -> memref<1x1x16x2048xf32, #tpu.memory_space<hbm>>
    %dma_start3A_470 = tpu.memref_squeeze %dma_start3A_469 : memref<1x1x16x2048xf32, #tpu.memory_space<hbm>> -> memref<16x2048xf32, #tpu.memory_space<hbm>>
    %dma_start3A_471 = arith.constant 0 : i32
    %dma_start3A_472 = arith.constant 640 : i32
    %dma_start3A_473 = tpu.memref_slice %arg6[%dma_start3A_471, %dma_start3A_472] : memref<16x3968xf32, #tpu.memory_space<vmem>> -> memref<16x2048xf32, #tpu.memory_space<vmem>>
    tpu.enqueue_dma source(%dma_start3A_473 : memref<16x2048xf32, #tpu.memory_space<vmem>>) target(%dma_start3A_470 : memref<16x2048xf32, #tpu.memory_space<hbm>>) target_semaphore(%arg8 : memref<!tpu.dma_semaphore, #tpu.memory_space<semaphore_mem>>)
    %add3A_474 = arith.constant 1408 : i32
    %add3A_475 = arith.addi %mul3A_303, %add3A_474 : i32
    %dma_start3A_476 = arith.constant 0 : i32
    %dma_start3A_477 = arith.constant 0 : i32
    %dma_start3A_478 = arith.constant 512 : i32
    %dma_start3A_479 = tpu.memref_slice %arg6[%dma_start3A_477, %dma_start3A_478] : memref<16x3968xf32, #tpu.memory_space<vmem>> -> memref<16x2048xf32, #tpu.memory_space<vmem>>
    %dma_start3A_480 = arith.constant 0 : i32
    %dma_start3A_481 = tpu.memref_slice %arg3[%dma_start3A_476, %select_n3A, %add3A_475, %dma_start3A_480] : memref<1x16x2048x2048xf32, #tpu.memory_space<hbm>> -> memref<1x1x16x2048xf32, #tpu.memory_space<hbm>>
    %dma_start3A_482 = tpu.memref_squeeze %dma_start3A_481 : memref<1x1x16x2048xf32, #tpu.memory_space<hbm>> -> memref<16x2048xf32, #tpu.memory_space<hbm>>
    %dma_start3A_483 = arith.constant 0 : i32
    %dma_start3A_484 = tpu.memref_slice %arg3[%dma_start3A_476, %select_n3A, %add3A_475, %dma_start3A_483] : memref<1x16x2048x2048xf32, #tpu.memory_space<hbm>> -> memref<1x1x16x2048xf32, #tpu.memory_space<hbm>>
    %dma_start3A_485 = tpu.memref_squeeze %dma_start3A_484 : memref<1x1x16x2048xf32, #tpu.memory_space<hbm>> -> memref<16x2048xf32, #tpu.memory_space<hbm>>
    %dma_start3A_486 = arith.constant 0 : i32
    %dma_start3A_487 = arith.constant 512 : i32
    %dma_start3A_488 = tpu.memref_slice %arg6[%dma_start3A_486, %dma_start3A_487] : memref<16x3968xf32, #tpu.memory_space<vmem>> -> memref<16x2048xf32, #tpu.memory_space<vmem>>
    tpu.enqueue_dma source(%dma_start3A_488 : memref<16x2048xf32, #tpu.memory_space<vmem>>) target(%dma_start3A_485 : memref<16x2048xf32, #tpu.memory_space<hbm>>) target_semaphore(%arg8 : memref<!tpu.dma_semaphore, #tpu.memory_space<semaphore_mem>>)
    %add3A_489 = arith.constant 1536 : i32
    %add3A_490 = arith.addi %mul3A_303, %add3A_489 : i32
    %dma_start3A_491 = arith.constant 0 : i32
    %dma_start3A_492 = arith.constant 0 : i32
    %dma_start3A_493 = arith.constant 384 : i32
    %dma_start3A_494 = tpu.memref_slice %arg6[%dma_start3A_492, %dma_start3A_493] : memref<16x3968xf32, #tpu.memory_space<vmem>> -> memref<16x2048xf32, #tpu.memory_space<vmem>>
    %dma_start3A_495 = arith.constant 0 : i32
    %dma_start3A_496 = tpu.memref_slice %arg3[%dma_start3A_491, %select_n3A, %add3A_490, %dma_start3A_495] : memref<1x16x2048x2048xf32, #tpu.memory_space<hbm>> -> memref<1x1x16x2048xf32, #tpu.memory_space<hbm>>
    %dma_start3A_497 = tpu.memref_squeeze %dma_start3A_496 : memref<1x1x16x2048xf32, #tpu.memory_space<hbm>> -> memref<16x2048xf32, #tpu.memory_space<hbm>>
    %dma_start3A_498 = arith.constant 0 : i32
    %dma_start3A_499 = tpu.memref_slice %arg3[%dma_start3A_491, %select_n3A, %add3A_490, %dma_start3A_498] : memref<1x16x2048x2048xf32, #tpu.memory_space<hbm>> -> memref<1x1x16x2048xf32, #tpu.memory_space<hbm>>
    %dma_start3A_500 = tpu.memref_squeeze %dma_start3A_499 : memref<1x1x16x2048xf32, #tpu.memory_space<hbm>> -> memref<16x2048xf32, #tpu.memory_space<hbm>>
    %dma_start3A_501 = arith.constant 0 : i32
    %dma_start3A_502 = arith.constant 384 : i32
    %dma_start3A_503 = tpu.memref_slice %arg6[%dma_start3A_501, %dma_start3A_502] : memref<16x3968xf32, #tpu.memory_space<vmem>> -> memref<16x2048xf32, #tpu.memory_space<vmem>>
    tpu.enqueue_dma source(%dma_start3A_503 : memref<16x2048xf32, #tpu.memory_space<vmem>>) target(%dma_start3A_500 : memref<16x2048xf32, #tpu.memory_space<hbm>>) target_semaphore(%arg8 : memref<!tpu.dma_semaphore, #tpu.memory_space<semaphore_mem>>)
    %add3A_504 = arith.constant 1664 : i32
    %add3A_505 = arith.addi %mul3A_303, %add3A_504 : i32
    %dma_start3A_506 = arith.constant 0 : i32
    %dma_start3A_507 = arith.constant 0 : i32
    %dma_start3A_508 = arith.constant 256 : i32
    %dma_start3A_509 = tpu.memref_slice %arg6[%dma_start3A_507, %dma_start3A_508] : memref<16x3968xf32, #tpu.memory_space<vmem>> -> memref<16x2048xf32, #tpu.memory_space<vmem>>
    %dma_start3A_510 = arith.constant 0 : i32
    %dma_start3A_511 = tpu.memref_slice %arg3[%dma_start3A_506, %select_n3A, %add3A_505, %dma_start3A_510] : memref<1x16x2048x2048xf32, #tpu.memory_space<hbm>> -> memref<1x1x16x2048xf32, #tpu.memory_space<hbm>>
    %dma_start3A_512 = tpu.memref_squeeze %dma_start3A_511 : memref<1x1x16x2048xf32, #tpu.memory_space<hbm>> -> memref<16x2048xf32, #tpu.memory_space<hbm>>
    %dma_start3A_513 = arith.constant 0 : i32
    %dma_start3A_514 = tpu.memref_slice %arg3[%dma_start3A_506, %select_n3A, %add3A_505, %dma_start3A_513] : memref<1x16x2048x2048xf32, #tpu.memory_space<hbm>> -> memref<1x1x16x2048xf32, #tpu.memory_space<hbm>>
    %dma_start3A_515 = tpu.memref_squeeze %dma_start3A_514 : memref<1x1x16x2048xf32, #tpu.memory_space<hbm>> -> memref<16x2048xf32, #tpu.memory_space<hbm>>
    %dma_start3A_516 = arith.constant 0 : i32
    %dma_start3A_517 = arith.constant 256 : i32
    %dma_start3A_518 = tpu.memref_slice %arg6[%dma_start3A_516, %dma_start3A_517] : memref<16x3968xf32, #tpu.memory_space<vmem>> -> memref<16x2048xf32, #tpu.memory_space<vmem>>
    tpu.enqueue_dma source(%dma_start3A_518 : memref<16x2048xf32, #tpu.memory_space<vmem>>) target(%dma_start3A_515 : memref<16x2048xf32, #tpu.memory_space<hbm>>) target_semaphore(%arg8 : memref<!tpu.dma_semaphore, #tpu.memory_space<semaphore_mem>>)
    %add3A_519 = arith.constant 1792 : i32
    %add3A_520 = arith.addi %mul3A_303, %add3A_519 : i32
    %dma_start3A_521 = arith.constant 0 : i32
    %dma_start3A_522 = arith.constant 0 : i32
    %dma_start3A_523 = arith.constant 128 : i32
    %dma_start3A_524 = tpu.memref_slice %arg6[%dma_start3A_522, %dma_start3A_523] : memref<16x3968xf32, #tpu.memory_space<vmem>> -> memref<16x2048xf32, #tpu.memory_space<vmem>>
    %dma_start3A_525 = arith.constant 0 : i32
    %dma_start3A_526 = tpu.memref_slice %arg3[%dma_start3A_521, %select_n3A, %add3A_520, %dma_start3A_525] : memref<1x16x2048x2048xf32, #tpu.memory_space<hbm>> -> memref<1x1x16x2048xf32, #tpu.memory_space<hbm>>
    %dma_start3A_527 = tpu.memref_squeeze %dma_start3A_526 : memref<1x1x16x2048xf32, #tpu.memory_space<hbm>> -> memref<16x2048xf32, #tpu.memory_space<hbm>>
    %dma_start3A_528 = arith.constant 0 : i32
    %dma_start3A_529 = tpu.memref_slice %arg3[%dma_start3A_521, %select_n3A, %add3A_520, %dma_start3A_528] : memref<1x16x2048x2048xf32, #tpu.memory_space<hbm>> -> memref<1x1x16x2048xf32, #tpu.memory_space<hbm>>
    %dma_start3A_530 = tpu.memref_squeeze %dma_start3A_529 : memref<1x1x16x2048xf32, #tpu.memory_space<hbm>> -> memref<16x2048xf32, #tpu.memory_space<hbm>>
    %dma_start3A_531 = arith.constant 0 : i32
    %dma_start3A_532 = arith.constant 128 : i32
    %dma_start3A_533 = tpu.memref_slice %arg6[%dma_start3A_531, %dma_start3A_532] : memref<16x3968xf32, #tpu.memory_space<vmem>> -> memref<16x2048xf32, #tpu.memory_space<vmem>>
    tpu.enqueue_dma source(%dma_start3A_533 : memref<16x2048xf32, #tpu.memory_space<vmem>>) target(%dma_start3A_530 : memref<16x2048xf32, #tpu.memory_space<hbm>>) target_semaphore(%arg8 : memref<!tpu.dma_semaphore, #tpu.memory_space<semaphore_mem>>)
    %add3A_534 = arith.constant 1920 : i32
    %add3A_535 = arith.addi %mul3A_303, %add3A_534 : i32
    %dma_start3A_536 = arith.constant 0 : i32
    %dma_start3A_537 = arith.constant 0 : i32
    %dma_start3A_538 = arith.constant 0 : i32
    %dma_start3A_539 = tpu.memref_slice %arg6[%dma_start3A_537, %dma_start3A_538] : memref<16x3968xf32, #tpu.memory_space<vmem>> -> memref<16x2048xf32, #tpu.memory_space<vmem>>
    %dma_start3A_540 = arith.constant 0 : i32
    %dma_start3A_541 = tpu.memref_slice %arg3[%dma_start3A_536, %select_n3A, %add3A_535, %dma_start3A_540] : memref<1x16x2048x2048xf32, #tpu.memory_space<hbm>> -> memref<1x1x16x2048xf32, #tpu.memory_space<hbm>>
    %dma_start3A_542 = tpu.memref_squeeze %dma_start3A_541 : memref<1x1x16x2048xf32, #tpu.memory_space<hbm>> -> memref<16x2048xf32, #tpu.memory_space<hbm>>
    %dma_start3A_543 = arith.constant 0 : i32
    %dma_start3A_544 = tpu.memref_slice %arg3[%dma_start3A_536, %select_n3A, %add3A_535, %dma_start3A_543] : memref<1x16x2048x2048xf32, #tpu.memory_space<hbm>> -> memref<1x1x16x2048xf32, #tpu.memory_space<hbm>>
    %dma_start3A_545 = tpu.memref_squeeze %dma_start3A_544 : memref<1x1x16x2048xf32, #tpu.memory_space<hbm>> -> memref<16x2048xf32, #tpu.memory_space<hbm>>
    %dma_start3A_546 = arith.constant 0 : i32
    %dma_start3A_547 = arith.constant 0 : i32
    %dma_start3A_548 = tpu.memref_slice %arg6[%dma_start3A_546, %dma_start3A_547] : memref<16x3968xf32, #tpu.memory_space<vmem>> -> memref<16x2048xf32, #tpu.memory_space<vmem>>
    tpu.enqueue_dma source(%dma_start3A_548 : memref<16x2048xf32, #tpu.memory_space<vmem>>) target(%dma_start3A_545 : memref<16x2048xf32, #tpu.memory_space<hbm>>) target_semaphore(%arg8 : memref<!tpu.dma_semaphore, #tpu.memory_space<semaphore_mem>>)
    %mul3A_549 = arith.constant 4 : i32
    %mul3A_550 = arith.muli %add3A, %mul3A_549 : i32
    %add3A_551 = arith.constant 2 : i32
    %add3A_552 = arith.addi %mul3A_550, %add3A_551 : i32
    %jit3A_553 = arith.constant 8 : i32
    %eq3A_554 = arith.constant 0 : i32
    %eq3A_555 = arith.cmpi eq, %jit3A_553, %eq3A_554 : i32
    %jit3A_556 = arith.constant 1 : i32
    %select_n3A_557 = arith.select %eq3A_555, %jit3A_556, %jit3A_553 : i32
    %rem3A_558 = arith.remsi %add3A_552, %select_n3A_557 : i32
    %ne3A_559 = arith.constant 0 : i32
    %ne3A_560 = arith.cmpi ne, %rem3A_558, %ne3A_559 : i32
    %lt3A_561 = arith.constant 0 : i32
    %lt3A_562 = arith.cmpi slt, %rem3A_558, %lt3A_561 : i32
    %lt3A_563 = arith.constant 0 : i32
    %lt3A_564 = arith.cmpi slt, %select_n3A_557, %lt3A_563 : i32
    %ne3A_565 = arith.xori %lt3A_562, %lt3A_564 : i1
    %and3A_566 = arith.andi %ne3A_565, %ne3A_560 : i1
    %add3A_567 = arith.addi %rem3A_558, %select_n3A_557 : i32
    %select_n3A_568 = arith.select %and3A_566, %add3A_567, %rem3A_558 : i32
    %mul3A_569 = arith.constant 16 : i32
    %mul3A_570 = arith.muli %select_n3A_568, %mul3A_569 : i32
    %dma_wait3A = arith.constant 0 : i32
    %dma_wait3A_571 = arith.constant 0 : i32
    %dma_wait3A_572 = arith.constant 0 : i32
    %dma_wait3A_573 = arith.constant 0 : i32
    %dma_wait3A_574 = tpu.memref_slice %arg5[%dma_wait3A_572, %dma_wait3A_573] : memref<16x3968xf32, #tpu.memory_space<vmem>> -> memref<16x2048xf32, #tpu.memory_space<vmem>>
    %dma_wait3A_575 = arith.constant 0 : i32
    %dma_wait3A_576 = arith.constant 0 : i32
    %dma_wait3A_577 = tpu.memref_slice %arg3[%dma_wait3A, %dma_wait3A_571, %dma_wait3A_575, %dma_wait3A_576] : memref<1x16x2048x2048xf32, #tpu.memory_space<hbm>> -> memref<1x1x16x2048xf32, #tpu.memory_space<hbm>>
    %dma_wait3A_578 = tpu.memref_squeeze %dma_wait3A_577 : memref<1x1x16x2048xf32, #tpu.memory_space<hbm>> -> memref<16x2048xf32, #tpu.memory_space<hbm>>
    %dma_wait3A_579 = arith.constant 0 : i32
    %dma_wait3A_580 = arith.constant 0 : i32
    %dma_wait3A_581 = tpu.memref_slice %arg3[%dma_wait3A, %dma_wait3A_571, %dma_wait3A_579, %dma_wait3A_580] : memref<1x16x2048x2048xf32, #tpu.memory_space<hbm>> -> memref<1x1x16x2048xf32, #tpu.memory_space<hbm>>
    %dma_wait3A_582 = tpu.memref_squeeze %dma_wait3A_581 : memref<1x1x16x2048xf32, #tpu.memory_space<hbm>> -> memref<16x2048xf32, #tpu.memory_space<hbm>>
    %dma_wait3A_583 = arith.constant 0 : i32
    %dma_wait3A_584 = arith.constant 0 : i32
    %dma_wait3A_585 = tpu.memref_slice %arg5[%dma_wait3A_583, %dma_wait3A_584] : memref<16x3968xf32, #tpu.memory_space<vmem>> -> memref<16x2048xf32, #tpu.memory_space<vmem>>
    tpu.wait_dma2 semaphore(%arg7 : memref<!tpu.dma_semaphore, #tpu.memory_space<semaphore_mem>>) src(%dma_wait3A_585 : memref<16x2048xf32, #tpu.memory_space<vmem>>) dst(%dma_wait3A_582 : memref<16x2048xf32, #tpu.memory_space<hbm>>)
    %dma_wait3A_586 = arith.constant 0 : i32
    %dma_wait3A_587 = arith.constant 0 : i32
    %dma_wait3A_588 = arith.constant 0 : i32
    %dma_wait3A_589 = arith.constant 0 : i32
    %dma_wait3A_590 = tpu.memref_slice %arg5[%dma_wait3A_588, %dma_wait3A_589] : memref<16x3968xf32, #tpu.memory_space<vmem>> -> memref<16x2048xf32, #tpu.memory_space<vmem>>
    %dma_wait3A_591 = arith.constant 0 : i32
    %dma_wait3A_592 = arith.constant 0 : i32
    %dma_wait3A_593 = tpu.memref_slice %arg3[%dma_wait3A_586, %dma_wait3A_587, %dma_wait3A_591, %dma_wait3A_592] : memref<1x16x2048x2048xf32, #tpu.memory_space<hbm>> -> memref<1x1x16x2048xf32, #tpu.memory_space<hbm>>
    %dma_wait3A_594 = tpu.memref_squeeze %dma_wait3A_593 : memref<1x1x16x2048xf32, #tpu.memory_space<hbm>> -> memref<16x2048xf32, #tpu.memory_space<hbm>>
    %dma_wait3A_595 = arith.constant 0 : i32
    %dma_wait3A_596 = arith.constant 0 : i32
    %dma_wait3A_597 = tpu.memref_slice %arg3[%dma_wait3A_586, %dma_wait3A_587, %dma_wait3A_595, %dma_wait3A_596] : memref<1x16x2048x2048xf32, #tpu.memory_space<hbm>> -> memref<1x1x16x2048xf32, #tpu.memory_space<hbm>>
    %dma_wait3A_598 = tpu.memref_squeeze %dma_wait3A_597 : memref<1x1x16x2048xf32, #tpu.memory_space<hbm>> -> memref<16x2048xf32, #tpu.memory_space<hbm>>
    %dma_wait3A_599 = arith.constant 0 : i32
    %dma_wait3A_600 = arith.constant 0 : i32
    %dma_wait3A_601 = tpu.memref_slice %arg5[%dma_wait3A_599, %dma_wait3A_600] : memref<16x3968xf32, #tpu.memory_space<vmem>> -> memref<16x2048xf32, #tpu.memory_space<vmem>>
    tpu.wait_dma2 semaphore(%arg7 : memref<!tpu.dma_semaphore, #tpu.memory_space<semaphore_mem>>) src(%dma_wait3A_601 : memref<16x2048xf32, #tpu.memory_space<vmem>>) dst(%dma_wait3A_598 : memref<16x2048xf32, #tpu.memory_space<hbm>>)
    %dma_wait3A_602 = arith.constant 0 : i32
    %dma_wait3A_603 = arith.constant 0 : i32
    %dma_wait3A_604 = arith.constant 0 : i32
    %dma_wait3A_605 = arith.constant 0 : i32
    %dma_wait3A_606 = tpu.memref_slice %arg5[%dma_wait3A_604, %dma_wait3A_605] : memref<16x3968xf32, #tpu.memory_space<vmem>> -> memref<16x2048xf32, #tpu.memory_space<vmem>>
    %dma_wait3A_607 = arith.constant 0 : i32
    %dma_wait3A_608 = arith.constant 0 : i32
    %dma_wait3A_609 = tpu.memref_slice %arg3[%dma_wait3A_602, %dma_wait3A_603, %dma_wait3A_607, %dma_wait3A_608] : memref<1x16x2048x2048xf32, #tpu.memory_space<hbm>> -> memref<1x1x16x2048xf32, #tpu.memory_space<hbm>>
    %dma_wait3A_610 = tpu.memref_squeeze %dma_wait3A_609 : memref<1x1x16x2048xf32, #tpu.memory_space<hbm>> -> memref<16x2048xf32, #tpu.memory_space<hbm>>
    %dma_wait3A_611 = arith.constant 0 : i32
    %dma_wait3A_612 = arith.constant 0 : i32
    %dma_wait3A_613 = tpu.memref_slice %arg3[%dma_wait3A_602, %dma_wait3A_603, %dma_wait3A_611, %dma_wait3A_612] : memref<1x16x2048x2048xf32, #tpu.memory_space<hbm>> -> memref<1x1x16x2048xf32, #tpu.memory_space<hbm>>
    %dma_wait3A_614 = tpu.memref_squeeze %dma_wait3A_613 : memref<1x1x16x2048xf32, #tpu.memory_space<hbm>> -> memref<16x2048xf32, #tpu.memory_space<hbm>>
    %dma_wait3A_615 = arith.constant 0 : i32
    %dma_wait3A_616 = arith.constant 0 : i32
    %dma_wait3A_617 = tpu.memref_slice %arg5[%dma_wait3A_615, %dma_wait3A_616] : memref<16x3968xf32, #tpu.memory_space<vmem>> -> memref<16x2048xf32, #tpu.memory_space<vmem>>
    tpu.wait_dma2 semaphore(%arg7 : memref<!tpu.dma_semaphore, #tpu.memory_space<semaphore_mem>>) src(%dma_wait3A_617 : memref<16x2048xf32, #tpu.memory_space<vmem>>) dst(%dma_wait3A_614 : memref<16x2048xf32, #tpu.memory_space<hbm>>)
    %dma_wait3A_618 = arith.constant 0 : i32
    %dma_wait3A_619 = arith.constant 0 : i32
    %dma_wait3A_620 = arith.constant 0 : i32
    %dma_wait3A_621 = arith.constant 0 : i32
    %dma_wait3A_622 = tpu.memref_slice %arg5[%dma_wait3A_620, %dma_wait3A_621] : memref<16x3968xf32, #tpu.memory_space<vmem>> -> memref<16x2048xf32, #tpu.memory_space<vmem>>
    %dma_wait3A_623 = arith.constant 0 : i32
    %dma_wait3A_624 = arith.constant 0 : i32
    %dma_wait3A_625 = tpu.memref_slice %arg3[%dma_wait3A_618, %dma_wait3A_619, %dma_wait3A_623, %dma_wait3A_624] : memref<1x16x2048x2048xf32, #tpu.memory_space<hbm>> -> memref<1x1x16x2048xf32, #tpu.memory_space<hbm>>
    %dma_wait3A_626 = tpu.memref_squeeze %dma_wait3A_625 : memref<1x1x16x2048xf32, #tpu.memory_space<hbm>> -> memref<16x2048xf32, #tpu.memory_space<hbm>>
    %dma_wait3A_627 = arith.constant 0 : i32
    %dma_wait3A_628 = arith.constant 0 : i32
    %dma_wait3A_629 = tpu.memref_slice %arg3[%dma_wait3A_618, %dma_wait3A_619, %dma_wait3A_627, %dma_wait3A_628] : memref<1x16x2048x2048xf32, #tpu.memory_space<hbm>> -> memref<1x1x16x2048xf32, #tpu.memory_space<hbm>>
    %dma_wait3A_630 = tpu.memref_squeeze %dma_wait3A_629 : memref<1x1x16x2048xf32, #tpu.memory_space<hbm>> -> memref<16x2048xf32, #tpu.memory_space<hbm>>
    %dma_wait3A_631 = arith.constant 0 : i32
    %dma_wait3A_632 = arith.constant 0 : i32
    %dma_wait3A_633 = tpu.memref_slice %arg5[%dma_wait3A_631, %dma_wait3A_632] : memref<16x3968xf32, #tpu.memory_space<vmem>> -> memref<16x2048xf32, #tpu.memory_space<vmem>>
    tpu.wait_dma2 semaphore(%arg7 : memref<!tpu.dma_semaphore, #tpu.memory_space<semaphore_mem>>) src(%dma_wait3A_633 : memref<16x2048xf32, #tpu.memory_space<vmem>>) dst(%dma_wait3A_630 : memref<16x2048xf32, #tpu.memory_space<hbm>>)
    %dma_wait3A_634 = arith.constant 0 : i32
    %dma_wait3A_635 = arith.constant 0 : i32
    %dma_wait3A_636 = arith.constant 0 : i32
    %dma_wait3A_637 = arith.constant 0 : i32
    %dma_wait3A_638 = tpu.memref_slice %arg5[%dma_wait3A_636, %dma_wait3A_637] : memref<16x3968xf32, #tpu.memory_space<vmem>> -> memref<16x2048xf32, #tpu.memory_space<vmem>>
    %dma_wait3A_639 = arith.constant 0 : i32
    %dma_wait3A_640 = arith.constant 0 : i32
    %dma_wait3A_641 = tpu.memref_slice %arg3[%dma_wait3A_634, %dma_wait3A_635, %dma_wait3A_639, %dma_wait3A_640] : memref<1x16x2048x2048xf32, #tpu.memory_space<hbm>> -> memref<1x1x16x2048xf32, #tpu.memory_space<hbm>>
    %dma_wait3A_642 = tpu.memref_squeeze %dma_wait3A_641 : memref<1x1x16x2048xf32, #tpu.memory_space<hbm>> -> memref<16x2048xf32, #tpu.memory_space<hbm>>
    %dma_wait3A_643 = arith.constant 0 : i32
    %dma_wait3A_644 = arith.constant 0 : i32
    %dma_wait3A_645 = tpu.memref_slice %arg3[%dma_wait3A_634, %dma_wait3A_635, %dma_wait3A_643, %dma_wait3A_644] : memref<1x16x2048x2048xf32, #tpu.memory_space<hbm>> -> memref<1x1x16x2048xf32, #tpu.memory_space<hbm>>
    %dma_wait3A_646 = tpu.memref_squeeze %dma_wait3A_645 : memref<1x1x16x2048xf32, #tpu.memory_space<hbm>> -> memref<16x2048xf32, #tpu.memory_space<hbm>>
    %dma_wait3A_647 = arith.constant 0 : i32
    %dma_wait3A_648 = arith.constant 0 : i32
    %dma_wait3A_649 = tpu.memref_slice %arg5[%dma_wait3A_647, %dma_wait3A_648] : memref<16x3968xf32, #tpu.memory_space<vmem>> -> memref<16x2048xf32, #tpu.memory_space<vmem>>
    tpu.wait_dma2 semaphore(%arg7 : memref<!tpu.dma_semaphore, #tpu.memory_space<semaphore_mem>>) src(%dma_wait3A_649 : memref<16x2048xf32, #tpu.memory_space<vmem>>) dst(%dma_wait3A_646 : memref<16x2048xf32, #tpu.memory_space<hbm>>)
    %dma_wait3A_650 = arith.constant 0 : i32
    %dma_wait3A_651 = arith.constant 0 : i32
    %dma_wait3A_652 = arith.constant 0 : i32
    %dma_wait3A_653 = arith.constant 0 : i32
    %dma_wait3A_654 = tpu.memref_slice %arg5[%dma_wait3A_652, %dma_wait3A_653] : memref<16x3968xf32, #tpu.memory_space<vmem>> -> memref<16x2048xf32, #tpu.memory_space<vmem>>
    %dma_wait3A_655 = arith.constant 0 : i32
    %dma_wait3A_656 = arith.constant 0 : i32
    %dma_wait3A_657 = tpu.memref_slice %arg3[%dma_wait3A_650, %dma_wait3A_651, %dma_wait3A_655, %dma_wait3A_656] : memref<1x16x2048x2048xf32, #tpu.memory_space<hbm>> -> memref<1x1x16x2048xf32, #tpu.memory_space<hbm>>
    %dma_wait3A_658 = tpu.memref_squeeze %dma_wait3A_657 : memref<1x1x16x2048xf32, #tpu.memory_space<hbm>> -> memref<16x2048xf32, #tpu.memory_space<hbm>>
    %dma_wait3A_659 = arith.constant 0 : i32
    %dma_wait3A_660 = arith.constant 0 : i32
    %dma_wait3A_661 = tpu.memref_slice %arg3[%dma_wait3A_650, %dma_wait3A_651, %dma_wait3A_659, %dma_wait3A_660] : memref<1x16x2048x2048xf32, #tpu.memory_space<hbm>> -> memref<1x1x16x2048xf32, #tpu.memory_space<hbm>>
    %dma_wait3A_662 = tpu.memref_squeeze %dma_wait3A_661 : memref<1x1x16x2048xf32, #tpu.memory_space<hbm>> -> memref<16x2048xf32, #tpu.memory_space<hbm>>
    %dma_wait3A_663 = arith.constant 0 : i32
    %dma_wait3A_664 = arith.constant 0 : i32
    %dma_wait3A_665 = tpu.memref_slice %arg5[%dma_wait3A_663, %dma_wait3A_664] : memref<16x3968xf32, #tpu.memory_space<vmem>> -> memref<16x2048xf32, #tpu.memory_space<vmem>>
    tpu.wait_dma2 semaphore(%arg7 : memref<!tpu.dma_semaphore, #tpu.memory_space<semaphore_mem>>) src(%dma_wait3A_665 : memref<16x2048xf32, #tpu.memory_space<vmem>>) dst(%dma_wait3A_662 : memref<16x2048xf32, #tpu.memory_space<hbm>>)
    %dma_wait3A_666 = arith.constant 0 : i32
    %dma_wait3A_667 = arith.constant 0 : i32
    %dma_wait3A_668 = arith.constant 0 : i32
    %dma_wait3A_669 = arith.constant 0 : i32
    %dma_wait3A_670 = tpu.memref_slice %arg5[%dma_wait3A_668, %dma_wait3A_669] : memref<16x3968xf32, #tpu.memory_space<vmem>> -> memref<16x2048xf32, #tpu.memory_space<vmem>>
    %dma_wait3A_671 = arith.constant 0 : i32
    %dma_wait3A_672 = arith.constant 0 : i32
    %dma_wait3A_673 = tpu.memref_slice %arg3[%dma_wait3A_666, %dma_wait3A_667, %dma_wait3A_671, %dma_wait3A_672] : memref<1x16x2048x2048xf32, #tpu.memory_space<hbm>> -> memref<1x1x16x2048xf32, #tpu.memory_space<hbm>>
    %dma_wait3A_674 = tpu.memref_squeeze %dma_wait3A_673 : memref<1x1x16x2048xf32, #tpu.memory_space<hbm>> -> memref<16x2048xf32, #tpu.memory_space<hbm>>
    %dma_wait3A_675 = arith.constant 0 : i32
    %dma_wait3A_676 = arith.constant 0 : i32
    %dma_wait3A_677 = tpu.memref_slice %arg3[%dma_wait3A_666, %dma_wait3A_667, %dma_wait3A_675, %dma_wait3A_676] : memref<1x16x2048x2048xf32, #tpu.memory_space<hbm>> -> memref<1x1x16x2048xf32, #tpu.memory_space<hbm>>
    %dma_wait3A_678 = tpu.memref_squeeze %dma_wait3A_677 : memref<1x1x16x2048xf32, #tpu.memory_space<hbm>> -> memref<16x2048xf32, #tpu.memory_space<hbm>>
    %dma_wait3A_679 = arith.constant 0 : i32
    %dma_wait3A_680 = arith.constant 0 : i32
    %dma_wait3A_681 = tpu.memref_slice %arg5[%dma_wait3A_679, %dma_wait3A_680] : memref<16x3968xf32, #tpu.memory_space<vmem>> -> memref<16x2048xf32, #tpu.memory_space<vmem>>
    tpu.wait_dma2 semaphore(%arg7 : memref<!tpu.dma_semaphore, #tpu.memory_space<semaphore_mem>>) src(%dma_wait3A_681 : memref<16x2048xf32, #tpu.memory_space<vmem>>) dst(%dma_wait3A_678 : memref<16x2048xf32, #tpu.memory_space<hbm>>)
    %dma_wait3A_682 = arith.constant 0 : i32
    %dma_wait3A_683 = arith.constant 0 : i32
    %dma_wait3A_684 = arith.constant 0 : i32
    %dma_wait3A_685 = arith.constant 0 : i32
    %dma_wait3A_686 = tpu.memref_slice %arg5[%dma_wait3A_684, %dma_wait3A_685] : memref<16x3968xf32, #tpu.memory_space<vmem>> -> memref<16x2048xf32, #tpu.memory_space<vmem>>
    %dma_wait3A_687 = arith.constant 0 : i32
    %dma_wait3A_688 = arith.constant 0 : i32
    %dma_wait3A_689 = tpu.memref_slice %arg3[%dma_wait3A_682, %dma_wait3A_683, %dma_wait3A_687, %dma_wait3A_688] : memref<1x16x2048x2048xf32, #tpu.memory_space<hbm>> -> memref<1x1x16x2048xf32, #tpu.memory_space<hbm>>
    %dma_wait3A_690 = tpu.memref_squeeze %dma_wait3A_689 : memref<1x1x16x2048xf32, #tpu.memory_space<hbm>> -> memref<16x2048xf32, #tpu.memory_space<hbm>>
    %dma_wait3A_691 = arith.constant 0 : i32
    %dma_wait3A_692 = arith.constant 0 : i32
    %dma_wait3A_693 = tpu.memref_slice %arg3[%dma_wait3A_682, %dma_wait3A_683, %dma_wait3A_691, %dma_wait3A_692] : memref<1x16x2048x2048xf32, #tpu.memory_space<hbm>> -> memref<1x1x16x2048xf32, #tpu.memory_space<hbm>>
    %dma_wait3A_694 = tpu.memref_squeeze %dma_wait3A_693 : memref<1x1x16x2048xf32, #tpu.memory_space<hbm>> -> memref<16x2048xf32, #tpu.memory_space<hbm>>
    %dma_wait3A_695 = arith.constant 0 : i32
    %dma_wait3A_696 = arith.constant 0 : i32
    %dma_wait3A_697 = tpu.memref_slice %arg5[%dma_wait3A_695, %dma_wait3A_696] : memref<16x3968xf32, #tpu.memory_space<vmem>> -> memref<16x2048xf32, #tpu.memory_space<vmem>>
    tpu.wait_dma2 semaphore(%arg7 : memref<!tpu.dma_semaphore, #tpu.memory_space<semaphore_mem>>) src(%dma_wait3A_697 : memref<16x2048xf32, #tpu.memory_space<vmem>>) dst(%dma_wait3A_694 : memref<16x2048xf32, #tpu.memory_space<hbm>>)
    %dma_wait3A_698 = arith.constant 0 : i32
    %dma_wait3A_699 = arith.constant 0 : i32
    %dma_wait3A_700 = arith.constant 0 : i32
    %dma_wait3A_701 = arith.constant 0 : i32
    %dma_wait3A_702 = tpu.memref_slice %arg5[%dma_wait3A_700, %dma_wait3A_701] : memref<16x3968xf32, #tpu.memory_space<vmem>> -> memref<16x2048xf32, #tpu.memory_space<vmem>>
    %dma_wait3A_703 = arith.constant 0 : i32
    %dma_wait3A_704 = arith.constant 0 : i32
    %dma_wait3A_705 = tpu.memref_slice %arg3[%dma_wait3A_698, %dma_wait3A_699, %dma_wait3A_703, %dma_wait3A_704] : memref<1x16x2048x2048xf32, #tpu.memory_space<hbm>> -> memref<1x1x16x2048xf32, #tpu.memory_space<hbm>>
    %dma_wait3A_706 = tpu.memref_squeeze %dma_wait3A_705 : memref<1x1x16x2048xf32, #tpu.memory_space<hbm>> -> memref<16x2048xf32, #tpu.memory_space<hbm>>
    %dma_wait3A_707 = arith.constant 0 : i32
    %dma_wait3A_708 = arith.constant 0 : i32
    %dma_wait3A_709 = tpu.memref_slice %arg3[%dma_wait3A_698, %dma_wait3A_699, %dma_wait3A_707, %dma_wait3A_708] : memref<1x16x2048x2048xf32, #tpu.memory_space<hbm>> -> memref<1x1x16x2048xf32, #tpu.memory_space<hbm>>
    %dma_wait3A_710 = tpu.memref_squeeze %dma_wait3A_709 : memref<1x1x16x2048xf32, #tpu.memory_space<hbm>> -> memref<16x2048xf32, #tpu.memory_space<hbm>>
    %dma_wait3A_711 = arith.constant 0 : i32
    %dma_wait3A_712 = arith.constant 0 : i32
    %dma_wait3A_713 = tpu.memref_slice %arg5[%dma_wait3A_711, %dma_wait3A_712] : memref<16x3968xf32, #tpu.memory_space<vmem>> -> memref<16x2048xf32, #tpu.memory_space<vmem>>
    tpu.wait_dma2 semaphore(%arg7 : memref<!tpu.dma_semaphore, #tpu.memory_space<semaphore_mem>>) src(%dma_wait3A_713 : memref<16x2048xf32, #tpu.memory_space<vmem>>) dst(%dma_wait3A_710 : memref<16x2048xf32, #tpu.memory_space<hbm>>)
    %dma_wait3A_714 = arith.constant 0 : i32
    %dma_wait3A_715 = arith.constant 0 : i32
    %dma_wait3A_716 = arith.constant 0 : i32
    %dma_wait3A_717 = arith.constant 0 : i32
    %dma_wait3A_718 = tpu.memref_slice %arg5[%dma_wait3A_716, %dma_wait3A_717] : memref<16x3968xf32, #tpu.memory_space<vmem>> -> memref<16x2048xf32, #tpu.memory_space<vmem>>
    %dma_wait3A_719 = arith.constant 0 : i32
    %dma_wait3A_720 = arith.constant 0 : i32
    %dma_wait3A_721 = tpu.memref_slice %arg3[%dma_wait3A_714, %dma_wait3A_715, %dma_wait3A_719, %dma_wait3A_720] : memref<1x16x2048x2048xf32, #tpu.memory_space<hbm>> -> memref<1x1x16x2048xf32, #tpu.memory_space<hbm>>
    %dma_wait3A_722 = tpu.memref_squeeze %dma_wait3A_721 : memref<1x1x16x2048xf32, #tpu.memory_space<hbm>> -> memref<16x2048xf32, #tpu.memory_space<hbm>>
    %dma_wait3A_723 = arith.constant 0 : i32
    %dma_wait3A_724 = arith.constant 0 : i32
    %dma_wait3A_725 = tpu.memref_slice %arg3[%dma_wait3A_714, %dma_wait3A_715, %dma_wait3A_723, %dma_wait3A_724] : memref<1x16x2048x2048xf32, #tpu.memory_space<hbm>> -> memref<1x1x16x2048xf32, #tpu.memory_space<hbm>>
    %dma_wait3A_726 = tpu.memref_squeeze %dma_wait3A_725 : memref<1x1x16x2048xf32, #tpu.memory_space<hbm>> -> memref<16x2048xf32, #tpu.memory_space<hbm>>
    %dma_wait3A_727 = arith.constant 0 : i32
    %dma_wait3A_728 = arith.constant 0 : i32
    %dma_wait3A_729 = tpu.memref_slice %arg5[%dma_wait3A_727, %dma_wait3A_728] : memref<16x3968xf32, #tpu.memory_space<vmem>> -> memref<16x2048xf32, #tpu.memory_space<vmem>>
    tpu.wait_dma2 semaphore(%arg7 : memref<!tpu.dma_semaphore, #tpu.memory_space<semaphore_mem>>) src(%dma_wait3A_729 : memref<16x2048xf32, #tpu.memory_space<vmem>>) dst(%dma_wait3A_726 : memref<16x2048xf32, #tpu.memory_space<hbm>>)
    %dma_wait3A_730 = arith.constant 0 : i32
    %dma_wait3A_731 = arith.constant 0 : i32
    %dma_wait3A_732 = arith.constant 0 : i32
    %dma_wait3A_733 = arith.constant 0 : i32
    %dma_wait3A_734 = tpu.memref_slice %arg5[%dma_wait3A_732, %dma_wait3A_733] : memref<16x3968xf32, #tpu.memory_space<vmem>> -> memref<16x2048xf32, #tpu.memory_space<vmem>>
    %dma_wait3A_735 = arith.constant 0 : i32
    %dma_wait3A_736 = arith.constant 0 : i32
    %dma_wait3A_737 = tpu.memref_slice %arg3[%dma_wait3A_730, %dma_wait3A_731, %dma_wait3A_735, %dma_wait3A_736] : memref<1x16x2048x2048xf32, #tpu.memory_space<hbm>> -> memref<1x1x16x2048xf32, #tpu.memory_space<hbm>>
    %dma_wait3A_738 = tpu.memref_squeeze %dma_wait3A_737 : memref<1x1x16x2048xf32, #tpu.memory_space<hbm>> -> memref<16x2048xf32, #tpu.memory_space<hbm>>
    %dma_wait3A_739 = arith.constant 0 : i32
    %dma_wait3A_740 = arith.constant 0 : i32
    %dma_wait3A_741 = tpu.memref_slice %arg3[%dma_wait3A_730, %dma_wait3A_731, %dma_wait3A_739, %dma_wait3A_740] : memref<1x16x2048x2048xf32, #tpu.memory_space<hbm>> -> memref<1x1x16x2048xf32, #tpu.memory_space<hbm>>
    %dma_wait3A_742 = tpu.memref_squeeze %dma_wait3A_741 : memref<1x1x16x2048xf32, #tpu.memory_space<hbm>> -> memref<16x2048xf32, #tpu.memory_space<hbm>>
    %dma_wait3A_743 = arith.constant 0 : i32
    %dma_wait3A_744 = arith.constant 0 : i32
    %dma_wait3A_745 = tpu.memref_slice %arg5[%dma_wait3A_743, %dma_wait3A_744] : memref<16x3968xf32, #tpu.memory_space<vmem>> -> memref<16x2048xf32, #tpu.memory_space<vmem>>
    tpu.wait_dma2 semaphore(%arg7 : memref<!tpu.dma_semaphore, #tpu.memory_space<semaphore_mem>>) src(%dma_wait3A_745 : memref<16x2048xf32, #tpu.memory_space<vmem>>) dst(%dma_wait3A_742 : memref<16x2048xf32, #tpu.memory_space<hbm>>)
    %dma_wait3A_746 = arith.constant 0 : i32
    %dma_wait3A_747 = arith.constant 0 : i32
    %dma_wait3A_748 = arith.constant 0 : i32
    %dma_wait3A_749 = arith.constant 0 : i32
    %dma_wait3A_750 = tpu.memref_slice %arg5[%dma_wait3A_748, %dma_wait3A_749] : memref<16x3968xf32, #tpu.memory_space<vmem>> -> memref<16x2048xf32, #tpu.memory_space<vmem>>
    %dma_wait3A_751 = arith.constant 0 : i32
    %dma_wait3A_752 = arith.constant 0 : i32
    %dma_wait3A_753 = tpu.memref_slice %arg3[%dma_wait3A_746, %dma_wait3A_747, %dma_wait3A_751, %dma_wait3A_752] : memref<1x16x2048x2048xf32, #tpu.memory_space<hbm>> -> memref<1x1x16x2048xf32, #tpu.memory_space<hbm>>
    %dma_wait3A_754 = tpu.memref_squeeze %dma_wait3A_753 : memref<1x1x16x2048xf32, #tpu.memory_space<hbm>> -> memref<16x2048xf32, #tpu.memory_space<hbm>>
    %dma_wait3A_755 = arith.constant 0 : i32
    %dma_wait3A_756 = arith.constant 0 : i32
    %dma_wait3A_757 = tpu.memref_slice %arg3[%dma_wait3A_746, %dma_wait3A_747, %dma_wait3A_755, %dma_wait3A_756] : memref<1x16x2048x2048xf32, #tpu.memory_space<hbm>> -> memref<1x1x16x2048xf32, #tpu.memory_space<hbm>>
    %dma_wait3A_758 = tpu.memref_squeeze %dma_wait3A_757 : memref<1x1x16x2048xf32, #tpu.memory_space<hbm>> -> memref<16x2048xf32, #tpu.memory_space<hbm>>
    %dma_wait3A_759 = arith.constant 0 : i32
    %dma_wait3A_760 = arith.constant 0 : i32
    %dma_wait3A_761 = tpu.memref_slice %arg5[%dma_wait3A_759, %dma_wait3A_760] : memref<16x3968xf32, #tpu.memory_space<vmem>> -> memref<16x2048xf32, #tpu.memory_space<vmem>>
    tpu.wait_dma2 semaphore(%arg7 : memref<!tpu.dma_semaphore, #tpu.memory_space<semaphore_mem>>) src(%dma_wait3A_761 : memref<16x2048xf32, #tpu.memory_space<vmem>>) dst(%dma_wait3A_758 : memref<16x2048xf32, #tpu.memory_space<hbm>>)
    %dma_wait3A_762 = arith.constant 0 : i32
    %dma_wait3A_763 = arith.constant 0 : i32
    %dma_wait3A_764 = arith.constant 0 : i32
    %dma_wait3A_765 = arith.constant 0 : i32
    %dma_wait3A_766 = tpu.memref_slice %arg5[%dma_wait3A_764, %dma_wait3A_765] : memref<16x3968xf32, #tpu.memory_space<vmem>> -> memref<16x2048xf32, #tpu.memory_space<vmem>>
    %dma_wait3A_767 = arith.constant 0 : i32
    %dma_wait3A_768 = arith.constant 0 : i32
    %dma_wait3A_769 = tpu.memref_slice %arg3[%dma_wait3A_762, %dma_wait3A_763, %dma_wait3A_767, %dma_wait3A_768] : memref<1x16x2048x2048xf32, #tpu.memory_space<hbm>> -> memref<1x1x16x2048xf32, #tpu.memory_space<hbm>>
    %dma_wait3A_770 = tpu.memref_squeeze %dma_wait3A_769 : memref<1x1x16x2048xf32, #tpu.memory_space<hbm>> -> memref<16x2048xf32, #tpu.memory_space<hbm>>
    %dma_wait3A_771 = arith.constant 0 : i32
    %dma_wait3A_772 = arith.constant 0 : i32
    %dma_wait3A_773 = tpu.memref_slice %arg3[%dma_wait3A_762, %dma_wait3A_763, %dma_wait3A_771, %dma_wait3A_772] : memref<1x16x2048x2048xf32, #tpu.memory_space<hbm>> -> memref<1x1x16x2048xf32, #tpu.memory_space<hbm>>
    %dma_wait3A_774 = tpu.memref_squeeze %dma_wait3A_773 : memref<1x1x16x2048xf32, #tpu.memory_space<hbm>> -> memref<16x2048xf32, #tpu.memory_space<hbm>>
    %dma_wait3A_775 = arith.constant 0 : i32
    %dma_wait3A_776 = arith.constant 0 : i32
    %dma_wait3A_777 = tpu.memref_slice %arg5[%dma_wait3A_775, %dma_wait3A_776] : memref<16x3968xf32, #tpu.memory_space<vmem>> -> memref<16x2048xf32, #tpu.memory_space<vmem>>
    tpu.wait_dma2 semaphore(%arg7 : memref<!tpu.dma_semaphore, #tpu.memory_space<semaphore_mem>>) src(%dma_wait3A_777 : memref<16x2048xf32, #tpu.memory_space<vmem>>) dst(%dma_wait3A_774 : memref<16x2048xf32, #tpu.memory_space<hbm>>)
    %dma_wait3A_778 = arith.constant 0 : i32
    %dma_wait3A_779 = arith.constant 0 : i32
    %dma_wait3A_780 = arith.constant 0 : i32
    %dma_wait3A_781 = arith.constant 0 : i32
    %dma_wait3A_782 = tpu.memref_slice %arg5[%dma_wait3A_780, %dma_wait3A_781] : memref<16x3968xf32, #tpu.memory_space<vmem>> -> memref<16x2048xf32, #tpu.memory_space<vmem>>
    %dma_wait3A_783 = arith.constant 0 : i32
    %dma_wait3A_784 = arith.constant 0 : i32
    %dma_wait3A_785 = tpu.memref_slice %arg3[%dma_wait3A_778, %dma_wait3A_779, %dma_wait3A_783, %dma_wait3A_784] : memref<1x16x2048x2048xf32, #tpu.memory_space<hbm>> -> memref<1x1x16x2048xf32, #tpu.memory_space<hbm>>
    %dma_wait3A_786 = tpu.memref_squeeze %dma_wait3A_785 : memref<1x1x16x2048xf32, #tpu.memory_space<hbm>> -> memref<16x2048xf32, #tpu.memory_space<hbm>>
    %dma_wait3A_787 = arith.constant 0 : i32
    %dma_wait3A_788 = arith.constant 0 : i32
    %dma_wait3A_789 = tpu.memref_slice %arg3[%dma_wait3A_778, %dma_wait3A_779, %dma_wait3A_787, %dma_wait3A_788] : memref<1x16x2048x2048xf32, #tpu.memory_space<hbm>> -> memref<1x1x16x2048xf32, #tpu.memory_space<hbm>>
    %dma_wait3A_790 = tpu.memref_squeeze %dma_wait3A_789 : memref<1x1x16x2048xf32, #tpu.memory_space<hbm>> -> memref<16x2048xf32, #tpu.memory_space<hbm>>
    %dma_wait3A_791 = arith.constant 0 : i32
    %dma_wait3A_792 = arith.constant 0 : i32
    %dma_wait3A_793 = tpu.memref_slice %arg5[%dma_wait3A_791, %dma_wait3A_792] : memref<16x3968xf32, #tpu.memory_space<vmem>> -> memref<16x2048xf32, #tpu.memory_space<vmem>>
    tpu.wait_dma2 semaphore(%arg7 : memref<!tpu.dma_semaphore, #tpu.memory_space<semaphore_mem>>) src(%dma_wait3A_793 : memref<16x2048xf32, #tpu.memory_space<vmem>>) dst(%dma_wait3A_790 : memref<16x2048xf32, #tpu.memory_space<hbm>>)
    %dma_wait3A_794 = arith.constant 0 : i32
    %dma_wait3A_795 = arith.constant 0 : i32
    %dma_wait3A_796 = arith.constant 0 : i32
    %dma_wait3A_797 = arith.constant 0 : i32
    %dma_wait3A_798 = tpu.memref_slice %arg5[%dma_wait3A_796, %dma_wait3A_797] : memref<16x3968xf32, #tpu.memory_space<vmem>> -> memref<16x2048xf32, #tpu.memory_space<vmem>>
    %dma_wait3A_799 = arith.constant 0 : i32
    %dma_wait3A_800 = arith.constant 0 : i32
    %dma_wait3A_801 = tpu.memref_slice %arg3[%dma_wait3A_794, %dma_wait3A_795, %dma_wait3A_799, %dma_wait3A_800] : memref<1x16x2048x2048xf32, #tpu.memory_space<hbm>> -> memref<1x1x16x2048xf32, #tpu.memory_space<hbm>>
    %dma_wait3A_802 = tpu.memref_squeeze %dma_wait3A_801 : memref<1x1x16x2048xf32, #tpu.memory_space<hbm>> -> memref<16x2048xf32, #tpu.memory_space<hbm>>
    %dma_wait3A_803 = arith.constant 0 : i32
    %dma_wait3A_804 = arith.constant 0 : i32
    %dma_wait3A_805 = tpu.memref_slice %arg3[%dma_wait3A_794, %dma_wait3A_795, %dma_wait3A_803, %dma_wait3A_804] : memref<1x16x2048x2048xf32, #tpu.memory_space<hbm>> -> memref<1x1x16x2048xf32, #tpu.memory_space<hbm>>
    %dma_wait3A_806 = tpu.memref_squeeze %dma_wait3A_805 : memref<1x1x16x2048xf32, #tpu.memory_space<hbm>> -> memref<16x2048xf32, #tpu.memory_space<hbm>>
    %dma_wait3A_807 = arith.constant 0 : i32
    %dma_wait3A_808 = arith.constant 0 : i32
    %dma_wait3A_809 = tpu.memref_slice %arg5[%dma_wait3A_807, %dma_wait3A_808] : memref<16x3968xf32, #tpu.memory_space<vmem>> -> memref<16x2048xf32, #tpu.memory_space<vmem>>
    tpu.wait_dma2 semaphore(%arg7 : memref<!tpu.dma_semaphore, #tpu.memory_space<semaphore_mem>>) src(%dma_wait3A_809 : memref<16x2048xf32, #tpu.memory_space<vmem>>) dst(%dma_wait3A_806 : memref<16x2048xf32, #tpu.memory_space<hbm>>)
    %dma_wait3A_810 = arith.constant 0 : i32
    %dma_wait3A_811 = arith.constant 0 : i32
    %dma_wait3A_812 = arith.constant 0 : i32
    %dma_wait3A_813 = arith.constant 0 : i32
    %dma_wait3A_814 = tpu.memref_slice %arg5[%dma_wait3A_812, %dma_wait3A_813] : memref<16x3968xf32, #tpu.memory_space<vmem>> -> memref<16x2048xf32, #tpu.memory_space<vmem>>
    %dma_wait3A_815 = arith.constant 0 : i32
    %dma_wait3A_816 = arith.constant 0 : i32
    %dma_wait3A_817 = tpu.memref_slice %arg3[%dma_wait3A_810, %dma_wait3A_811, %dma_wait3A_815, %dma_wait3A_816] : memref<1x16x2048x2048xf32, #tpu.memory_space<hbm>> -> memref<1x1x16x2048xf32, #tpu.memory_space<hbm>>
    %dma_wait3A_818 = tpu.memref_squeeze %dma_wait3A_817 : memref<1x1x16x2048xf32, #tpu.memory_space<hbm>> -> memref<16x2048xf32, #tpu.memory_space<hbm>>
    %dma_wait3A_819 = arith.constant 0 : i32
    %dma_wait3A_820 = arith.constant 0 : i32
    %dma_wait3A_821 = tpu.memref_slice %arg3[%dma_wait3A_810, %dma_wait3A_811, %dma_wait3A_819, %dma_wait3A_820] : memref<1x16x2048x2048xf32, #tpu.memory_space<hbm>> -> memref<1x1x16x2048xf32, #tpu.memory_space<hbm>>
    %dma_wait3A_822 = tpu.memref_squeeze %dma_wait3A_821 : memref<1x1x16x2048xf32, #tpu.memory_space<hbm>> -> memref<16x2048xf32, #tpu.memory_space<hbm>>
    %dma_wait3A_823 = arith.constant 0 : i32
    %dma_wait3A_824 = arith.constant 0 : i32
    %dma_wait3A_825 = tpu.memref_slice %arg5[%dma_wait3A_823, %dma_wait3A_824] : memref<16x3968xf32, #tpu.memory_space<vmem>> -> memref<16x2048xf32, #tpu.memory_space<vmem>>
    tpu.wait_dma2 semaphore(%arg7 : memref<!tpu.dma_semaphore, #tpu.memory_space<semaphore_mem>>) src(%dma_wait3A_825 : memref<16x2048xf32, #tpu.memory_space<vmem>>) dst(%dma_wait3A_822 : memref<16x2048xf32, #tpu.memory_space<hbm>>)
    %scan3A_826 = arith.constant 0 : i32
    %scan3A_827 = arith.constant 248 : i32
    %scan3A_828 = arith.addi %scan3A_826, %scan3A_827 : i32
    %scan3A_829 = arith.constant 1 : i32
    scf.for %scan3A_2106 = %scan3A_826 to %scan3A_828 step %scan3A_829  : i32 {
      %mul3A_2107 = arith.constant 1 : i32
      %mul3A_2108 = arith.muli %scan3A_2106, %mul3A_2107 : i32
      %add3A_2109 = arith.constant 0 : i32
      %add3A_2110 = arith.addi %add3A_2109, %mul3A_2108 : i32
      %mul3A_2111 = arith.constant 16 : i32
      %mul3A_2112 = arith.muli %add3A_2110, %mul3A_2111 : i32
      %sub3A_2113 = arith.constant 127 : i32
      %sub3A_2114 = arith.subi %sub3A_2113, %mul3A_570 : i32
      %sub3A_2115 = arith.constant 0 : i32
      %sub3A_2116 = arith.subi %sub3A_2114, %sub3A_2115 : i32
      %add3A_2117 = arith.addi %mul3A_2112, %sub3A_2116 : i32
      %get3A = arith.index_cast %add3A_2117 : i32 to index
      %get3A_2118 = tpu.vector_load %arg4[%get3A] {strides = array<i32>} : memref<4096xf32, #tpu.memory_space<vmem>>, vector<16xf32>,
      %get3A_2119 = vector.shape_cast %get3A_2118 : vector<16xf32> to vector<16xf32>
      %swap3A = arith.constant 0 : i32
      %swap3A_2120 = arith.index_cast %swap3A : i32 to index
      %swap3A_2121 = arith.index_cast %mul3A_2112 : i32 to index
      %swap3A_2122 = tpu.vector_load %arg5[%swap3A_2120, %swap3A_2121] {strides = array<i32>} : memref<16x3968xf32, #tpu.memory_space<vmem>>, vector<1x16xf32>,
      %swap3A_2123 = vector.shape_cast %swap3A_2122 : vector<1x16xf32> to vector<16xf32>
      %swap3A_2124 = vector.shape_cast %get3A_2119 : vector<16xf32> to vector<1x16xf32>
      tpu.vector_store %arg5[%swap3A_2120, %swap3A_2121], %swap3A_2124 {strides = array<i32>} : memref<16x3968xf32, #tpu.memory_space<vmem>>, vector<1x16xf32>,
      %sub3A_2125 = arith.constant 127 : i32
      %sub3A_2126 = arith.subi %sub3A_2125, %mul3A_570 : i32
      %sub3A_2127 = arith.constant 1 : i32
      %sub3A_2128 = arith.subi %sub3A_2126, %sub3A_2127 : i32
      %add3A_2129 = arith.addi %mul3A_2112, %sub3A_2128 : i32
      %get3A_2130 = arith.index_cast %add3A_2129 : i32 to index
      %get3A_2131 = tpu.vector_load %arg4[%get3A_2130] {strides = array<i32>} : memref<4096xf32, #tpu.memory_space<vmem>>, vector<16xf32>,
      %get3A_2132 = vector.shape_cast %get3A_2131 : vector<16xf32> to vector<16xf32>
      %swap3A_2133 = arith.constant 1 : i32
      %swap3A_2134 = arith.index_cast %swap3A_2133 : i32 to index
      %swap3A_2135 = arith.index_cast %mul3A_2112 : i32 to index
      %swap3A_2136 = tpu.vector_load %arg5[%swap3A_2134, %swap3A_2135] {strides = array<i32>} : memref<16x3968xf32, #tpu.memory_space<vmem>>, vector<1x16xf32>,
      %swap3A_2137 = vector.shape_cast %swap3A_2136 : vector<1x16xf32> to vector<16xf32>
      %swap3A_2138 = vector.shape_cast %get3A_2132 : vector<16xf32> to vector<1x16xf32>
      tpu.vector_store %arg5[%swap3A_2134, %swap3A_2135], %swap3A_2138 {strides = array<i32>} : memref<16x3968xf32, #tpu.memory_space<vmem>>, vector<1x16xf32>,
      %sub3A_2139 = arith.constant 127 : i32
      %sub3A_2140 = arith.subi %sub3A_2139, %mul3A_570 : i32
      %sub3A_2141 = arith.constant 2 : i32
      %sub3A_2142 = arith.subi %sub3A_2140, %sub3A_2141 : i32
      %add3A_2143 = arith.addi %mul3A_2112, %sub3A_2142 : i32
      %get3A_2144 = arith.index_cast %add3A_2143 : i32 to index
      %get3A_2145 = tpu.vector_load %arg4[%get3A_2144] {strides = array<i32>} : memref<4096xf32, #tpu.memory_space<vmem>>, vector<16xf32>,
      %get3A_2146 = vector.shape_cast %get3A_2145 : vector<16xf32> to vector<16xf32>
      %swap3A_2147 = arith.constant 2 : i32
      %swap3A_2148 = arith.index_cast %swap3A_2147 : i32 to index
      %swap3A_2149 = arith.index_cast %mul3A_2112 : i32 to index
      %swap3A_2150 = tpu.vector_load %arg5[%swap3A_2148, %swap3A_2149] {strides = array<i32>} : memref<16x3968xf32, #tpu.memory_space<vmem>>, vector<1x16xf32>,
      %swap3A_2151 = vector.shape_cast %swap3A_2150 : vector<1x16xf32> to vector<16xf32>
      %swap3A_2152 = vector.shape_cast %get3A_2146 : vector<16xf32> to vector<1x16xf32>
      tpu.vector_store %arg5[%swap3A_2148, %swap3A_2149], %swap3A_2152 {strides = array<i32>} : memref<16x3968xf32, #tpu.memory_space<vmem>>, vector<1x16xf32>,
      %sub3A_2153 = arith.constant 127 : i32
      %sub3A_2154 = arith.subi %sub3A_2153, %mul3A_570 : i32
      %sub3A_2155 = arith.constant 3 : i32
      %sub3A_2156 = arith.subi %sub3A_2154, %sub3A_2155 : i32
      %add3A_2157 = arith.addi %mul3A_2112, %sub3A_2156 : i32
      %get3A_2158 = arith.index_cast %add3A_2157 : i32 to index
      %get3A_2159 = tpu.vector_load %arg4[%get3A_2158] {strides = array<i32>} : memref<4096xf32, #tpu.memory_space<vmem>>, vector<16xf32>,
      %get3A_2160 = vector.shape_cast %get3A_2159 : vector<16xf32> to vector<16xf32>
      %swap3A_2161 = arith.constant 3 : i32
      %swap3A_2162 = arith.index_cast %swap3A_2161 : i32 to index
      %swap3A_2163 = arith.index_cast %mul3A_2112 : i32 to index
      %swap3A_2164 = tpu.vector_load %arg5[%swap3A_2162, %swap3A_2163] {strides = array<i32>} : memref<16x3968xf32, #tpu.memory_space<vmem>>, vector<1x16xf32>,
      %swap3A_2165 = vector.shape_cast %swap3A_2164 : vector<1x16xf32> to vector<16xf32>
      %swap3A_2166 = vector.shape_cast %get3A_2160 : vector<16xf32> to vector<1x16xf32>
      tpu.vector_store %arg5[%swap3A_2162, %swap3A_2163], %swap3A_2166 {strides = array<i32>} : memref<16x3968xf32, #tpu.memory_space<vmem>>, vector<1x16xf32>,
      %sub3A_2167 = arith.constant 127 : i32
      %sub3A_2168 = arith.subi %sub3A_2167, %mul3A_570 : i32
      %sub3A_2169 = arith.constant 4 : i32
      %sub3A_2170 = arith.subi %sub3A_2168, %sub3A_2169 : i32
      %add3A_2171 = arith.addi %mul3A_2112, %sub3A_2170 : i32
      %get3A_2172 = arith.index_cast %add3A_2171 : i32 to index
      %get3A_2173 = tpu.vector_load %arg4[%get3A_2172] {strides = array<i32>} : memref<4096xf32, #tpu.memory_space<vmem>>, vector<16xf32>,
      %get3A_2174 = vector.shape_cast %get3A_2173 : vector<16xf32> to vector<16xf32>
      %swap3A_2175 = arith.constant 4 : i32
      %swap3A_2176 = arith.index_cast %swap3A_2175 : i32 to index
      %swap3A_2177 = arith.index_cast %mul3A_2112 : i32 to index
      %swap3A_2178 = tpu.vector_load %arg5[%swap3A_2176, %swap3A_2177] {strides = array<i32>} : memref<16x3968xf32, #tpu.memory_space<vmem>>, vector<1x16xf32>,
      %swap3A_2179 = vector.shape_cast %swap3A_2178 : vector<1x16xf32> to vector<16xf32>
      %swap3A_2180 = vector.shape_cast %get3A_2174 : vector<16xf32> to vector<1x16xf32>
      tpu.vector_store %arg5[%swap3A_2176, %swap3A_2177], %swap3A_2180 {strides = array<i32>} : memref<16x3968xf32, #tpu.memory_space<vmem>>, vector<1x16xf32>,
      %sub3A_2181 = arith.constant 127 : i32
      %sub3A_2182 = arith.subi %sub3A_2181, %mul3A_570 : i32
      %sub3A_2183 = arith.constant 5 : i32
      %sub3A_2184 = arith.subi %sub3A_2182, %sub3A_2183 : i32
      %add3A_2185 = arith.addi %mul3A_2112, %sub3A_2184 : i32
      %get3A_2186 = arith.index_cast %add3A_2185 : i32 to index
      %get3A_2187 = tpu.vector_load %arg4[%get3A_2186] {strides = array<i32>} : memref<4096xf32, #tpu.memory_space<vmem>>, vector<16xf32>,
      %get3A_2188 = vector.shape_cast %get3A_2187 : vector<16xf32> to vector<16xf32>
      %swap3A_2189 = arith.constant 5 : i32
      %swap3A_2190 = arith.index_cast %swap3A_2189 : i32 to index
      %swap3A_2191 = arith.index_cast %mul3A_2112 : i32 to index
      %swap3A_2192 = tpu.vector_load %arg5[%swap3A_2190, %swap3A_2191] {strides = array<i32>} : memref<16x3968xf32, #tpu.memory_space<vmem>>, vector<1x16xf32>,
      %swap3A_2193 = vector.shape_cast %swap3A_2192 : vector<1x16xf32> to vector<16xf32>
      %swap3A_2194 = vector.shape_cast %get3A_2188 : vector<16xf32> to vector<1x16xf32>
      tpu.vector_store %arg5[%swap3A_2190, %swap3A_2191], %swap3A_2194 {strides = array<i32>} : memref<16x3968xf32, #tpu.memory_space<vmem>>, vector<1x16xf32>,
      %sub3A_2195 = arith.constant 127 : i32
      %sub3A_2196 = arith.subi %sub3A_2195, %mul3A_570 : i32
      %sub3A_2197 = arith.constant 6 : i32
      %sub3A_2198 = arith.subi %sub3A_2196, %sub3A_2197 : i32
      %add3A_2199 = arith.addi %mul3A_2112, %sub3A_2198 : i32
      %get3A_2200 = arith.index_cast %add3A_2199 : i32 to index
      %get3A_2201 = tpu.vector_load %arg4[%get3A_2200] {strides = array<i32>} : memref<4096xf32, #tpu.memory_space<vmem>>, vector<16xf32>,
      %get3A_2202 = vector.shape_cast %get3A_2201 : vector<16xf32> to vector<16xf32>
      %swap3A_2203 = arith.constant 6 : i32
      %swap3A_2204 = arith.index_cast %swap3A_2203 : i32 to index
      %swap3A_2205 = arith.index_cast %mul3A_2112 : i32 to index
      %swap3A_2206 = tpu.vector_load %arg5[%swap3A_2204, %swap3A_2205] {strides = array<i32>} : memref<16x3968xf32, #tpu.memory_space<vmem>>, vector<1x16xf32>,
      %swap3A_2207 = vector.shape_cast %swap3A_2206 : vector<1x16xf32> to vector<16xf32>
      %swap3A_2208 = vector.shape_cast %get3A_2202 : vector<16xf32> to vector<1x16xf32>
      tpu.vector_store %arg5[%swap3A_2204, %swap3A_2205], %swap3A_2208 {strides = array<i32>} : memref<16x3968xf32, #tpu.memory_space<vmem>>, vector<1x16xf32>,
      %sub3A_2209 = arith.constant 127 : i32
      %sub3A_2210 = arith.subi %sub3A_2209, %mul3A_570 : i32
      %sub3A_2211 = arith.constant 7 : i32
      %sub3A_2212 = arith.subi %sub3A_2210, %sub3A_2211 : i32
      %add3A_2213 = arith.addi %mul3A_2112, %sub3A_2212 : i32
      %get3A_2214 = arith.index_cast %add3A_2213 : i32 to index
      %get3A_2215 = tpu.vector_load %arg4[%get3A_2214] {strides = array<i32>} : memref<4096xf32, #tpu.memory_space<vmem>>, vector<16xf32>,
      %get3A_2216 = vector.shape_cast %get3A_2215 : vector<16xf32> to vector<16xf32>
      %swap3A_2217 = arith.constant 7 : i32
      %swap3A_2218 = arith.index_cast %swap3A_2217 : i32 to index
      %swap3A_2219 = arith.index_cast %mul3A_2112 : i32 to index
      %swap3A_2220 = tpu.vector_load %arg5[%swap3A_2218, %swap3A_2219] {strides = array<i32>} : memref<16x3968xf32, #tpu.memory_space<vmem>>, vector<1x16xf32>,
      %swap3A_2221 = vector.shape_cast %swap3A_2220 : vector<1x16xf32> to vector<16xf32>
      %swap3A_2222 = vector.shape_cast %get3A_2216 : vector<16xf32> to vector<1x16xf32>
      tpu.vector_store %arg5[%swap3A_2218, %swap3A_2219], %swap3A_2222 {strides = array<i32>} : memref<16x3968xf32, #tpu.memory_space<vmem>>, vector<1x16xf32>,
      %sub3A_2223 = arith.constant 127 : i32
      %sub3A_2224 = arith.subi %sub3A_2223, %mul3A_570 : i32
      %sub3A_2225 = arith.constant 8 : i32
      %sub3A_2226 = arith.subi %sub3A_2224, %sub3A_2225 : i32
      %add3A_2227 = arith.addi %mul3A_2112, %sub3A_2226 : i32
      %get3A_2228 = arith.index_cast %add3A_2227 : i32 to index
      %get3A_2229 = tpu.vector_load %arg4[%get3A_2228] {strides = array<i32>} : memref<4096xf32, #tpu.memory_space<vmem>>, vector<16xf32>,
      %get3A_2230 = vector.shape_cast %get3A_2229 : vector<16xf32> to vector<16xf32>
      %swap3A_2231 = arith.constant 8 : i32
      %swap3A_2232 = arith.index_cast %swap3A_2231 : i32 to index
      %swap3A_2233 = arith.index_cast %mul3A_2112 : i32 to index
      %swap3A_2234 = tpu.vector_load %arg5[%swap3A_2232, %swap3A_2233] {strides = array<i32>} : memref<16x3968xf32, #tpu.memory_space<vmem>>, vector<1x16xf32>,
      %swap3A_2235 = vector.shape_cast %swap3A_2234 : vector<1x16xf32> to vector<16xf32>
      %swap3A_2236 = vector.shape_cast %get3A_2230 : vector<16xf32> to vector<1x16xf32>
      tpu.vector_store %arg5[%swap3A_2232, %swap3A_2233], %swap3A_2236 {strides = array<i32>} : memref<16x3968xf32, #tpu.memory_space<vmem>>, vector<1x16xf32>,
      %sub3A_2237 = arith.constant 127 : i32
      %sub3A_2238 = arith.subi %sub3A_2237, %mul3A_570 : i32
      %sub3A_2239 = arith.constant 9 : i32
      %sub3A_2240 = arith.subi %sub3A_2238, %sub3A_2239 : i32
      %add3A_2241 = arith.addi %mul3A_2112, %sub3A_2240 : i32
      %get3A_2242 = arith.index_cast %add3A_2241 : i32 to index
      %get3A_2243 = tpu.vector_load %arg4[%get3A_2242] {strides = array<i32>} : memref<4096xf32, #tpu.memory_space<vmem>>, vector<16xf32>,
      %get3A_2244 = vector.shape_cast %get3A_2243 : vector<16xf32> to vector<16xf32>
      %swap3A_2245 = arith.constant 9 : i32
      %swap3A_2246 = arith.index_cast %swap3A_2245 : i32 to index
      %swap3A_2247 = arith.index_cast %mul3A_2112 : i32 to index
      %swap3A_2248 = tpu.vector_load %arg5[%swap3A_2246, %swap3A_2247] {strides = array<i32>} : memref<16x3968xf32, #tpu.memory_space<vmem>>, vector<1x16xf32>,
      %swap3A_2249 = vector.shape_cast %swap3A_2248 : vector<1x16xf32> to vector<16xf32>
      %swap3A_2250 = vector.shape_cast %get3A_2244 : vector<16xf32> to vector<1x16xf32>
      tpu.vector_store %arg5[%swap3A_2246, %swap3A_2247], %swap3A_2250 {strides = array<i32>} : memref<16x3968xf32, #tpu.memory_space<vmem>>, vector<1x16xf32>,
      %sub3A_2251 = arith.constant 127 : i32
      %sub3A_2252 = arith.subi %sub3A_2251, %mul3A_570 : i32
      %sub3A_2253 = arith.constant 10 : i32
      %sub3A_2254 = arith.subi %sub3A_2252, %sub3A_2253 : i32
      %add3A_2255 = arith.addi %mul3A_2112, %sub3A_2254 : i32
      %get3A_2256 = arith.index_cast %add3A_2255 : i32 to index
      %get3A_2257 = tpu.vector_load %arg4[%get3A_2256] {strides = array<i32>} : memref<4096xf32, #tpu.memory_space<vmem>>, vector<16xf32>,
      %get3A_2258 = vector.shape_cast %get3A_2257 : vector<16xf32> to vector<16xf32>
      %swap3A_2259 = arith.constant 10 : i32
      %swap3A_2260 = arith.index_cast %swap3A_2259 : i32 to index
      %swap3A_2261 = arith.index_cast %mul3A_2112 : i32 to index
      %swap3A_2262 = tpu.vector_load %arg5[%swap3A_2260, %swap3A_2261] {strides = array<i32>} : memref<16x3968xf32, #tpu.memory_space<vmem>>, vector<1x16xf32>,
      %swap3A_2263 = vector.shape_cast %swap3A_2262 : vector<1x16xf32> to vector<16xf32>
      %swap3A_2264 = vector.shape_cast %get3A_2258 : vector<16xf32> to vector<1x16xf32>
      tpu.vector_store %arg5[%swap3A_2260, %swap3A_2261], %swap3A_2264 {strides = array<i32>} : memref<16x3968xf32, #tpu.memory_space<vmem>>, vector<1x16xf32>,
      %sub3A_2265 = arith.constant 127 : i32
      %sub3A_2266 = arith.subi %sub3A_2265, %mul3A_570 : i32
      %sub3A_2267 = arith.constant 11 : i32
      %sub3A_2268 = arith.subi %sub3A_2266, %sub3A_2267 : i32
      %add3A_2269 = arith.addi %mul3A_2112, %sub3A_2268 : i32
      %get3A_2270 = arith.index_cast %add3A_2269 : i32 to index
      %get3A_2271 = tpu.vector_load %arg4[%get3A_2270] {strides = array<i32>} : memref<4096xf32, #tpu.memory_space<vmem>>, vector<16xf32>,
      %get3A_2272 = vector.shape_cast %get3A_2271 : vector<16xf32> to vector<16xf32>
      %swap3A_2273 = arith.constant 11 : i32
      %swap3A_2274 = arith.index_cast %swap3A_2273 : i32 to index
      %swap3A_2275 = arith.index_cast %mul3A_2112 : i32 to index
      %swap3A_2276 = tpu.vector_load %arg5[%swap3A_2274, %swap3A_2275] {strides = array<i32>} : memref<16x3968xf32, #tpu.memory_space<vmem>>, vector<1x16xf32>,
      %swap3A_2277 = vector.shape_cast %swap3A_2276 : vector<1x16xf32> to vector<16xf32>
      %swap3A_2278 = vector.shape_cast %get3A_2272 : vector<16xf32> to vector<1x16xf32>
      tpu.vector_store %arg5[%swap3A_2274, %swap3A_2275], %swap3A_2278 {strides = array<i32>} : memref<16x3968xf32, #tpu.memory_space<vmem>>, vector<1x16xf32>,
      %sub3A_2279 = arith.constant 127 : i32
      %sub3A_2280 = arith.subi %sub3A_2279, %mul3A_570 : i32
      %sub3A_2281 = arith.constant 12 : i32
      %sub3A_2282 = arith.subi %sub3A_2280, %sub3A_2281 : i32
      %add3A_2283 = arith.addi %mul3A_2112, %sub3A_2282 : i32
      %get3A_2284 = arith.index_cast %add3A_2283 : i32 to index
      %get3A_2285 = tpu.vector_load %arg4[%get3A_2284] {strides = array<i32>} : memref<4096xf32, #tpu.memory_space<vmem>>, vector<16xf32>,
      %get3A_2286 = vector.shape_cast %get3A_2285 : vector<16xf32> to vector<16xf32>
      %swap3A_2287 = arith.constant 12 : i32
      %swap3A_2288 = arith.index_cast %swap3A_2287 : i32 to index
      %swap3A_2289 = arith.index_cast %mul3A_2112 : i32 to index
      %swap3A_2290 = tpu.vector_load %arg5[%swap3A_2288, %swap3A_2289] {strides = array<i32>} : memref<16x3968xf32, #tpu.memory_space<vmem>>, vector<1x16xf32>,
      %swap3A_2291 = vector.shape_cast %swap3A_2290 : vector<1x16xf32> to vector<16xf32>
      %swap3A_2292 = vector.shape_cast %get3A_2286 : vector<16xf32> to vector<1x16xf32>
      tpu.vector_store %arg5[%swap3A_2288, %swap3A_2289], %swap3A_2292 {strides = array<i32>} : memref<16x3968xf32, #tpu.memory_space<vmem>>, vector<1x16xf32>,
      %sub3A_2293 = arith.constant 127 : i32
      %sub3A_2294 = arith.subi %sub3A_2293, %mul3A_570 : i32
      %sub3A_2295 = arith.constant 13 : i32
      %sub3A_2296 = arith.subi %sub3A_2294, %sub3A_2295 : i32
      %add3A_2297 = arith.addi %mul3A_2112, %sub3A_2296 : i32
      %get3A_2298 = arith.index_cast %add3A_2297 : i32 to index
      %get3A_2299 = tpu.vector_load %arg4[%get3A_2298] {strides = array<i32>} : memref<4096xf32, #tpu.memory_space<vmem>>, vector<16xf32>,
      %get3A_2300 = vector.shape_cast %get3A_2299 : vector<16xf32> to vector<16xf32>
      %swap3A_2301 = arith.constant 13 : i32
      %swap3A_2302 = arith.index_cast %swap3A_2301 : i32 to index
      %swap3A_2303 = arith.index_cast %mul3A_2112 : i32 to index
      %swap3A_2304 = tpu.vector_load %arg5[%swap3A_2302, %swap3A_2303] {strides = array<i32>} : memref<16x3968xf32, #tpu.memory_space<vmem>>, vector<1x16xf32>,
      %swap3A_2305 = vector.shape_cast %swap3A_2304 : vector<1x16xf32> to vector<16xf32>
      %swap3A_2306 = vector.shape_cast %get3A_2300 : vector<16xf32> to vector<1x16xf32>
      tpu.vector_store %arg5[%swap3A_2302, %swap3A_2303], %swap3A_2306 {strides = array<i32>} : memref<16x3968xf32, #tpu.memory_space<vmem>>, vector<1x16xf32>,
      %sub3A_2307 = arith.constant 127 : i32
      %sub3A_2308 = arith.subi %sub3A_2307, %mul3A_570 : i32
      %sub3A_2309 = arith.constant 14 : i32
      %sub3A_2310 = arith.subi %sub3A_2308, %sub3A_2309 : i32
      %add3A_2311 = arith.addi %mul3A_2112, %sub3A_2310 : i32
      %get3A_2312 = arith.index_cast %add3A_2311 : i32 to index
      %get3A_2313 = tpu.vector_load %arg4[%get3A_2312] {strides = array<i32>} : memref<4096xf32, #tpu.memory_space<vmem>>, vector<16xf32>,
      %get3A_2314 = vector.shape_cast %get3A_2313 : vector<16xf32> to vector<16xf32>
      %swap3A_2315 = arith.constant 14 : i32
      %swap3A_2316 = arith.index_cast %swap3A_2315 : i32 to index
      %swap3A_2317 = arith.index_cast %mul3A_2112 : i32 to index
      %swap3A_2318 = tpu.vector_load %arg5[%swap3A_2316, %swap3A_2317] {strides = array<i32>} : memref<16x3968xf32, #tpu.memory_space<vmem>>, vector<1x16xf32>,
      %swap3A_2319 = vector.shape_cast %swap3A_2318 : vector<1x16xf32> to vector<16xf32>
      %swap3A_2320 = vector.shape_cast %get3A_2314 : vector<16xf32> to vector<1x16xf32>
      tpu.vector_store %arg5[%swap3A_2316, %swap3A_2317], %swap3A_2320 {strides = array<i32>} : memref<16x3968xf32, #tpu.memory_space<vmem>>, vector<1x16xf32>,
      %sub3A_2321 = arith.constant 127 : i32
      %sub3A_2322 = arith.subi %sub3A_2321, %mul3A_570 : i32
      %sub3A_2323 = arith.constant 15 : i32
      %sub3A_2324 = arith.subi %sub3A_2322, %sub3A_2323 : i32
      %add3A_2325 = arith.addi %mul3A_2112, %sub3A_2324 : i32
      %get3A_2326 = arith.index_cast %add3A_2325 : i32 to index
      %get3A_2327 = tpu.vector_load %arg4[%get3A_2326] {strides = array<i32>} : memref<4096xf32, #tpu.memory_space<vmem>>, vector<16xf32>,
      %get3A_2328 = vector.shape_cast %get3A_2327 : vector<16xf32> to vector<16xf32>
      %swap3A_2329 = arith.constant 15 : i32
      %swap3A_2330 = arith.index_cast %swap3A_2329 : i32 to index
      %swap3A_2331 = arith.index_cast %mul3A_2112 : i32 to index
      %swap3A_2332 = tpu.vector_load %arg5[%swap3A_2330, %swap3A_2331] {strides = array<i32>} : memref<16x3968xf32, #tpu.memory_space<vmem>>, vector<1x16xf32>,
      %swap3A_2333 = vector.shape_cast %swap3A_2332 : vector<1x16xf32> to vector<16xf32>
      %swap3A_2334 = vector.shape_cast %get3A_2328 : vector<16xf32> to vector<1x16xf32>
      tpu.vector_store %arg5[%swap3A_2330, %swap3A_2331], %swap3A_2334 {strides = array<i32>} : memref<16x3968xf32, #tpu.memory_space<vmem>>, vector<1x16xf32>,
    }
    %scan3A_830 = arith.constant 248 : i32
    %add3A_831 = arith.constant 0 : i32
    %add3A_832 = arith.addi %mul3A_570, %add3A_831 : i32
    %dma_start3A_833 = arith.constant 0 : i32
    %dma_start3A_834 = arith.constant 0 : i32
    %dma_start3A_835 = arith.constant 1920 : i32
    %dma_start3A_836 = tpu.memref_slice %arg5[%dma_start3A_834, %dma_start3A_835] : memref<16x3968xf32, #tpu.memory_space<vmem>> -> memref<16x2048xf32, #tpu.memory_space<vmem>>
    %dma_start3A_837 = arith.constant 0 : i32
    %dma_start3A_838 = tpu.memref_slice %arg3[%dma_start3A_833, %select_n3A, %add3A_832, %dma_start3A_837] : memref<1x16x2048x2048xf32, #tpu.memory_space<hbm>> -> memref<1x1x16x2048xf32, #tpu.memory_space<hbm>>
    %dma_start3A_839 = tpu.memref_squeeze %dma_start3A_838 : memref<1x1x16x2048xf32, #tpu.memory_space<hbm>> -> memref<16x2048xf32, #tpu.memory_space<hbm>>
    %dma_start3A_840 = arith.constant 0 : i32
    %dma_start3A_841 = tpu.memref_slice %arg3[%dma_start3A_833, %select_n3A, %add3A_832, %dma_start3A_840] : memref<1x16x2048x2048xf32, #tpu.memory_space<hbm>> -> memref<1x1x16x2048xf32, #tpu.memory_space<hbm>>
    %dma_start3A_842 = tpu.memref_squeeze %dma_start3A_841 : memref<1x1x16x2048xf32, #tpu.memory_space<hbm>> -> memref<16x2048xf32, #tpu.memory_space<hbm>>
    %dma_start3A_843 = arith.constant 0 : i32
    %dma_start3A_844 = arith.constant 1920 : i32
    %dma_start3A_845 = tpu.memref_slice %arg5[%dma_start3A_843, %dma_start3A_844] : memref<16x3968xf32, #tpu.memory_space<vmem>> -> memref<16x2048xf32, #tpu.memory_space<vmem>>
    tpu.enqueue_dma source(%dma_start3A_845 : memref<16x2048xf32, #tpu.memory_space<vmem>>) target(%dma_start3A_842 : memref<16x2048xf32, #tpu.memory_space<hbm>>) target_semaphore(%arg7 : memref<!tpu.dma_semaphore, #tpu.memory_space<semaphore_mem>>)
    %add3A_846 = arith.constant 128 : i32
    %add3A_847 = arith.addi %mul3A_570, %add3A_846 : i32
    %dma_start3A_848 = arith.constant 0 : i32
    %dma_start3A_849 = arith.constant 0 : i32
    %dma_start3A_850 = arith.constant 1792 : i32
    %dma_start3A_851 = tpu.memref_slice %arg5[%dma_start3A_849, %dma_start3A_850] : memref<16x3968xf32, #tpu.memory_space<vmem>> -> memref<16x2048xf32, #tpu.memory_space<vmem>>
    %dma_start3A_852 = arith.constant 0 : i32
    %dma_start3A_853 = tpu.memref_slice %arg3[%dma_start3A_848, %select_n3A, %add3A_847, %dma_start3A_852] : memref<1x16x2048x2048xf32, #tpu.memory_space<hbm>> -> memref<1x1x16x2048xf32, #tpu.memory_space<hbm>>
    %dma_start3A_854 = tpu.memref_squeeze %dma_start3A_853 : memref<1x1x16x2048xf32, #tpu.memory_space<hbm>> -> memref<16x2048xf32, #tpu.memory_space<hbm>>
    %dma_start3A_855 = arith.constant 0 : i32
    %dma_start3A_856 = tpu.memref_slice %arg3[%dma_start3A_848, %select_n3A, %add3A_847, %dma_start3A_855] : memref<1x16x2048x2048xf32, #tpu.memory_space<hbm>> -> memref<1x1x16x2048xf32, #tpu.memory_space<hbm>>
    %dma_start3A_857 = tpu.memref_squeeze %dma_start3A_856 : memref<1x1x16x2048xf32, #tpu.memory_space<hbm>> -> memref<16x2048xf32, #tpu.memory_space<hbm>>
    %dma_start3A_858 = arith.constant 0 : i32
    %dma_start3A_859 = arith.constant 1792 : i32
    %dma_start3A_860 = tpu.memref_slice %arg5[%dma_start3A_858, %dma_start3A_859] : memref<16x3968xf32, #tpu.memory_space<vmem>> -> memref<16x2048xf32, #tpu.memory_space<vmem>>
    tpu.enqueue_dma source(%dma_start3A_860 : memref<16x2048xf32, #tpu.memory_space<vmem>>) target(%dma_start3A_857 : memref<16x2048xf32, #tpu.memory_space<hbm>>) target_semaphore(%arg7 : memref<!tpu.dma_semaphore, #tpu.memory_space<semaphore_mem>>)
    %add3A_861 = arith.constant 256 : i32
    %add3A_862 = arith.addi %mul3A_570, %add3A_861 : i32
    %dma_start3A_863 = arith.constant 0 : i32
    %dma_start3A_864 = arith.constant 0 : i32
    %dma_start3A_865 = arith.constant 1664 : i32
    %dma_start3A_866 = tpu.memref_slice %arg5[%dma_start3A_864, %dma_start3A_865] : memref<16x3968xf32, #tpu.memory_space<vmem>> -> memref<16x2048xf32, #tpu.memory_space<vmem>>
    %dma_start3A_867 = arith.constant 0 : i32
    %dma_start3A_868 = tpu.memref_slice %arg3[%dma_start3A_863, %select_n3A, %add3A_862, %dma_start3A_867] : memref<1x16x2048x2048xf32, #tpu.memory_space<hbm>> -> memref<1x1x16x2048xf32, #tpu.memory_space<hbm>>
    %dma_start3A_869 = tpu.memref_squeeze %dma_start3A_868 : memref<1x1x16x2048xf32, #tpu.memory_space<hbm>> -> memref<16x2048xf32, #tpu.memory_space<hbm>>
    %dma_start3A_870 = arith.constant 0 : i32
    %dma_start3A_871 = tpu.memref_slice %arg3[%dma_start3A_863, %select_n3A, %add3A_862, %dma_start3A_870] : memref<1x16x2048x2048xf32, #tpu.memory_space<hbm>> -> memref<1x1x16x2048xf32, #tpu.memory_space<hbm>>
    %dma_start3A_872 = tpu.memref_squeeze %dma_start3A_871 : memref<1x1x16x2048xf32, #tpu.memory_space<hbm>> -> memref<16x2048xf32, #tpu.memory_space<hbm>>
    %dma_start3A_873 = arith.constant 0 : i32
    %dma_start3A_874 = arith.constant 1664 : i32
    %dma_start3A_875 = tpu.memref_slice %arg5[%dma_start3A_873, %dma_start3A_874] : memref<16x3968xf32, #tpu.memory_space<vmem>> -> memref<16x2048xf32, #tpu.memory_space<vmem>>
    tpu.enqueue_dma source(%dma_start3A_875 : memref<16x2048xf32, #tpu.memory_space<vmem>>) target(%dma_start3A_872 : memref<16x2048xf32, #tpu.memory_space<hbm>>) target_semaphore(%arg7 : memref<!tpu.dma_semaphore, #tpu.memory_space<semaphore_mem>>)
    %add3A_876 = arith.constant 384 : i32
    %add3A_877 = arith.addi %mul3A_570, %add3A_876 : i32
    %dma_start3A_878 = arith.constant 0 : i32
    %dma_start3A_879 = arith.constant 0 : i32
    %dma_start3A_880 = arith.constant 1536 : i32
    %dma_start3A_881 = tpu.memref_slice %arg5[%dma_start3A_879, %dma_start3A_880] : memref<16x3968xf32, #tpu.memory_space<vmem>> -> memref<16x2048xf32, #tpu.memory_space<vmem>>
    %dma_start3A_882 = arith.constant 0 : i32
    %dma_start3A_883 = tpu.memref_slice %arg3[%dma_start3A_878, %select_n3A, %add3A_877, %dma_start3A_882] : memref<1x16x2048x2048xf32, #tpu.memory_space<hbm>> -> memref<1x1x16x2048xf32, #tpu.memory_space<hbm>>
    %dma_start3A_884 = tpu.memref_squeeze %dma_start3A_883 : memref<1x1x16x2048xf32, #tpu.memory_space<hbm>> -> memref<16x2048xf32, #tpu.memory_space<hbm>>
    %dma_start3A_885 = arith.constant 0 : i32
    %dma_start3A_886 = tpu.memref_slice %arg3[%dma_start3A_878, %select_n3A, %add3A_877, %dma_start3A_885] : memref<1x16x2048x2048xf32, #tpu.memory_space<hbm>> -> memref<1x1x16x2048xf32, #tpu.memory_space<hbm>>
    %dma_start3A_887 = tpu.memref_squeeze %dma_start3A_886 : memref<1x1x16x2048xf32, #tpu.memory_space<hbm>> -> memref<16x2048xf32, #tpu.memory_space<hbm>>
    %dma_start3A_888 = arith.constant 0 : i32
    %dma_start3A_889 = arith.constant 1536 : i32
    %dma_start3A_890 = tpu.memref_slice %arg5[%dma_start3A_888, %dma_start3A_889] : memref<16x3968xf32, #tpu.memory_space<vmem>> -> memref<16x2048xf32, #tpu.memory_space<vmem>>
    tpu.enqueue_dma source(%dma_start3A_890 : memref<16x2048xf32, #tpu.memory_space<vmem>>) target(%dma_start3A_887 : memref<16x2048xf32, #tpu.memory_space<hbm>>) target_semaphore(%arg7 : memref<!tpu.dma_semaphore, #tpu.memory_space<semaphore_mem>>)
    %add3A_891 = arith.constant 512 : i32
    %add3A_892 = arith.addi %mul3A_570, %add3A_891 : i32
    %dma_start3A_893 = arith.constant 0 : i32
    %dma_start3A_894 = arith.constant 0 : i32
    %dma_start3A_895 = arith.constant 1408 : i32
    %dma_start3A_896 = tpu.memref_slice %arg5[%dma_start3A_894, %dma_start3A_895] : memref<16x3968xf32, #tpu.memory_space<vmem>> -> memref<16x2048xf32, #tpu.memory_space<vmem>>
    %dma_start3A_897 = arith.constant 0 : i32
    %dma_start3A_898 = tpu.memref_slice %arg3[%dma_start3A_893, %select_n3A, %add3A_892, %dma_start3A_897] : memref<1x16x2048x2048xf32, #tpu.memory_space<hbm>> -> memref<1x1x16x2048xf32, #tpu.memory_space<hbm>>
    %dma_start3A_899 = tpu.memref_squeeze %dma_start3A_898 : memref<1x1x16x2048xf32, #tpu.memory_space<hbm>> -> memref<16x2048xf32, #tpu.memory_space<hbm>>
    %dma_start3A_900 = arith.constant 0 : i32
    %dma_start3A_901 = tpu.memref_slice %arg3[%dma_start3A_893, %select_n3A, %add3A_892, %dma_start3A_900] : memref<1x16x2048x2048xf32, #tpu.memory_space<hbm>> -> memref<1x1x16x2048xf32, #tpu.memory_space<hbm>>
    %dma_start3A_902 = tpu.memref_squeeze %dma_start3A_901 : memref<1x1x16x2048xf32, #tpu.memory_space<hbm>> -> memref<16x2048xf32, #tpu.memory_space<hbm>>
    %dma_start3A_903 = arith.constant 0 : i32
    %dma_start3A_904 = arith.constant 1408 : i32
    %dma_start3A_905 = tpu.memref_slice %arg5[%dma_start3A_903, %dma_start3A_904] : memref<16x3968xf32, #tpu.memory_space<vmem>> -> memref<16x2048xf32, #tpu.memory_space<vmem>>
    tpu.enqueue_dma source(%dma_start3A_905 : memref<16x2048xf32, #tpu.memory_space<vmem>>) target(%dma_start3A_902 : memref<16x2048xf32, #tpu.memory_space<hbm>>) target_semaphore(%arg7 : memref<!tpu.dma_semaphore, #tpu.memory_space<semaphore_mem>>)
    %add3A_906 = arith.constant 640 : i32
    %add3A_907 = arith.addi %mul3A_570, %add3A_906 : i32
    %dma_start3A_908 = arith.constant 0 : i32
    %dma_start3A_909 = arith.constant 0 : i32
    %dma_start3A_910 = arith.constant 1280 : i32
    %dma_start3A_911 = tpu.memref_slice %arg5[%dma_start3A_909, %dma_start3A_910] : memref<16x3968xf32, #tpu.memory_space<vmem>> -> memref<16x2048xf32, #tpu.memory_space<vmem>>
    %dma_start3A_912 = arith.constant 0 : i32
    %dma_start3A_913 = tpu.memref_slice %arg3[%dma_start3A_908, %select_n3A, %add3A_907, %dma_start3A_912] : memref<1x16x2048x2048xf32, #tpu.memory_space<hbm>> -> memref<1x1x16x2048xf32, #tpu.memory_space<hbm>>
    %dma_start3A_914 = tpu.memref_squeeze %dma_start3A_913 : memref<1x1x16x2048xf32, #tpu.memory_space<hbm>> -> memref<16x2048xf32, #tpu.memory_space<hbm>>
    %dma_start3A_915 = arith.constant 0 : i32
    %dma_start3A_916 = tpu.memref_slice %arg3[%dma_start3A_908, %select_n3A, %add3A_907, %dma_start3A_915] : memref<1x16x2048x2048xf32, #tpu.memory_space<hbm>> -> memref<1x1x16x2048xf32, #tpu.memory_space<hbm>>
    %dma_start3A_917 = tpu.memref_squeeze %dma_start3A_916 : memref<1x1x16x2048xf32, #tpu.memory_space<hbm>> -> memref<16x2048xf32, #tpu.memory_space<hbm>>
    %dma_start3A_918 = arith.constant 0 : i32
    %dma_start3A_919 = arith.constant 1280 : i32
    %dma_start3A_920 = tpu.memref_slice %arg5[%dma_start3A_918, %dma_start3A_919] : memref<16x3968xf32, #tpu.memory_space<vmem>> -> memref<16x2048xf32, #tpu.memory_space<vmem>>
    tpu.enqueue_dma source(%dma_start3A_920 : memref<16x2048xf32, #tpu.memory_space<vmem>>) target(%dma_start3A_917 : memref<16x2048xf32, #tpu.memory_space<hbm>>) target_semaphore(%arg7 : memref<!tpu.dma_semaphore, #tpu.memory_space<semaphore_mem>>)
    %add3A_921 = arith.constant 768 : i32
    %add3A_922 = arith.addi %mul3A_570, %add3A_921 : i32
    %dma_start3A_923 = arith.constant 0 : i32
    %dma_start3A_924 = arith.constant 0 : i32
    %dma_start3A_925 = arith.constant 1152 : i32
    %dma_start3A_926 = tpu.memref_slice %arg5[%dma_start3A_924, %dma_start3A_925] : memref<16x3968xf32, #tpu.memory_space<vmem>> -> memref<16x2048xf32, #tpu.memory_space<vmem>>
    %dma_start3A_927 = arith.constant 0 : i32
    %dma_start3A_928 = tpu.memref_slice %arg3[%dma_start3A_923, %select_n3A, %add3A_922, %dma_start3A_927] : memref<1x16x2048x2048xf32, #tpu.memory_space<hbm>> -> memref<1x1x16x2048xf32, #tpu.memory_space<hbm>>
    %dma_start3A_929 = tpu.memref_squeeze %dma_start3A_928 : memref<1x1x16x2048xf32, #tpu.memory_space<hbm>> -> memref<16x2048xf32, #tpu.memory_space<hbm>>
    %dma_start3A_930 = arith.constant 0 : i32
    %dma_start3A_931 = tpu.memref_slice %arg3[%dma_start3A_923, %select_n3A, %add3A_922, %dma_start3A_930] : memref<1x16x2048x2048xf32, #tpu.memory_space<hbm>> -> memref<1x1x16x2048xf32, #tpu.memory_space<hbm>>
    %dma_start3A_932 = tpu.memref_squeeze %dma_start3A_931 : memref<1x1x16x2048xf32, #tpu.memory_space<hbm>> -> memref<16x2048xf32, #tpu.memory_space<hbm>>
    %dma_start3A_933 = arith.constant 0 : i32
    %dma_start3A_934 = arith.constant 1152 : i32
    %dma_start3A_935 = tpu.memref_slice %arg5[%dma_start3A_933, %dma_start3A_934] : memref<16x3968xf32, #tpu.memory_space<vmem>> -> memref<16x2048xf32, #tpu.memory_space<vmem>>
    tpu.enqueue_dma source(%dma_start3A_935 : memref<16x2048xf32, #tpu.memory_space<vmem>>) target(%dma_start3A_932 : memref<16x2048xf32, #tpu.memory_space<hbm>>) target_semaphore(%arg7 : memref<!tpu.dma_semaphore, #tpu.memory_space<semaphore_mem>>)
    %add3A_936 = arith.constant 896 : i32
    %add3A_937 = arith.addi %mul3A_570, %add3A_936 : i32
    %dma_start3A_938 = arith.constant 0 : i32
    %dma_start3A_939 = arith.constant 0 : i32
    %dma_start3A_940 = arith.constant 1024 : i32
    %dma_start3A_941 = tpu.memref_slice %arg5[%dma_start3A_939, %dma_start3A_940] : memref<16x3968xf32, #tpu.memory_space<vmem>> -> memref<16x2048xf32, #tpu.memory_space<vmem>>
    %dma_start3A_942 = arith.constant 0 : i32
    %dma_start3A_943 = tpu.memref_slice %arg3[%dma_start3A_938, %select_n3A, %add3A_937, %dma_start3A_942] : memref<1x16x2048x2048xf32, #tpu.memory_space<hbm>> -> memref<1x1x16x2048xf32, #tpu.memory_space<hbm>>
    %dma_start3A_944 = tpu.memref_squeeze %dma_start3A_943 : memref<1x1x16x2048xf32, #tpu.memory_space<hbm>> -> memref<16x2048xf32, #tpu.memory_space<hbm>>
    %dma_start3A_945 = arith.constant 0 : i32
    %dma_start3A_946 = tpu.memref_slice %arg3[%dma_start3A_938, %select_n3A, %add3A_937, %dma_start3A_945] : memref<1x16x2048x2048xf32, #tpu.memory_space<hbm>> -> memref<1x1x16x2048xf32, #tpu.memory_space<hbm>>
    %dma_start3A_947 = tpu.memref_squeeze %dma_start3A_946 : memref<1x1x16x2048xf32, #tpu.memory_space<hbm>> -> memref<16x2048xf32, #tpu.memory_space<hbm>>
    %dma_start3A_948 = arith.constant 0 : i32
    %dma_start3A_949 = arith.constant 1024 : i32
    %dma_start3A_950 = tpu.memref_slice %arg5[%dma_start3A_948, %dma_start3A_949] : memref<16x3968xf32, #tpu.memory_space<vmem>> -> memref<16x2048xf32, #tpu.memory_space<vmem>>
    tpu.enqueue_dma source(%dma_start3A_950 : memref<16x2048xf32, #tpu.memory_space<vmem>>) target(%dma_start3A_947 : memref<16x2048xf32, #tpu.memory_space<hbm>>) target_semaphore(%arg7 : memref<!tpu.dma_semaphore, #tpu.memory_space<semaphore_mem>>)
    %add3A_951 = arith.constant 1024 : i32
    %add3A_952 = arith.addi %mul3A_570, %add3A_951 : i32
    %dma_start3A_953 = arith.constant 0 : i32
    %dma_start3A_954 = arith.constant 0 : i32
    %dma_start3A_955 = arith.constant 896 : i32
    %dma_start3A_956 = tpu.memref_slice %arg5[%dma_start3A_954, %dma_start3A_955] : memref<16x3968xf32, #tpu.memory_space<vmem>> -> memref<16x2048xf32, #tpu.memory_space<vmem>>
    %dma_start3A_957 = arith.constant 0 : i32
    %dma_start3A_958 = tpu.memref_slice %arg3[%dma_start3A_953, %select_n3A, %add3A_952, %dma_start3A_957] : memref<1x16x2048x2048xf32, #tpu.memory_space<hbm>> -> memref<1x1x16x2048xf32, #tpu.memory_space<hbm>>
    %dma_start3A_959 = tpu.memref_squeeze %dma_start3A_958 : memref<1x1x16x2048xf32, #tpu.memory_space<hbm>> -> memref<16x2048xf32, #tpu.memory_space<hbm>>
    %dma_start3A_960 = arith.constant 0 : i32
    %dma_start3A_961 = tpu.memref_slice %arg3[%dma_start3A_953, %select_n3A, %add3A_952, %dma_start3A_960] : memref<1x16x2048x2048xf32, #tpu.memory_space<hbm>> -> memref<1x1x16x2048xf32, #tpu.memory_space<hbm>>
    %dma_start3A_962 = tpu.memref_squeeze %dma_start3A_961 : memref<1x1x16x2048xf32, #tpu.memory_space<hbm>> -> memref<16x2048xf32, #tpu.memory_space<hbm>>
    %dma_start3A_963 = arith.constant 0 : i32
    %dma_start3A_964 = arith.constant 896 : i32
    %dma_start3A_965 = tpu.memref_slice %arg5[%dma_start3A_963, %dma_start3A_964] : memref<16x3968xf32, #tpu.memory_space<vmem>> -> memref<16x2048xf32, #tpu.memory_space<vmem>>
    tpu.enqueue_dma source(%dma_start3A_965 : memref<16x2048xf32, #tpu.memory_space<vmem>>) target(%dma_start3A_962 : memref<16x2048xf32, #tpu.memory_space<hbm>>) target_semaphore(%arg7 : memref<!tpu.dma_semaphore, #tpu.memory_space<semaphore_mem>>)
    %add3A_966 = arith.constant 1152 : i32
    %add3A_967 = arith.addi %mul3A_570, %add3A_966 : i32
    %dma_start3A_968 = arith.constant 0 : i32
    %dma_start3A_969 = arith.constant 0 : i32
    %dma_start3A_970 = arith.constant 768 : i32
    %dma_start3A_971 = tpu.memref_slice %arg5[%dma_start3A_969, %dma_start3A_970] : memref<16x3968xf32, #tpu.memory_space<vmem>> -> memref<16x2048xf32, #tpu.memory_space<vmem>>
    %dma_start3A_972 = arith.constant 0 : i32
    %dma_start3A_973 = tpu.memref_slice %arg3[%dma_start3A_968, %select_n3A, %add3A_967, %dma_start3A_972] : memref<1x16x2048x2048xf32, #tpu.memory_space<hbm>> -> memref<1x1x16x2048xf32, #tpu.memory_space<hbm>>
    %dma_start3A_974 = tpu.memref_squeeze %dma_start3A_973 : memref<1x1x16x2048xf32, #tpu.memory_space<hbm>> -> memref<16x2048xf32, #tpu.memory_space<hbm>>
    %dma_start3A_975 = arith.constant 0 : i32
    %dma_start3A_976 = tpu.memref_slice %arg3[%dma_start3A_968, %select_n3A, %add3A_967, %dma_start3A_975] : memref<1x16x2048x2048xf32, #tpu.memory_space<hbm>> -> memref<1x1x16x2048xf32, #tpu.memory_space<hbm>>
    %dma_start3A_977 = tpu.memref_squeeze %dma_start3A_976 : memref<1x1x16x2048xf32, #tpu.memory_space<hbm>> -> memref<16x2048xf32, #tpu.memory_space<hbm>>
    %dma_start3A_978 = arith.constant 0 : i32
    %dma_start3A_979 = arith.constant 768 : i32
    %dma_start3A_980 = tpu.memref_slice %arg5[%dma_start3A_978, %dma_start3A_979] : memref<16x3968xf32, #tpu.memory_space<vmem>> -> memref<16x2048xf32, #tpu.memory_space<vmem>>
    tpu.enqueue_dma source(%dma_start3A_980 : memref<16x2048xf32, #tpu.memory_space<vmem>>) target(%dma_start3A_977 : memref<16x2048xf32, #tpu.memory_space<hbm>>) target_semaphore(%arg7 : memref<!tpu.dma_semaphore, #tpu.memory_space<semaphore_mem>>)
    %add3A_981 = arith.constant 1280 : i32
    %add3A_982 = arith.addi %mul3A_570, %add3A_981 : i32
    %dma_start3A_983 = arith.constant 0 : i32
    %dma_start3A_984 = arith.constant 0 : i32
    %dma_start3A_985 = arith.constant 640 : i32
    %dma_start3A_986 = tpu.memref_slice %arg5[%dma_start3A_984, %dma_start3A_985] : memref<16x3968xf32, #tpu.memory_space<vmem>> -> memref<16x2048xf32, #tpu.memory_space<vmem>>
    %dma_start3A_987 = arith.constant 0 : i32
    %dma_start3A_988 = tpu.memref_slice %arg3[%dma_start3A_983, %select_n3A, %add3A_982, %dma_start3A_987] : memref<1x16x2048x2048xf32, #tpu.memory_space<hbm>> -> memref<1x1x16x2048xf32, #tpu.memory_space<hbm>>
    %dma_start3A_989 = tpu.memref_squeeze %dma_start3A_988 : memref<1x1x16x2048xf32, #tpu.memory_space<hbm>> -> memref<16x2048xf32, #tpu.memory_space<hbm>>
    %dma_start3A_990 = arith.constant 0 : i32
    %dma_start3A_991 = tpu.memref_slice %arg3[%dma_start3A_983, %select_n3A, %add3A_982, %dma_start3A_990] : memref<1x16x2048x2048xf32, #tpu.memory_space<hbm>> -> memref<1x1x16x2048xf32, #tpu.memory_space<hbm>>
    %dma_start3A_992 = tpu.memref_squeeze %dma_start3A_991 : memref<1x1x16x2048xf32, #tpu.memory_space<hbm>> -> memref<16x2048xf32, #tpu.memory_space<hbm>>
    %dma_start3A_993 = arith.constant 0 : i32
    %dma_start3A_994 = arith.constant 640 : i32
    %dma_start3A_995 = tpu.memref_slice %arg5[%dma_start3A_993, %dma_start3A_994] : memref<16x3968xf32, #tpu.memory_space<vmem>> -> memref<16x2048xf32, #tpu.memory_space<vmem>>
    tpu.enqueue_dma source(%dma_start3A_995 : memref<16x2048xf32, #tpu.memory_space<vmem>>) target(%dma_start3A_992 : memref<16x2048xf32, #tpu.memory_space<hbm>>) target_semaphore(%arg7 : memref<!tpu.dma_semaphore, #tpu.memory_space<semaphore_mem>>)
    %add3A_996 = arith.constant 1408 : i32
    %add3A_997 = arith.addi %mul3A_570, %add3A_996 : i32
    %dma_start3A_998 = arith.constant 0 : i32
    %dma_start3A_999 = arith.constant 0 : i32
    %dma_start3A_1000 = arith.constant 512 : i32
    %dma_start3A_1001 = tpu.memref_slice %arg5[%dma_start3A_999, %dma_start3A_1000] : memref<16x3968xf32, #tpu.memory_space<vmem>> -> memref<16x2048xf32, #tpu.memory_space<vmem>>
    %dma_start3A_1002 = arith.constant 0 : i32
    %dma_start3A_1003 = tpu.memref_slice %arg3[%dma_start3A_998, %select_n3A, %add3A_997, %dma_start3A_1002] : memref<1x16x2048x2048xf32, #tpu.memory_space<hbm>> -> memref<1x1x16x2048xf32, #tpu.memory_space<hbm>>
    %dma_start3A_1004 = tpu.memref_squeeze %dma_start3A_1003 : memref<1x1x16x2048xf32, #tpu.memory_space<hbm>> -> memref<16x2048xf32, #tpu.memory_space<hbm>>
    %dma_start3A_1005 = arith.constant 0 : i32
    %dma_start3A_1006 = tpu.memref_slice %arg3[%dma_start3A_998, %select_n3A, %add3A_997, %dma_start3A_1005] : memref<1x16x2048x2048xf32, #tpu.memory_space<hbm>> -> memref<1x1x16x2048xf32, #tpu.memory_space<hbm>>
    %dma_start3A_1007 = tpu.memref_squeeze %dma_start3A_1006 : memref<1x1x16x2048xf32, #tpu.memory_space<hbm>> -> memref<16x2048xf32, #tpu.memory_space<hbm>>
    %dma_start3A_1008 = arith.constant 0 : i32
    %dma_start3A_1009 = arith.constant 512 : i32
    %dma_start3A_1010 = tpu.memref_slice %arg5[%dma_start3A_1008, %dma_start3A_1009] : memref<16x3968xf32, #tpu.memory_space<vmem>> -> memref<16x2048xf32, #tpu.memory_space<vmem>>
    tpu.enqueue_dma source(%dma_start3A_1010 : memref<16x2048xf32, #tpu.memory_space<vmem>>) target(%dma_start3A_1007 : memref<16x2048xf32, #tpu.memory_space<hbm>>) target_semaphore(%arg7 : memref<!tpu.dma_semaphore, #tpu.memory_space<semaphore_mem>>)
    %add3A_1011 = arith.constant 1536 : i32
    %add3A_1012 = arith.addi %mul3A_570, %add3A_1011 : i32
    %dma_start3A_1013 = arith.constant 0 : i32
    %dma_start3A_1014 = arith.constant 0 : i32
    %dma_start3A_1015 = arith.constant 384 : i32
    %dma_start3A_1016 = tpu.memref_slice %arg5[%dma_start3A_1014, %dma_start3A_1015] : memref<16x3968xf32, #tpu.memory_space<vmem>> -> memref<16x2048xf32, #tpu.memory_space<vmem>>
    %dma_start3A_1017 = arith.constant 0 : i32
    %dma_start3A_1018 = tpu.memref_slice %arg3[%dma_start3A_1013, %select_n3A, %add3A_1012, %dma_start3A_1017] : memref<1x16x2048x2048xf32, #tpu.memory_space<hbm>> -> memref<1x1x16x2048xf32, #tpu.memory_space<hbm>>
    %dma_start3A_1019 = tpu.memref_squeeze %dma_start3A_1018 : memref<1x1x16x2048xf32, #tpu.memory_space<hbm>> -> memref<16x2048xf32, #tpu.memory_space<hbm>>
    %dma_start3A_1020 = arith.constant 0 : i32
    %dma_start3A_1021 = tpu.memref_slice %arg3[%dma_start3A_1013, %select_n3A, %add3A_1012, %dma_start3A_1020] : memref<1x16x2048x2048xf32, #tpu.memory_space<hbm>> -> memref<1x1x16x2048xf32, #tpu.memory_space<hbm>>
    %dma_start3A_1022 = tpu.memref_squeeze %dma_start3A_1021 : memref<1x1x16x2048xf32, #tpu.memory_space<hbm>> -> memref<16x2048xf32, #tpu.memory_space<hbm>>
    %dma_start3A_1023 = arith.constant 0 : i32
    %dma_start3A_1024 = arith.constant 384 : i32
    %dma_start3A_1025 = tpu.memref_slice %arg5[%dma_start3A_1023, %dma_start3A_1024] : memref<16x3968xf32, #tpu.memory_space<vmem>> -> memref<16x2048xf32, #tpu.memory_space<vmem>>
    tpu.enqueue_dma source(%dma_start3A_1025 : memref<16x2048xf32, #tpu.memory_space<vmem>>) target(%dma_start3A_1022 : memref<16x2048xf32, #tpu.memory_space<hbm>>) target_semaphore(%arg7 : memref<!tpu.dma_semaphore, #tpu.memory_space<semaphore_mem>>)
    %add3A_1026 = arith.constant 1664 : i32
    %add3A_1027 = arith.addi %mul3A_570, %add3A_1026 : i32
    %dma_start3A_1028 = arith.constant 0 : i32
    %dma_start3A_1029 = arith.constant 0 : i32
    %dma_start3A_1030 = arith.constant 256 : i32
    %dma_start3A_1031 = tpu.memref_slice %arg5[%dma_start3A_1029, %dma_start3A_1030] : memref<16x3968xf32, #tpu.memory_space<vmem>> -> memref<16x2048xf32, #tpu.memory_space<vmem>>
    %dma_start3A_1032 = arith.constant 0 : i32
    %dma_start3A_1033 = tpu.memref_slice %arg3[%dma_start3A_1028, %select_n3A, %add3A_1027, %dma_start3A_1032] : memref<1x16x2048x2048xf32, #tpu.memory_space<hbm>> -> memref<1x1x16x2048xf32, #tpu.memory_space<hbm>>
    %dma_start3A_1034 = tpu.memref_squeeze %dma_start3A_1033 : memref<1x1x16x2048xf32, #tpu.memory_space<hbm>> -> memref<16x2048xf32, #tpu.memory_space<hbm>>
    %dma_start3A_1035 = arith.constant 0 : i32
    %dma_start3A_1036 = tpu.memref_slice %arg3[%dma_start3A_1028, %select_n3A, %add3A_1027, %dma_start3A_1035] : memref<1x16x2048x2048xf32, #tpu.memory_space<hbm>> -> memref<1x1x16x2048xf32, #tpu.memory_space<hbm>>
    %dma_start3A_1037 = tpu.memref_squeeze %dma_start3A_1036 : memref<1x1x16x2048xf32, #tpu.memory_space<hbm>> -> memref<16x2048xf32, #tpu.memory_space<hbm>>
    %dma_start3A_1038 = arith.constant 0 : i32
    %dma_start3A_1039 = arith.constant 256 : i32
    %dma_start3A_1040 = tpu.memref_slice %arg5[%dma_start3A_1038, %dma_start3A_1039] : memref<16x3968xf32, #tpu.memory_space<vmem>> -> memref<16x2048xf32, #tpu.memory_space<vmem>>
    tpu.enqueue_dma source(%dma_start3A_1040 : memref<16x2048xf32, #tpu.memory_space<vmem>>) target(%dma_start3A_1037 : memref<16x2048xf32, #tpu.memory_space<hbm>>) target_semaphore(%arg7 : memref<!tpu.dma_semaphore, #tpu.memory_space<semaphore_mem>>)
    %add3A_1041 = arith.constant 1792 : i32
    %add3A_1042 = arith.addi %mul3A_570, %add3A_1041 : i32
    %dma_start3A_1043 = arith.constant 0 : i32
    %dma_start3A_1044 = arith.constant 0 : i32
    %dma_start3A_1045 = arith.constant 128 : i32
    %dma_start3A_1046 = tpu.memref_slice %arg5[%dma_start3A_1044, %dma_start3A_1045] : memref<16x3968xf32, #tpu.memory_space<vmem>> -> memref<16x2048xf32, #tpu.memory_space<vmem>>
    %dma_start3A_1047 = arith.constant 0 : i32
    %dma_start3A_1048 = tpu.memref_slice %arg3[%dma_start3A_1043, %select_n3A, %add3A_1042, %dma_start3A_1047] : memref<1x16x2048x2048xf32, #tpu.memory_space<hbm>> -> memref<1x1x16x2048xf32, #tpu.memory_space<hbm>>
    %dma_start3A_1049 = tpu.memref_squeeze %dma_start3A_1048 : memref<1x1x16x2048xf32, #tpu.memory_space<hbm>> -> memref<16x2048xf32, #tpu.memory_space<hbm>>
    %dma_start3A_1050 = arith.constant 0 : i32
    %dma_start3A_1051 = tpu.memref_slice %arg3[%dma_start3A_1043, %select_n3A, %add3A_1042, %dma_start3A_1050] : memref<1x16x2048x2048xf32, #tpu.memory_space<hbm>> -> memref<1x1x16x2048xf32, #tpu.memory_space<hbm>>
    %dma_start3A_1052 = tpu.memref_squeeze %dma_start3A_1051 : memref<1x1x16x2048xf32, #tpu.memory_space<hbm>> -> memref<16x2048xf32, #tpu.memory_space<hbm>>
    %dma_start3A_1053 = arith.constant 0 : i32
    %dma_start3A_1054 = arith.constant 128 : i32
    %dma_start3A_1055 = tpu.memref_slice %arg5[%dma_start3A_1053, %dma_start3A_1054] : memref<16x3968xf32, #tpu.memory_space<vmem>> -> memref<16x2048xf32, #tpu.memory_space<vmem>>
    tpu.enqueue_dma source(%dma_start3A_1055 : memref<16x2048xf32, #tpu.memory_space<vmem>>) target(%dma_start3A_1052 : memref<16x2048xf32, #tpu.memory_space<hbm>>) target_semaphore(%arg7 : memref<!tpu.dma_semaphore, #tpu.memory_space<semaphore_mem>>)
    %add3A_1056 = arith.constant 1920 : i32
    %add3A_1057 = arith.addi %mul3A_570, %add3A_1056 : i32
    %dma_start3A_1058 = arith.constant 0 : i32
    %dma_start3A_1059 = arith.constant 0 : i32
    %dma_start3A_1060 = arith.constant 0 : i32
    %dma_start3A_1061 = tpu.memref_slice %arg5[%dma_start3A_1059, %dma_start3A_1060] : memref<16x3968xf32, #tpu.memory_space<vmem>> -> memref<16x2048xf32, #tpu.memory_space<vmem>>
    %dma_start3A_1062 = arith.constant 0 : i32
    %dma_start3A_1063 = tpu.memref_slice %arg3[%dma_start3A_1058, %select_n3A, %add3A_1057, %dma_start3A_1062] : memref<1x16x2048x2048xf32, #tpu.memory_space<hbm>> -> memref<1x1x16x2048xf32, #tpu.memory_space<hbm>>
    %dma_start3A_1064 = tpu.memref_squeeze %dma_start3A_1063 : memref<1x1x16x2048xf32, #tpu.memory_space<hbm>> -> memref<16x2048xf32, #tpu.memory_space<hbm>>
    %dma_start3A_1065 = arith.constant 0 : i32
    %dma_start3A_1066 = tpu.memref_slice %arg3[%dma_start3A_1058, %select_n3A, %add3A_1057, %dma_start3A_1065] : memref<1x16x2048x2048xf32, #tpu.memory_space<hbm>> -> memref<1x1x16x2048xf32, #tpu.memory_space<hbm>>
    %dma_start3A_1067 = tpu.memref_squeeze %dma_start3A_1066 : memref<1x1x16x2048xf32, #tpu.memory_space<hbm>> -> memref<16x2048xf32, #tpu.memory_space<hbm>>
    %dma_start3A_1068 = arith.constant 0 : i32
    %dma_start3A_1069 = arith.constant 0 : i32
    %dma_start3A_1070 = tpu.memref_slice %arg5[%dma_start3A_1068, %dma_start3A_1069] : memref<16x3968xf32, #tpu.memory_space<vmem>> -> memref<16x2048xf32, #tpu.memory_space<vmem>>
    tpu.enqueue_dma source(%dma_start3A_1070 : memref<16x2048xf32, #tpu.memory_space<vmem>>) target(%dma_start3A_1067 : memref<16x2048xf32, #tpu.memory_space<hbm>>) target_semaphore(%arg7 : memref<!tpu.dma_semaphore, #tpu.memory_space<semaphore_mem>>)
    %mul3A_1071 = arith.constant 4 : i32
    %mul3A_1072 = arith.muli %add3A, %mul3A_1071 : i32
    %add3A_1073 = arith.constant 3 : i32
    %add3A_1074 = arith.addi %mul3A_1072, %add3A_1073 : i32
    %jit3A_1075 = arith.constant 8 : i32
    %eq3A_1076 = arith.constant 0 : i32
    %eq3A_1077 = arith.cmpi eq, %jit3A_1075, %eq3A_1076 : i32
    %jit3A_1078 = arith.constant 1 : i32
    %select_n3A_1079 = arith.select %eq3A_1077, %jit3A_1078, %jit3A_1075 : i32
    %rem3A_1080 = arith.remsi %add3A_1074, %select_n3A_1079 : i32
    %ne3A_1081 = arith.constant 0 : i32
    %ne3A_1082 = arith.cmpi ne, %rem3A_1080, %ne3A_1081 : i32
    %lt3A_1083 = arith.constant 0 : i32
    %lt3A_1084 = arith.cmpi slt, %rem3A_1080, %lt3A_1083 : i32
    %lt3A_1085 = arith.constant 0 : i32
    %lt3A_1086 = arith.cmpi slt, %select_n3A_1079, %lt3A_1085 : i32
    %ne3A_1087 = arith.xori %lt3A_1084, %lt3A_1086 : i1
    %and3A_1088 = arith.andi %ne3A_1087, %ne3A_1082 : i1
    %add3A_1089 = arith.addi %rem3A_1080, %select_n3A_1079 : i32
    %select_n3A_1090 = arith.select %and3A_1088, %add3A_1089, %rem3A_1080 : i32
    %mul3A_1091 = arith.constant 16 : i32
    %mul3A_1092 = arith.muli %select_n3A_1090, %mul3A_1091 : i32
    %dma_wait3A_1093 = arith.constant 0 : i32
    %dma_wait3A_1094 = arith.constant 0 : i32
    %dma_wait3A_1095 = arith.constant 0 : i32
    %dma_wait3A_1096 = arith.constant 0 : i32
    %dma_wait3A_1097 = tpu.memref_slice %arg6[%dma_wait3A_1095, %dma_wait3A_1096] : memref<16x3968xf32, #tpu.memory_space<vmem>> -> memref<16x2048xf32, #tpu.memory_space<vmem>>
    %dma_wait3A_1098 = arith.constant 0 : i32
    %dma_wait3A_1099 = arith.constant 0 : i32
    %dma_wait3A_1100 = tpu.memref_slice %arg3[%dma_wait3A_1093, %dma_wait3A_1094, %dma_wait3A_1098, %dma_wait3A_1099] : memref<1x16x2048x2048xf32, #tpu.memory_space<hbm>> -> memref<1x1x16x2048xf32, #tpu.memory_space<hbm>>
    %dma_wait3A_1101 = tpu.memref_squeeze %dma_wait3A_1100 : memref<1x1x16x2048xf32, #tpu.memory_space<hbm>> -> memref<16x2048xf32, #tpu.memory_space<hbm>>
    %dma_wait3A_1102 = arith.constant 0 : i32
    %dma_wait3A_1103 = arith.constant 0 : i32
    %dma_wait3A_1104 = tpu.memref_slice %arg3[%dma_wait3A_1093, %dma_wait3A_1094, %dma_wait3A_1102, %dma_wait3A_1103] : memref<1x16x2048x2048xf32, #tpu.memory_space<hbm>> -> memref<1x1x16x2048xf32, #tpu.memory_space<hbm>>
    %dma_wait3A_1105 = tpu.memref_squeeze %dma_wait3A_1104 : memref<1x1x16x2048xf32, #tpu.memory_space<hbm>> -> memref<16x2048xf32, #tpu.memory_space<hbm>>
    %dma_wait3A_1106 = arith.constant 0 : i32
    %dma_wait3A_1107 = arith.constant 0 : i32
    %dma_wait3A_1108 = tpu.memref_slice %arg6[%dma_wait3A_1106, %dma_wait3A_1107] : memref<16x3968xf32, #tpu.memory_space<vmem>> -> memref<16x2048xf32, #tpu.memory_space<vmem>>
    tpu.wait_dma2 semaphore(%arg8 : memref<!tpu.dma_semaphore, #tpu.memory_space<semaphore_mem>>) src(%dma_wait3A_1108 : memref<16x2048xf32, #tpu.memory_space<vmem>>) dst(%dma_wait3A_1105 : memref<16x2048xf32, #tpu.memory_space<hbm>>)
    %dma_wait3A_1109 = arith.constant 0 : i32
    %dma_wait3A_1110 = arith.constant 0 : i32
    %dma_wait3A_1111 = arith.constant 0 : i32
    %dma_wait3A_1112 = arith.constant 0 : i32
    %dma_wait3A_1113 = tpu.memref_slice %arg6[%dma_wait3A_1111, %dma_wait3A_1112] : memref<16x3968xf32, #tpu.memory_space<vmem>> -> memref<16x2048xf32, #tpu.memory_space<vmem>>
    %dma_wait3A_1114 = arith.constant 0 : i32
    %dma_wait3A_1115 = arith.constant 0 : i32
    %dma_wait3A_1116 = tpu.memref_slice %arg3[%dma_wait3A_1109, %dma_wait3A_1110, %dma_wait3A_1114, %dma_wait3A_1115] : memref<1x16x2048x2048xf32, #tpu.memory_space<hbm>> -> memref<1x1x16x2048xf32, #tpu.memory_space<hbm>>
    %dma_wait3A_1117 = tpu.memref_squeeze %dma_wait3A_1116 : memref<1x1x16x2048xf32, #tpu.memory_space<hbm>> -> memref<16x2048xf32, #tpu.memory_space<hbm>>
    %dma_wait3A_1118 = arith.constant 0 : i32
    %dma_wait3A_1119 = arith.constant 0 : i32
    %dma_wait3A_1120 = tpu.memref_slice %arg3[%dma_wait3A_1109, %dma_wait3A_1110, %dma_wait3A_1118, %dma_wait3A_1119] : memref<1x16x2048x2048xf32, #tpu.memory_space<hbm>> -> memref<1x1x16x2048xf32, #tpu.memory_space<hbm>>
    %dma_wait3A_1121 = tpu.memref_squeeze %dma_wait3A_1120 : memref<1x1x16x2048xf32, #tpu.memory_space<hbm>> -> memref<16x2048xf32, #tpu.memory_space<hbm>>
    %dma_wait3A_1122 = arith.constant 0 : i32
    %dma_wait3A_1123 = arith.constant 0 : i32
    %dma_wait3A_1124 = tpu.memref_slice %arg6[%dma_wait3A_1122, %dma_wait3A_1123] : memref<16x3968xf32, #tpu.memory_space<vmem>> -> memref<16x2048xf32, #tpu.memory_space<vmem>>
    tpu.wait_dma2 semaphore(%arg8 : memref<!tpu.dma_semaphore, #tpu.memory_space<semaphore_mem>>) src(%dma_wait3A_1124 : memref<16x2048xf32, #tpu.memory_space<vmem>>) dst(%dma_wait3A_1121 : memref<16x2048xf32, #tpu.memory_space<hbm>>)
    %dma_wait3A_1125 = arith.constant 0 : i32
    %dma_wait3A_1126 = arith.constant 0 : i32
    %dma_wait3A_1127 = arith.constant 0 : i32
    %dma_wait3A_1128 = arith.constant 0 : i32
    %dma_wait3A_1129 = tpu.memref_slice %arg6[%dma_wait3A_1127, %dma_wait3A_1128] : memref<16x3968xf32, #tpu.memory_space<vmem>> -> memref<16x2048xf32, #tpu.memory_space<vmem>>
    %dma_wait3A_1130 = arith.constant 0 : i32
    %dma_wait3A_1131 = arith.constant 0 : i32
    %dma_wait3A_1132 = tpu.memref_slice %arg3[%dma_wait3A_1125, %dma_wait3A_1126, %dma_wait3A_1130, %dma_wait3A_1131] : memref<1x16x2048x2048xf32, #tpu.memory_space<hbm>> -> memref<1x1x16x2048xf32, #tpu.memory_space<hbm>>
    %dma_wait3A_1133 = tpu.memref_squeeze %dma_wait3A_1132 : memref<1x1x16x2048xf32, #tpu.memory_space<hbm>> -> memref<16x2048xf32, #tpu.memory_space<hbm>>
    %dma_wait3A_1134 = arith.constant 0 : i32
    %dma_wait3A_1135 = arith.constant 0 : i32
    %dma_wait3A_1136 = tpu.memref_slice %arg3[%dma_wait3A_1125, %dma_wait3A_1126, %dma_wait3A_1134, %dma_wait3A_1135] : memref<1x16x2048x2048xf32, #tpu.memory_space<hbm>> -> memref<1x1x16x2048xf32, #tpu.memory_space<hbm>>
    %dma_wait3A_1137 = tpu.memref_squeeze %dma_wait3A_1136 : memref<1x1x16x2048xf32, #tpu.memory_space<hbm>> -> memref<16x2048xf32, #tpu.memory_space<hbm>>
    %dma_wait3A_1138 = arith.constant 0 : i32
    %dma_wait3A_1139 = arith.constant 0 : i32
    %dma_wait3A_1140 = tpu.memref_slice %arg6[%dma_wait3A_1138, %dma_wait3A_1139] : memref<16x3968xf32, #tpu.memory_space<vmem>> -> memref<16x2048xf32, #tpu.memory_space<vmem>>
    tpu.wait_dma2 semaphore(%arg8 : memref<!tpu.dma_semaphore, #tpu.memory_space<semaphore_mem>>) src(%dma_wait3A_1140 : memref<16x2048xf32, #tpu.memory_space<vmem>>) dst(%dma_wait3A_1137 : memref<16x2048xf32, #tpu.memory_space<hbm>>)
    %dma_wait3A_1141 = arith.constant 0 : i32
    %dma_wait3A_1142 = arith.constant 0 : i32
    %dma_wait3A_1143 = arith.constant 0 : i32
    %dma_wait3A_1144 = arith.constant 0 : i32
    %dma_wait3A_1145 = tpu.memref_slice %arg6[%dma_wait3A_1143, %dma_wait3A_1144] : memref<16x3968xf32, #tpu.memory_space<vmem>> -> memref<16x2048xf32, #tpu.memory_space<vmem>>
    %dma_wait3A_1146 = arith.constant 0 : i32
    %dma_wait3A_1147 = arith.constant 0 : i32
    %dma_wait3A_1148 = tpu.memref_slice %arg3[%dma_wait3A_1141, %dma_wait3A_1142, %dma_wait3A_1146, %dma_wait3A_1147] : memref<1x16x2048x2048xf32, #tpu.memory_space<hbm>> -> memref<1x1x16x2048xf32, #tpu.memory_space<hbm>>
    %dma_wait3A_1149 = tpu.memref_squeeze %dma_wait3A_1148 : memref<1x1x16x2048xf32, #tpu.memory_space<hbm>> -> memref<16x2048xf32, #tpu.memory_space<hbm>>
    %dma_wait3A_1150 = arith.constant 0 : i32
    %dma_wait3A_1151 = arith.constant 0 : i32
    %dma_wait3A_1152 = tpu.memref_slice %arg3[%dma_wait3A_1141, %dma_wait3A_1142, %dma_wait3A_1150, %dma_wait3A_1151] : memref<1x16x2048x2048xf32, #tpu.memory_space<hbm>> -> memref<1x1x16x2048xf32, #tpu.memory_space<hbm>>
    %dma_wait3A_1153 = tpu.memref_squeeze %dma_wait3A_1152 : memref<1x1x16x2048xf32, #tpu.memory_space<hbm>> -> memref<16x2048xf32, #tpu.memory_space<hbm>>
    %dma_wait3A_1154 = arith.constant 0 : i32
    %dma_wait3A_1155 = arith.constant 0 : i32
    %dma_wait3A_1156 = tpu.memref_slice %arg6[%dma_wait3A_1154, %dma_wait3A_1155] : memref<16x3968xf32, #tpu.memory_space<vmem>> -> memref<16x2048xf32, #tpu.memory_space<vmem>>
    tpu.wait_dma2 semaphore(%arg8 : memref<!tpu.dma_semaphore, #tpu.memory_space<semaphore_mem>>) src(%dma_wait3A_1156 : memref<16x2048xf32, #tpu.memory_space<vmem>>) dst(%dma_wait3A_1153 : memref<16x2048xf32, #tpu.memory_space<hbm>>)
    %dma_wait3A_1157 = arith.constant 0 : i32
    %dma_wait3A_1158 = arith.constant 0 : i32
    %dma_wait3A_1159 = arith.constant 0 : i32
    %dma_wait3A_1160 = arith.constant 0 : i32
    %dma_wait3A_1161 = tpu.memref_slice %arg6[%dma_wait3A_1159, %dma_wait3A_1160] : memref<16x3968xf32, #tpu.memory_space<vmem>> -> memref<16x2048xf32, #tpu.memory_space<vmem>>
    %dma_wait3A_1162 = arith.constant 0 : i32
    %dma_wait3A_1163 = arith.constant 0 : i32
    %dma_wait3A_1164 = tpu.memref_slice %arg3[%dma_wait3A_1157, %dma_wait3A_1158, %dma_wait3A_1162, %dma_wait3A_1163] : memref<1x16x2048x2048xf32, #tpu.memory_space<hbm>> -> memref<1x1x16x2048xf32, #tpu.memory_space<hbm>>
    %dma_wait3A_1165 = tpu.memref_squeeze %dma_wait3A_1164 : memref<1x1x16x2048xf32, #tpu.memory_space<hbm>> -> memref<16x2048xf32, #tpu.memory_space<hbm>>
    %dma_wait3A_1166 = arith.constant 0 : i32
    %dma_wait3A_1167 = arith.constant 0 : i32
    %dma_wait3A_1168 = tpu.memref_slice %arg3[%dma_wait3A_1157, %dma_wait3A_1158, %dma_wait3A_1166, %dma_wait3A_1167] : memref<1x16x2048x2048xf32, #tpu.memory_space<hbm>> -> memref<1x1x16x2048xf32, #tpu.memory_space<hbm>>
    %dma_wait3A_1169 = tpu.memref_squeeze %dma_wait3A_1168 : memref<1x1x16x2048xf32, #tpu.memory_space<hbm>> -> memref<16x2048xf32, #tpu.memory_space<hbm>>
    %dma_wait3A_1170 = arith.constant 0 : i32
    %dma_wait3A_1171 = arith.constant 0 : i32
    %dma_wait3A_1172 = tpu.memref_slice %arg6[%dma_wait3A_1170, %dma_wait3A_1171] : memref<16x3968xf32, #tpu.memory_space<vmem>> -> memref<16x2048xf32, #tpu.memory_space<vmem>>
    tpu.wait_dma2 semaphore(%arg8 : memref<!tpu.dma_semaphore, #tpu.memory_space<semaphore_mem>>) src(%dma_wait3A_1172 : memref<16x2048xf32, #tpu.memory_space<vmem>>) dst(%dma_wait3A_1169 : memref<16x2048xf32, #tpu.memory_space<hbm>>)
    %dma_wait3A_1173 = arith.constant 0 : i32
    %dma_wait3A_1174 = arith.constant 0 : i32
    %dma_wait3A_1175 = arith.constant 0 : i32
    %dma_wait3A_1176 = arith.constant 0 : i32
    %dma_wait3A_1177 = tpu.memref_slice %arg6[%dma_wait3A_1175, %dma_wait3A_1176] : memref<16x3968xf32, #tpu.memory_space<vmem>> -> memref<16x2048xf32, #tpu.memory_space<vmem>>
    %dma_wait3A_1178 = arith.constant 0 : i32
    %dma_wait3A_1179 = arith.constant 0 : i32
    %dma_wait3A_1180 = tpu.memref_slice %arg3[%dma_wait3A_1173, %dma_wait3A_1174, %dma_wait3A_1178, %dma_wait3A_1179] : memref<1x16x2048x2048xf32, #tpu.memory_space<hbm>> -> memref<1x1x16x2048xf32, #tpu.memory_space<hbm>>
    %dma_wait3A_1181 = tpu.memref_squeeze %dma_wait3A_1180 : memref<1x1x16x2048xf32, #tpu.memory_space<hbm>> -> memref<16x2048xf32, #tpu.memory_space<hbm>>
    %dma_wait3A_1182 = arith.constant 0 : i32
    %dma_wait3A_1183 = arith.constant 0 : i32
    %dma_wait3A_1184 = tpu.memref_slice %arg3[%dma_wait3A_1173, %dma_wait3A_1174, %dma_wait3A_1182, %dma_wait3A_1183] : memref<1x16x2048x2048xf32, #tpu.memory_space<hbm>> -> memref<1x1x16x2048xf32, #tpu.memory_space<hbm>>
    %dma_wait3A_1185 = tpu.memref_squeeze %dma_wait3A_1184 : memref<1x1x16x2048xf32, #tpu.memory_space<hbm>> -> memref<16x2048xf32, #tpu.memory_space<hbm>>
    %dma_wait3A_1186 = arith.constant 0 : i32
    %dma_wait3A_1187 = arith.constant 0 : i32
    %dma_wait3A_1188 = tpu.memref_slice %arg6[%dma_wait3A_1186, %dma_wait3A_1187] : memref<16x3968xf32, #tpu.memory_space<vmem>> -> memref<16x2048xf32, #tpu.memory_space<vmem>>
    tpu.wait_dma2 semaphore(%arg8 : memref<!tpu.dma_semaphore, #tpu.memory_space<semaphore_mem>>) src(%dma_wait3A_1188 : memref<16x2048xf32, #tpu.memory_space<vmem>>) dst(%dma_wait3A_1185 : memref<16x2048xf32, #tpu.memory_space<hbm>>)
    %dma_wait3A_1189 = arith.constant 0 : i32
    %dma_wait3A_1190 = arith.constant 0 : i32
    %dma_wait3A_1191 = arith.constant 0 : i32
    %dma_wait3A_1192 = arith.constant 0 : i32
    %dma_wait3A_1193 = tpu.memref_slice %arg6[%dma_wait3A_1191, %dma_wait3A_1192] : memref<16x3968xf32, #tpu.memory_space<vmem>> -> memref<16x2048xf32, #tpu.memory_space<vmem>>
    %dma_wait3A_1194 = arith.constant 0 : i32
    %dma_wait3A_1195 = arith.constant 0 : i32
    %dma_wait3A_1196 = tpu.memref_slice %arg3[%dma_wait3A_1189, %dma_wait3A_1190, %dma_wait3A_1194, %dma_wait3A_1195] : memref<1x16x2048x2048xf32, #tpu.memory_space<hbm>> -> memref<1x1x16x2048xf32, #tpu.memory_space<hbm>>
    %dma_wait3A_1197 = tpu.memref_squeeze %dma_wait3A_1196 : memref<1x1x16x2048xf32, #tpu.memory_space<hbm>> -> memref<16x2048xf32, #tpu.memory_space<hbm>>
    %dma_wait3A_1198 = arith.constant 0 : i32
    %dma_wait3A_1199 = arith.constant 0 : i32
    %dma_wait3A_1200 = tpu.memref_slice %arg3[%dma_wait3A_1189, %dma_wait3A_1190, %dma_wait3A_1198, %dma_wait3A_1199] : memref<1x16x2048x2048xf32, #tpu.memory_space<hbm>> -> memref<1x1x16x2048xf32, #tpu.memory_space<hbm>>
    %dma_wait3A_1201 = tpu.memref_squeeze %dma_wait3A_1200 : memref<1x1x16x2048xf32, #tpu.memory_space<hbm>> -> memref<16x2048xf32, #tpu.memory_space<hbm>>
    %dma_wait3A_1202 = arith.constant 0 : i32
    %dma_wait3A_1203 = arith.constant 0 : i32
    %dma_wait3A_1204 = tpu.memref_slice %arg6[%dma_wait3A_1202, %dma_wait3A_1203] : memref<16x3968xf32, #tpu.memory_space<vmem>> -> memref<16x2048xf32, #tpu.memory_space<vmem>>
    tpu.wait_dma2 semaphore(%arg8 : memref<!tpu.dma_semaphore, #tpu.memory_space<semaphore_mem>>) src(%dma_wait3A_1204 : memref<16x2048xf32, #tpu.memory_space<vmem>>) dst(%dma_wait3A_1201 : memref<16x2048xf32, #tpu.memory_space<hbm>>)
    %dma_wait3A_1205 = arith.constant 0 : i32
    %dma_wait3A_1206 = arith.constant 0 : i32
    %dma_wait3A_1207 = arith.constant 0 : i32
    %dma_wait3A_1208 = arith.constant 0 : i32
    %dma_wait3A_1209 = tpu.memref_slice %arg6[%dma_wait3A_1207, %dma_wait3A_1208] : memref<16x3968xf32, #tpu.memory_space<vmem>> -> memref<16x2048xf32, #tpu.memory_space<vmem>>
    %dma_wait3A_1210 = arith.constant 0 : i32
    %dma_wait3A_1211 = arith.constant 0 : i32
    %dma_wait3A_1212 = tpu.memref_slice %arg3[%dma_wait3A_1205, %dma_wait3A_1206, %dma_wait3A_1210, %dma_wait3A_1211] : memref<1x16x2048x2048xf32, #tpu.memory_space<hbm>> -> memref<1x1x16x2048xf32, #tpu.memory_space<hbm>>
    %dma_wait3A_1213 = tpu.memref_squeeze %dma_wait3A_1212 : memref<1x1x16x2048xf32, #tpu.memory_space<hbm>> -> memref<16x2048xf32, #tpu.memory_space<hbm>>
    %dma_wait3A_1214 = arith.constant 0 : i32
    %dma_wait3A_1215 = arith.constant 0 : i32
    %dma_wait3A_1216 = tpu.memref_slice %arg3[%dma_wait3A_1205, %dma_wait3A_1206, %dma_wait3A_1214, %dma_wait3A_1215] : memref<1x16x2048x2048xf32, #tpu.memory_space<hbm>> -> memref<1x1x16x2048xf32, #tpu.memory_space<hbm>>
    %dma_wait3A_1217 = tpu.memref_squeeze %dma_wait3A_1216 : memref<1x1x16x2048xf32, #tpu.memory_space<hbm>> -> memref<16x2048xf32, #tpu.memory_space<hbm>>
    %dma_wait3A_1218 = arith.constant 0 : i32
    %dma_wait3A_1219 = arith.constant 0 : i32
    %dma_wait3A_1220 = tpu.memref_slice %arg6[%dma_wait3A_1218, %dma_wait3A_1219] : memref<16x3968xf32, #tpu.memory_space<vmem>> -> memref<16x2048xf32, #tpu.memory_space<vmem>>
    tpu.wait_dma2 semaphore(%arg8 : memref<!tpu.dma_semaphore, #tpu.memory_space<semaphore_mem>>) src(%dma_wait3A_1220 : memref<16x2048xf32, #tpu.memory_space<vmem>>) dst(%dma_wait3A_1217 : memref<16x2048xf32, #tpu.memory_space<hbm>>)
    %dma_wait3A_1221 = arith.constant 0 : i32
    %dma_wait3A_1222 = arith.constant 0 : i32
    %dma_wait3A_1223 = arith.constant 0 : i32
    %dma_wait3A_1224 = arith.constant 0 : i32
    %dma_wait3A_1225 = tpu.memref_slice %arg6[%dma_wait3A_1223, %dma_wait3A_1224] : memref<16x3968xf32, #tpu.memory_space<vmem>> -> memref<16x2048xf32, #tpu.memory_space<vmem>>
    %dma_wait3A_1226 = arith.constant 0 : i32
    %dma_wait3A_1227 = arith.constant 0 : i32
    %dma_wait3A_1228 = tpu.memref_slice %arg3[%dma_wait3A_1221, %dma_wait3A_1222, %dma_wait3A_1226, %dma_wait3A_1227] : memref<1x16x2048x2048xf32, #tpu.memory_space<hbm>> -> memref<1x1x16x2048xf32, #tpu.memory_space<hbm>>
    %dma_wait3A_1229 = tpu.memref_squeeze %dma_wait3A_1228 : memref<1x1x16x2048xf32, #tpu.memory_space<hbm>> -> memref<16x2048xf32, #tpu.memory_space<hbm>>
    %dma_wait3A_1230 = arith.constant 0 : i32
    %dma_wait3A_1231 = arith.constant 0 : i32
    %dma_wait3A_1232 = tpu.memref_slice %arg3[%dma_wait3A_1221, %dma_wait3A_1222, %dma_wait3A_1230, %dma_wait3A_1231] : memref<1x16x2048x2048xf32, #tpu.memory_space<hbm>> -> memref<1x1x16x2048xf32, #tpu.memory_space<hbm>>
    %dma_wait3A_1233 = tpu.memref_squeeze %dma_wait3A_1232 : memref<1x1x16x2048xf32, #tpu.memory_space<hbm>> -> memref<16x2048xf32, #tpu.memory_space<hbm>>
    %dma_wait3A_1234 = arith.constant 0 : i32
    %dma_wait3A_1235 = arith.constant 0 : i32
    %dma_wait3A_1236 = tpu.memref_slice %arg6[%dma_wait3A_1234, %dma_wait3A_1235] : memref<16x3968xf32, #tpu.memory_space<vmem>> -> memref<16x2048xf32, #tpu.memory_space<vmem>>
    tpu.wait_dma2 semaphore(%arg8 : memref<!tpu.dma_semaphore, #tpu.memory_space<semaphore_mem>>) src(%dma_wait3A_1236 : memref<16x2048xf32, #tpu.memory_space<vmem>>) dst(%dma_wait3A_1233 : memref<16x2048xf32, #tpu.memory_space<hbm>>)
    %dma_wait3A_1237 = arith.constant 0 : i32
    %dma_wait3A_1238 = arith.constant 0 : i32
    %dma_wait3A_1239 = arith.constant 0 : i32
    %dma_wait3A_1240 = arith.constant 0 : i32
    %dma_wait3A_1241 = tpu.memref_slice %arg6[%dma_wait3A_1239, %dma_wait3A_1240] : memref<16x3968xf32, #tpu.memory_space<vmem>> -> memref<16x2048xf32, #tpu.memory_space<vmem>>
    %dma_wait3A_1242 = arith.constant 0 : i32
    %dma_wait3A_1243 = arith.constant 0 : i32
    %dma_wait3A_1244 = tpu.memref_slice %arg3[%dma_wait3A_1237, %dma_wait3A_1238, %dma_wait3A_1242, %dma_wait3A_1243] : memref<1x16x2048x2048xf32, #tpu.memory_space<hbm>> -> memref<1x1x16x2048xf32, #tpu.memory_space<hbm>>
    %dma_wait3A_1245 = tpu.memref_squeeze %dma_wait3A_1244 : memref<1x1x16x2048xf32, #tpu.memory_space<hbm>> -> memref<16x2048xf32, #tpu.memory_space<hbm>>
    %dma_wait3A_1246 = arith.constant 0 : i32
    %dma_wait3A_1247 = arith.constant 0 : i32
    %dma_wait3A_1248 = tpu.memref_slice %arg3[%dma_wait3A_1237, %dma_wait3A_1238, %dma_wait3A_1246, %dma_wait3A_1247] : memref<1x16x2048x2048xf32, #tpu.memory_space<hbm>> -> memref<1x1x16x2048xf32, #tpu.memory_space<hbm>>
    %dma_wait3A_1249 = tpu.memref_squeeze %dma_wait3A_1248 : memref<1x1x16x2048xf32, #tpu.memory_space<hbm>> -> memref<16x2048xf32, #tpu.memory_space<hbm>>
    %dma_wait3A_1250 = arith.constant 0 : i32
    %dma_wait3A_1251 = arith.constant 0 : i32
    %dma_wait3A_1252 = tpu.memref_slice %arg6[%dma_wait3A_1250, %dma_wait3A_1251] : memref<16x3968xf32, #tpu.memory_space<vmem>> -> memref<16x2048xf32, #tpu.memory_space<vmem>>
    tpu.wait_dma2 semaphore(%arg8 : memref<!tpu.dma_semaphore, #tpu.memory_space<semaphore_mem>>) src(%dma_wait3A_1252 : memref<16x2048xf32, #tpu.memory_space<vmem>>) dst(%dma_wait3A_1249 : memref<16x2048xf32, #tpu.memory_space<hbm>>)
    %dma_wait3A_1253 = arith.constant 0 : i32
    %dma_wait3A_1254 = arith.constant 0 : i32
    %dma_wait3A_1255 = arith.constant 0 : i32
    %dma_wait3A_1256 = arith.constant 0 : i32
    %dma_wait3A_1257 = tpu.memref_slice %arg6[%dma_wait3A_1255, %dma_wait3A_1256] : memref<16x3968xf32, #tpu.memory_space<vmem>> -> memref<16x2048xf32, #tpu.memory_space<vmem>>
    %dma_wait3A_1258 = arith.constant 0 : i32
    %dma_wait3A_1259 = arith.constant 0 : i32
    %dma_wait3A_1260 = tpu.memref_slice %arg3[%dma_wait3A_1253, %dma_wait3A_1254, %dma_wait3A_1258, %dma_wait3A_1259] : memref<1x16x2048x2048xf32, #tpu.memory_space<hbm>> -> memref<1x1x16x2048xf32, #tpu.memory_space<hbm>>
    %dma_wait3A_1261 = tpu.memref_squeeze %dma_wait3A_1260 : memref<1x1x16x2048xf32, #tpu.memory_space<hbm>> -> memref<16x2048xf32, #tpu.memory_space<hbm>>
    %dma_wait3A_1262 = arith.constant 0 : i32
    %dma_wait3A_1263 = arith.constant 0 : i32
    %dma_wait3A_1264 = tpu.memref_slice %arg3[%dma_wait3A_1253, %dma_wait3A_1254, %dma_wait3A_1262, %dma_wait3A_1263] : memref<1x16x2048x2048xf32, #tpu.memory_space<hbm>> -> memref<1x1x16x2048xf32, #tpu.memory_space<hbm>>
    %dma_wait3A_1265 = tpu.memref_squeeze %dma_wait3A_1264 : memref<1x1x16x2048xf32, #tpu.memory_space<hbm>> -> memref<16x2048xf32, #tpu.memory_space<hbm>>
    %dma_wait3A_1266 = arith.constant 0 : i32
    %dma_wait3A_1267 = arith.constant 0 : i32
    %dma_wait3A_1268 = tpu.memref_slice %arg6[%dma_wait3A_1266, %dma_wait3A_1267] : memref<16x3968xf32, #tpu.memory_space<vmem>> -> memref<16x2048xf32, #tpu.memory_space<vmem>>
    tpu.wait_dma2 semaphore(%arg8 : memref<!tpu.dma_semaphore, #tpu.memory_space<semaphore_mem>>) src(%dma_wait3A_1268 : memref<16x2048xf32, #tpu.memory_space<vmem>>) dst(%dma_wait3A_1265 : memref<16x2048xf32, #tpu.memory_space<hbm>>)
    %dma_wait3A_1269 = arith.constant 0 : i32
    %dma_wait3A_1270 = arith.constant 0 : i32
    %dma_wait3A_1271 = arith.constant 0 : i32
    %dma_wait3A_1272 = arith.constant 0 : i32
    %dma_wait3A_1273 = tpu.memref_slice %arg6[%dma_wait3A_1271, %dma_wait3A_1272] : memref<16x3968xf32, #tpu.memory_space<vmem>> -> memref<16x2048xf32, #tpu.memory_space<vmem>>
    %dma_wait3A_1274 = arith.constant 0 : i32
    %dma_wait3A_1275 = arith.constant 0 : i32
    %dma_wait3A_1276 = tpu.memref_slice %arg3[%dma_wait3A_1269, %dma_wait3A_1270, %dma_wait3A_1274, %dma_wait3A_1275] : memref<1x16x2048x2048xf32, #tpu.memory_space<hbm>> -> memref<1x1x16x2048xf32, #tpu.memory_space<hbm>>
    %dma_wait3A_1277 = tpu.memref_squeeze %dma_wait3A_1276 : memref<1x1x16x2048xf32, #tpu.memory_space<hbm>> -> memref<16x2048xf32, #tpu.memory_space<hbm>>
    %dma_wait3A_1278 = arith.constant 0 : i32
    %dma_wait3A_1279 = arith.constant 0 : i32
    %dma_wait3A_1280 = tpu.memref_slice %arg3[%dma_wait3A_1269, %dma_wait3A_1270, %dma_wait3A_1278, %dma_wait3A_1279] : memref<1x16x2048x2048xf32, #tpu.memory_space<hbm>> -> memref<1x1x16x2048xf32, #tpu.memory_space<hbm>>
    %dma_wait3A_1281 = tpu.memref_squeeze %dma_wait3A_1280 : memref<1x1x16x2048xf32, #tpu.memory_space<hbm>> -> memref<16x2048xf32, #tpu.memory_space<hbm>>
    %dma_wait3A_1282 = arith.constant 0 : i32
    %dma_wait3A_1283 = arith.constant 0 : i32
    %dma_wait3A_1284 = tpu.memref_slice %arg6[%dma_wait3A_1282, %dma_wait3A_1283] : memref<16x3968xf32, #tpu.memory_space<vmem>> -> memref<16x2048xf32, #tpu.memory_space<vmem>>
    tpu.wait_dma2 semaphore(%arg8 : memref<!tpu.dma_semaphore, #tpu.memory_space<semaphore_mem>>) src(%dma_wait3A_1284 : memref<16x2048xf32, #tpu.memory_space<vmem>>) dst(%dma_wait3A_1281 : memref<16x2048xf32, #tpu.memory_space<hbm>>)
    %dma_wait3A_1285 = arith.constant 0 : i32
    %dma_wait3A_1286 = arith.constant 0 : i32
    %dma_wait3A_1287 = arith.constant 0 : i32
    %dma_wait3A_1288 = arith.constant 0 : i32
    %dma_wait3A_1289 = tpu.memref_slice %arg6[%dma_wait3A_1287, %dma_wait3A_1288] : memref<16x3968xf32, #tpu.memory_space<vmem>> -> memref<16x2048xf32, #tpu.memory_space<vmem>>
    %dma_wait3A_1290 = arith.constant 0 : i32
    %dma_wait3A_1291 = arith.constant 0 : i32
    %dma_wait3A_1292 = tpu.memref_slice %arg3[%dma_wait3A_1285, %dma_wait3A_1286, %dma_wait3A_1290, %dma_wait3A_1291] : memref<1x16x2048x2048xf32, #tpu.memory_space<hbm>> -> memref<1x1x16x2048xf32, #tpu.memory_space<hbm>>
    %dma_wait3A_1293 = tpu.memref_squeeze %dma_wait3A_1292 : memref<1x1x16x2048xf32, #tpu.memory_space<hbm>> -> memref<16x2048xf32, #tpu.memory_space<hbm>>
    %dma_wait3A_1294 = arith.constant 0 : i32
    %dma_wait3A_1295 = arith.constant 0 : i32
    %dma_wait3A_1296 = tpu.memref_slice %arg3[%dma_wait3A_1285, %dma_wait3A_1286, %dma_wait3A_1294, %dma_wait3A_1295] : memref<1x16x2048x2048xf32, #tpu.memory_space<hbm>> -> memref<1x1x16x2048xf32, #tpu.memory_space<hbm>>
    %dma_wait3A_1297 = tpu.memref_squeeze %dma_wait3A_1296 : memref<1x1x16x2048xf32, #tpu.memory_space<hbm>> -> memref<16x2048xf32, #tpu.memory_space<hbm>>
    %dma_wait3A_1298 = arith.constant 0 : i32
    %dma_wait3A_1299 = arith.constant 0 : i32
    %dma_wait3A_1300 = tpu.memref_slice %arg6[%dma_wait3A_1298, %dma_wait3A_1299] : memref<16x3968xf32, #tpu.memory_space<vmem>> -> memref<16x2048xf32, #tpu.memory_space<vmem>>
    tpu.wait_dma2 semaphore(%arg8 : memref<!tpu.dma_semaphore, #tpu.memory_space<semaphore_mem>>) src(%dma_wait3A_1300 : memref<16x2048xf32, #tpu.memory_space<vmem>>) dst(%dma_wait3A_1297 : memref<16x2048xf32, #tpu.memory_space<hbm>>)
    %dma_wait3A_1301 = arith.constant 0 : i32
    %dma_wait3A_1302 = arith.constant 0 : i32
    %dma_wait3A_1303 = arith.constant 0 : i32
    %dma_wait3A_1304 = arith.constant 0 : i32
    %dma_wait3A_1305 = tpu.memref_slice %arg6[%dma_wait3A_1303, %dma_wait3A_1304] : memref<16x3968xf32, #tpu.memory_space<vmem>> -> memref<16x2048xf32, #tpu.memory_space<vmem>>
    %dma_wait3A_1306 = arith.constant 0 : i32
    %dma_wait3A_1307 = arith.constant 0 : i32
    %dma_wait3A_1308 = tpu.memref_slice %arg3[%dma_wait3A_1301, %dma_wait3A_1302, %dma_wait3A_1306, %dma_wait3A_1307] : memref<1x16x2048x2048xf32, #tpu.memory_space<hbm>> -> memref<1x1x16x2048xf32, #tpu.memory_space<hbm>>
    %dma_wait3A_1309 = tpu.memref_squeeze %dma_wait3A_1308 : memref<1x1x16x2048xf32, #tpu.memory_space<hbm>> -> memref<16x2048xf32, #tpu.memory_space<hbm>>
    %dma_wait3A_1310 = arith.constant 0 : i32
    %dma_wait3A_1311 = arith.constant 0 : i32
    %dma_wait3A_1312 = tpu.memref_slice %arg3[%dma_wait3A_1301, %dma_wait3A_1302, %dma_wait3A_1310, %dma_wait3A_1311] : memref<1x16x2048x2048xf32, #tpu.memory_space<hbm>> -> memref<1x1x16x2048xf32, #tpu.memory_space<hbm>>
    %dma_wait3A_1313 = tpu.memref_squeeze %dma_wait3A_1312 : memref<1x1x16x2048xf32, #tpu.memory_space<hbm>> -> memref<16x2048xf32, #tpu.memory_space<hbm>>
    %dma_wait3A_1314 = arith.constant 0 : i32
    %dma_wait3A_1315 = arith.constant 0 : i32
    %dma_wait3A_1316 = tpu.memref_slice %arg6[%dma_wait3A_1314, %dma_wait3A_1315] : memref<16x3968xf32, #tpu.memory_space<vmem>> -> memref<16x2048xf32, #tpu.memory_space<vmem>>
    tpu.wait_dma2 semaphore(%arg8 : memref<!tpu.dma_semaphore, #tpu.memory_space<semaphore_mem>>) src(%dma_wait3A_1316 : memref<16x2048xf32, #tpu.memory_space<vmem>>) dst(%dma_wait3A_1313 : memref<16x2048xf32, #tpu.memory_space<hbm>>)
    %dma_wait3A_1317 = arith.constant 0 : i32
    %dma_wait3A_1318 = arith.constant 0 : i32
    %dma_wait3A_1319 = arith.constant 0 : i32
    %dma_wait3A_1320 = arith.constant 0 : i32
    %dma_wait3A_1321 = tpu.memref_slice %arg6[%dma_wait3A_1319, %dma_wait3A_1320] : memref<16x3968xf32, #tpu.memory_space<vmem>> -> memref<16x2048xf32, #tpu.memory_space<vmem>>
    %dma_wait3A_1322 = arith.constant 0 : i32
    %dma_wait3A_1323 = arith.constant 0 : i32
    %dma_wait3A_1324 = tpu.memref_slice %arg3[%dma_wait3A_1317, %dma_wait3A_1318, %dma_wait3A_1322, %dma_wait3A_1323] : memref<1x16x2048x2048xf32, #tpu.memory_space<hbm>> -> memref<1x1x16x2048xf32, #tpu.memory_space<hbm>>
    %dma_wait3A_1325 = tpu.memref_squeeze %dma_wait3A_1324 : memref<1x1x16x2048xf32, #tpu.memory_space<hbm>> -> memref<16x2048xf32, #tpu.memory_space<hbm>>
    %dma_wait3A_1326 = arith.constant 0 : i32
    %dma_wait3A_1327 = arith.constant 0 : i32
    %dma_wait3A_1328 = tpu.memref_slice %arg3[%dma_wait3A_1317, %dma_wait3A_1318, %dma_wait3A_1326, %dma_wait3A_1327] : memref<1x16x2048x2048xf32, #tpu.memory_space<hbm>> -> memref<1x1x16x2048xf32, #tpu.memory_space<hbm>>
    %dma_wait3A_1329 = tpu.memref_squeeze %dma_wait3A_1328 : memref<1x1x16x2048xf32, #tpu.memory_space<hbm>> -> memref<16x2048xf32, #tpu.memory_space<hbm>>
    %dma_wait3A_1330 = arith.constant 0 : i32
    %dma_wait3A_1331 = arith.constant 0 : i32
    %dma_wait3A_1332 = tpu.memref_slice %arg6[%dma_wait3A_1330, %dma_wait3A_1331] : memref<16x3968xf32, #tpu.memory_space<vmem>> -> memref<16x2048xf32, #tpu.memory_space<vmem>>
    tpu.wait_dma2 semaphore(%arg8 : memref<!tpu.dma_semaphore, #tpu.memory_space<semaphore_mem>>) src(%dma_wait3A_1332 : memref<16x2048xf32, #tpu.memory_space<vmem>>) dst(%dma_wait3A_1329 : memref<16x2048xf32, #tpu.memory_space<hbm>>)
    %dma_wait3A_1333 = arith.constant 0 : i32
    %dma_wait3A_1334 = arith.constant 0 : i32
    %dma_wait3A_1335 = arith.constant 0 : i32
    %dma_wait3A_1336 = arith.constant 0 : i32
    %dma_wait3A_1337 = tpu.memref_slice %arg6[%dma_wait3A_1335, %dma_wait3A_1336] : memref<16x3968xf32, #tpu.memory_space<vmem>> -> memref<16x2048xf32, #tpu.memory_space<vmem>>
    %dma_wait3A_1338 = arith.constant 0 : i32
    %dma_wait3A_1339 = arith.constant 0 : i32
    %dma_wait3A_1340 = tpu.memref_slice %arg3[%dma_wait3A_1333, %dma_wait3A_1334, %dma_wait3A_1338, %dma_wait3A_1339] : memref<1x16x2048x2048xf32, #tpu.memory_space<hbm>> -> memref<1x1x16x2048xf32, #tpu.memory_space<hbm>>
    %dma_wait3A_1341 = tpu.memref_squeeze %dma_wait3A_1340 : memref<1x1x16x2048xf32, #tpu.memory_space<hbm>> -> memref<16x2048xf32, #tpu.memory_space<hbm>>
    %dma_wait3A_1342 = arith.constant 0 : i32
    %dma_wait3A_1343 = arith.constant 0 : i32
    %dma_wait3A_1344 = tpu.memref_slice %arg3[%dma_wait3A_1333, %dma_wait3A_1334, %dma_wait3A_1342, %dma_wait3A_1343] : memref<1x16x2048x2048xf32, #tpu.memory_space<hbm>> -> memref<1x1x16x2048xf32, #tpu.memory_space<hbm>>
    %dma_wait3A_1345 = tpu.memref_squeeze %dma_wait3A_1344 : memref<1x1x16x2048xf32, #tpu.memory_space<hbm>> -> memref<16x2048xf32, #tpu.memory_space<hbm>>
    %dma_wait3A_1346 = arith.constant 0 : i32
    %dma_wait3A_1347 = arith.constant 0 : i32
    %dma_wait3A_1348 = tpu.memref_slice %arg6[%dma_wait3A_1346, %dma_wait3A_1347] : memref<16x3968xf32, #tpu.memory_space<vmem>> -> memref<16x2048xf32, #tpu.memory_space<vmem>>
    tpu.wait_dma2 semaphore(%arg8 : memref<!tpu.dma_semaphore, #tpu.memory_space<semaphore_mem>>) src(%dma_wait3A_1348 : memref<16x2048xf32, #tpu.memory_space<vmem>>) dst(%dma_wait3A_1345 : memref<16x2048xf32, #tpu.memory_space<hbm>>)
    %scan3A_1349 = arith.constant 0 : i32
    %scan3A_1350 = arith.constant 248 : i32
    %scan3A_1351 = arith.addi %scan3A_1349, %scan3A_1350 : i32
    %scan3A_1352 = arith.constant 1 : i32
    scf.for %scan3A_2106 = %scan3A_1349 to %scan3A_1351 step %scan3A_1352  : i32 {
      %mul3A_2107 = arith.constant 1 : i32
      %mul3A_2108 = arith.muli %scan3A_2106, %mul3A_2107 : i32
      %add3A_2109 = arith.constant 0 : i32
      %add3A_2110 = arith.addi %add3A_2109, %mul3A_2108 : i32
      %mul3A_2111 = arith.constant 16 : i32
      %mul3A_2112 = arith.muli %add3A_2110, %mul3A_2111 : i32
      %sub3A_2113 = arith.constant 127 : i32
      %sub3A_2114 = arith.subi %sub3A_2113, %mul3A_1092 : i32
      %sub3A_2115 = arith.constant 0 : i32
      %sub3A_2116 = arith.subi %sub3A_2114, %sub3A_2115 : i32
      %add3A_2117 = arith.addi %mul3A_2112, %sub3A_2116 : i32
      %get3A = arith.index_cast %add3A_2117 : i32 to index
      %get3A_2118 = tpu.vector_load %arg4[%get3A] {strides = array<i32>} : memref<4096xf32, #tpu.memory_space<vmem>>, vector<16xf32>,
      %get3A_2119 = vector.shape_cast %get3A_2118 : vector<16xf32> to vector<16xf32>
      %swap3A = arith.constant 0 : i32
      %swap3A_2120 = arith.index_cast %swap3A : i32 to index
      %swap3A_2121 = arith.index_cast %mul3A_2112 : i32 to index
      %swap3A_2122 = tpu.vector_load %arg6[%swap3A_2120, %swap3A_2121] {strides = array<i32>} : memref<16x3968xf32, #tpu.memory_space<vmem>>, vector<1x16xf32>,
      %swap3A_2123 = vector.shape_cast %swap3A_2122 : vector<1x16xf32> to vector<16xf32>
      %swap3A_2124 = vector.shape_cast %get3A_2119 : vector<16xf32> to vector<1x16xf32>
      tpu.vector_store %arg6[%swap3A_2120, %swap3A_2121], %swap3A_2124 {strides = array<i32>} : memref<16x3968xf32, #tpu.memory_space<vmem>>, vector<1x16xf32>,
      %sub3A_2125 = arith.constant 127 : i32
      %sub3A_2126 = arith.subi %sub3A_2125, %mul3A_1092 : i32
      %sub3A_2127 = arith.constant 1 : i32
      %sub3A_2128 = arith.subi %sub3A_2126, %sub3A_2127 : i32
      %add3A_2129 = arith.addi %mul3A_2112, %sub3A_2128 : i32
      %get3A_2130 = arith.index_cast %add3A_2129 : i32 to index
      %get3A_2131 = tpu.vector_load %arg4[%get3A_2130] {strides = array<i32>} : memref<4096xf32, #tpu.memory_space<vmem>>, vector<16xf32>,
      %get3A_2132 = vector.shape_cast %get3A_2131 : vector<16xf32> to vector<16xf32>
      %swap3A_2133 = arith.constant 1 : i32
      %swap3A_2134 = arith.index_cast %swap3A_2133 : i32 to index
      %swap3A_2135 = arith.index_cast %mul3A_2112 : i32 to index
      %swap3A_2136 = tpu.vector_load %arg6[%swap3A_2134, %swap3A_2135] {strides = array<i32>} : memref<16x3968xf32, #tpu.memory_space<vmem>>, vector<1x16xf32>,
      %swap3A_2137 = vector.shape_cast %swap3A_2136 : vector<1x16xf32> to vector<16xf32>
      %swap3A_2138 = vector.shape_cast %get3A_2132 : vector<16xf32> to vector<1x16xf32>
      tpu.vector_store %arg6[%swap3A_2134, %swap3A_2135], %swap3A_2138 {strides = array<i32>} : memref<16x3968xf32, #tpu.memory_space<vmem>>, vector<1x16xf32>,
      %sub3A_2139 = arith.constant 127 : i32
      %sub3A_2140 = arith.subi %sub3A_2139, %mul3A_1092 : i32
      %sub3A_2141 = arith.constant 2 : i32
      %sub3A_2142 = arith.subi %sub3A_2140, %sub3A_2141 : i32
      %add3A_2143 = arith.addi %mul3A_2112, %sub3A_2142 : i32
      %get3A_2144 = arith.index_cast %add3A_2143 : i32 to index
      %get3A_2145 = tpu.vector_load %arg4[%get3A_2144] {strides = array<i32>} : memref<4096xf32, #tpu.memory_space<vmem>>, vector<16xf32>,
      %get3A_2146 = vector.shape_cast %get3A_2145 : vector<16xf32> to vector<16xf32>
      %swap3A_2147 = arith.constant 2 : i32
      %swap3A_2148 = arith.index_cast %swap3A_2147 : i32 to index
      %swap3A_2149 = arith.index_cast %mul3A_2112 : i32 to index
      %swap3A_2150 = tpu.vector_load %arg6[%swap3A_2148, %swap3A_2149] {strides = array<i32>} : memref<16x3968xf32, #tpu.memory_space<vmem>>, vector<1x16xf32>,
      %swap3A_2151 = vector.shape_cast %swap3A_2150 : vector<1x16xf32> to vector<16xf32>
      %swap3A_2152 = vector.shape_cast %get3A_2146 : vector<16xf32> to vector<1x16xf32>
      tpu.vector_store %arg6[%swap3A_2148, %swap3A_2149], %swap3A_2152 {strides = array<i32>} : memref<16x3968xf32, #tpu.memory_space<vmem>>, vector<1x16xf32>,
      %sub3A_2153 = arith.constant 127 : i32
      %sub3A_2154 = arith.subi %sub3A_2153, %mul3A_1092 : i32
      %sub3A_2155 = arith.constant 3 : i32
      %sub3A_2156 = arith.subi %sub3A_2154, %sub3A_2155 : i32
      %add3A_2157 = arith.addi %mul3A_2112, %sub3A_2156 : i32
      %get3A_2158 = arith.index_cast %add3A_2157 : i32 to index
      %get3A_2159 = tpu.vector_load %arg4[%get3A_2158] {strides = array<i32>} : memref<4096xf32, #tpu.memory_space<vmem>>, vector<16xf32>,
      %get3A_2160 = vector.shape_cast %get3A_2159 : vector<16xf32> to vector<16xf32>
      %swap3A_2161 = arith.constant 3 : i32
      %swap3A_2162 = arith.index_cast %swap3A_2161 : i32 to index
      %swap3A_2163 = arith.index_cast %mul3A_2112 : i32 to index
      %swap3A_2164 = tpu.vector_load %arg6[%swap3A_2162, %swap3A_2163] {strides = array<i32>} : memref<16x3968xf32, #tpu.memory_space<vmem>>, vector<1x16xf32>,
      %swap3A_2165 = vector.shape_cast %swap3A_2164 : vector<1x16xf32> to vector<16xf32>
      %swap3A_2166 = vector.shape_cast %get3A_2160 : vector<16xf32> to vector<1x16xf32>
      tpu.vector_store %arg6[%swap3A_2162, %swap3A_2163], %swap3A_2166 {strides = array<i32>} : memref<16x3968xf32, #tpu.memory_space<vmem>>, vector<1x16xf32>,
      %sub3A_2167 = arith.constant 127 : i32
      %sub3A_2168 = arith.subi %sub3A_2167, %mul3A_1092 : i32
      %sub3A_2169 = arith.constant 4 : i32
      %sub3A_2170 = arith.subi %sub3A_2168, %sub3A_2169 : i32
      %add3A_2171 = arith.addi %mul3A_2112, %sub3A_2170 : i32
      %get3A_2172 = arith.index_cast %add3A_2171 : i32 to index
      %get3A_2173 = tpu.vector_load %arg4[%get3A_2172] {strides = array<i32>} : memref<4096xf32, #tpu.memory_space<vmem>>, vector<16xf32>,
      %get3A_2174 = vector.shape_cast %get3A_2173 : vector<16xf32> to vector<16xf32>
      %swap3A_2175 = arith.constant 4 : i32
      %swap3A_2176 = arith.index_cast %swap3A_2175 : i32 to index
      %swap3A_2177 = arith.index_cast %mul3A_2112 : i32 to index
      %swap3A_2178 = tpu.vector_load %arg6[%swap3A_2176, %swap3A_2177] {strides = array<i32>} : memref<16x3968xf32, #tpu.memory_space<vmem>>, vector<1x16xf32>,
      %swap3A_2179 = vector.shape_cast %swap3A_2178 : vector<1x16xf32> to vector<16xf32>
      %swap3A_2180 = vector.shape_cast %get3A_2174 : vector<16xf32> to vector<1x16xf32>
      tpu.vector_store %arg6[%swap3A_2176, %swap3A_2177], %swap3A_2180 {strides = array<i32>} : memref<16x3968xf32, #tpu.memory_space<vmem>>, vector<1x16xf32>,
      %sub3A_2181 = arith.constant 127 : i32
      %sub3A_2182 = arith.subi %sub3A_2181, %mul3A_1092 : i32
      %sub3A_2183 = arith.constant 5 : i32
      %sub3A_2184 = arith.subi %sub3A_2182, %sub3A_2183 : i32
      %add3A_2185 = arith.addi %mul3A_2112, %sub3A_2184 : i32
      %get3A_2186 = arith.index_cast %add3A_2185 : i32 to index
      %get3A_2187 = tpu.vector_load %arg4[%get3A_2186] {strides = array<i32>} : memref<4096xf32, #tpu.memory_space<vmem>>, vector<16xf32>,
      %get3A_2188 = vector.shape_cast %get3A_2187 : vector<16xf32> to vector<16xf32>
      %swap3A_2189 = arith.constant 5 : i32
      %swap3A_2190 = arith.index_cast %swap3A_2189 : i32 to index
      %swap3A_2191 = arith.index_cast %mul3A_2112 : i32 to index
      %swap3A_2192 = tpu.vector_load %arg6[%swap3A_2190, %swap3A_2191] {strides = array<i32>} : memref<16x3968xf32, #tpu.memory_space<vmem>>, vector<1x16xf32>,
      %swap3A_2193 = vector.shape_cast %swap3A_2192 : vector<1x16xf32> to vector<16xf32>
      %swap3A_2194 = vector.shape_cast %get3A_2188 : vector<16xf32> to vector<1x16xf32>
      tpu.vector_store %arg6[%swap3A_2190, %swap3A_2191], %swap3A_2194 {strides = array<i32>} : memref<16x3968xf32, #tpu.memory_space<vmem>>, vector<1x16xf32>,
      %sub3A_2195 = arith.constant 127 : i32
      %sub3A_2196 = arith.subi %sub3A_2195, %mul3A_1092 : i32
      %sub3A_2197 = arith.constant 6 : i32
      %sub3A_2198 = arith.subi %sub3A_2196, %sub3A_2197 : i32
      %add3A_2199 = arith.addi %mul3A_2112, %sub3A_2198 : i32
      %get3A_2200 = arith.index_cast %add3A_2199 : i32 to index
      %get3A_2201 = tpu.vector_load %arg4[%get3A_2200] {strides = array<i32>} : memref<4096xf32, #tpu.memory_space<vmem>>, vector<16xf32>,
      %get3A_2202 = vector.shape_cast %get3A_2201 : vector<16xf32> to vector<16xf32>
      %swap3A_2203 = arith.constant 6 : i32
      %swap3A_2204 = arith.index_cast %swap3A_2203 : i32 to index
      %swap3A_2205 = arith.index_cast %mul3A_2112 : i32 to index
      %swap3A_2206 = tpu.vector_load %arg6[%swap3A_2204, %swap3A_2205] {strides = array<i32>} : memref<16x3968xf32, #tpu.memory_space<vmem>>, vector<1x16xf32>,
      %swap3A_2207 = vector.shape_cast %swap3A_2206 : vector<1x16xf32> to vector<16xf32>
      %swap3A_2208 = vector.shape_cast %get3A_2202 : vector<16xf32> to vector<1x16xf32>
      tpu.vector_store %arg6[%swap3A_2204, %swap3A_2205], %swap3A_2208 {strides = array<i32>} : memref<16x3968xf32, #tpu.memory_space<vmem>>, vector<1x16xf32>,
      %sub3A_2209 = arith.constant 127 : i32
      %sub3A_2210 = arith.subi %sub3A_2209, %mul3A_1092 : i32
      %sub3A_2211 = arith.constant 7 : i32
      %sub3A_2212 = arith.subi %sub3A_2210, %sub3A_2211 : i32
      %add3A_2213 = arith.addi %mul3A_2112, %sub3A_2212 : i32
      %get3A_2214 = arith.index_cast %add3A_2213 : i32 to index
      %get3A_2215 = tpu.vector_load %arg4[%get3A_2214] {strides = array<i32>} : memref<4096xf32, #tpu.memory_space<vmem>>, vector<16xf32>,
      %get3A_2216 = vector.shape_cast %get3A_2215 : vector<16xf32> to vector<16xf32>
      %swap3A_2217 = arith.constant 7 : i32
      %swap3A_2218 = arith.index_cast %swap3A_2217 : i32 to index
      %swap3A_2219 = arith.index_cast %mul3A_2112 : i32 to index
      %swap3A_2220 = tpu.vector_load %arg6[%swap3A_2218, %swap3A_2219] {strides = array<i32>} : memref<16x3968xf32, #tpu.memory_space<vmem>>, vector<1x16xf32>,
      %swap3A_2221 = vector.shape_cast %swap3A_2220 : vector<1x16xf32> to vector<16xf32>
      %swap3A_2222 = vector.shape_cast %get3A_2216 : vector<16xf32> to vector<1x16xf32>
      tpu.vector_store %arg6[%swap3A_2218, %swap3A_2219], %swap3A_2222 {strides = array<i32>} : memref<16x3968xf32, #tpu.memory_space<vmem>>, vector<1x16xf32>,
      %sub3A_2223 = arith.constant 127 : i32
      %sub3A_2224 = arith.subi %sub3A_2223, %mul3A_1092 : i32
      %sub3A_2225 = arith.constant 8 : i32
      %sub3A_2226 = arith.subi %sub3A_2224, %sub3A_2225 : i32
      %add3A_2227 = arith.addi %mul3A_2112, %sub3A_2226 : i32
      %get3A_2228 = arith.index_cast %add3A_2227 : i32 to index
      %get3A_2229 = tpu.vector_load %arg4[%get3A_2228] {strides = array<i32>} : memref<4096xf32, #tpu.memory_space<vmem>>, vector<16xf32>,
      %get3A_2230 = vector.shape_cast %get3A_2229 : vector<16xf32> to vector<16xf32>
      %swap3A_2231 = arith.constant 8 : i32
      %swap3A_2232 = arith.index_cast %swap3A_2231 : i32 to index
      %swap3A_2233 = arith.index_cast %mul3A_2112 : i32 to index
      %swap3A_2234 = tpu.vector_load %arg6[%swap3A_2232, %swap3A_2233] {strides = array<i32>} : memref<16x3968xf32, #tpu.memory_space<vmem>>, vector<1x16xf32>,
      %swap3A_2235 = vector.shape_cast %swap3A_2234 : vector<1x16xf32> to vector<16xf32>
      %swap3A_2236 = vector.shape_cast %get3A_2230 : vector<16xf32> to vector<1x16xf32>
      tpu.vector_store %arg6[%swap3A_2232, %swap3A_2233], %swap3A_2236 {strides = array<i32>} : memref<16x3968xf32, #tpu.memory_space<vmem>>, vector<1x16xf32>,
      %sub3A_2237 = arith.constant 127 : i32
      %sub3A_2238 = arith.subi %sub3A_2237, %mul3A_1092 : i32
      %sub3A_2239 = arith.constant 9 : i32
      %sub3A_2240 = arith.subi %sub3A_2238, %sub3A_2239 : i32
      %add3A_2241 = arith.addi %mul3A_2112, %sub3A_2240 : i32
      %get3A_2242 = arith.index_cast %add3A_2241 : i32 to index
      %get3A_2243 = tpu.vector_load %arg4[%get3A_2242] {strides = array<i32>} : memref<4096xf32, #tpu.memory_space<vmem>>, vector<16xf32>,
      %get3A_2244 = vector.shape_cast %get3A_2243 : vector<16xf32> to vector<16xf32>
      %swap3A_2245 = arith.constant 9 : i32
      %swap3A_2246 = arith.index_cast %swap3A_2245 : i32 to index
      %swap3A_2247 = arith.index_cast %mul3A_2112 : i32 to index
      %swap3A_2248 = tpu.vector_load %arg6[%swap3A_2246, %swap3A_2247] {strides = array<i32>} : memref<16x3968xf32, #tpu.memory_space<vmem>>, vector<1x16xf32>,
      %swap3A_2249 = vector.shape_cast %swap3A_2248 : vector<1x16xf32> to vector<16xf32>
      %swap3A_2250 = vector.shape_cast %get3A_2244 : vector<16xf32> to vector<1x16xf32>
      tpu.vector_store %arg6[%swap3A_2246, %swap3A_2247], %swap3A_2250 {strides = array<i32>} : memref<16x3968xf32, #tpu.memory_space<vmem>>, vector<1x16xf32>,
      %sub3A_2251 = arith.constant 127 : i32
      %sub3A_2252 = arith.subi %sub3A_2251, %mul3A_1092 : i32
      %sub3A_2253 = arith.constant 10 : i32
      %sub3A_2254 = arith.subi %sub3A_2252, %sub3A_2253 : i32
      %add3A_2255 = arith.addi %mul3A_2112, %sub3A_2254 : i32
      %get3A_2256 = arith.index_cast %add3A_2255 : i32 to index
      %get3A_2257 = tpu.vector_load %arg4[%get3A_2256] {strides = array<i32>} : memref<4096xf32, #tpu.memory_space<vmem>>, vector<16xf32>,
      %get3A_2258 = vector.shape_cast %get3A_2257 : vector<16xf32> to vector<16xf32>
      %swap3A_2259 = arith.constant 10 : i32
      %swap3A_2260 = arith.index_cast %swap3A_2259 : i32 to index
      %swap3A_2261 = arith.index_cast %mul3A_2112 : i32 to index
      %swap3A_2262 = tpu.vector_load %arg6[%swap3A_2260, %swap3A_2261] {strides = array<i32>} : memref<16x3968xf32, #tpu.memory_space<vmem>>, vector<1x16xf32>,
      %swap3A_2263 = vector.shape_cast %swap3A_2262 : vector<1x16xf32> to vector<16xf32>
      %swap3A_2264 = vector.shape_cast %get3A_2258 : vector<16xf32> to vector<1x16xf32>
      tpu.vector_store %arg6[%swap3A_2260, %swap3A_2261], %swap3A_2264 {strides = array<i32>} : memref<16x3968xf32, #tpu.memory_space<vmem>>, vector<1x16xf32>,
      %sub3A_2265 = arith.constant 127 : i32
      %sub3A_2266 = arith.subi %sub3A_2265, %mul3A_1092 : i32
      %sub3A_2267 = arith.constant 11 : i32
      %sub3A_2268 = arith.subi %sub3A_2266, %sub3A_2267 : i32
      %add3A_2269 = arith.addi %mul3A_2112, %sub3A_2268 : i32
      %get3A_2270 = arith.index_cast %add3A_2269 : i32 to index
      %get3A_2271 = tpu.vector_load %arg4[%get3A_2270] {strides = array<i32>} : memref<4096xf32, #tpu.memory_space<vmem>>, vector<16xf32>,
      %get3A_2272 = vector.shape_cast %get3A_2271 : vector<16xf32> to vector<16xf32>
      %swap3A_2273 = arith.constant 11 : i32
      %swap3A_2274 = arith.index_cast %swap3A_2273 : i32 to index
      %swap3A_2275 = arith.index_cast %mul3A_2112 : i32 to index
      %swap3A_2276 = tpu.vector_load %arg6[%swap3A_2274, %swap3A_2275] {strides = array<i32>} : memref<16x3968xf32, #tpu.memory_space<vmem>>, vector<1x16xf32>,
      %swap3A_2277 = vector.shape_cast %swap3A_2276 : vector<1x16xf32> to vector<16xf32>
      %swap3A_2278 = vector.shape_cast %get3A_2272 : vector<16xf32> to vector<1x16xf32>
      tpu.vector_store %arg6[%swap3A_2274, %swap3A_2275], %swap3A_2278 {strides = array<i32>} : memref<16x3968xf32, #tpu.memory_space<vmem>>, vector<1x16xf32>,
      %sub3A_2279 = arith.constant 127 : i32
      %sub3A_2280 = arith.subi %sub3A_2279, %mul3A_1092 : i32
      %sub3A_2281 = arith.constant 12 : i32
      %sub3A_2282 = arith.subi %sub3A_2280, %sub3A_2281 : i32
      %add3A_2283 = arith.addi %mul3A_2112, %sub3A_2282 : i32
      %get3A_2284 = arith.index_cast %add3A_2283 : i32 to index
      %get3A_2285 = tpu.vector_load %arg4[%get3A_2284] {strides = array<i32>} : memref<4096xf32, #tpu.memory_space<vmem>>, vector<16xf32>,
      %get3A_2286 = vector.shape_cast %get3A_2285 : vector<16xf32> to vector<16xf32>
      %swap3A_2287 = arith.constant 12 : i32
      %swap3A_2288 = arith.index_cast %swap3A_2287 : i32 to index
      %swap3A_2289 = arith.index_cast %mul3A_2112 : i32 to index
      %swap3A_2290 = tpu.vector_load %arg6[%swap3A_2288, %swap3A_2289] {strides = array<i32>} : memref<16x3968xf32, #tpu.memory_space<vmem>>, vector<1x16xf32>,
      %swap3A_2291 = vector.shape_cast %swap3A_2290 : vector<1x16xf32> to vector<16xf32>
      %swap3A_2292 = vector.shape_cast %get3A_2286 : vector<16xf32> to vector<1x16xf32>
      tpu.vector_store %arg6[%swap3A_2288, %swap3A_2289], %swap3A_2292 {strides = array<i32>} : memref<16x3968xf32, #tpu.memory_space<vmem>>, vector<1x16xf32>,
      %sub3A_2293 = arith.constant 127 : i32
      %sub3A_2294 = arith.subi %sub3A_2293, %mul3A_1092 : i32
      %sub3A_2295 = arith.constant 13 : i32
      %sub3A_2296 = arith.subi %sub3A_2294, %sub3A_2295 : i32
      %add3A_2297 = arith.addi %mul3A_2112, %sub3A_2296 : i32
      %get3A_2298 = arith.index_cast %add3A_2297 : i32 to index
      %get3A_2299 = tpu.vector_load %arg4[%get3A_2298] {strides = array<i32>} : memref<4096xf32, #tpu.memory_space<vmem>>, vector<16xf32>,
      %get3A_2300 = vector.shape_cast %get3A_2299 : vector<16xf32> to vector<16xf32>
      %swap3A_2301 = arith.constant 13 : i32
      %swap3A_2302 = arith.index_cast %swap3A_2301 : i32 to index
      %swap3A_2303 = arith.index_cast %mul3A_2112 : i32 to index
      %swap3A_2304 = tpu.vector_load %arg6[%swap3A_2302, %swap3A_2303] {strides = array<i32>} : memref<16x3968xf32, #tpu.memory_space<vmem>>, vector<1x16xf32>,
      %swap3A_2305 = vector.shape_cast %swap3A_2304 : vector<1x16xf32> to vector<16xf32>
      %swap3A_2306 = vector.shape_cast %get3A_2300 : vector<16xf32> to vector<1x16xf32>
      tpu.vector_store %arg6[%swap3A_2302, %swap3A_2303], %swap3A_2306 {strides = array<i32>} : memref<16x3968xf32, #tpu.memory_space<vmem>>, vector<1x16xf32>,
      %sub3A_2307 = arith.constant 127 : i32
      %sub3A_2308 = arith.subi %sub3A_2307, %mul3A_1092 : i32
      %sub3A_2309 = arith.constant 14 : i32
      %sub3A_2310 = arith.subi %sub3A_2308, %sub3A_2309 : i32
      %add3A_2311 = arith.addi %mul3A_2112, %sub3A_2310 : i32
      %get3A_2312 = arith.index_cast %add3A_2311 : i32 to index
      %get3A_2313 = tpu.vector_load %arg4[%get3A_2312] {strides = array<i32>} : memref<4096xf32, #tpu.memory_space<vmem>>, vector<16xf32>,
      %get3A_2314 = vector.shape_cast %get3A_2313 : vector<16xf32> to vector<16xf32>
      %swap3A_2315 = arith.constant 14 : i32
      %swap3A_2316 = arith.index_cast %swap3A_2315 : i32 to index
      %swap3A_2317 = arith.index_cast %mul3A_2112 : i32 to index
      %swap3A_2318 = tpu.vector_load %arg6[%swap3A_2316, %swap3A_2317] {strides = array<i32>} : memref<16x3968xf32, #tpu.memory_space<vmem>>, vector<1x16xf32>,
      %swap3A_2319 = vector.shape_cast %swap3A_2318 : vector<1x16xf32> to vector<16xf32>
      %swap3A_2320 = vector.shape_cast %get3A_2314 : vector<16xf32> to vector<1x16xf32>
      tpu.vector_store %arg6[%swap3A_2316, %swap3A_2317], %swap3A_2320 {strides = array<i32>} : memref<16x3968xf32, #tpu.memory_space<vmem>>, vector<1x16xf32>,
      %sub3A_2321 = arith.constant 127 : i32
      %sub3A_2322 = arith.subi %sub3A_2321, %mul3A_1092 : i32
      %sub3A_2323 = arith.constant 15 : i32
      %sub3A_2324 = arith.subi %sub3A_2322, %sub3A_2323 : i32
      %add3A_2325 = arith.addi %mul3A_2112, %sub3A_2324 : i32
      %get3A_2326 = arith.index_cast %add3A_2325 : i32 to index
      %get3A_2327 = tpu.vector_load %arg4[%get3A_2326] {strides = array<i32>} : memref<4096xf32, #tpu.memory_space<vmem>>, vector<16xf32>,
      %get3A_2328 = vector.shape_cast %get3A_2327 : vector<16xf32> to vector<16xf32>
      %swap3A_2329 = arith.constant 15 : i32
      %swap3A_2330 = arith.index_cast %swap3A_2329 : i32 to index
      %swap3A_2331 = arith.index_cast %mul3A_2112 : i32 to index
      %swap3A_2332 = tpu.vector_load %arg6[%swap3A_2330, %swap3A_2331] {strides = array<i32>} : memref<16x3968xf32, #tpu.memory_space<vmem>>, vector<1x16xf32>,
      %swap3A_2333 = vector.shape_cast %swap3A_2332 : vector<1x16xf32> to vector<16xf32>
      %swap3A_2334 = vector.shape_cast %get3A_2328 : vector<16xf32> to vector<1x16xf32>
      tpu.vector_store %arg6[%swap3A_2330, %swap3A_2331], %swap3A_2334 {strides = array<i32>} : memref<16x3968xf32, #tpu.memory_space<vmem>>, vector<1x16xf32>,
    }
    %scan3A_1353 = arith.constant 248 : i32
    %add3A_1354 = arith.constant 0 : i32
    %add3A_1355 = arith.addi %mul3A_1092, %add3A_1354 : i32
    %dma_start3A_1356 = arith.constant 0 : i32
    %dma_start3A_1357 = arith.constant 0 : i32
    %dma_start3A_1358 = arith.constant 1920 : i32
    %dma_start3A_1359 = tpu.memref_slice %arg6[%dma_start3A_1357, %dma_start3A_1358] : memref<16x3968xf32, #tpu.memory_space<vmem>> -> memref<16x2048xf32, #tpu.memory_space<vmem>>
    %dma_start3A_1360 = arith.constant 0 : i32
    %dma_start3A_1361 = tpu.memref_slice %arg3[%dma_start3A_1356, %select_n3A, %add3A_1355, %dma_start3A_1360] : memref<1x16x2048x2048xf32, #tpu.memory_space<hbm>> -> memref<1x1x16x2048xf32, #tpu.memory_space<hbm>>
    %dma_start3A_1362 = tpu.memref_squeeze %dma_start3A_1361 : memref<1x1x16x2048xf32, #tpu.memory_space<hbm>> -> memref<16x2048xf32, #tpu.memory_space<hbm>>
    %dma_start3A_1363 = arith.constant 0 : i32
    %dma_start3A_1364 = tpu.memref_slice %arg3[%dma_start3A_1356, %select_n3A, %add3A_1355, %dma_start3A_1363] : memref<1x16x2048x2048xf32, #tpu.memory_space<hbm>> -> memref<1x1x16x2048xf32, #tpu.memory_space<hbm>>
    %dma_start3A_1365 = tpu.memref_squeeze %dma_start3A_1364 : memref<1x1x16x2048xf32, #tpu.memory_space<hbm>> -> memref<16x2048xf32, #tpu.memory_space<hbm>>
    %dma_start3A_1366 = arith.constant 0 : i32
    %dma_start3A_1367 = arith.constant 1920 : i32
    %dma_start3A_1368 = tpu.memref_slice %arg6[%dma_start3A_1366, %dma_start3A_1367] : memref<16x3968xf32, #tpu.memory_space<vmem>> -> memref<16x2048xf32, #tpu.memory_space<vmem>>
    tpu.enqueue_dma source(%dma_start3A_1368 : memref<16x2048xf32, #tpu.memory_space<vmem>>) target(%dma_start3A_1365 : memref<16x2048xf32, #tpu.memory_space<hbm>>) target_semaphore(%arg8 : memref<!tpu.dma_semaphore, #tpu.memory_space<semaphore_mem>>)
    %add3A_1369 = arith.constant 128 : i32
    %add3A_1370 = arith.addi %mul3A_1092, %add3A_1369 : i32
    %dma_start3A_1371 = arith.constant 0 : i32
    %dma_start3A_1372 = arith.constant 0 : i32
    %dma_start3A_1373 = arith.constant 1792 : i32
    %dma_start3A_1374 = tpu.memref_slice %arg6[%dma_start3A_1372, %dma_start3A_1373] : memref<16x3968xf32, #tpu.memory_space<vmem>> -> memref<16x2048xf32, #tpu.memory_space<vmem>>
    %dma_start3A_1375 = arith.constant 0 : i32
    %dma_start3A_1376 = tpu.memref_slice %arg3[%dma_start3A_1371, %select_n3A, %add3A_1370, %dma_start3A_1375] : memref<1x16x2048x2048xf32, #tpu.memory_space<hbm>> -> memref<1x1x16x2048xf32, #tpu.memory_space<hbm>>
    %dma_start3A_1377 = tpu.memref_squeeze %dma_start3A_1376 : memref<1x1x16x2048xf32, #tpu.memory_space<hbm>> -> memref<16x2048xf32, #tpu.memory_space<hbm>>
    %dma_start3A_1378 = arith.constant 0 : i32
    %dma_start3A_1379 = tpu.memref_slice %arg3[%dma_start3A_1371, %select_n3A, %add3A_1370, %dma_start3A_1378] : memref<1x16x2048x2048xf32, #tpu.memory_space<hbm>> -> memref<1x1x16x2048xf32, #tpu.memory_space<hbm>>
    %dma_start3A_1380 = tpu.memref_squeeze %dma_start3A_1379 : memref<1x1x16x2048xf32, #tpu.memory_space<hbm>> -> memref<16x2048xf32, #tpu.memory_space<hbm>>
    %dma_start3A_1381 = arith.constant 0 : i32
    %dma_start3A_1382 = arith.constant 1792 : i32
    %dma_start3A_1383 = tpu.memref_slice %arg6[%dma_start3A_1381, %dma_start3A_1382] : memref<16x3968xf32, #tpu.memory_space<vmem>> -> memref<16x2048xf32, #tpu.memory_space<vmem>>
    tpu.enqueue_dma source(%dma_start3A_1383 : memref<16x2048xf32, #tpu.memory_space<vmem>>) target(%dma_start3A_1380 : memref<16x2048xf32, #tpu.memory_space<hbm>>) target_semaphore(%arg8 : memref<!tpu.dma_semaphore, #tpu.memory_space<semaphore_mem>>)
    %add3A_1384 = arith.constant 256 : i32
    %add3A_1385 = arith.addi %mul3A_1092, %add3A_1384 : i32
    %dma_start3A_1386 = arith.constant 0 : i32
    %dma_start3A_1387 = arith.constant 0 : i32
    %dma_start3A_1388 = arith.constant 1664 : i32
    %dma_start3A_1389 = tpu.memref_slice %arg6[%dma_start3A_1387, %dma_start3A_1388] : memref<16x3968xf32, #tpu.memory_space<vmem>> -> memref<16x2048xf32, #tpu.memory_space<vmem>>
    %dma_start3A_1390 = arith.constant 0 : i32
    %dma_start3A_1391 = tpu.memref_slice %arg3[%dma_start3A_1386, %select_n3A, %add3A_1385, %dma_start3A_1390] : memref<1x16x2048x2048xf32, #tpu.memory_space<hbm>> -> memref<1x1x16x2048xf32, #tpu.memory_space<hbm>>
    %dma_start3A_1392 = tpu.memref_squeeze %dma_start3A_1391 : memref<1x1x16x2048xf32, #tpu.memory_space<hbm>> -> memref<16x2048xf32, #tpu.memory_space<hbm>>
    %dma_start3A_1393 = arith.constant 0 : i32
    %dma_start3A_1394 = tpu.memref_slice %arg3[%dma_start3A_1386, %select_n3A, %add3A_1385, %dma_start3A_1393] : memref<1x16x2048x2048xf32, #tpu.memory_space<hbm>> -> memref<1x1x16x2048xf32, #tpu.memory_space<hbm>>
    %dma_start3A_1395 = tpu.memref_squeeze %dma_start3A_1394 : memref<1x1x16x2048xf32, #tpu.memory_space<hbm>> -> memref<16x2048xf32, #tpu.memory_space<hbm>>
    %dma_start3A_1396 = arith.constant 0 : i32
    %dma_start3A_1397 = arith.constant 1664 : i32
    %dma_start3A_1398 = tpu.memref_slice %arg6[%dma_start3A_1396, %dma_start3A_1397] : memref<16x3968xf32, #tpu.memory_space<vmem>> -> memref<16x2048xf32, #tpu.memory_space<vmem>>
    tpu.enqueue_dma source(%dma_start3A_1398 : memref<16x2048xf32, #tpu.memory_space<vmem>>) target(%dma_start3A_1395 : memref<16x2048xf32, #tpu.memory_space<hbm>>) target_semaphore(%arg8 : memref<!tpu.dma_semaphore, #tpu.memory_space<semaphore_mem>>)
    %add3A_1399 = arith.constant 384 : i32
    %add3A_1400 = arith.addi %mul3A_1092, %add3A_1399 : i32
    %dma_start3A_1401 = arith.constant 0 : i32
    %dma_start3A_1402 = arith.constant 0 : i32
    %dma_start3A_1403 = arith.constant 1536 : i32
    %dma_start3A_1404 = tpu.memref_slice %arg6[%dma_start3A_1402, %dma_start3A_1403] : memref<16x3968xf32, #tpu.memory_space<vmem>> -> memref<16x2048xf32, #tpu.memory_space<vmem>>
    %dma_start3A_1405 = arith.constant 0 : i32
    %dma_start3A_1406 = tpu.memref_slice %arg3[%dma_start3A_1401, %select_n3A, %add3A_1400, %dma_start3A_1405] : memref<1x16x2048x2048xf32, #tpu.memory_space<hbm>> -> memref<1x1x16x2048xf32, #tpu.memory_space<hbm>>
    %dma_start3A_1407 = tpu.memref_squeeze %dma_start3A_1406 : memref<1x1x16x2048xf32, #tpu.memory_space<hbm>> -> memref<16x2048xf32, #tpu.memory_space<hbm>>
    %dma_start3A_1408 = arith.constant 0 : i32
    %dma_start3A_1409 = tpu.memref_slice %arg3[%dma_start3A_1401, %select_n3A, %add3A_1400, %dma_start3A_1408] : memref<1x16x2048x2048xf32, #tpu.memory_space<hbm>> -> memref<1x1x16x2048xf32, #tpu.memory_space<hbm>>
    %dma_start3A_1410 = tpu.memref_squeeze %dma_start3A_1409 : memref<1x1x16x2048xf32, #tpu.memory_space<hbm>> -> memref<16x2048xf32, #tpu.memory_space<hbm>>
    %dma_start3A_1411 = arith.constant 0 : i32
    %dma_start3A_1412 = arith.constant 1536 : i32
    %dma_start3A_1413 = tpu.memref_slice %arg6[%dma_start3A_1411, %dma_start3A_1412] : memref<16x3968xf32, #tpu.memory_space<vmem>> -> memref<16x2048xf32, #tpu.memory_space<vmem>>
    tpu.enqueue_dma source(%dma_start3A_1413 : memref<16x2048xf32, #tpu.memory_space<vmem>>) target(%dma_start3A_1410 : memref<16x2048xf32, #tpu.memory_space<hbm>>) target_semaphore(%arg8 : memref<!tpu.dma_semaphore, #tpu.memory_space<semaphore_mem>>)
    %add3A_1414 = arith.constant 512 : i32
    %add3A_1415 = arith.addi %mul3A_1092, %add3A_1414 : i32
    %dma_start3A_1416 = arith.constant 0 : i32
    %dma_start3A_1417 = arith.constant 0 : i32
    %dma_start3A_1418 = arith.constant 1408 : i32
    %dma_start3A_1419 = tpu.memref_slice %arg6[%dma_start3A_1417, %dma_start3A_1418] : memref<16x3968xf32, #tpu.memory_space<vmem>> -> memref<16x2048xf32, #tpu.memory_space<vmem>>
    %dma_start3A_1420 = arith.constant 0 : i32
    %dma_start3A_1421 = tpu.memref_slice %arg3[%dma_start3A_1416, %select_n3A, %add3A_1415, %dma_start3A_1420] : memref<1x16x2048x2048xf32, #tpu.memory_space<hbm>> -> memref<1x1x16x2048xf32, #tpu.memory_space<hbm>>
    %dma_start3A_1422 = tpu.memref_squeeze %dma_start3A_1421 : memref<1x1x16x2048xf32, #tpu.memory_space<hbm>> -> memref<16x2048xf32, #tpu.memory_space<hbm>>
    %dma_start3A_1423 = arith.constant 0 : i32
    %dma_start3A_1424 = tpu.memref_slice %arg3[%dma_start3A_1416, %select_n3A, %add3A_1415, %dma_start3A_1423] : memref<1x16x2048x2048xf32, #tpu.memory_space<hbm>> -> memref<1x1x16x2048xf32, #tpu.memory_space<hbm>>
    %dma_start3A_1425 = tpu.memref_squeeze %dma_start3A_1424 : memref<1x1x16x2048xf32, #tpu.memory_space<hbm>> -> memref<16x2048xf32, #tpu.memory_space<hbm>>
    %dma_start3A_1426 = arith.constant 0 : i32
    %dma_start3A_1427 = arith.constant 1408 : i32
    %dma_start3A_1428 = tpu.memref_slice %arg6[%dma_start3A_1426, %dma_start3A_1427] : memref<16x3968xf32, #tpu.memory_space<vmem>> -> memref<16x2048xf32, #tpu.memory_space<vmem>>
    tpu.enqueue_dma source(%dma_start3A_1428 : memref<16x2048xf32, #tpu.memory_space<vmem>>) target(%dma_start3A_1425 : memref<16x2048xf32, #tpu.memory_space<hbm>>) target_semaphore(%arg8 : memref<!tpu.dma_semaphore, #tpu.memory_space<semaphore_mem>>)
    %add3A_1429 = arith.constant 640 : i32
    %add3A_1430 = arith.addi %mul3A_1092, %add3A_1429 : i32
    %dma_start3A_1431 = arith.constant 0 : i32
    %dma_start3A_1432 = arith.constant 0 : i32
    %dma_start3A_1433 = arith.constant 1280 : i32
    %dma_start3A_1434 = tpu.memref_slice %arg6[%dma_start3A_1432, %dma_start3A_1433] : memref<16x3968xf32, #tpu.memory_space<vmem>> -> memref<16x2048xf32, #tpu.memory_space<vmem>>
    %dma_start3A_1435 = arith.constant 0 : i32
    %dma_start3A_1436 = tpu.memref_slice %arg3[%dma_start3A_1431, %select_n3A, %add3A_1430, %dma_start3A_1435] : memref<1x16x2048x2048xf32, #tpu.memory_space<hbm>> -> memref<1x1x16x2048xf32, #tpu.memory_space<hbm>>
    %dma_start3A_1437 = tpu.memref_squeeze %dma_start3A_1436 : memref<1x1x16x2048xf32, #tpu.memory_space<hbm>> -> memref<16x2048xf32, #tpu.memory_space<hbm>>
    %dma_start3A_1438 = arith.constant 0 : i32
    %dma_start3A_1439 = tpu.memref_slice %arg3[%dma_start3A_1431, %select_n3A, %add3A_1430, %dma_start3A_1438] : memref<1x16x2048x2048xf32, #tpu.memory_space<hbm>> -> memref<1x1x16x2048xf32, #tpu.memory_space<hbm>>
    %dma_start3A_1440 = tpu.memref_squeeze %dma_start3A_1439 : memref<1x1x16x2048xf32, #tpu.memory_space<hbm>> -> memref<16x2048xf32, #tpu.memory_space<hbm>>
    %dma_start3A_1441 = arith.constant 0 : i32
    %dma_start3A_1442 = arith.constant 1280 : i32
    %dma_start3A_1443 = tpu.memref_slice %arg6[%dma_start3A_1441, %dma_start3A_1442] : memref<16x3968xf32, #tpu.memory_space<vmem>> -> memref<16x2048xf32, #tpu.memory_space<vmem>>
    tpu.enqueue_dma source(%dma_start3A_1443 : memref<16x2048xf32, #tpu.memory_space<vmem>>) target(%dma_start3A_1440 : memref<16x2048xf32, #tpu.memory_space<hbm>>) target_semaphore(%arg8 : memref<!tpu.dma_semaphore, #tpu.memory_space<semaphore_mem>>)
    %add3A_1444 = arith.constant 768 : i32
    %add3A_1445 = arith.addi %mul3A_1092, %add3A_1444 : i32
    %dma_start3A_1446 = arith.constant 0 : i32
    %dma_start3A_1447 = arith.constant 0 : i32
    %dma_start3A_1448 = arith.constant 1152 : i32
    %dma_start3A_1449 = tpu.memref_slice %arg6[%dma_start3A_1447, %dma_start3A_1448] : memref<16x3968xf32, #tpu.memory_space<vmem>> -> memref<16x2048xf32, #tpu.memory_space<vmem>>
    %dma_start3A_1450 = arith.constant 0 : i32
    %dma_start3A_1451 = tpu.memref_slice %arg3[%dma_start3A_1446, %select_n3A, %add3A_1445, %dma_start3A_1450] : memref<1x16x2048x2048xf32, #tpu.memory_space<hbm>> -> memref<1x1x16x2048xf32, #tpu.memory_space<hbm>>
    %dma_start3A_1452 = tpu.memref_squeeze %dma_start3A_1451 : memref<1x1x16x2048xf32, #tpu.memory_space<hbm>> -> memref<16x2048xf32, #tpu.memory_space<hbm>>
    %dma_start3A_1453 = arith.constant 0 : i32
    %dma_start3A_1454 = tpu.memref_slice %arg3[%dma_start3A_1446, %select_n3A, %add3A_1445, %dma_start3A_1453] : memref<1x16x2048x2048xf32, #tpu.memory_space<hbm>> -> memref<1x1x16x2048xf32, #tpu.memory_space<hbm>>
    %dma_start3A_1455 = tpu.memref_squeeze %dma_start3A_1454 : memref<1x1x16x2048xf32, #tpu.memory_space<hbm>> -> memref<16x2048xf32, #tpu.memory_space<hbm>>
    %dma_start3A_1456 = arith.constant 0 : i32
    %dma_start3A_1457 = arith.constant 1152 : i32
    %dma_start3A_1458 = tpu.memref_slice %arg6[%dma_start3A_1456, %dma_start3A_1457] : memref<16x3968xf32, #tpu.memory_space<vmem>> -> memref<16x2048xf32, #tpu.memory_space<vmem>>
    tpu.enqueue_dma source(%dma_start3A_1458 : memref<16x2048xf32, #tpu.memory_space<vmem>>) target(%dma_start3A_1455 : memref<16x2048xf32, #tpu.memory_space<hbm>>) target_semaphore(%arg8 : memref<!tpu.dma_semaphore, #tpu.memory_space<semaphore_mem>>)
    %add3A_1459 = arith.constant 896 : i32
    %add3A_1460 = arith.addi %mul3A_1092, %add3A_1459 : i32
    %dma_start3A_1461 = arith.constant 0 : i32
    %dma_start3A_1462 = arith.constant 0 : i32
    %dma_start3A_1463 = arith.constant 1024 : i32
    %dma_start3A_1464 = tpu.memref_slice %arg6[%dma_start3A_1462, %dma_start3A_1463] : memref<16x3968xf32, #tpu.memory_space<vmem>> -> memref<16x2048xf32, #tpu.memory_space<vmem>>
    %dma_start3A_1465 = arith.constant 0 : i32
    %dma_start3A_1466 = tpu.memref_slice %arg3[%dma_start3A_1461, %select_n3A, %add3A_1460, %dma_start3A_1465] : memref<1x16x2048x2048xf32, #tpu.memory_space<hbm>> -> memref<1x1x16x2048xf32, #tpu.memory_space<hbm>>
    %dma_start3A_1467 = tpu.memref_squeeze %dma_start3A_1466 : memref<1x1x16x2048xf32, #tpu.memory_space<hbm>> -> memref<16x2048xf32, #tpu.memory_space<hbm>>
    %dma_start3A_1468 = arith.constant 0 : i32
    %dma_start3A_1469 = tpu.memref_slice %arg3[%dma_start3A_1461, %select_n3A, %add3A_1460, %dma_start3A_1468] : memref<1x16x2048x2048xf32, #tpu.memory_space<hbm>> -> memref<1x1x16x2048xf32, #tpu.memory_space<hbm>>
    %dma_start3A_1470 = tpu.memref_squeeze %dma_start3A_1469 : memref<1x1x16x2048xf32, #tpu.memory_space<hbm>> -> memref<16x2048xf32, #tpu.memory_space<hbm>>
    %dma_start3A_1471 = arith.constant 0 : i32
    %dma_start3A_1472 = arith.constant 1024 : i32
    %dma_start3A_1473 = tpu.memref_slice %arg6[%dma_start3A_1471, %dma_start3A_1472] : memref<16x3968xf32, #tpu.memory_space<vmem>> -> memref<16x2048xf32, #tpu.memory_space<vmem>>
    tpu.enqueue_dma source(%dma_start3A_1473 : memref<16x2048xf32, #tpu.memory_space<vmem>>) target(%dma_start3A_1470 : memref<16x2048xf32, #tpu.memory_space<hbm>>) target_semaphore(%arg8 : memref<!tpu.dma_semaphore, #tpu.memory_space<semaphore_mem>>)
    %add3A_1474 = arith.constant 1024 : i32
    %add3A_1475 = arith.addi %mul3A_1092, %add3A_1474 : i32
    %dma_start3A_1476 = arith.constant 0 : i32
    %dma_start3A_1477 = arith.constant 0 : i32
    %dma_start3A_1478 = arith.constant 896 : i32
    %dma_start3A_1479 = tpu.memref_slice %arg6[%dma_start3A_1477, %dma_start3A_1478] : memref<16x3968xf32, #tpu.memory_space<vmem>> -> memref<16x2048xf32, #tpu.memory_space<vmem>>
    %dma_start3A_1480 = arith.constant 0 : i32
    %dma_start3A_1481 = tpu.memref_slice %arg3[%dma_start3A_1476, %select_n3A, %add3A_1475, %dma_start3A_1480] : memref<1x16x2048x2048xf32, #tpu.memory_space<hbm>> -> memref<1x1x16x2048xf32, #tpu.memory_space<hbm>>
    %dma_start3A_1482 = tpu.memref_squeeze %dma_start3A_1481 : memref<1x1x16x2048xf32, #tpu.memory_space<hbm>> -> memref<16x2048xf32, #tpu.memory_space<hbm>>
    %dma_start3A_1483 = arith.constant 0 : i32
    %dma_start3A_1484 = tpu.memref_slice %arg3[%dma_start3A_1476, %select_n3A, %add3A_1475, %dma_start3A_1483] : memref<1x16x2048x2048xf32, #tpu.memory_space<hbm>> -> memref<1x1x16x2048xf32, #tpu.memory_space<hbm>>
    %dma_start3A_1485 = tpu.memref_squeeze %dma_start3A_1484 : memref<1x1x16x2048xf32, #tpu.memory_space<hbm>> -> memref<16x2048xf32, #tpu.memory_space<hbm>>
    %dma_start3A_1486 = arith.constant 0 : i32
    %dma_start3A_1487 = arith.constant 896 : i32
    %dma_start3A_1488 = tpu.memref_slice %arg6[%dma_start3A_1486, %dma_start3A_1487] : memref<16x3968xf32, #tpu.memory_space<vmem>> -> memref<16x2048xf32, #tpu.memory_space<vmem>>
    tpu.enqueue_dma source(%dma_start3A_1488 : memref<16x2048xf32, #tpu.memory_space<vmem>>) target(%dma_start3A_1485 : memref<16x2048xf32, #tpu.memory_space<hbm>>) target_semaphore(%arg8 : memref<!tpu.dma_semaphore, #tpu.memory_space<semaphore_mem>>)
    %add3A_1489 = arith.constant 1152 : i32
    %add3A_1490 = arith.addi %mul3A_1092, %add3A_1489 : i32
    %dma_start3A_1491 = arith.constant 0 : i32
    %dma_start3A_1492 = arith.constant 0 : i32
    %dma_start3A_1493 = arith.constant 768 : i32
    %dma_start3A_1494 = tpu.memref_slice %arg6[%dma_start3A_1492, %dma_start3A_1493] : memref<16x3968xf32, #tpu.memory_space<vmem>> -> memref<16x2048xf32, #tpu.memory_space<vmem>>
    %dma_start3A_1495 = arith.constant 0 : i32
    %dma_start3A_1496 = tpu.memref_slice %arg3[%dma_start3A_1491, %select_n3A, %add3A_1490, %dma_start3A_1495] : memref<1x16x2048x2048xf32, #tpu.memory_space<hbm>> -> memref<1x1x16x2048xf32, #tpu.memory_space<hbm>>
    %dma_start3A_1497 = tpu.memref_squeeze %dma_start3A_1496 : memref<1x1x16x2048xf32, #tpu.memory_space<hbm>> -> memref<16x2048xf32, #tpu.memory_space<hbm>>
    %dma_start3A_1498 = arith.constant 0 : i32
    %dma_start3A_1499 = tpu.memref_slice %arg3[%dma_start3A_1491, %select_n3A, %add3A_1490, %dma_start3A_1498] : memref<1x16x2048x2048xf32, #tpu.memory_space<hbm>> -> memref<1x1x16x2048xf32, #tpu.memory_space<hbm>>
    %dma_start3A_1500 = tpu.memref_squeeze %dma_start3A_1499 : memref<1x1x16x2048xf32, #tpu.memory_space<hbm>> -> memref<16x2048xf32, #tpu.memory_space<hbm>>
    %dma_start3A_1501 = arith.constant 0 : i32
    %dma_start3A_1502 = arith.constant 768 : i32
    %dma_start3A_1503 = tpu.memref_slice %arg6[%dma_start3A_1501, %dma_start3A_1502] : memref<16x3968xf32, #tpu.memory_space<vmem>> -> memref<16x2048xf32, #tpu.memory_space<vmem>>
    tpu.enqueue_dma source(%dma_start3A_1503 : memref<16x2048xf32, #tpu.memory_space<vmem>>) target(%dma_start3A_1500 : memref<16x2048xf32, #tpu.memory_space<hbm>>) target_semaphore(%arg8 : memref<!tpu.dma_semaphore, #tpu.memory_space<semaphore_mem>>)
    %add3A_1504 = arith.constant 1280 : i32
    %add3A_1505 = arith.addi %mul3A_1092, %add3A_1504 : i32
    %dma_start3A_1506 = arith.constant 0 : i32
    %dma_start3A_1507 = arith.constant 0 : i32
    %dma_start3A_1508 = arith.constant 640 : i32
    %dma_start3A_1509 = tpu.memref_slice %arg6[%dma_start3A_1507, %dma_start3A_1508] : memref<16x3968xf32, #tpu.memory_space<vmem>> -> memref<16x2048xf32, #tpu.memory_space<vmem>>
    %dma_start3A_1510 = arith.constant 0 : i32
    %dma_start3A_1511 = tpu.memref_slice %arg3[%dma_start3A_1506, %select_n3A, %add3A_1505, %dma_start3A_1510] : memref<1x16x2048x2048xf32, #tpu.memory_space<hbm>> -> memref<1x1x16x2048xf32, #tpu.memory_space<hbm>>
    %dma_start3A_1512 = tpu.memref_squeeze %dma_start3A_1511 : memref<1x1x16x2048xf32, #tpu.memory_space<hbm>> -> memref<16x2048xf32, #tpu.memory_space<hbm>>
    %dma_start3A_1513 = arith.constant 0 : i32
    %dma_start3A_1514 = tpu.memref_slice %arg3[%dma_start3A_1506, %select_n3A, %add3A_1505, %dma_start3A_1513] : memref<1x16x2048x2048xf32, #tpu.memory_space<hbm>> -> memref<1x1x16x2048xf32, #tpu.memory_space<hbm>>
    %dma_start3A_1515 = tpu.memref_squeeze %dma_start3A_1514 : memref<1x1x16x2048xf32, #tpu.memory_space<hbm>> -> memref<16x2048xf32, #tpu.memory_space<hbm>>
    %dma_start3A_1516 = arith.constant 0 : i32
    %dma_start3A_1517 = arith.constant 640 : i32
    %dma_start3A_1518 = tpu.memref_slice %arg6[%dma_start3A_1516, %dma_start3A_1517] : memref<16x3968xf32, #tpu.memory_space<vmem>> -> memref<16x2048xf32, #tpu.memory_space<vmem>>
    tpu.enqueue_dma source(%dma_start3A_1518 : memref<16x2048xf32, #tpu.memory_space<vmem>>) target(%dma_start3A_1515 : memref<16x2048xf32, #tpu.memory_space<hbm>>) target_semaphore(%arg8 : memref<!tpu.dma_semaphore, #tpu.memory_space<semaphore_mem>>)
    %add3A_1519 = arith.constant 1408 : i32
    %add3A_1520 = arith.addi %mul3A_1092, %add3A_1519 : i32
    %dma_start3A_1521 = arith.constant 0 : i32
    %dma_start3A_1522 = arith.constant 0 : i32
    %dma_start3A_1523 = arith.constant 512 : i32
    %dma_start3A_1524 = tpu.memref_slice %arg6[%dma_start3A_1522, %dma_start3A_1523] : memref<16x3968xf32, #tpu.memory_space<vmem>> -> memref<16x2048xf32, #tpu.memory_space<vmem>>
    %dma_start3A_1525 = arith.constant 0 : i32
    %dma_start3A_1526 = tpu.memref_slice %arg3[%dma_start3A_1521, %select_n3A, %add3A_1520, %dma_start3A_1525] : memref<1x16x2048x2048xf32, #tpu.memory_space<hbm>> -> memref<1x1x16x2048xf32, #tpu.memory_space<hbm>>
    %dma_start3A_1527 = tpu.memref_squeeze %dma_start3A_1526 : memref<1x1x16x2048xf32, #tpu.memory_space<hbm>> -> memref<16x2048xf32, #tpu.memory_space<hbm>>
    %dma_start3A_1528 = arith.constant 0 : i32
    %dma_start3A_1529 = tpu.memref_slice %arg3[%dma_start3A_1521, %select_n3A, %add3A_1520, %dma_start3A_1528] : memref<1x16x2048x2048xf32, #tpu.memory_space<hbm>> -> memref<1x1x16x2048xf32, #tpu.memory_space<hbm>>
    %dma_start3A_1530 = tpu.memref_squeeze %dma_start3A_1529 : memref<1x1x16x2048xf32, #tpu.memory_space<hbm>> -> memref<16x2048xf32, #tpu.memory_space<hbm>>
    %dma_start3A_1531 = arith.constant 0 : i32
    %dma_start3A_1532 = arith.constant 512 : i32
    %dma_start3A_1533 = tpu.memref_slice %arg6[%dma_start3A_1531, %dma_start3A_1532] : memref<16x3968xf32, #tpu.memory_space<vmem>> -> memref<16x2048xf32, #tpu.memory_space<vmem>>
    tpu.enqueue_dma source(%dma_start3A_1533 : memref<16x2048xf32, #tpu.memory_space<vmem>>) target(%dma_start3A_1530 : memref<16x2048xf32, #tpu.memory_space<hbm>>) target_semaphore(%arg8 : memref<!tpu.dma_semaphore, #tpu.memory_space<semaphore_mem>>)
    %add3A_1534 = arith.constant 1536 : i32
    %add3A_1535 = arith.addi %mul3A_1092, %add3A_1534 : i32
    %dma_start3A_1536 = arith.constant 0 : i32
    %dma_start3A_1537 = arith.constant 0 : i32
    %dma_start3A_1538 = arith.constant 384 : i32
    %dma_start3A_1539 = tpu.memref_slice %arg6[%dma_start3A_1537, %dma_start3A_1538] : memref<16x3968xf32, #tpu.memory_space<vmem>> -> memref<16x2048xf32, #tpu.memory_space<vmem>>
    %dma_start3A_1540 = arith.constant 0 : i32
    %dma_start3A_1541 = tpu.memref_slice %arg3[%dma_start3A_1536, %select_n3A, %add3A_1535, %dma_start3A_1540] : memref<1x16x2048x2048xf32, #tpu.memory_space<hbm>> -> memref<1x1x16x2048xf32, #tpu.memory_space<hbm>>
    %dma_start3A_1542 = tpu.memref_squeeze %dma_start3A_1541 : memref<1x1x16x2048xf32, #tpu.memory_space<hbm>> -> memref<16x2048xf32, #tpu.memory_space<hbm>>
    %dma_start3A_1543 = arith.constant 0 : i32
    %dma_start3A_1544 = tpu.memref_slice %arg3[%dma_start3A_1536, %select_n3A, %add3A_1535, %dma_start3A_1543] : memref<1x16x2048x2048xf32, #tpu.memory_space<hbm>> -> memref<1x1x16x2048xf32, #tpu.memory_space<hbm>>
    %dma_start3A_1545 = tpu.memref_squeeze %dma_start3A_1544 : memref<1x1x16x2048xf32, #tpu.memory_space<hbm>> -> memref<16x2048xf32, #tpu.memory_space<hbm>>
    %dma_start3A_1546 = arith.constant 0 : i32
    %dma_start3A_1547 = arith.constant 384 : i32
    %dma_start3A_1548 = tpu.memref_slice %arg6[%dma_start3A_1546, %dma_start3A_1547] : memref<16x3968xf32, #tpu.memory_space<vmem>> -> memref<16x2048xf32, #tpu.memory_space<vmem>>
    tpu.enqueue_dma source(%dma_start3A_1548 : memref<16x2048xf32, #tpu.memory_space<vmem>>) target(%dma_start3A_1545 : memref<16x2048xf32, #tpu.memory_space<hbm>>) target_semaphore(%arg8 : memref<!tpu.dma_semaphore, #tpu.memory_space<semaphore_mem>>)
    %add3A_1549 = arith.constant 1664 : i32
    %add3A_1550 = arith.addi %mul3A_1092, %add3A_1549 : i32
    %dma_start3A_1551 = arith.constant 0 : i32
    %dma_start3A_1552 = arith.constant 0 : i32
    %dma_start3A_1553 = arith.constant 256 : i32
    %dma_start3A_1554 = tpu.memref_slice %arg6[%dma_start3A_1552, %dma_start3A_1553] : memref<16x3968xf32, #tpu.memory_space<vmem>> -> memref<16x2048xf32, #tpu.memory_space<vmem>>
    %dma_start3A_1555 = arith.constant 0 : i32
    %dma_start3A_1556 = tpu.memref_slice %arg3[%dma_start3A_1551, %select_n3A, %add3A_1550, %dma_start3A_1555] : memref<1x16x2048x2048xf32, #tpu.memory_space<hbm>> -> memref<1x1x16x2048xf32, #tpu.memory_space<hbm>>
    %dma_start3A_1557 = tpu.memref_squeeze %dma_start3A_1556 : memref<1x1x16x2048xf32, #tpu.memory_space<hbm>> -> memref<16x2048xf32, #tpu.memory_space<hbm>>
    %dma_start3A_1558 = arith.constant 0 : i32
    %dma_start3A_1559 = tpu.memref_slice %arg3[%dma_start3A_1551, %select_n3A, %add3A_1550, %dma_start3A_1558] : memref<1x16x2048x2048xf32, #tpu.memory_space<hbm>> -> memref<1x1x16x2048xf32, #tpu.memory_space<hbm>>
    %dma_start3A_1560 = tpu.memref_squeeze %dma_start3A_1559 : memref<1x1x16x2048xf32, #tpu.memory_space<hbm>> -> memref<16x2048xf32, #tpu.memory_space<hbm>>
    %dma_start3A_1561 = arith.constant 0 : i32
    %dma_start3A_1562 = arith.constant 256 : i32
    %dma_start3A_1563 = tpu.memref_slice %arg6[%dma_start3A_1561, %dma_start3A_1562] : memref<16x3968xf32, #tpu.memory_space<vmem>> -> memref<16x2048xf32, #tpu.memory_space<vmem>>
    tpu.enqueue_dma source(%dma_start3A_1563 : memref<16x2048xf32, #tpu.memory_space<vmem>>) target(%dma_start3A_1560 : memref<16x2048xf32, #tpu.memory_space<hbm>>) target_semaphore(%arg8 : memref<!tpu.dma_semaphore, #tpu.memory_space<semaphore_mem>>)
    %add3A_1564 = arith.constant 1792 : i32
    %add3A_1565 = arith.addi %mul3A_1092, %add3A_1564 : i32
    %dma_start3A_1566 = arith.constant 0 : i32
    %dma_start3A_1567 = arith.constant 0 : i32
    %dma_start3A_1568 = arith.constant 128 : i32
    %dma_start3A_1569 = tpu.memref_slice %arg6[%dma_start3A_1567, %dma_start3A_1568] : memref<16x3968xf32, #tpu.memory_space<vmem>> -> memref<16x2048xf32, #tpu.memory_space<vmem>>
    %dma_start3A_1570 = arith.constant 0 : i32
    %dma_start3A_1571 = tpu.memref_slice %arg3[%dma_start3A_1566, %select_n3A, %add3A_1565, %dma_start3A_1570] : memref<1x16x2048x2048xf32, #tpu.memory_space<hbm>> -> memref<1x1x16x2048xf32, #tpu.memory_space<hbm>>
    %dma_start3A_1572 = tpu.memref_squeeze %dma_start3A_1571 : memref<1x1x16x2048xf32, #tpu.memory_space<hbm>> -> memref<16x2048xf32, #tpu.memory_space<hbm>>
    %dma_start3A_1573 = arith.constant 0 : i32
    %dma_start3A_1574 = tpu.memref_slice %arg3[%dma_start3A_1566, %select_n3A, %add3A_1565, %dma_start3A_1573] : memref<1x16x2048x2048xf32, #tpu.memory_space<hbm>> -> memref<1x1x16x2048xf32, #tpu.memory_space<hbm>>
    %dma_start3A_1575 = tpu.memref_squeeze %dma_start3A_1574 : memref<1x1x16x2048xf32, #tpu.memory_space<hbm>> -> memref<16x2048xf32, #tpu.memory_space<hbm>>
    %dma_start3A_1576 = arith.constant 0 : i32
    %dma_start3A_1577 = arith.constant 128 : i32
    %dma_start3A_1578 = tpu.memref_slice %arg6[%dma_start3A_1576, %dma_start3A_1577] : memref<16x3968xf32, #tpu.memory_space<vmem>> -> memref<16x2048xf32, #tpu.memory_space<vmem>>
    tpu.enqueue_dma source(%dma_start3A_1578 : memref<16x2048xf32, #tpu.memory_space<vmem>>) target(%dma_start3A_1575 : memref<16x2048xf32, #tpu.memory_space<hbm>>) target_semaphore(%arg8 : memref<!tpu.dma_semaphore, #tpu.memory_space<semaphore_mem>>)
    %add3A_1579 = arith.constant 1920 : i32
    %add3A_1580 = arith.addi %mul3A_1092, %add3A_1579 : i32
    %dma_start3A_1581 = arith.constant 0 : i32
    %dma_start3A_1582 = arith.constant 0 : i32
    %dma_start3A_1583 = arith.constant 0 : i32
    %dma_start3A_1584 = tpu.memref_slice %arg6[%dma_start3A_1582, %dma_start3A_1583] : memref<16x3968xf32, #tpu.memory_space<vmem>> -> memref<16x2048xf32, #tpu.memory_space<vmem>>
    %dma_start3A_1585 = arith.constant 0 : i32
    %dma_start3A_1586 = tpu.memref_slice %arg3[%dma_start3A_1581, %select_n3A, %add3A_1580, %dma_start3A_1585] : memref<1x16x2048x2048xf32, #tpu.memory_space<hbm>> -> memref<1x1x16x2048xf32, #tpu.memory_space<hbm>>
    %dma_start3A_1587 = tpu.memref_squeeze %dma_start3A_1586 : memref<1x1x16x2048xf32, #tpu.memory_space<hbm>> -> memref<16x2048xf32, #tpu.memory_space<hbm>>
    %dma_start3A_1588 = arith.constant 0 : i32
    %dma_start3A_1589 = tpu.memref_slice %arg3[%dma_start3A_1581, %select_n3A, %add3A_1580, %dma_start3A_1588] : memref<1x16x2048x2048xf32, #tpu.memory_space<hbm>> -> memref<1x1x16x2048xf32, #tpu.memory_space<hbm>>
    %dma_start3A_1590 = tpu.memref_squeeze %dma_start3A_1589 : memref<1x1x16x2048xf32, #tpu.memory_space<hbm>> -> memref<16x2048xf32, #tpu.memory_space<hbm>>
    %dma_start3A_1591 = arith.constant 0 : i32
    %dma_start3A_1592 = arith.constant 0 : i32
    %dma_start3A_1593 = tpu.memref_slice %arg6[%dma_start3A_1591, %dma_start3A_1592] : memref<16x3968xf32, #tpu.memory_space<vmem>> -> memref<16x2048xf32, #tpu.memory_space<vmem>>
    tpu.enqueue_dma source(%dma_start3A_1593 : memref<16x2048xf32, #tpu.memory_space<vmem>>) target(%dma_start3A_1590 : memref<16x2048xf32, #tpu.memory_space<hbm>>) target_semaphore(%arg8 : memref<!tpu.dma_semaphore, #tpu.memory_space<semaphore_mem>>)
    %dma_wait3A_1594 = arith.constant 0 : i32
    %dma_wait3A_1595 = arith.constant 0 : i32
    %dma_wait3A_1596 = arith.constant 0 : i32
    %dma_wait3A_1597 = arith.constant 0 : i32
    %dma_wait3A_1598 = tpu.memref_slice %arg5[%dma_wait3A_1596, %dma_wait3A_1597] : memref<16x3968xf32, #tpu.memory_space<vmem>> -> memref<16x2048xf32, #tpu.memory_space<vmem>>
    %dma_wait3A_1599 = arith.constant 0 : i32
    %dma_wait3A_1600 = arith.constant 0 : i32
    %dma_wait3A_1601 = tpu.memref_slice %arg3[%dma_wait3A_1594, %dma_wait3A_1595, %dma_wait3A_1599, %dma_wait3A_1600] : memref<1x16x2048x2048xf32, #tpu.memory_space<hbm>> -> memref<1x1x16x2048xf32, #tpu.memory_space<hbm>>
    %dma_wait3A_1602 = tpu.memref_squeeze %dma_wait3A_1601 : memref<1x1x16x2048xf32, #tpu.memory_space<hbm>> -> memref<16x2048xf32, #tpu.memory_space<hbm>>
    %dma_wait3A_1603 = arith.constant 0 : i32
    %dma_wait3A_1604 = arith.constant 0 : i32
    %dma_wait3A_1605 = tpu.memref_slice %arg3[%dma_wait3A_1594, %dma_wait3A_1595, %dma_wait3A_1603, %dma_wait3A_1604] : memref<1x16x2048x2048xf32, #tpu.memory_space<hbm>> -> memref<1x1x16x2048xf32, #tpu.memory_space<hbm>>
    %dma_wait3A_1606 = tpu.memref_squeeze %dma_wait3A_1605 : memref<1x1x16x2048xf32, #tpu.memory_space<hbm>> -> memref<16x2048xf32, #tpu.memory_space<hbm>>
    %dma_wait3A_1607 = arith.constant 0 : i32
    %dma_wait3A_1608 = arith.constant 0 : i32
    %dma_wait3A_1609 = tpu.memref_slice %arg5[%dma_wait3A_1607, %dma_wait3A_1608] : memref<16x3968xf32, #tpu.memory_space<vmem>> -> memref<16x2048xf32, #tpu.memory_space<vmem>>
    tpu.wait_dma2 semaphore(%arg7 : memref<!tpu.dma_semaphore, #tpu.memory_space<semaphore_mem>>) src(%dma_wait3A_1609 : memref<16x2048xf32, #tpu.memory_space<vmem>>) dst(%dma_wait3A_1606 : memref<16x2048xf32, #tpu.memory_space<hbm>>)
    %dma_wait3A_1610 = arith.constant 0 : i32
    %dma_wait3A_1611 = arith.constant 0 : i32
    %dma_wait3A_1612 = arith.constant 0 : i32
    %dma_wait3A_1613 = arith.constant 0 : i32
    %dma_wait3A_1614 = tpu.memref_slice %arg5[%dma_wait3A_1612, %dma_wait3A_1613] : memref<16x3968xf32, #tpu.memory_space<vmem>> -> memref<16x2048xf32, #tpu.memory_space<vmem>>
    %dma_wait3A_1615 = arith.constant 0 : i32
    %dma_wait3A_1616 = arith.constant 0 : i32
    %dma_wait3A_1617 = tpu.memref_slice %arg3[%dma_wait3A_1610, %dma_wait3A_1611, %dma_wait3A_1615, %dma_wait3A_1616] : memref<1x16x2048x2048xf32, #tpu.memory_space<hbm>> -> memref<1x1x16x2048xf32, #tpu.memory_space<hbm>>
    %dma_wait3A_1618 = tpu.memref_squeeze %dma_wait3A_1617 : memref<1x1x16x2048xf32, #tpu.memory_space<hbm>> -> memref<16x2048xf32, #tpu.memory_space<hbm>>
    %dma_wait3A_1619 = arith.constant 0 : i32
    %dma_wait3A_1620 = arith.constant 0 : i32
    %dma_wait3A_1621 = tpu.memref_slice %arg3[%dma_wait3A_1610, %dma_wait3A_1611, %dma_wait3A_1619, %dma_wait3A_1620] : memref<1x16x2048x2048xf32, #tpu.memory_space<hbm>> -> memref<1x1x16x2048xf32, #tpu.memory_space<hbm>>
    %dma_wait3A_1622 = tpu.memref_squeeze %dma_wait3A_1621 : memref<1x1x16x2048xf32, #tpu.memory_space<hbm>> -> memref<16x2048xf32, #tpu.memory_space<hbm>>
    %dma_wait3A_1623 = arith.constant 0 : i32
    %dma_wait3A_1624 = arith.constant 0 : i32
    %dma_wait3A_1625 = tpu.memref_slice %arg5[%dma_wait3A_1623, %dma_wait3A_1624] : memref<16x3968xf32, #tpu.memory_space<vmem>> -> memref<16x2048xf32, #tpu.memory_space<vmem>>
    tpu.wait_dma2 semaphore(%arg7 : memref<!tpu.dma_semaphore, #tpu.memory_space<semaphore_mem>>) src(%dma_wait3A_1625 : memref<16x2048xf32, #tpu.memory_space<vmem>>) dst(%dma_wait3A_1622 : memref<16x2048xf32, #tpu.memory_space<hbm>>)
    %dma_wait3A_1626 = arith.constant 0 : i32
    %dma_wait3A_1627 = arith.constant 0 : i32
    %dma_wait3A_1628 = arith.constant 0 : i32
    %dma_wait3A_1629 = arith.constant 0 : i32
    %dma_wait3A_1630 = tpu.memref_slice %arg5[%dma_wait3A_1628, %dma_wait3A_1629] : memref<16x3968xf32, #tpu.memory_space<vmem>> -> memref<16x2048xf32, #tpu.memory_space<vmem>>
    %dma_wait3A_1631 = arith.constant 0 : i32
    %dma_wait3A_1632 = arith.constant 0 : i32
    %dma_wait3A_1633 = tpu.memref_slice %arg3[%dma_wait3A_1626, %dma_wait3A_1627, %dma_wait3A_1631, %dma_wait3A_1632] : memref<1x16x2048x2048xf32, #tpu.memory_space<hbm>> -> memref<1x1x16x2048xf32, #tpu.memory_space<hbm>>
    %dma_wait3A_1634 = tpu.memref_squeeze %dma_wait3A_1633 : memref<1x1x16x2048xf32, #tpu.memory_space<hbm>> -> memref<16x2048xf32, #tpu.memory_space<hbm>>
    %dma_wait3A_1635 = arith.constant 0 : i32
    %dma_wait3A_1636 = arith.constant 0 : i32
    %dma_wait3A_1637 = tpu.memref_slice %arg3[%dma_wait3A_1626, %dma_wait3A_1627, %dma_wait3A_1635, %dma_wait3A_1636] : memref<1x16x2048x2048xf32, #tpu.memory_space<hbm>> -> memref<1x1x16x2048xf32, #tpu.memory_space<hbm>>
    %dma_wait3A_1638 = tpu.memref_squeeze %dma_wait3A_1637 : memref<1x1x16x2048xf32, #tpu.memory_space<hbm>> -> memref<16x2048xf32, #tpu.memory_space<hbm>>
    %dma_wait3A_1639 = arith.constant 0 : i32
    %dma_wait3A_1640 = arith.constant 0 : i32
    %dma_wait3A_1641 = tpu.memref_slice %arg5[%dma_wait3A_1639, %dma_wait3A_1640] : memref<16x3968xf32, #tpu.memory_space<vmem>> -> memref<16x2048xf32, #tpu.memory_space<vmem>>
    tpu.wait_dma2 semaphore(%arg7 : memref<!tpu.dma_semaphore, #tpu.memory_space<semaphore_mem>>) src(%dma_wait3A_1641 : memref<16x2048xf32, #tpu.memory_space<vmem>>) dst(%dma_wait3A_1638 : memref<16x2048xf32, #tpu.memory_space<hbm>>)
    %dma_wait3A_1642 = arith.constant 0 : i32
    %dma_wait3A_1643 = arith.constant 0 : i32
    %dma_wait3A_1644 = arith.constant 0 : i32
    %dma_wait3A_1645 = arith.constant 0 : i32
    %dma_wait3A_1646 = tpu.memref_slice %arg5[%dma_wait3A_1644, %dma_wait3A_1645] : memref<16x3968xf32, #tpu.memory_space<vmem>> -> memref<16x2048xf32, #tpu.memory_space<vmem>>
    %dma_wait3A_1647 = arith.constant 0 : i32
    %dma_wait3A_1648 = arith.constant 0 : i32
    %dma_wait3A_1649 = tpu.memref_slice %arg3[%dma_wait3A_1642, %dma_wait3A_1643, %dma_wait3A_1647, %dma_wait3A_1648] : memref<1x16x2048x2048xf32, #tpu.memory_space<hbm>> -> memref<1x1x16x2048xf32, #tpu.memory_space<hbm>>
    %dma_wait3A_1650 = tpu.memref_squeeze %dma_wait3A_1649 : memref<1x1x16x2048xf32, #tpu.memory_space<hbm>> -> memref<16x2048xf32, #tpu.memory_space<hbm>>
    %dma_wait3A_1651 = arith.constant 0 : i32
    %dma_wait3A_1652 = arith.constant 0 : i32
    %dma_wait3A_1653 = tpu.memref_slice %arg3[%dma_wait3A_1642, %dma_wait3A_1643, %dma_wait3A_1651, %dma_wait3A_1652] : memref<1x16x2048x2048xf32, #tpu.memory_space<hbm>> -> memref<1x1x16x2048xf32, #tpu.memory_space<hbm>>
    %dma_wait3A_1654 = tpu.memref_squeeze %dma_wait3A_1653 : memref<1x1x16x2048xf32, #tpu.memory_space<hbm>> -> memref<16x2048xf32, #tpu.memory_space<hbm>>
    %dma_wait3A_1655 = arith.constant 0 : i32
    %dma_wait3A_1656 = arith.constant 0 : i32
    %dma_wait3A_1657 = tpu.memref_slice %arg5[%dma_wait3A_1655, %dma_wait3A_1656] : memref<16x3968xf32, #tpu.memory_space<vmem>> -> memref<16x2048xf32, #tpu.memory_space<vmem>>
    tpu.wait_dma2 semaphore(%arg7 : memref<!tpu.dma_semaphore, #tpu.memory_space<semaphore_mem>>) src(%dma_wait3A_1657 : memref<16x2048xf32, #tpu.memory_space<vmem>>) dst(%dma_wait3A_1654 : memref<16x2048xf32, #tpu.memory_space<hbm>>)
    %dma_wait3A_1658 = arith.constant 0 : i32
    %dma_wait3A_1659 = arith.constant 0 : i32
    %dma_wait3A_1660 = arith.constant 0 : i32
    %dma_wait3A_1661 = arith.constant 0 : i32
    %dma_wait3A_1662 = tpu.memref_slice %arg5[%dma_wait3A_1660, %dma_wait3A_1661] : memref<16x3968xf32, #tpu.memory_space<vmem>> -> memref<16x2048xf32, #tpu.memory_space<vmem>>
    %dma_wait3A_1663 = arith.constant 0 : i32
    %dma_wait3A_1664 = arith.constant 0 : i32
    %dma_wait3A_1665 = tpu.memref_slice %arg3[%dma_wait3A_1658, %dma_wait3A_1659, %dma_wait3A_1663, %dma_wait3A_1664] : memref<1x16x2048x2048xf32, #tpu.memory_space<hbm>> -> memref<1x1x16x2048xf32, #tpu.memory_space<hbm>>
    %dma_wait3A_1666 = tpu.memref_squeeze %dma_wait3A_1665 : memref<1x1x16x2048xf32, #tpu.memory_space<hbm>> -> memref<16x2048xf32, #tpu.memory_space<hbm>>
    %dma_wait3A_1667 = arith.constant 0 : i32
    %dma_wait3A_1668 = arith.constant 0 : i32
    %dma_wait3A_1669 = tpu.memref_slice %arg3[%dma_wait3A_1658, %dma_wait3A_1659, %dma_wait3A_1667, %dma_wait3A_1668] : memref<1x16x2048x2048xf32, #tpu.memory_space<hbm>> -> memref<1x1x16x2048xf32, #tpu.memory_space<hbm>>
    %dma_wait3A_1670 = tpu.memref_squeeze %dma_wait3A_1669 : memref<1x1x16x2048xf32, #tpu.memory_space<hbm>> -> memref<16x2048xf32, #tpu.memory_space<hbm>>
    %dma_wait3A_1671 = arith.constant 0 : i32
    %dma_wait3A_1672 = arith.constant 0 : i32
    %dma_wait3A_1673 = tpu.memref_slice %arg5[%dma_wait3A_1671, %dma_wait3A_1672] : memref<16x3968xf32, #tpu.memory_space<vmem>> -> memref<16x2048xf32, #tpu.memory_space<vmem>>
    tpu.wait_dma2 semaphore(%arg7 : memref<!tpu.dma_semaphore, #tpu.memory_space<semaphore_mem>>) src(%dma_wait3A_1673 : memref<16x2048xf32, #tpu.memory_space<vmem>>) dst(%dma_wait3A_1670 : memref<16x2048xf32, #tpu.memory_space<hbm>>)
    %dma_wait3A_1674 = arith.constant 0 : i32
    %dma_wait3A_1675 = arith.constant 0 : i32
    %dma_wait3A_1676 = arith.constant 0 : i32
    %dma_wait3A_1677 = arith.constant 0 : i32
    %dma_wait3A_1678 = tpu.memref_slice %arg5[%dma_wait3A_1676, %dma_wait3A_1677] : memref<16x3968xf32, #tpu.memory_space<vmem>> -> memref<16x2048xf32, #tpu.memory_space<vmem>>
    %dma_wait3A_1679 = arith.constant 0 : i32
    %dma_wait3A_1680 = arith.constant 0 : i32
    %dma_wait3A_1681 = tpu.memref_slice %arg3[%dma_wait3A_1674, %dma_wait3A_1675, %dma_wait3A_1679, %dma_wait3A_1680] : memref<1x16x2048x2048xf32, #tpu.memory_space<hbm>> -> memref<1x1x16x2048xf32, #tpu.memory_space<hbm>>
    %dma_wait3A_1682 = tpu.memref_squeeze %dma_wait3A_1681 : memref<1x1x16x2048xf32, #tpu.memory_space<hbm>> -> memref<16x2048xf32, #tpu.memory_space<hbm>>
    %dma_wait3A_1683 = arith.constant 0 : i32
    %dma_wait3A_1684 = arith.constant 0 : i32
    %dma_wait3A_1685 = tpu.memref_slice %arg3[%dma_wait3A_1674, %dma_wait3A_1675, %dma_wait3A_1683, %dma_wait3A_1684] : memref<1x16x2048x2048xf32, #tpu.memory_space<hbm>> -> memref<1x1x16x2048xf32, #tpu.memory_space<hbm>>
    %dma_wait3A_1686 = tpu.memref_squeeze %dma_wait3A_1685 : memref<1x1x16x2048xf32, #tpu.memory_space<hbm>> -> memref<16x2048xf32, #tpu.memory_space<hbm>>
    %dma_wait3A_1687 = arith.constant 0 : i32
    %dma_wait3A_1688 = arith.constant 0 : i32
    %dma_wait3A_1689 = tpu.memref_slice %arg5[%dma_wait3A_1687, %dma_wait3A_1688] : memref<16x3968xf32, #tpu.memory_space<vmem>> -> memref<16x2048xf32, #tpu.memory_space<vmem>>
    tpu.wait_dma2 semaphore(%arg7 : memref<!tpu.dma_semaphore, #tpu.memory_space<semaphore_mem>>) src(%dma_wait3A_1689 : memref<16x2048xf32, #tpu.memory_space<vmem>>) dst(%dma_wait3A_1686 : memref<16x2048xf32, #tpu.memory_space<hbm>>)
    %dma_wait3A_1690 = arith.constant 0 : i32
    %dma_wait3A_1691 = arith.constant 0 : i32
    %dma_wait3A_1692 = arith.constant 0 : i32
    %dma_wait3A_1693 = arith.constant 0 : i32
    %dma_wait3A_1694 = tpu.memref_slice %arg5[%dma_wait3A_1692, %dma_wait3A_1693] : memref<16x3968xf32, #tpu.memory_space<vmem>> -> memref<16x2048xf32, #tpu.memory_space<vmem>>
    %dma_wait3A_1695 = arith.constant 0 : i32
    %dma_wait3A_1696 = arith.constant 0 : i32
    %dma_wait3A_1697 = tpu.memref_slice %arg3[%dma_wait3A_1690, %dma_wait3A_1691, %dma_wait3A_1695, %dma_wait3A_1696] : memref<1x16x2048x2048xf32, #tpu.memory_space<hbm>> -> memref<1x1x16x2048xf32, #tpu.memory_space<hbm>>
    %dma_wait3A_1698 = tpu.memref_squeeze %dma_wait3A_1697 : memref<1x1x16x2048xf32, #tpu.memory_space<hbm>> -> memref<16x2048xf32, #tpu.memory_space<hbm>>
    %dma_wait3A_1699 = arith.constant 0 : i32
    %dma_wait3A_1700 = arith.constant 0 : i32
    %dma_wait3A_1701 = tpu.memref_slice %arg3[%dma_wait3A_1690, %dma_wait3A_1691, %dma_wait3A_1699, %dma_wait3A_1700] : memref<1x16x2048x2048xf32, #tpu.memory_space<hbm>> -> memref<1x1x16x2048xf32, #tpu.memory_space<hbm>>
    %dma_wait3A_1702 = tpu.memref_squeeze %dma_wait3A_1701 : memref<1x1x16x2048xf32, #tpu.memory_space<hbm>> -> memref<16x2048xf32, #tpu.memory_space<hbm>>
    %dma_wait3A_1703 = arith.constant 0 : i32
    %dma_wait3A_1704 = arith.constant 0 : i32
    %dma_wait3A_1705 = tpu.memref_slice %arg5[%dma_wait3A_1703, %dma_wait3A_1704] : memref<16x3968xf32, #tpu.memory_space<vmem>> -> memref<16x2048xf32, #tpu.memory_space<vmem>>
    tpu.wait_dma2 semaphore(%arg7 : memref<!tpu.dma_semaphore, #tpu.memory_space<semaphore_mem>>) src(%dma_wait3A_1705 : memref<16x2048xf32, #tpu.memory_space<vmem>>) dst(%dma_wait3A_1702 : memref<16x2048xf32, #tpu.memory_space<hbm>>)
    %dma_wait3A_1706 = arith.constant 0 : i32
    %dma_wait3A_1707 = arith.constant 0 : i32
    %dma_wait3A_1708 = arith.constant 0 : i32
    %dma_wait3A_1709 = arith.constant 0 : i32
    %dma_wait3A_1710 = tpu.memref_slice %arg5[%dma_wait3A_1708, %dma_wait3A_1709] : memref<16x3968xf32, #tpu.memory_space<vmem>> -> memref<16x2048xf32, #tpu.memory_space<vmem>>
    %dma_wait3A_1711 = arith.constant 0 : i32
    %dma_wait3A_1712 = arith.constant 0 : i32
    %dma_wait3A_1713 = tpu.memref_slice %arg3[%dma_wait3A_1706, %dma_wait3A_1707, %dma_wait3A_1711, %dma_wait3A_1712] : memref<1x16x2048x2048xf32, #tpu.memory_space<hbm>> -> memref<1x1x16x2048xf32, #tpu.memory_space<hbm>>
    %dma_wait3A_1714 = tpu.memref_squeeze %dma_wait3A_1713 : memref<1x1x16x2048xf32, #tpu.memory_space<hbm>> -> memref<16x2048xf32, #tpu.memory_space<hbm>>
    %dma_wait3A_1715 = arith.constant 0 : i32
    %dma_wait3A_1716 = arith.constant 0 : i32
    %dma_wait3A_1717 = tpu.memref_slice %arg3[%dma_wait3A_1706, %dma_wait3A_1707, %dma_wait3A_1715, %dma_wait3A_1716] : memref<1x16x2048x2048xf32, #tpu.memory_space<hbm>> -> memref<1x1x16x2048xf32, #tpu.memory_space<hbm>>
    %dma_wait3A_1718 = tpu.memref_squeeze %dma_wait3A_1717 : memref<1x1x16x2048xf32, #tpu.memory_space<hbm>> -> memref<16x2048xf32, #tpu.memory_space<hbm>>
    %dma_wait3A_1719 = arith.constant 0 : i32
    %dma_wait3A_1720 = arith.constant 0 : i32
    %dma_wait3A_1721 = tpu.memref_slice %arg5[%dma_wait3A_1719, %dma_wait3A_1720] : memref<16x3968xf32, #tpu.memory_space<vmem>> -> memref<16x2048xf32, #tpu.memory_space<vmem>>
    tpu.wait_dma2 semaphore(%arg7 : memref<!tpu.dma_semaphore, #tpu.memory_space<semaphore_mem>>) src(%dma_wait3A_1721 : memref<16x2048xf32, #tpu.memory_space<vmem>>) dst(%dma_wait3A_1718 : memref<16x2048xf32, #tpu.memory_space<hbm>>)
    %dma_wait3A_1722 = arith.constant 0 : i32
    %dma_wait3A_1723 = arith.constant 0 : i32
    %dma_wait3A_1724 = arith.constant 0 : i32
    %dma_wait3A_1725 = arith.constant 0 : i32
    %dma_wait3A_1726 = tpu.memref_slice %arg5[%dma_wait3A_1724, %dma_wait3A_1725] : memref<16x3968xf32, #tpu.memory_space<vmem>> -> memref<16x2048xf32, #tpu.memory_space<vmem>>
    %dma_wait3A_1727 = arith.constant 0 : i32
    %dma_wait3A_1728 = arith.constant 0 : i32
    %dma_wait3A_1729 = tpu.memref_slice %arg3[%dma_wait3A_1722, %dma_wait3A_1723, %dma_wait3A_1727, %dma_wait3A_1728] : memref<1x16x2048x2048xf32, #tpu.memory_space<hbm>> -> memref<1x1x16x2048xf32, #tpu.memory_space<hbm>>
    %dma_wait3A_1730 = tpu.memref_squeeze %dma_wait3A_1729 : memref<1x1x16x2048xf32, #tpu.memory_space<hbm>> -> memref<16x2048xf32, #tpu.memory_space<hbm>>
    %dma_wait3A_1731 = arith.constant 0 : i32
    %dma_wait3A_1732 = arith.constant 0 : i32
    %dma_wait3A_1733 = tpu.memref_slice %arg3[%dma_wait3A_1722, %dma_wait3A_1723, %dma_wait3A_1731, %dma_wait3A_1732] : memref<1x16x2048x2048xf32, #tpu.memory_space<hbm>> -> memref<1x1x16x2048xf32, #tpu.memory_space<hbm>>
    %dma_wait3A_1734 = tpu.memref_squeeze %dma_wait3A_1733 : memref<1x1x16x2048xf32, #tpu.memory_space<hbm>> -> memref<16x2048xf32, #tpu.memory_space<hbm>>
    %dma_wait3A_1735 = arith.constant 0 : i32
    %dma_wait3A_1736 = arith.constant 0 : i32
    %dma_wait3A_1737 = tpu.memref_slice %arg5[%dma_wait3A_1735, %dma_wait3A_1736] : memref<16x3968xf32, #tpu.memory_space<vmem>> -> memref<16x2048xf32, #tpu.memory_space<vmem>>
    tpu.wait_dma2 semaphore(%arg7 : memref<!tpu.dma_semaphore, #tpu.memory_space<semaphore_mem>>) src(%dma_wait3A_1737 : memref<16x2048xf32, #tpu.memory_space<vmem>>) dst(%dma_wait3A_1734 : memref<16x2048xf32, #tpu.memory_space<hbm>>)
    %dma_wait3A_1738 = arith.constant 0 : i32
    %dma_wait3A_1739 = arith.constant 0 : i32
    %dma_wait3A_1740 = arith.constant 0 : i32
    %dma_wait3A_1741 = arith.constant 0 : i32
    %dma_wait3A_1742 = tpu.memref_slice %arg5[%dma_wait3A_1740, %dma_wait3A_1741] : memref<16x3968xf32, #tpu.memory_space<vmem>> -> memref<16x2048xf32, #tpu.memory_space<vmem>>
    %dma_wait3A_1743 = arith.constant 0 : i32
    %dma_wait3A_1744 = arith.constant 0 : i32
    %dma_wait3A_1745 = tpu.memref_slice %arg3[%dma_wait3A_1738, %dma_wait3A_1739, %dma_wait3A_1743, %dma_wait3A_1744] : memref<1x16x2048x2048xf32, #tpu.memory_space<hbm>> -> memref<1x1x16x2048xf32, #tpu.memory_space<hbm>>
    %dma_wait3A_1746 = tpu.memref_squeeze %dma_wait3A_1745 : memref<1x1x16x2048xf32, #tpu.memory_space<hbm>> -> memref<16x2048xf32, #tpu.memory_space<hbm>>
    %dma_wait3A_1747 = arith.constant 0 : i32
    %dma_wait3A_1748 = arith.constant 0 : i32
    %dma_wait3A_1749 = tpu.memref_slice %arg3[%dma_wait3A_1738, %dma_wait3A_1739, %dma_wait3A_1747, %dma_wait3A_1748] : memref<1x16x2048x2048xf32, #tpu.memory_space<hbm>> -> memref<1x1x16x2048xf32, #tpu.memory_space<hbm>>
    %dma_wait3A_1750 = tpu.memref_squeeze %dma_wait3A_1749 : memref<1x1x16x2048xf32, #tpu.memory_space<hbm>> -> memref<16x2048xf32, #tpu.memory_space<hbm>>
    %dma_wait3A_1751 = arith.constant 0 : i32
    %dma_wait3A_1752 = arith.constant 0 : i32
    %dma_wait3A_1753 = tpu.memref_slice %arg5[%dma_wait3A_1751, %dma_wait3A_1752] : memref<16x3968xf32, #tpu.memory_space<vmem>> -> memref<16x2048xf32, #tpu.memory_space<vmem>>
    tpu.wait_dma2 semaphore(%arg7 : memref<!tpu.dma_semaphore, #tpu.memory_space<semaphore_mem>>) src(%dma_wait3A_1753 : memref<16x2048xf32, #tpu.memory_space<vmem>>) dst(%dma_wait3A_1750 : memref<16x2048xf32, #tpu.memory_space<hbm>>)
    %dma_wait3A_1754 = arith.constant 0 : i32
    %dma_wait3A_1755 = arith.constant 0 : i32
    %dma_wait3A_1756 = arith.constant 0 : i32
    %dma_wait3A_1757 = arith.constant 0 : i32
    %dma_wait3A_1758 = tpu.memref_slice %arg5[%dma_wait3A_1756, %dma_wait3A_1757] : memref<16x3968xf32, #tpu.memory_space<vmem>> -> memref<16x2048xf32, #tpu.memory_space<vmem>>
    %dma_wait3A_1759 = arith.constant 0 : i32
    %dma_wait3A_1760 = arith.constant 0 : i32
    %dma_wait3A_1761 = tpu.memref_slice %arg3[%dma_wait3A_1754, %dma_wait3A_1755, %dma_wait3A_1759, %dma_wait3A_1760] : memref<1x16x2048x2048xf32, #tpu.memory_space<hbm>> -> memref<1x1x16x2048xf32, #tpu.memory_space<hbm>>
    %dma_wait3A_1762 = tpu.memref_squeeze %dma_wait3A_1761 : memref<1x1x16x2048xf32, #tpu.memory_space<hbm>> -> memref<16x2048xf32, #tpu.memory_space<hbm>>
    %dma_wait3A_1763 = arith.constant 0 : i32
    %dma_wait3A_1764 = arith.constant 0 : i32
    %dma_wait3A_1765 = tpu.memref_slice %arg3[%dma_wait3A_1754, %dma_wait3A_1755, %dma_wait3A_1763, %dma_wait3A_1764] : memref<1x16x2048x2048xf32, #tpu.memory_space<hbm>> -> memref<1x1x16x2048xf32, #tpu.memory_space<hbm>>
    %dma_wait3A_1766 = tpu.memref_squeeze %dma_wait3A_1765 : memref<1x1x16x2048xf32, #tpu.memory_space<hbm>> -> memref<16x2048xf32, #tpu.memory_space<hbm>>
    %dma_wait3A_1767 = arith.constant 0 : i32
    %dma_wait3A_1768 = arith.constant 0 : i32
    %dma_wait3A_1769 = tpu.memref_slice %arg5[%dma_wait3A_1767, %dma_wait3A_1768] : memref<16x3968xf32, #tpu.memory_space<vmem>> -> memref<16x2048xf32, #tpu.memory_space<vmem>>
    tpu.wait_dma2 semaphore(%arg7 : memref<!tpu.dma_semaphore, #tpu.memory_space<semaphore_mem>>) src(%dma_wait3A_1769 : memref<16x2048xf32, #tpu.memory_space<vmem>>) dst(%dma_wait3A_1766 : memref<16x2048xf32, #tpu.memory_space<hbm>>)
    %dma_wait3A_1770 = arith.constant 0 : i32
    %dma_wait3A_1771 = arith.constant 0 : i32
    %dma_wait3A_1772 = arith.constant 0 : i32
    %dma_wait3A_1773 = arith.constant 0 : i32
    %dma_wait3A_1774 = tpu.memref_slice %arg5[%dma_wait3A_1772, %dma_wait3A_1773] : memref<16x3968xf32, #tpu.memory_space<vmem>> -> memref<16x2048xf32, #tpu.memory_space<vmem>>
    %dma_wait3A_1775 = arith.constant 0 : i32
    %dma_wait3A_1776 = arith.constant 0 : i32
    %dma_wait3A_1777 = tpu.memref_slice %arg3[%dma_wait3A_1770, %dma_wait3A_1771, %dma_wait3A_1775, %dma_wait3A_1776] : memref<1x16x2048x2048xf32, #tpu.memory_space<hbm>> -> memref<1x1x16x2048xf32, #tpu.memory_space<hbm>>
    %dma_wait3A_1778 = tpu.memref_squeeze %dma_wait3A_1777 : memref<1x1x16x2048xf32, #tpu.memory_space<hbm>> -> memref<16x2048xf32, #tpu.memory_space<hbm>>
    %dma_wait3A_1779 = arith.constant 0 : i32
    %dma_wait3A_1780 = arith.constant 0 : i32
    %dma_wait3A_1781 = tpu.memref_slice %arg3[%dma_wait3A_1770, %dma_wait3A_1771, %dma_wait3A_1779, %dma_wait3A_1780] : memref<1x16x2048x2048xf32, #tpu.memory_space<hbm>> -> memref<1x1x16x2048xf32, #tpu.memory_space<hbm>>
    %dma_wait3A_1782 = tpu.memref_squeeze %dma_wait3A_1781 : memref<1x1x16x2048xf32, #tpu.memory_space<hbm>> -> memref<16x2048xf32, #tpu.memory_space<hbm>>
    %dma_wait3A_1783 = arith.constant 0 : i32
    %dma_wait3A_1784 = arith.constant 0 : i32
    %dma_wait3A_1785 = tpu.memref_slice %arg5[%dma_wait3A_1783, %dma_wait3A_1784] : memref<16x3968xf32, #tpu.memory_space<vmem>> -> memref<16x2048xf32, #tpu.memory_space<vmem>>
    tpu.wait_dma2 semaphore(%arg7 : memref<!tpu.dma_semaphore, #tpu.memory_space<semaphore_mem>>) src(%dma_wait3A_1785 : memref<16x2048xf32, #tpu.memory_space<vmem>>) dst(%dma_wait3A_1782 : memref<16x2048xf32, #tpu.memory_space<hbm>>)
    %dma_wait3A_1786 = arith.constant 0 : i32
    %dma_wait3A_1787 = arith.constant 0 : i32
    %dma_wait3A_1788 = arith.constant 0 : i32
    %dma_wait3A_1789 = arith.constant 0 : i32
    %dma_wait3A_1790 = tpu.memref_slice %arg5[%dma_wait3A_1788, %dma_wait3A_1789] : memref<16x3968xf32, #tpu.memory_space<vmem>> -> memref<16x2048xf32, #tpu.memory_space<vmem>>
    %dma_wait3A_1791 = arith.constant 0 : i32
    %dma_wait3A_1792 = arith.constant 0 : i32
    %dma_wait3A_1793 = tpu.memref_slice %arg3[%dma_wait3A_1786, %dma_wait3A_1787, %dma_wait3A_1791, %dma_wait3A_1792] : memref<1x16x2048x2048xf32, #tpu.memory_space<hbm>> -> memref<1x1x16x2048xf32, #tpu.memory_space<hbm>>
    %dma_wait3A_1794 = tpu.memref_squeeze %dma_wait3A_1793 : memref<1x1x16x2048xf32, #tpu.memory_space<hbm>> -> memref<16x2048xf32, #tpu.memory_space<hbm>>
    %dma_wait3A_1795 = arith.constant 0 : i32
    %dma_wait3A_1796 = arith.constant 0 : i32
    %dma_wait3A_1797 = tpu.memref_slice %arg3[%dma_wait3A_1786, %dma_wait3A_1787, %dma_wait3A_1795, %dma_wait3A_1796] : memref<1x16x2048x2048xf32, #tpu.memory_space<hbm>> -> memref<1x1x16x2048xf32, #tpu.memory_space<hbm>>
    %dma_wait3A_1798 = tpu.memref_squeeze %dma_wait3A_1797 : memref<1x1x16x2048xf32, #tpu.memory_space<hbm>> -> memref<16x2048xf32, #tpu.memory_space<hbm>>
    %dma_wait3A_1799 = arith.constant 0 : i32
    %dma_wait3A_1800 = arith.constant 0 : i32
    %dma_wait3A_1801 = tpu.memref_slice %arg5[%dma_wait3A_1799, %dma_wait3A_1800] : memref<16x3968xf32, #tpu.memory_space<vmem>> -> memref<16x2048xf32, #tpu.memory_space<vmem>>
    tpu.wait_dma2 semaphore(%arg7 : memref<!tpu.dma_semaphore, #tpu.memory_space<semaphore_mem>>) src(%dma_wait3A_1801 : memref<16x2048xf32, #tpu.memory_space<vmem>>) dst(%dma_wait3A_1798 : memref<16x2048xf32, #tpu.memory_space<hbm>>)
    %dma_wait3A_1802 = arith.constant 0 : i32
    %dma_wait3A_1803 = arith.constant 0 : i32
    %dma_wait3A_1804 = arith.constant 0 : i32
    %dma_wait3A_1805 = arith.constant 0 : i32
    %dma_wait3A_1806 = tpu.memref_slice %arg5[%dma_wait3A_1804, %dma_wait3A_1805] : memref<16x3968xf32, #tpu.memory_space<vmem>> -> memref<16x2048xf32, #tpu.memory_space<vmem>>
    %dma_wait3A_1807 = arith.constant 0 : i32
    %dma_wait3A_1808 = arith.constant 0 : i32
    %dma_wait3A_1809 = tpu.memref_slice %arg3[%dma_wait3A_1802, %dma_wait3A_1803, %dma_wait3A_1807, %dma_wait3A_1808] : memref<1x16x2048x2048xf32, #tpu.memory_space<hbm>> -> memref<1x1x16x2048xf32, #tpu.memory_space<hbm>>
    %dma_wait3A_1810 = tpu.memref_squeeze %dma_wait3A_1809 : memref<1x1x16x2048xf32, #tpu.memory_space<hbm>> -> memref<16x2048xf32, #tpu.memory_space<hbm>>
    %dma_wait3A_1811 = arith.constant 0 : i32
    %dma_wait3A_1812 = arith.constant 0 : i32
    %dma_wait3A_1813 = tpu.memref_slice %arg3[%dma_wait3A_1802, %dma_wait3A_1803, %dma_wait3A_1811, %dma_wait3A_1812] : memref<1x16x2048x2048xf32, #tpu.memory_space<hbm>> -> memref<1x1x16x2048xf32, #tpu.memory_space<hbm>>
    %dma_wait3A_1814 = tpu.memref_squeeze %dma_wait3A_1813 : memref<1x1x16x2048xf32, #tpu.memory_space<hbm>> -> memref<16x2048xf32, #tpu.memory_space<hbm>>
    %dma_wait3A_1815 = arith.constant 0 : i32
    %dma_wait3A_1816 = arith.constant 0 : i32
    %dma_wait3A_1817 = tpu.memref_slice %arg5[%dma_wait3A_1815, %dma_wait3A_1816] : memref<16x3968xf32, #tpu.memory_space<vmem>> -> memref<16x2048xf32, #tpu.memory_space<vmem>>
    tpu.wait_dma2 semaphore(%arg7 : memref<!tpu.dma_semaphore, #tpu.memory_space<semaphore_mem>>) src(%dma_wait3A_1817 : memref<16x2048xf32, #tpu.memory_space<vmem>>) dst(%dma_wait3A_1814 : memref<16x2048xf32, #tpu.memory_space<hbm>>)
    %dma_wait3A_1818 = arith.constant 0 : i32
    %dma_wait3A_1819 = arith.constant 0 : i32
    %dma_wait3A_1820 = arith.constant 0 : i32
    %dma_wait3A_1821 = arith.constant 0 : i32
    %dma_wait3A_1822 = tpu.memref_slice %arg5[%dma_wait3A_1820, %dma_wait3A_1821] : memref<16x3968xf32, #tpu.memory_space<vmem>> -> memref<16x2048xf32, #tpu.memory_space<vmem>>
    %dma_wait3A_1823 = arith.constant 0 : i32
    %dma_wait3A_1824 = arith.constant 0 : i32
    %dma_wait3A_1825 = tpu.memref_slice %arg3[%dma_wait3A_1818, %dma_wait3A_1819, %dma_wait3A_1823, %dma_wait3A_1824] : memref<1x16x2048x2048xf32, #tpu.memory_space<hbm>> -> memref<1x1x16x2048xf32, #tpu.memory_space<hbm>>
    %dma_wait3A_1826 = tpu.memref_squeeze %dma_wait3A_1825 : memref<1x1x16x2048xf32, #tpu.memory_space<hbm>> -> memref<16x2048xf32, #tpu.memory_space<hbm>>
    %dma_wait3A_1827 = arith.constant 0 : i32
    %dma_wait3A_1828 = arith.constant 0 : i32
    %dma_wait3A_1829 = tpu.memref_slice %arg3[%dma_wait3A_1818, %dma_wait3A_1819, %dma_wait3A_1827, %dma_wait3A_1828] : memref<1x16x2048x2048xf32, #tpu.memory_space<hbm>> -> memref<1x1x16x2048xf32, #tpu.memory_space<hbm>>
    %dma_wait3A_1830 = tpu.memref_squeeze %dma_wait3A_1829 : memref<1x1x16x2048xf32, #tpu.memory_space<hbm>> -> memref<16x2048xf32, #tpu.memory_space<hbm>>
    %dma_wait3A_1831 = arith.constant 0 : i32
    %dma_wait3A_1832 = arith.constant 0 : i32
    %dma_wait3A_1833 = tpu.memref_slice %arg5[%dma_wait3A_1831, %dma_wait3A_1832] : memref<16x3968xf32, #tpu.memory_space<vmem>> -> memref<16x2048xf32, #tpu.memory_space<vmem>>
    tpu.wait_dma2 semaphore(%arg7 : memref<!tpu.dma_semaphore, #tpu.memory_space<semaphore_mem>>) src(%dma_wait3A_1833 : memref<16x2048xf32, #tpu.memory_space<vmem>>) dst(%dma_wait3A_1830 : memref<16x2048xf32, #tpu.memory_space<hbm>>)
    %dma_wait3A_1834 = arith.constant 0 : i32
    %dma_wait3A_1835 = arith.constant 0 : i32
    %dma_wait3A_1836 = arith.constant 0 : i32
    %dma_wait3A_1837 = arith.constant 0 : i32
    %dma_wait3A_1838 = tpu.memref_slice %arg5[%dma_wait3A_1836, %dma_wait3A_1837] : memref<16x3968xf32, #tpu.memory_space<vmem>> -> memref<16x2048xf32, #tpu.memory_space<vmem>>
    %dma_wait3A_1839 = arith.constant 0 : i32
    %dma_wait3A_1840 = arith.constant 0 : i32
    %dma_wait3A_1841 = tpu.memref_slice %arg3[%dma_wait3A_1834, %dma_wait3A_1835, %dma_wait3A_1839, %dma_wait3A_1840] : memref<1x16x2048x2048xf32, #tpu.memory_space<hbm>> -> memref<1x1x16x2048xf32, #tpu.memory_space<hbm>>
    %dma_wait3A_1842 = tpu.memref_squeeze %dma_wait3A_1841 : memref<1x1x16x2048xf32, #tpu.memory_space<hbm>> -> memref<16x2048xf32, #tpu.memory_space<hbm>>
    %dma_wait3A_1843 = arith.constant 0 : i32
    %dma_wait3A_1844 = arith.constant 0 : i32
    %dma_wait3A_1845 = tpu.memref_slice %arg3[%dma_wait3A_1834, %dma_wait3A_1835, %dma_wait3A_1843, %dma_wait3A_1844] : memref<1x16x2048x2048xf32, #tpu.memory_space<hbm>> -> memref<1x1x16x2048xf32, #tpu.memory_space<hbm>>
    %dma_wait3A_1846 = tpu.memref_squeeze %dma_wait3A_1845 : memref<1x1x16x2048xf32, #tpu.memory_space<hbm>> -> memref<16x2048xf32, #tpu.memory_space<hbm>>
    %dma_wait3A_1847 = arith.constant 0 : i32
    %dma_wait3A_1848 = arith.constant 0 : i32
    %dma_wait3A_1849 = tpu.memref_slice %arg5[%dma_wait3A_1847, %dma_wait3A_1848] : memref<16x3968xf32, #tpu.memory_space<vmem>> -> memref<16x2048xf32, #tpu.memory_space<vmem>>
    tpu.wait_dma2 semaphore(%arg7 : memref<!tpu.dma_semaphore, #tpu.memory_space<semaphore_mem>>) src(%dma_wait3A_1849 : memref<16x2048xf32, #tpu.memory_space<vmem>>) dst(%dma_wait3A_1846 : memref<16x2048xf32, #tpu.memory_space<hbm>>)
    %dma_wait3A_1850 = arith.constant 0 : i32
    %dma_wait3A_1851 = arith.constant 0 : i32
    %dma_wait3A_1852 = arith.constant 0 : i32
    %dma_wait3A_1853 = arith.constant 0 : i32
    %dma_wait3A_1854 = tpu.memref_slice %arg6[%dma_wait3A_1852, %dma_wait3A_1853] : memref<16x3968xf32, #tpu.memory_space<vmem>> -> memref<16x2048xf32, #tpu.memory_space<vmem>>
    %dma_wait3A_1855 = arith.constant 0 : i32
    %dma_wait3A_1856 = arith.constant 0 : i32
    %dma_wait3A_1857 = tpu.memref_slice %arg3[%dma_wait3A_1850, %dma_wait3A_1851, %dma_wait3A_1855, %dma_wait3A_1856] : memref<1x16x2048x2048xf32, #tpu.memory_space<hbm>> -> memref<1x1x16x2048xf32, #tpu.memory_space<hbm>>
    %dma_wait3A_1858 = tpu.memref_squeeze %dma_wait3A_1857 : memref<1x1x16x2048xf32, #tpu.memory_space<hbm>> -> memref<16x2048xf32, #tpu.memory_space<hbm>>
    %dma_wait3A_1859 = arith.constant 0 : i32
    %dma_wait3A_1860 = arith.constant 0 : i32
    %dma_wait3A_1861 = tpu.memref_slice %arg3[%dma_wait3A_1850, %dma_wait3A_1851, %dma_wait3A_1859, %dma_wait3A_1860] : memref<1x16x2048x2048xf32, #tpu.memory_space<hbm>> -> memref<1x1x16x2048xf32, #tpu.memory_space<hbm>>
    %dma_wait3A_1862 = tpu.memref_squeeze %dma_wait3A_1861 : memref<1x1x16x2048xf32, #tpu.memory_space<hbm>> -> memref<16x2048xf32, #tpu.memory_space<hbm>>
    %dma_wait3A_1863 = arith.constant 0 : i32
    %dma_wait3A_1864 = arith.constant 0 : i32
    %dma_wait3A_1865 = tpu.memref_slice %arg6[%dma_wait3A_1863, %dma_wait3A_1864] : memref<16x3968xf32, #tpu.memory_space<vmem>> -> memref<16x2048xf32, #tpu.memory_space<vmem>>
    tpu.wait_dma2 semaphore(%arg8 : memref<!tpu.dma_semaphore, #tpu.memory_space<semaphore_mem>>) src(%dma_wait3A_1865 : memref<16x2048xf32, #tpu.memory_space<vmem>>) dst(%dma_wait3A_1862 : memref<16x2048xf32, #tpu.memory_space<hbm>>)
    %dma_wait3A_1866 = arith.constant 0 : i32
    %dma_wait3A_1867 = arith.constant 0 : i32
    %dma_wait3A_1868 = arith.constant 0 : i32
    %dma_wait3A_1869 = arith.constant 0 : i32
    %dma_wait3A_1870 = tpu.memref_slice %arg6[%dma_wait3A_1868, %dma_wait3A_1869] : memref<16x3968xf32, #tpu.memory_space<vmem>> -> memref<16x2048xf32, #tpu.memory_space<vmem>>
    %dma_wait3A_1871 = arith.constant 0 : i32
    %dma_wait3A_1872 = arith.constant 0 : i32
    %dma_wait3A_1873 = tpu.memref_slice %arg3[%dma_wait3A_1866, %dma_wait3A_1867, %dma_wait3A_1871, %dma_wait3A_1872] : memref<1x16x2048x2048xf32, #tpu.memory_space<hbm>> -> memref<1x1x16x2048xf32, #tpu.memory_space<hbm>>
    %dma_wait3A_1874 = tpu.memref_squeeze %dma_wait3A_1873 : memref<1x1x16x2048xf32, #tpu.memory_space<hbm>> -> memref<16x2048xf32, #tpu.memory_space<hbm>>
    %dma_wait3A_1875 = arith.constant 0 : i32
    %dma_wait3A_1876 = arith.constant 0 : i32
    %dma_wait3A_1877 = tpu.memref_slice %arg3[%dma_wait3A_1866, %dma_wait3A_1867, %dma_wait3A_1875, %dma_wait3A_1876] : memref<1x16x2048x2048xf32, #tpu.memory_space<hbm>> -> memref<1x1x16x2048xf32, #tpu.memory_space<hbm>>
    %dma_wait3A_1878 = tpu.memref_squeeze %dma_wait3A_1877 : memref<1x1x16x2048xf32, #tpu.memory_space<hbm>> -> memref<16x2048xf32, #tpu.memory_space<hbm>>
    %dma_wait3A_1879 = arith.constant 0 : i32
    %dma_wait3A_1880 = arith.constant 0 : i32
    %dma_wait3A_1881 = tpu.memref_slice %arg6[%dma_wait3A_1879, %dma_wait3A_1880] : memref<16x3968xf32, #tpu.memory_space<vmem>> -> memref<16x2048xf32, #tpu.memory_space<vmem>>
    tpu.wait_dma2 semaphore(%arg8 : memref<!tpu.dma_semaphore, #tpu.memory_space<semaphore_mem>>) src(%dma_wait3A_1881 : memref<16x2048xf32, #tpu.memory_space<vmem>>) dst(%dma_wait3A_1878 : memref<16x2048xf32, #tpu.memory_space<hbm>>)
    %dma_wait3A_1882 = arith.constant 0 : i32
    %dma_wait3A_1883 = arith.constant 0 : i32
    %dma_wait3A_1884 = arith.constant 0 : i32
    %dma_wait3A_1885 = arith.constant 0 : i32
    %dma_wait3A_1886 = tpu.memref_slice %arg6[%dma_wait3A_1884, %dma_wait3A_1885] : memref<16x3968xf32, #tpu.memory_space<vmem>> -> memref<16x2048xf32, #tpu.memory_space<vmem>>
    %dma_wait3A_1887 = arith.constant 0 : i32
    %dma_wait3A_1888 = arith.constant 0 : i32
    %dma_wait3A_1889 = tpu.memref_slice %arg3[%dma_wait3A_1882, %dma_wait3A_1883, %dma_wait3A_1887, %dma_wait3A_1888] : memref<1x16x2048x2048xf32, #tpu.memory_space<hbm>> -> memref<1x1x16x2048xf32, #tpu.memory_space<hbm>>
    %dma_wait3A_1890 = tpu.memref_squeeze %dma_wait3A_1889 : memref<1x1x16x2048xf32, #tpu.memory_space<hbm>> -> memref<16x2048xf32, #tpu.memory_space<hbm>>
    %dma_wait3A_1891 = arith.constant 0 : i32
    %dma_wait3A_1892 = arith.constant 0 : i32
    %dma_wait3A_1893 = tpu.memref_slice %arg3[%dma_wait3A_1882, %dma_wait3A_1883, %dma_wait3A_1891, %dma_wait3A_1892] : memref<1x16x2048x2048xf32, #tpu.memory_space<hbm>> -> memref<1x1x16x2048xf32, #tpu.memory_space<hbm>>
    %dma_wait3A_1894 = tpu.memref_squeeze %dma_wait3A_1893 : memref<1x1x16x2048xf32, #tpu.memory_space<hbm>> -> memref<16x2048xf32, #tpu.memory_space<hbm>>
    %dma_wait3A_1895 = arith.constant 0 : i32
    %dma_wait3A_1896 = arith.constant 0 : i32
    %dma_wait3A_1897 = tpu.memref_slice %arg6[%dma_wait3A_1895, %dma_wait3A_1896] : memref<16x3968xf32, #tpu.memory_space<vmem>> -> memref<16x2048xf32, #tpu.memory_space<vmem>>
    tpu.wait_dma2 semaphore(%arg8 : memref<!tpu.dma_semaphore, #tpu.memory_space<semaphore_mem>>) src(%dma_wait3A_1897 : memref<16x2048xf32, #tpu.memory_space<vmem>>) dst(%dma_wait3A_1894 : memref<16x2048xf32, #tpu.memory_space<hbm>>)
    %dma_wait3A_1898 = arith.constant 0 : i32
    %dma_wait3A_1899 = arith.constant 0 : i32
    %dma_wait3A_1900 = arith.constant 0 : i32
    %dma_wait3A_1901 = arith.constant 0 : i32
    %dma_wait3A_1902 = tpu.memref_slice %arg6[%dma_wait3A_1900, %dma_wait3A_1901] : memref<16x3968xf32, #tpu.memory_space<vmem>> -> memref<16x2048xf32, #tpu.memory_space<vmem>>
    %dma_wait3A_1903 = arith.constant 0 : i32
    %dma_wait3A_1904 = arith.constant 0 : i32
    %dma_wait3A_1905 = tpu.memref_slice %arg3[%dma_wait3A_1898, %dma_wait3A_1899, %dma_wait3A_1903, %dma_wait3A_1904] : memref<1x16x2048x2048xf32, #tpu.memory_space<hbm>> -> memref<1x1x16x2048xf32, #tpu.memory_space<hbm>>
    %dma_wait3A_1906 = tpu.memref_squeeze %dma_wait3A_1905 : memref<1x1x16x2048xf32, #tpu.memory_space<hbm>> -> memref<16x2048xf32, #tpu.memory_space<hbm>>
    %dma_wait3A_1907 = arith.constant 0 : i32
    %dma_wait3A_1908 = arith.constant 0 : i32
    %dma_wait3A_1909 = tpu.memref_slice %arg3[%dma_wait3A_1898, %dma_wait3A_1899, %dma_wait3A_1907, %dma_wait3A_1908] : memref<1x16x2048x2048xf32, #tpu.memory_space<hbm>> -> memref<1x1x16x2048xf32, #tpu.memory_space<hbm>>
    %dma_wait3A_1910 = tpu.memref_squeeze %dma_wait3A_1909 : memref<1x1x16x2048xf32, #tpu.memory_space<hbm>> -> memref<16x2048xf32, #tpu.memory_space<hbm>>
    %dma_wait3A_1911 = arith.constant 0 : i32
    %dma_wait3A_1912 = arith.constant 0 : i32
    %dma_wait3A_1913 = tpu.memref_slice %arg6[%dma_wait3A_1911, %dma_wait3A_1912] : memref<16x3968xf32, #tpu.memory_space<vmem>> -> memref<16x2048xf32, #tpu.memory_space<vmem>>
    tpu.wait_dma2 semaphore(%arg8 : memref<!tpu.dma_semaphore, #tpu.memory_space<semaphore_mem>>) src(%dma_wait3A_1913 : memref<16x2048xf32, #tpu.memory_space<vmem>>) dst(%dma_wait3A_1910 : memref<16x2048xf32, #tpu.memory_space<hbm>>)
    %dma_wait3A_1914 = arith.constant 0 : i32
    %dma_wait3A_1915 = arith.constant 0 : i32
    %dma_wait3A_1916 = arith.constant 0 : i32
    %dma_wait3A_1917 = arith.constant 0 : i32
    %dma_wait3A_1918 = tpu.memref_slice %arg6[%dma_wait3A_1916, %dma_wait3A_1917] : memref<16x3968xf32, #tpu.memory_space<vmem>> -> memref<16x2048xf32, #tpu.memory_space<vmem>>
    %dma_wait3A_1919 = arith.constant 0 : i32
    %dma_wait3A_1920 = arith.constant 0 : i32
    %dma_wait3A_1921 = tpu.memref_slice %arg3[%dma_wait3A_1914, %dma_wait3A_1915, %dma_wait3A_1919, %dma_wait3A_1920] : memref<1x16x2048x2048xf32, #tpu.memory_space<hbm>> -> memref<1x1x16x2048xf32, #tpu.memory_space<hbm>>
    %dma_wait3A_1922 = tpu.memref_squeeze %dma_wait3A_1921 : memref<1x1x16x2048xf32, #tpu.memory_space<hbm>> -> memref<16x2048xf32, #tpu.memory_space<hbm>>
    %dma_wait3A_1923 = arith.constant 0 : i32
    %dma_wait3A_1924 = arith.constant 0 : i32
    %dma_wait3A_1925 = tpu.memref_slice %arg3[%dma_wait3A_1914, %dma_wait3A_1915, %dma_wait3A_1923, %dma_wait3A_1924] : memref<1x16x2048x2048xf32, #tpu.memory_space<hbm>> -> memref<1x1x16x2048xf32, #tpu.memory_space<hbm>>
    %dma_wait3A_1926 = tpu.memref_squeeze %dma_wait3A_1925 : memref<1x1x16x2048xf32, #tpu.memory_space<hbm>> -> memref<16x2048xf32, #tpu.memory_space<hbm>>
    %dma_wait3A_1927 = arith.constant 0 : i32
    %dma_wait3A_1928 = arith.constant 0 : i32
    %dma_wait3A_1929 = tpu.memref_slice %arg6[%dma_wait3A_1927, %dma_wait3A_1928] : memref<16x3968xf32, #tpu.memory_space<vmem>> -> memref<16x2048xf32, #tpu.memory_space<vmem>>
    tpu.wait_dma2 semaphore(%arg8 : memref<!tpu.dma_semaphore, #tpu.memory_space<semaphore_mem>>) src(%dma_wait3A_1929 : memref<16x2048xf32, #tpu.memory_space<vmem>>) dst(%dma_wait3A_1926 : memref<16x2048xf32, #tpu.memory_space<hbm>>)
    %dma_wait3A_1930 = arith.constant 0 : i32
    %dma_wait3A_1931 = arith.constant 0 : i32
    %dma_wait3A_1932 = arith.constant 0 : i32
    %dma_wait3A_1933 = arith.constant 0 : i32
    %dma_wait3A_1934 = tpu.memref_slice %arg6[%dma_wait3A_1932, %dma_wait3A_1933] : memref<16x3968xf32, #tpu.memory_space<vmem>> -> memref<16x2048xf32, #tpu.memory_space<vmem>>
    %dma_wait3A_1935 = arith.constant 0 : i32
    %dma_wait3A_1936 = arith.constant 0 : i32
    %dma_wait3A_1937 = tpu.memref_slice %arg3[%dma_wait3A_1930, %dma_wait3A_1931, %dma_wait3A_1935, %dma_wait3A_1936] : memref<1x16x2048x2048xf32, #tpu.memory_space<hbm>> -> memref<1x1x16x2048xf32, #tpu.memory_space<hbm>>
    %dma_wait3A_1938 = tpu.memref_squeeze %dma_wait3A_1937 : memref<1x1x16x2048xf32, #tpu.memory_space<hbm>> -> memref<16x2048xf32, #tpu.memory_space<hbm>>
    %dma_wait3A_1939 = arith.constant 0 : i32
    %dma_wait3A_1940 = arith.constant 0 : i32
    %dma_wait3A_1941 = tpu.memref_slice %arg3[%dma_wait3A_1930, %dma_wait3A_1931, %dma_wait3A_1939, %dma_wait3A_1940] : memref<1x16x2048x2048xf32, #tpu.memory_space<hbm>> -> memref<1x1x16x2048xf32, #tpu.memory_space<hbm>>
    %dma_wait3A_1942 = tpu.memref_squeeze %dma_wait3A_1941 : memref<1x1x16x2048xf32, #tpu.memory_space<hbm>> -> memref<16x2048xf32, #tpu.memory_space<hbm>>
    %dma_wait3A_1943 = arith.constant 0 : i32
    %dma_wait3A_1944 = arith.constant 0 : i32
    %dma_wait3A_1945 = tpu.memref_slice %arg6[%dma_wait3A_1943, %dma_wait3A_1944] : memref<16x3968xf32, #tpu.memory_space<vmem>> -> memref<16x2048xf32, #tpu.memory_space<vmem>>
    tpu.wait_dma2 semaphore(%arg8 : memref<!tpu.dma_semaphore, #tpu.memory_space<semaphore_mem>>) src(%dma_wait3A_1945 : memref<16x2048xf32, #tpu.memory_space<vmem>>) dst(%dma_wait3A_1942 : memref<16x2048xf32, #tpu.memory_space<hbm>>)
    %dma_wait3A_1946 = arith.constant 0 : i32
    %dma_wait3A_1947 = arith.constant 0 : i32
    %dma_wait3A_1948 = arith.constant 0 : i32
    %dma_wait3A_1949 = arith.constant 0 : i32
    %dma_wait3A_1950 = tpu.memref_slice %arg6[%dma_wait3A_1948, %dma_wait3A_1949] : memref<16x3968xf32, #tpu.memory_space<vmem>> -> memref<16x2048xf32, #tpu.memory_space<vmem>>
    %dma_wait3A_1951 = arith.constant 0 : i32
    %dma_wait3A_1952 = arith.constant 0 : i32
    %dma_wait3A_1953 = tpu.memref_slice %arg3[%dma_wait3A_1946, %dma_wait3A_1947, %dma_wait3A_1951, %dma_wait3A_1952] : memref<1x16x2048x2048xf32, #tpu.memory_space<hbm>> -> memref<1x1x16x2048xf32, #tpu.memory_space<hbm>>
    %dma_wait3A_1954 = tpu.memref_squeeze %dma_wait3A_1953 : memref<1x1x16x2048xf32, #tpu.memory_space<hbm>> -> memref<16x2048xf32, #tpu.memory_space<hbm>>
    %dma_wait3A_1955 = arith.constant 0 : i32
    %dma_wait3A_1956 = arith.constant 0 : i32
    %dma_wait3A_1957 = tpu.memref_slice %arg3[%dma_wait3A_1946, %dma_wait3A_1947, %dma_wait3A_1955, %dma_wait3A_1956] : memref<1x16x2048x2048xf32, #tpu.memory_space<hbm>> -> memref<1x1x16x2048xf32, #tpu.memory_space<hbm>>
    %dma_wait3A_1958 = tpu.memref_squeeze %dma_wait3A_1957 : memref<1x1x16x2048xf32, #tpu.memory_space<hbm>> -> memref<16x2048xf32, #tpu.memory_space<hbm>>
    %dma_wait3A_1959 = arith.constant 0 : i32
    %dma_wait3A_1960 = arith.constant 0 : i32
    %dma_wait3A_1961 = tpu.memref_slice %arg6[%dma_wait3A_1959, %dma_wait3A_1960] : memref<16x3968xf32, #tpu.memory_space<vmem>> -> memref<16x2048xf32, #tpu.memory_space<vmem>>
    tpu.wait_dma2 semaphore(%arg8 : memref<!tpu.dma_semaphore, #tpu.memory_space<semaphore_mem>>) src(%dma_wait3A_1961 : memref<16x2048xf32, #tpu.memory_space<vmem>>) dst(%dma_wait3A_1958 : memref<16x2048xf32, #tpu.memory_space<hbm>>)
    %dma_wait3A_1962 = arith.constant 0 : i32
    %dma_wait3A_1963 = arith.constant 0 : i32
    %dma_wait3A_1964 = arith.constant 0 : i32
    %dma_wait3A_1965 = arith.constant 0 : i32
    %dma_wait3A_1966 = tpu.memref_slice %arg6[%dma_wait3A_1964, %dma_wait3A_1965] : memref<16x3968xf32, #tpu.memory_space<vmem>> -> memref<16x2048xf32, #tpu.memory_space<vmem>>
    %dma_wait3A_1967 = arith.constant 0 : i32
    %dma_wait3A_1968 = arith.constant 0 : i32
    %dma_wait3A_1969 = tpu.memref_slice %arg3[%dma_wait3A_1962, %dma_wait3A_1963, %dma_wait3A_1967, %dma_wait3A_1968] : memref<1x16x2048x2048xf32, #tpu.memory_space<hbm>> -> memref<1x1x16x2048xf32, #tpu.memory_space<hbm>>
    %dma_wait3A_1970 = tpu.memref_squeeze %dma_wait3A_1969 : memref<1x1x16x2048xf32, #tpu.memory_space<hbm>> -> memref<16x2048xf32, #tpu.memory_space<hbm>>
    %dma_wait3A_1971 = arith.constant 0 : i32
    %dma_wait3A_1972 = arith.constant 0 : i32
    %dma_wait3A_1973 = tpu.memref_slice %arg3[%dma_wait3A_1962, %dma_wait3A_1963, %dma_wait3A_1971, %dma_wait3A_1972] : memref<1x16x2048x2048xf32, #tpu.memory_space<hbm>> -> memref<1x1x16x2048xf32, #tpu.memory_space<hbm>>
    %dma_wait3A_1974 = tpu.memref_squeeze %dma_wait3A_1973 : memref<1x1x16x2048xf32, #tpu.memory_space<hbm>> -> memref<16x2048xf32, #tpu.memory_space<hbm>>
    %dma_wait3A_1975 = arith.constant 0 : i32
    %dma_wait3A_1976 = arith.constant 0 : i32
    %dma_wait3A_1977 = tpu.memref_slice %arg6[%dma_wait3A_1975, %dma_wait3A_1976] : memref<16x3968xf32, #tpu.memory_space<vmem>> -> memref<16x2048xf32, #tpu.memory_space<vmem>>
    tpu.wait_dma2 semaphore(%arg8 : memref<!tpu.dma_semaphore, #tpu.memory_space<semaphore_mem>>) src(%dma_wait3A_1977 : memref<16x2048xf32, #tpu.memory_space<vmem>>) dst(%dma_wait3A_1974 : memref<16x2048xf32, #tpu.memory_space<hbm>>)
    %dma_wait3A_1978 = arith.constant 0 : i32
    %dma_wait3A_1979 = arith.constant 0 : i32
    %dma_wait3A_1980 = arith.constant 0 : i32
    %dma_wait3A_1981 = arith.constant 0 : i32
    %dma_wait3A_1982 = tpu.memref_slice %arg6[%dma_wait3A_1980, %dma_wait3A_1981] : memref<16x3968xf32, #tpu.memory_space<vmem>> -> memref<16x2048xf32, #tpu.memory_space<vmem>>
    %dma_wait3A_1983 = arith.constant 0 : i32
    %dma_wait3A_1984 = arith.constant 0 : i32
    %dma_wait3A_1985 = tpu.memref_slice %arg3[%dma_wait3A_1978, %dma_wait3A_1979, %dma_wait3A_1983, %dma_wait3A_1984] : memref<1x16x2048x2048xf32, #tpu.memory_space<hbm>> -> memref<1x1x16x2048xf32, #tpu.memory_space<hbm>>
    %dma_wait3A_1986 = tpu.memref_squeeze %dma_wait3A_1985 : memref<1x1x16x2048xf32, #tpu.memory_space<hbm>> -> memref<16x2048xf32, #tpu.memory_space<hbm>>
    %dma_wait3A_1987 = arith.constant 0 : i32
    %dma_wait3A_1988 = arith.constant 0 : i32
    %dma_wait3A_1989 = tpu.memref_slice %arg3[%dma_wait3A_1978, %dma_wait3A_1979, %dma_wait3A_1987, %dma_wait3A_1988] : memref<1x16x2048x2048xf32, #tpu.memory_space<hbm>> -> memref<1x1x16x2048xf32, #tpu.memory_space<hbm>>
    %dma_wait3A_1990 = tpu.memref_squeeze %dma_wait3A_1989 : memref<1x1x16x2048xf32, #tpu.memory_space<hbm>> -> memref<16x2048xf32, #tpu.memory_space<hbm>>
    %dma_wait3A_1991 = arith.constant 0 : i32
    %dma_wait3A_1992 = arith.constant 0 : i32
    %dma_wait3A_1993 = tpu.memref_slice %arg6[%dma_wait3A_1991, %dma_wait3A_1992] : memref<16x3968xf32, #tpu.memory_space<vmem>> -> memref<16x2048xf32, #tpu.memory_space<vmem>>
    tpu.wait_dma2 semaphore(%arg8 : memref<!tpu.dma_semaphore, #tpu.memory_space<semaphore_mem>>) src(%dma_wait3A_1993 : memref<16x2048xf32, #tpu.memory_space<vmem>>) dst(%dma_wait3A_1990 : memref<16x2048xf32, #tpu.memory_space<hbm>>)
    %dma_wait3A_1994 = arith.constant 0 : i32
    %dma_wait3A_1995 = arith.constant 0 : i32
    %dma_wait3A_1996 = arith.constant 0 : i32
    %dma_wait3A_1997 = arith.constant 0 : i32
    %dma_wait3A_1998 = tpu.memref_slice %arg6[%dma_wait3A_1996, %dma_wait3A_1997] : memref<16x3968xf32, #tpu.memory_space<vmem>> -> memref<16x2048xf32, #tpu.memory_space<vmem>>
    %dma_wait3A_1999 = arith.constant 0 : i32
    %dma_wait3A_2000 = arith.constant 0 : i32
    %dma_wait3A_2001 = tpu.memref_slice %arg3[%dma_wait3A_1994, %dma_wait3A_1995, %dma_wait3A_1999, %dma_wait3A_2000] : memref<1x16x2048x2048xf32, #tpu.memory_space<hbm>> -> memref<1x1x16x2048xf32, #tpu.memory_space<hbm>>
    %dma_wait3A_2002 = tpu.memref_squeeze %dma_wait3A_2001 : memref<1x1x16x2048xf32, #tpu.memory_space<hbm>> -> memref<16x2048xf32, #tpu.memory_space<hbm>>
    %dma_wait3A_2003 = arith.constant 0 : i32
    %dma_wait3A_2004 = arith.constant 0 : i32
    %dma_wait3A_2005 = tpu.memref_slice %arg3[%dma_wait3A_1994, %dma_wait3A_1995, %dma_wait3A_2003, %dma_wait3A_2004] : memref<1x16x2048x2048xf32, #tpu.memory_space<hbm>> -> memref<1x1x16x2048xf32, #tpu.memory_space<hbm>>
    %dma_wait3A_2006 = tpu.memref_squeeze %dma_wait3A_2005 : memref<1x1x16x2048xf32, #tpu.memory_space<hbm>> -> memref<16x2048xf32, #tpu.memory_space<hbm>>
    %dma_wait3A_2007 = arith.constant 0 : i32
    %dma_wait3A_2008 = arith.constant 0 : i32
    %dma_wait3A_2009 = tpu.memref_slice %arg6[%dma_wait3A_2007, %dma_wait3A_2008] : memref<16x3968xf32, #tpu.memory_space<vmem>> -> memref<16x2048xf32, #tpu.memory_space<vmem>>
    tpu.wait_dma2 semaphore(%arg8 : memref<!tpu.dma_semaphore, #tpu.memory_space<semaphore_mem>>) src(%dma_wait3A_2009 : memref<16x2048xf32, #tpu.memory_space<vmem>>) dst(%dma_wait3A_2006 : memref<16x2048xf32, #tpu.memory_space<hbm>>)
    %dma_wait3A_2010 = arith.constant 0 : i32
    %dma_wait3A_2011 = arith.constant 0 : i32
    %dma_wait3A_2012 = arith.constant 0 : i32
    %dma_wait3A_2013 = arith.constant 0 : i32
    %dma_wait3A_2014 = tpu.memref_slice %arg6[%dma_wait3A_2012, %dma_wait3A_2013] : memref<16x3968xf32, #tpu.memory_space<vmem>> -> memref<16x2048xf32, #tpu.memory_space<vmem>>
    %dma_wait3A_2015 = arith.constant 0 : i32
    %dma_wait3A_2016 = arith.constant 0 : i32
    %dma_wait3A_2017 = tpu.memref_slice %arg3[%dma_wait3A_2010, %dma_wait3A_2011, %dma_wait3A_2015, %dma_wait3A_2016] : memref<1x16x2048x2048xf32, #tpu.memory_space<hbm>> -> memref<1x1x16x2048xf32, #tpu.memory_space<hbm>>
    %dma_wait3A_2018 = tpu.memref_squeeze %dma_wait3A_2017 : memref<1x1x16x2048xf32, #tpu.memory_space<hbm>> -> memref<16x2048xf32, #tpu.memory_space<hbm>>
    %dma_wait3A_2019 = arith.constant 0 : i32
    %dma_wait3A_2020 = arith.constant 0 : i32
    %dma_wait3A_2021 = tpu.memref_slice %arg3[%dma_wait3A_2010, %dma_wait3A_2011, %dma_wait3A_2019, %dma_wait3A_2020] : memref<1x16x2048x2048xf32, #tpu.memory_space<hbm>> -> memref<1x1x16x2048xf32, #tpu.memory_space<hbm>>
    %dma_wait3A_2022 = tpu.memref_squeeze %dma_wait3A_2021 : memref<1x1x16x2048xf32, #tpu.memory_space<hbm>> -> memref<16x2048xf32, #tpu.memory_space<hbm>>
    %dma_wait3A_2023 = arith.constant 0 : i32
    %dma_wait3A_2024 = arith.constant 0 : i32
    %dma_wait3A_2025 = tpu.memref_slice %arg6[%dma_wait3A_2023, %dma_wait3A_2024] : memref<16x3968xf32, #tpu.memory_space<vmem>> -> memref<16x2048xf32, #tpu.memory_space<vmem>>
    tpu.wait_dma2 semaphore(%arg8 : memref<!tpu.dma_semaphore, #tpu.memory_space<semaphore_mem>>) src(%dma_wait3A_2025 : memref<16x2048xf32, #tpu.memory_space<vmem>>) dst(%dma_wait3A_2022 : memref<16x2048xf32, #tpu.memory_space<hbm>>)
    %dma_wait3A_2026 = arith.constant 0 : i32
    %dma_wait3A_2027 = arith.constant 0 : i32
    %dma_wait3A_2028 = arith.constant 0 : i32
    %dma_wait3A_2029 = arith.constant 0 : i32
    %dma_wait3A_2030 = tpu.memref_slice %arg6[%dma_wait3A_2028, %dma_wait3A_2029] : memref<16x3968xf32, #tpu.memory_space<vmem>> -> memref<16x2048xf32, #tpu.memory_space<vmem>>
    %dma_wait3A_2031 = arith.constant 0 : i32
    %dma_wait3A_2032 = arith.constant 0 : i32
    %dma_wait3A_2033 = tpu.memref_slice %arg3[%dma_wait3A_2026, %dma_wait3A_2027, %dma_wait3A_2031, %dma_wait3A_2032] : memref<1x16x2048x2048xf32, #tpu.memory_space<hbm>> -> memref<1x1x16x2048xf32, #tpu.memory_space<hbm>>
    %dma_wait3A_2034 = tpu.memref_squeeze %dma_wait3A_2033 : memref<1x1x16x2048xf32, #tpu.memory_space<hbm>> -> memref<16x2048xf32, #tpu.memory_space<hbm>>
    %dma_wait3A_2035 = arith.constant 0 : i32
    %dma_wait3A_2036 = arith.constant 0 : i32
    %dma_wait3A_2037 = tpu.memref_slice %arg3[%dma_wait3A_2026, %dma_wait3A_2027, %dma_wait3A_2035, %dma_wait3A_2036] : memref<1x16x2048x2048xf32, #tpu.memory_space<hbm>> -> memref<1x1x16x2048xf32, #tpu.memory_space<hbm>>
    %dma_wait3A_2038 = tpu.memref_squeeze %dma_wait3A_2037 : memref<1x1x16x2048xf32, #tpu.memory_space<hbm>> -> memref<16x2048xf32, #tpu.memory_space<hbm>>
    %dma_wait3A_2039 = arith.constant 0 : i32
    %dma_wait3A_2040 = arith.constant 0 : i32
    %dma_wait3A_2041 = tpu.memref_slice %arg6[%dma_wait3A_2039, %dma_wait3A_2040] : memref<16x3968xf32, #tpu.memory_space<vmem>> -> memref<16x2048xf32, #tpu.memory_space<vmem>>
    tpu.wait_dma2 semaphore(%arg8 : memref<!tpu.dma_semaphore, #tpu.memory_space<semaphore_mem>>) src(%dma_wait3A_2041 : memref<16x2048xf32, #tpu.memory_space<vmem>>) dst(%dma_wait3A_2038 : memref<16x2048xf32, #tpu.memory_space<hbm>>)
    %dma_wait3A_2042 = arith.constant 0 : i32
    %dma_wait3A_2043 = arith.constant 0 : i32
    %dma_wait3A_2044 = arith.constant 0 : i32
    %dma_wait3A_2045 = arith.constant 0 : i32
    %dma_wait3A_2046 = tpu.memref_slice %arg6[%dma_wait3A_2044, %dma_wait3A_2045] : memref<16x3968xf32, #tpu.memory_space<vmem>> -> memref<16x2048xf32, #tpu.memory_space<vmem>>
    %dma_wait3A_2047 = arith.constant 0 : i32
    %dma_wait3A_2048 = arith.constant 0 : i32
    %dma_wait3A_2049 = tpu.memref_slice %arg3[%dma_wait3A_2042, %dma_wait3A_2043, %dma_wait3A_2047, %dma_wait3A_2048] : memref<1x16x2048x2048xf32, #tpu.memory_space<hbm>> -> memref<1x1x16x2048xf32, #tpu.memory_space<hbm>>
    %dma_wait3A_2050 = tpu.memref_squeeze %dma_wait3A_2049 : memref<1x1x16x2048xf32, #tpu.memory_space<hbm>> -> memref<16x2048xf32, #tpu.memory_space<hbm>>
    %dma_wait3A_2051 = arith.constant 0 : i32
    %dma_wait3A_2052 = arith.constant 0 : i32
    %dma_wait3A_2053 = tpu.memref_slice %arg3[%dma_wait3A_2042, %dma_wait3A_2043, %dma_wait3A_2051, %dma_wait3A_2052] : memref<1x16x2048x2048xf32, #tpu.memory_space<hbm>> -> memref<1x1x16x2048xf32, #tpu.memory_space<hbm>>
    %dma_wait3A_2054 = tpu.memref_squeeze %dma_wait3A_2053 : memref<1x1x16x2048xf32, #tpu.memory_space<hbm>> -> memref<16x2048xf32, #tpu.memory_space<hbm>>
    %dma_wait3A_2055 = arith.constant 0 : i32
    %dma_wait3A_2056 = arith.constant 0 : i32
    %dma_wait3A_2057 = tpu.memref_slice %arg6[%dma_wait3A_2055, %dma_wait3A_2056] : memref<16x3968xf32, #tpu.memory_space<vmem>> -> memref<16x2048xf32, #tpu.memory_space<vmem>>
    tpu.wait_dma2 semaphore(%arg8 : memref<!tpu.dma_semaphore, #tpu.memory_space<semaphore_mem>>) src(%dma_wait3A_2057 : memref<16x2048xf32, #tpu.memory_space<vmem>>) dst(%dma_wait3A_2054 : memref<16x2048xf32, #tpu.memory_space<hbm>>)
    %dma_wait3A_2058 = arith.constant 0 : i32
    %dma_wait3A_2059 = arith.constant 0 : i32
    %dma_wait3A_2060 = arith.constant 0 : i32
    %dma_wait3A_2061 = arith.constant 0 : i32
    %dma_wait3A_2062 = tpu.memref_slice %arg6[%dma_wait3A_2060, %dma_wait3A_2061] : memref<16x3968xf32, #tpu.memory_space<vmem>> -> memref<16x2048xf32, #tpu.memory_space<vmem>>
    %dma_wait3A_2063 = arith.constant 0 : i32
    %dma_wait3A_2064 = arith.constant 0 : i32
    %dma_wait3A_2065 = tpu.memref_slice %arg3[%dma_wait3A_2058, %dma_wait3A_2059, %dma_wait3A_2063, %dma_wait3A_2064] : memref<1x16x2048x2048xf32, #tpu.memory_space<hbm>> -> memref<1x1x16x2048xf32, #tpu.memory_space<hbm>>
    %dma_wait3A_2066 = tpu.memref_squeeze %dma_wait3A_2065 : memref<1x1x16x2048xf32, #tpu.memory_space<hbm>> -> memref<16x2048xf32, #tpu.memory_space<hbm>>
    %dma_wait3A_2067 = arith.constant 0 : i32
    %dma_wait3A_2068 = arith.constant 0 : i32
    %dma_wait3A_2069 = tpu.memref_slice %arg3[%dma_wait3A_2058, %dma_wait3A_2059, %dma_wait3A_2067, %dma_wait3A_2068] : memref<1x16x2048x2048xf32, #tpu.memory_space<hbm>> -> memref<1x1x16x2048xf32, #tpu.memory_space<hbm>>
    %dma_wait3A_2070 = tpu.memref_squeeze %dma_wait3A_2069 : memref<1x1x16x2048xf32, #tpu.memory_space<hbm>> -> memref<16x2048xf32, #tpu.memory_space<hbm>>
    %dma_wait3A_2071 = arith.constant 0 : i32
    %dma_wait3A_2072 = arith.constant 0 : i32
    %dma_wait3A_2073 = tpu.memref_slice %arg6[%dma_wait3A_2071, %dma_wait3A_2072] : memref<16x3968xf32, #tpu.memory_space<vmem>> -> memref<16x2048xf32, #tpu.memory_space<vmem>>
    tpu.wait_dma2 semaphore(%arg8 : memref<!tpu.dma_semaphore, #tpu.memory_space<semaphore_mem>>) src(%dma_wait3A_2073 : memref<16x2048xf32, #tpu.memory_space<vmem>>) dst(%dma_wait3A_2070 : memref<16x2048xf32, #tpu.memory_space<hbm>>)
    %dma_wait3A_2074 = arith.constant 0 : i32
    %dma_wait3A_2075 = arith.constant 0 : i32
    %dma_wait3A_2076 = arith.constant 0 : i32
    %dma_wait3A_2077 = arith.constant 0 : i32
    %dma_wait3A_2078 = tpu.memref_slice %arg6[%dma_wait3A_2076, %dma_wait3A_2077] : memref<16x3968xf32, #tpu.memory_space<vmem>> -> memref<16x2048xf32, #tpu.memory_space<vmem>>
    %dma_wait3A_2079 = arith.constant 0 : i32
    %dma_wait3A_2080 = arith.constant 0 : i32
    %dma_wait3A_2081 = tpu.memref_slice %arg3[%dma_wait3A_2074, %dma_wait3A_2075, %dma_wait3A_2079, %dma_wait3A_2080] : memref<1x16x2048x2048xf32, #tpu.memory_space<hbm>> -> memref<1x1x16x2048xf32, #tpu.memory_space<hbm>>
    %dma_wait3A_2082 = tpu.memref_squeeze %dma_wait3A_2081 : memref<1x1x16x2048xf32, #tpu.memory_space<hbm>> -> memref<16x2048xf32, #tpu.memory_space<hbm>>
    %dma_wait3A_2083 = arith.constant 0 : i32
    %dma_wait3A_2084 = arith.constant 0 : i32
    %dma_wait3A_2085 = tpu.memref_slice %arg3[%dma_wait3A_2074, %dma_wait3A_2075, %dma_wait3A_2083, %dma_wait3A_2084] : memref<1x16x2048x2048xf32, #tpu.memory_space<hbm>> -> memref<1x1x16x2048xf32, #tpu.memory_space<hbm>>
    %dma_wait3A_2086 = tpu.memref_squeeze %dma_wait3A_2085 : memref<1x1x16x2048xf32, #tpu.memory_space<hbm>> -> memref<16x2048xf32, #tpu.memory_space<hbm>>
    %dma_wait3A_2087 = arith.constant 0 : i32
    %dma_wait3A_2088 = arith.constant 0 : i32
    %dma_wait3A_2089 = tpu.memref_slice %arg6[%dma_wait3A_2087, %dma_wait3A_2088] : memref<16x3968xf32, #tpu.memory_space<vmem>> -> memref<16x2048xf32, #tpu.memory_space<vmem>>
    tpu.wait_dma2 semaphore(%arg8 : memref<!tpu.dma_semaphore, #tpu.memory_space<semaphore_mem>>) src(%dma_wait3A_2089 : memref<16x2048xf32, #tpu.memory_space<vmem>>) dst(%dma_wait3A_2086 : memref<16x2048xf32, #tpu.memory_space<hbm>>)
    %dma_wait3A_2090 = arith.constant 0 : i32
    %dma_wait3A_2091 = arith.constant 0 : i32
    %dma_wait3A_2092 = arith.constant 0 : i32
    %dma_wait3A_2093 = arith.constant 0 : i32
    %dma_wait3A_2094 = tpu.memref_slice %arg6[%dma_wait3A_2092, %dma_wait3A_2093] : memref<16x3968xf32, #tpu.memory_space<vmem>> -> memref<16x2048xf32, #tpu.memory_space<vmem>>
    %dma_wait3A_2095 = arith.constant 0 : i32
    %dma_wait3A_2096 = arith.constant 0 : i32
    %dma_wait3A_2097 = tpu.memref_slice %arg3[%dma_wait3A_2090, %dma_wait3A_2091, %dma_wait3A_2095, %dma_wait3A_2096] : memref<1x16x2048x2048xf32, #tpu.memory_space<hbm>> -> memref<1x1x16x2048xf32, #tpu.memory_space<hbm>>
    %dma_wait3A_2098 = tpu.memref_squeeze %dma_wait3A_2097 : memref<1x1x16x2048xf32, #tpu.memory_space<hbm>> -> memref<16x2048xf32, #tpu.memory_space<hbm>>
    %dma_wait3A_2099 = arith.constant 0 : i32
    %dma_wait3A_2100 = arith.constant 0 : i32
    %dma_wait3A_2101 = tpu.memref_slice %arg3[%dma_wait3A_2090, %dma_wait3A_2091, %dma_wait3A_2099, %dma_wait3A_2100] : memref<1x16x2048x2048xf32, #tpu.memory_space<hbm>> -> memref<1x1x16x2048xf32, #tpu.memory_space<hbm>>
    %dma_wait3A_2102 = tpu.memref_squeeze %dma_wait3A_2101 : memref<1x1x16x2048xf32, #tpu.memory_space<hbm>> -> memref<16x2048xf32, #tpu.memory_space<hbm>>
    %dma_wait3A_2103 = arith.constant 0 : i32
    %dma_wait3A_2104 = arith.constant 0 : i32
    %dma_wait3A_2105 = tpu.memref_slice %arg6[%dma_wait3A_2103, %dma_wait3A_2104] : memref<16x3968xf32, #tpu.memory_space<vmem>> -> memref<16x2048xf32, #tpu.memory_space<vmem>>
    tpu.wait_dma2 semaphore(%arg8 : memref<!tpu.dma_semaphore, #tpu.memory_space<semaphore_mem>>) src(%dma_wait3A_2105 : memref<16x2048xf32, #tpu.memory_space<vmem>>) dst(%dma_wait3A_2102 : memref<16x2048xf32, #tpu.memory_space<hbm>>)
    return
  }
}

module attributes {stable_mosaic.version = 14 : i64} {
  func.func @_build_v_kernel(%arg0: memref<32x16xf32, #tpu.memory_space<vmem>>, %arg1: memref<16x4096xf32, #tpu.memory_space<vmem>>) attributes {dimension_semantics = [], scalar_prefetch = 0 : i64, scratch_operands = 0 : i64, tpu.core_type = #tpu.core_type<tc>} {
    %iota3A = tpu.iota {dimensions = array<i32: 1>} : vector<32x4096xi32>
    %iota3A_0 = tpu.iota {dimensions = array<i32: 0>} : vector<32x4096xi32>
    %sub3A = arith.constant 2047 : i32
    %sub3A_1 = vector.broadcast %sub3A : i32 to vector<32x4096xi32>
    %sub3A_2 = arith.subi %sub3A_1, %iota3A : vector<32x4096xi32>
    %lt3A = arith.constant 0 : i32
    %lt3A_3 = vector.broadcast %lt3A : i32 to vector<32x4096xi32>
    %lt3A_4 = arith.cmpi slt, %sub3A_2, %lt3A_3 : vector<32x4096xi32>
    %jit3A = arith.constant 16 : i32
    %jit3A_5 = arith.constant 0 : i32
    %broadcast_in_dim3A = vector.broadcast %jit3A : i32 to vector<32x4096xi32>
    %broadcast_in_dim3A_6 = vector.broadcast %jit3A_5 : i32 to vector<32x4096xi32>
    %select_n3A = arith.select %lt3A_4, %broadcast_in_dim3A, %broadcast_in_dim3A_6 : vector<32x4096xi1>, vector<32x4096xi32>
    %abs3A = math.absi %sub3A_2 : vector<32x4096xi32>
    %lt3A_7 = arith.constant 8 : i32
    %lt3A_8 = vector.broadcast %lt3A_7 : i32 to vector<32x4096xi32>
    %lt3A_9 = arith.cmpi slt, %abs3A, %lt3A_8 : vector<32x4096xi32>
    %max3A = arith.constant 1 : i32
    %max3A_10 = vector.broadcast %max3A : i32 to vector<32x4096xi32>
    %max3A_11 = arith.maxsi %abs3A, %max3A_10 : vector<32x4096xi32>
    %convert_element_type3A = arith.sitofp %max3A_11 : vector<32x4096xi32> to vector<32x4096xf32>
    %div3A = arith.constant 8.000000e+00 : f32
    %div3A_12 = vector.broadcast %div3A : f32 to vector<32x4096xf32>
    %div3A_13 = arith.divf %convert_element_type3A, %div3A_12 : vector<32x4096xf32>
    %log3A = math.log %div3A_13 : vector<32x4096xf32>
    %mul3A = arith.constant 2.885390e+00 : f32
    %mul3A_14 = vector.broadcast %mul3A : f32 to vector<32x4096xf32>
    %mul3A_15 = arith.mulf %log3A, %mul3A_14 : vector<32x4096xf32>
    %convert_element_type3A_16 = arith.fptosi %mul3A_15 : vector<32x4096xf32> to vector<32x4096xi32>
    %add3A = arith.constant 8 : i32
    %add3A_17 = vector.broadcast %add3A : i32 to vector<32x4096xi32>
    %add3A_18 = arith.addi %add3A_17, %convert_element_type3A_16 : vector<32x4096xi32>
    %select_n3A_19 = arith.select %lt3A_9, %abs3A, %add3A_18 : vector<32x4096xi1>, vector<32x4096xi32>
    %jit3A_20 = arith.constant 0 : i32
    %jit3A_21 = arith.constant 15 : i32
    %max3A_22 = vector.broadcast %jit3A_20 : i32 to vector<32x4096xi32>
    %max3A_23 = arith.maxsi %max3A_22, %select_n3A_19 : vector<32x4096xi32>
    %min3A = vector.broadcast %jit3A_21 : i32 to vector<32x4096xi32>
    %min3A_24 = arith.minsi %min3A, %max3A_23 : vector<32x4096xi32>
    %add3A_25 = arith.addi %min3A_24, %select_n3A : vector<32x4096xi32>
    %eq3A = arith.cmpi eq, %add3A_25, %iota3A_0 : vector<32x4096xi32>
    %convert_element_type3A_26 = arith.extui %eq3A : vector<32x4096xi1> to vector<32x4096xi32>
    %convert_element_type3A_27 = arith.sitofp %convert_element_type3A_26 : vector<32x4096xi32> to vector<32x4096xf32>
    %get3A = arith.constant 0 : index
    %get3A_28 = arith.constant 0 : index
    %get3A_29 = vector.load %arg0[%get3A, %get3A_28] : memref<32x16xf32, #tpu.memory_space<vmem>>, vector<32x16xf32>
    %dot_general3A = arith.constant dense<0.000000e+00> : vector<16x4096xf32>
    %dot_general3A_30 = tpu.matmul %get3A_29, %convert_element_type3A_27, %dot_general3A {dimension_numbers = #tpu.dot_dimension_numbers<[0], [0], [1], [1], [0, 1, 1, 1], [], []>, precision = #tpu.contract_precision<fp32>, transpose_lhs_hint = false} : vector<32x16xf32>, vector<32x4096xf32>, vector<16x4096xf32> -> vector<16x4096xf32>
    %swap3A = arith.constant 0 : index
    %swap3A_31 = arith.constant 0 : index
    %swap3A_32 = vector.load %arg1[%swap3A, %swap3A_31] : memref<16x4096xf32, #tpu.memory_space<vmem>>, vector<16x4096xf32>
    tpu.vector_store %arg1[%swap3A, %swap3A_31], %dot_general3A_30 {strides = array<i32>} : memref<16x4096xf32, #tpu.memory_space<vmem>>, vector<16x4096xf32>,
    return
  }
}

</mosaic_0001>

<sc_bundles>
// kernel: kernel.4.cloned.1.call-start
scs
__scs_entry_jumppad:
0x0: {  	(pc) =	sbr.rel $0x88, $3  }
0x1: {  	(tag) =	ssettag $0x0;
	lr =	simm.s32 $0x1  }
0x2: {  	[smem:$0x3FA0] =	sst lr;
	_ =	strace $0xD0000000  }
0x3: {  	_ = 	snop  }
0x4: {  	_ = 	snop  }
0x5: {  	_ = 	snop  }
0x6: {  	_ = 	snop  }
0x7: {  	_ = 	snop  }
__scs_overlays_trampoline_lowered:
0x8: {  	[smem:$0x3FAF] =	sst s0  }
0x9: {  	[smem:$0x3FB0] =	sst s1  }
0xa: {  	[smem:$0x3FB1] =	sst s2  }
0xb: {  	[smem:$0x3FB2] =	sst s3  }
0xc: {  	[smem:$0x3FB3] =	sst s4  }
0xd: {  	[smem:$0x3FB4] =	sst s5  }
0xe: {  	[smem:$0x3FB5] =	sst s6  }
0xf: {  	[smem:$0x3FB6] =	sst s7  }
0x10: {  	[smem:$0x3FB7] =	sst s8  }
0x11: {  	[smem:$0x3FB8] =	sst s9;
	s0 =	simm.s32 @!p0 $0x0  }
0x12: {  	s1 =	sld [smem:$0x3F9E];
	s0 =	simm.s32 @p0 $0x1  }
0x13: {  	[smem:$0x3FB9] =	sst s0;
	s0 =	simm.s32 @!p1 $0x0  }
0x14: {  	s2 =	sld [smem:$0x3F9D];
	s0 =	simm.s32 @p1 $0x1  }
0x15: {  	[smem:$0x3FBA] =	sst s0;
	s0 =	simm.s32 @!p2 $0x0  }
0x16: {  	s3 =	sld [smem:$0x3FDB];
	s0 =	simm.s32 @p2 $0x1  }
0x17: {  	s4 =	simm.s32 $0x1BF5;
	[smem:$0x3FBC] =	sst s0  }
0x18: {  	s0 =	sld [smem:$0x3F9F];
	_ =	swait.ge [sflag:s4], $0x0  }
0x19: {  	s7 =	sld [smem:$0x3FA0]  }
0x1a: {  	s8 =	sadd.s32 $0xFFFFE003, lr  }
0x1b: {  	s9 =	sadd.s32 $0xFFFFFEF7, lr;
	s5 =	simm.s32 $0xFFFFFFFF;
	p2 =	slt.u32 s8, $0xFFFFF086  }
0x1c: {  	p1 =	slt.u32 s9, $0xF7A;
	s5 =	simm.s32 @!p2 $0x0  }
0x1d: {  	s5 =	simm.s32 @p1 $0x1;
	p0 =	seq.s32 s7, s2  }
0x1e: {  	s7 =	smul.u32 @!p0 $0xF7A, s2;
	p2 =	seq.s32 @!p0 s5, $0x0  }
0x1f: {  	s9 =	smul.u32 $0xF7A, s1;
	s8 =	simm.s32 @!p0 $0x1BF5;
	p2 =	por !p2, p0  }
0x20: {  	[sflag:s8] =	ssyncset.s32 @!p0 $0xFFFFF086;
	s6 =	sadd.s32 @!p0 s3, s7;
	s7 =	simm.s32 @!p0 $0x108  }
0x21: {  	s3 =	sadd.s32 s3, s9;
	s6 =	sadd.s32 @!p0 $0x88, s6;
	s7 =	simm.s32 @p2 $0x1082  }
0x22: {  	[simem:s7], [sflag:s8] =	dma.local @!p0 [hbm:s6], $0xF7A  }
0x23: {  	s9 =	sor.u32 $0xD0000000, s2;
	s6 =	simm.s32 $0x108;
	_ =	swait.ge @!p0 [sflag:s8], $0x0  }
0x24: {  	s3 =	sadd.s32 $0x88, s3;
	s6 =	simm.s32 @!p1 $0x1082;
	[sflag:s4] =	ssyncset.s32 $0xFFFFF086  }
0x25: {  	[simem:s6], [sflag:s4] =	dma.local [hbm:s3], $0xF7A  }
0x26: {  	[smem:$0x3FA0] =	sst s1;
	(tag) =	ssettag s2;
	_ =	strace s9  }
0x27: {  	s1 =	sld [smem:$0x3FB0]  }
0x28: {  	s2 =	sld [smem:$0x3FB1]  }
0x29: {  	s4 =	sld [smem:$0x3FB3]  }
0x2a: {  	p0 =	seq.s32 s5, $0x0;
	s5 =	sld [smem:$0x3FB4]  }
0x2b: {  	s6 =	sld [smem:$0x3FB5]  }
0x2c: {  	s7 =	sld [smem:$0x3FB6]  }
0x2d: {  	s3 =	simm.s32 $0x108;
	s8 =	sld [smem:$0x3FB7]  }
0x2e: {  	s3 =	simm.s32 @!p0 $0x1082;
	s9 =	sld [smem:$0x3FB8]  }
0x2f: {  	lr =	sadd.s32 s0, s3;
	s0 =	sld [smem:$0x3FAF]  }
0x30: {  	s3 =	sld [smem:$0x3FB2]  }
0x31: {  	[smem:$0x3FBB] =	sst s10  }
0x32: {  	s10 =	sld [smem:$0x3FB9];
	_ =	sdelay $0x3  }
0x33: {  	p0 =	seq.s32 s10, $0x1;
	s10 =	sld [smem:$0x3FBB];
	_ =	sdelay $0x3  }
0x34: {  	[smem:$0x3FBB] =	sst s10  }
0x35: {  	s10 =	sld [smem:$0x3FBA];
	_ =	sdelay $0x3  }
0x36: {  	p1 =	seq.s32 s10, $0x1;
	s10 =	sld [smem:$0x3FBB];
	_ =	sdelay $0x3  }
0x37: {  	[smem:$0x3FBB] =	sst s10  }
0x38: {  	s10 =	sld [smem:$0x3FBC]  }
0x39: {  	_ = 	snop;
	(pc) =	sbr.ind lr, $3  }
0x3a: {  	_ = 	snop  }
0x3b: {  	_ = 	snop  }
0x3c: {  	p2 =	seq.s32 s10, $0x1;
	s10 =	sld [smem:$0x3FBB]  }
0x3d: {  	_ =	shalt  }
0x3e: {  	_ =	shalt  }
0x3f: {  	_ =	shalt  }
0x40: {  	_ =	shalt  }
0x41: {  	_ =	shalt  }
0x42: {  	_ =	shalt  }
0x43: {  	_ =	shalt  }
0x44: {  	_ =	shalt  }
0x45: {  	_ =	shalt  }
0x46: {  	_ =	shalt  }
0x47: {  	_ =	shalt  }
0x48: {  	_ =	shalt  }
0x49: {  	_ =	shalt  }
0x4a: {  	_ =	shalt  }
0x4b: {  	_ =	shalt  }
0x4c: {  	_ =	shalt  }
0x4d: {  	_ =	shalt  }
0x4e: {  	_ =	shalt  }
0x4f: {  	_ =	shalt  }
0x50: {  	_ =	shalt  }
0x51: {  	_ =	shalt  }
0x52: {  	_ =	shalt  }
0x53: {  	_ =	shalt  }
0x54: {  	_ =	shalt  }
0x55: {  	_ =	shalt  }
0x56: {  	_ =	shalt  }
0x57: {  	_ =	shalt  }
0x58: {  	_ =	shalt  }
0x59: {  	_ =	shalt  }
0x5a: {  	_ =	shalt  }
0x5b: {  	_ =	shalt  }
0x5c: {  	_ =	shalt  }
0x5d: {  	_ =	shalt  }
0x5e: {  	_ =	shalt  }
0x5f: {  	_ =	shalt  }
0x60: {  	_ =	shalt  }
0x61: {  	_ =	shalt  }
0x62: {  	_ =	shalt  }
0x63: {  	_ =	shalt  }
0x64: {  	_ =	shalt  }
0x65: {  	_ =	shalt  }
0x66: {  	_ =	shalt  }
0x67: {  	_ =	shalt  }
0x68: {  	_ =	shalt  }
0x69: {  	_ =	shalt  }
0x6a: {  	_ =	shalt  }
0x6b: {  	_ =	shalt  }
0x6c: {  	_ =	shalt  }
0x6d: {  	_ =	shalt  }
0x6e: {  	_ =	shalt  }
0x6f: {  	_ =	shalt  }
0x70: {  	_ =	shalt  }
0x71: {  	_ =	shalt  }
0x72: {  	_ =	shalt  }
0x73: {  	_ =	shalt  }
0x74: {  	_ =	shalt  }
0x75: {  	_ =	shalt  }
0x76: {  	_ =	shalt  }
0x77: {  	_ =	shalt  }
0x78: {  	_ =	shalt  }
0x79: {  	_ =	shalt  }
0x7a: {  	_ =	shalt  }
0x7b: {  	_ =	shalt  }
0x7c: {  	_ =	shalt  }
0x7d: {  	_ =	shalt  }
0x7e: {  	_ =	shalt  }
0x7f: {  	_ =	shalt  }
0x80: {  	_ =	shalt  }
0x81: {  	_ =	shalt  }
0x82: {  	_ =	shalt  }
0x83: {  	_ =	shalt  }
0x84: {  	_ =	shalt  }
0x85: {  	_ =	shalt  }
0x86: {  	_ =	shalt  }
0x87: {  	_ =	shalt  }
.Lfunc_end0:
.L_simem_size_0:
called_computation_lowered:
.L_overlay_start_0:
0x88: {  	s2 =	sld [smem:$0x3FD9]  }
0x89: {  	s3 =	sld [smem:$0x3FFE];
	_ =	sdelay $0x1  }
0x8a: {  	s1 =	srdreg.scid  }
0x8b: {  	s0 =	sand.u32 $0x1, s1  }
0x8c: {  	s17 =	sshll.u32 s0, $0xA;
	s2 =	sadd.s32 s3, s2  }
0x8d: {  	s2 =	sadd.s32 s2, s17  }
0x8e: {  	[smem:$0x3FC7] =	sst s2  }
0x8f: {  	_ = 	snop  }
0x90: {  	s2 =	sld [smem:$0x3FD0];
	(tm) =	ssettm $0x1  }
0x91: {  	s18 =	sld [smem:$0x3FFB];
	_ =	sdelay $0x3  }
0x92: {  	_ =	strace s18  }
0x93: {  	s3 =	sld [smem:$0x3FFC];
	_ =	sdelay $0x3  }
0x94: {  	_ =	strace s3  }
0x95: {  	s3 =	sld [smem:$0x3FFD];
	_ =	sdelay $0x3  }
0x96: {  	_ =	strace s3  }
0x97: {  	_ =	strace $0x8FFFFFFF  }
0x98: {  	s19 =	sld [smem:$0x3FDB];
	_ =	sdelay $0x1  }
0x99: {  	s4 =	simm.s32 $_scs_section_size  }
0x9a: {  	s5 =	simm.s32 $_size__tile_overlayer_lowered;
	s6 =	simm.s32 $_tile_overlayer_lowered  }
0x9b: {  	s22 =	simm.s32 $0x1BFF;
	s21 =	sshll.u32 s6, $0x1;
	s3 =	sadd.s32 s4, s19  }
0x9c: {  	s7 =	simm.s32 $0x0;
	s20 =	sshll.u32 s5, $0x1;
	s5 =	sadd.s32 s21, s3  }
0x9d: {  	[timem:s7], [sflag:s22] =	dma.local [hbm:s5], s20  }
0x9e: {  	_ =	swait.ge [sflag:s22], s20  }
0x9f: {  	s4 =	ssub.s32 $0x0, s20;
	[sflag:s22] =	ssyncset.done $0x0  }
0xa0: {  	[sflag:s22] =	ssyncadd.s32 s4;
	_ =	sdelay $0x1  }
0xa1: {  	s23 =	simm.s32 $0x1B8B  }
0xa2: {  	_ =	swait.ge [sflag:s23], $0x1  }
0xa3: {  	[sflag:s23] =	ssyncset.done $0x0  }
0xa4: {  	s25 =	simm.s32 $0x1B8E;
	s24 =	sld [smem:$0x3FFE];
	[sflag:s23] =	ssyncadd.s32 $0xFFFFFFFF  }
0xa5: {  	s26 =	simm.s32 $execute0_lowered;
	[smem:$0x3FD2] =	sst s25  }
0xa6: {  	s5 =	sshll.u32 s26, $0x1;
	_ =	strace $0x80000046;
	[dreg:$0x1] =	wrdreg $0xFFFFFFFF  }
0xa7: {  	s28 =	simm.s32 $_size_execute0_lowered;
	s3 =	sadd.s32 s3, s5;
	[dreg:$0x0] =	wrdreg $0x0  }
0xa8: {  	s5 =	sshll.u32 s28, $0x1;
	[dreg:$0x2] =	wrdreg s3  }
0xa9: {  	[dreg:$0x3] =	wrdreg s5  }
0xaa: {  	[dreg:$0x4] =	wrdreg $0xC0  }
0xab: {  	_ =	task [dreg:s7], $0x5FFFF  }
0xac: {  	[dreg:$0x1] =	wrdreg $0xFFFFFFFF  }
0xad: {  	[dreg:$0x0] =	wrdreg $0x60  }
0xae: {  	[dreg:$0x2] =	wrdreg s24  }
0xaf: {  	[dreg:$0x3] =	wrdreg s2  }
0xb0: {  	[dreg:$0x4] =	wrdreg $0x9  }
0xb1: {  	_ =	task.clear_ibuf [dreg:s7], $0x5FFFF;
	_ =	strace $0x90000046  }
0xb2: {  	s29 =	simm.s32 $0x9;
	_ =	strace $0x80000048  }
0xb3: {  	_ =	swait.ge [sflag:s29], $0x1  }
0xb4: {  	[sflag:s29] =	ssyncadd.s32 $0xFFFFFFFF  }
0xb5: {  	_ =	strace $0x90000048  }
0xb6: {  	_ =	sfence  }
0xb7: {  	s30 =	sld [smem:$0x0];
	_ =	sdelay $0x2  }
0xb8: {  	s31 =	sshll.u32 s1, $0xD;
	s1 =	sshrl.u32 s1, $0x2  }
0xb9: {  	s3 =	sand.u32 $0x4000, s31;
	s1 =	sadd.s32 s1, s30  }
0xba: {  	s0 =	sor.u32 s3, s0;
	s1 =	sshll.u32 s1, $0x11  }
0xbb: {  	s0 =	sor.u32 s1, s0  }
0xbc: {  	s0 =	sadd.s32 $0x8F2B, s0  }
0xbd: {  	[sflag:s0] =	ssyncadd.remote.s32 $0x1  }
0xbe: {  	_ =	sfence.sel $0xFFFF  }
0xbf: {  	[dreg:$0x0] =	wrdreg $0xFFFFFFFF;
	(pc) =	sbr.abs _section_cstart, $3  }
0xc0: {  	[dreg:$0x1] =	wrdreg $0xFFFFFFFF  }
0xc1: {  	_ =	task.clear_ibuf [dreg:s7], $0x2FFFF;
	_ =	strace $0x9FFFFFFF  }
0xc2: {  	(tm) =	ssettm $0x7FFFFFFF  }
0xc3: {  	_ =	shalt  }
tec
execute0_lowered:
.L_overlay_start_1:
0x0: {  	(tag) =	ssettag $0x1  }
0x1: {  	s0 =	srdreg.scid  }
0x2: {  	s7 =	stileid.u32;
	s4 =	rddreg [dreg:$0x0];
	s0 =	sand.u32 $0x1, s0  }
0x3: {  	s6 =	rddreg [dreg:$0x1];
	s2 =	simm.s32 $0x0;
	s1 =	sshll.u32 s0, $0x4  }
0x4: {  	s3 =	simm.s32 $0x1;
	s5 =	sand.u32 $0x1, s7;
	s1 =	sor.u32 s7, s1  }
0x5: {  	[smem:$0x7FF] =	sst s2;
	p1 =	seq.s32 s5, $0x1;
	p0 =	seq.s32 s1, $0x0  }
0x6: {  	_ =	strace $0x80000047;
	s0 =	ssub.s32 $0x2, s0;
	p0 =	por !p0, !p1  }
0x7: {  	s7 =	sshll.u32 s7, $0x6;
	s17 =	sshrl.u32 s0, $0x1;
	p0 =	por !p0, !p0  }
0x8: {  	s1 =	sshrl.u32 s1, $0x1;
	s7 =	sand.u32 $0x40, s7;
	s3 =	simm.s32 @!p0 $0x0  }
0x9: {  	s0 =	ssub.s32 s0, s17;
	s9 =	sshll.u32 s7, $0xB;
	s1 =	ssub.s32 s1, s3  }
0xa: {  	s18 =	sxor.u32 $0x7F, s7;
	s8 =	sshll.u32 s1, $0x16;
	s1 =	sshll.u32 s1, $0x9  }
0xb: {  	s0 =	smax.u32 s0, $0x1;
	s8 =	sor.u32 s9, s8;
	s1 =	sand.u32 $0x1FFFFE00, s1  }
0xc: {  	[dreg:$0x4] =	wrdreg s18;
	s8 =	sshrl.u32 s8, $0x3;
	s1 =	sadd.s32 s1, s4  }
0xd: {  	[dreg:$0x13] =	wrdreg s0;
	s4 =	sadd.s32 s6, s8;
	s1 =	sadd.s32 $0x400, s1  }
0xe: {  	[dreg:$0x3] =	wrdreg s1;
	s19 =	sadd.s32 $0x8000, s4  }
0xf: {  	s20 =	sadd.s32 $0x10000, s4;
	[dreg:$0x5] =	wrdreg s19  }
0x10: {  	s21 =	sadd.s32 $0x18000, s4;
	[dreg:$0x6] =	wrdreg s20  }
0x11: {  	s22 =	sadd.s32 $0x20000, s4;
	[dreg:$0x7] =	wrdreg s21  }
0x12: {  	s23 =	sadd.s32 $0x28000, s4;
	[dreg:$0x8] =	wrdreg s22  }
0x13: {  	s24 =	sadd.s32 $0x30000, s4;
	[dreg:$0x9] =	wrdreg s23  }
0x14: {  	s25 =	sadd.s32 $0x38000, s4;
	[dreg:$0xa] =	wrdreg s24  }
0x15: {  	s26 =	sadd.s32 $0x40000, s4;
	[dreg:$0xb] =	wrdreg s25  }
0x16: {  	s30 =	sadd.s32 $0x48000, s4;
	[dreg:$0xc] =	wrdreg s26  }
0x17: {  	s31 =	sadd.s32 $0x50000, s4;
	[dreg:$0xd] =	wrdreg s30  }
0x18: {  	s6 =	sadd.s32 $0x58000, s4;
	[dreg:$0xe] =	wrdreg s31  }
0x19: {  	s7 =	sadd.s32 $0x60000, s4;
	[dreg:$0xf] =	wrdreg s6  }
0x1a: {  	s8 =	sadd.s32 $0x68000, s4;
	[dreg:$0x10] =	wrdreg s7  }
0x1b: {  	s9 =	sadd.s32 $0x70000, s4;
	[dreg:$0x11] =	wrdreg s8  }
0x1c: {  	s11 =	sadd.s32 $0x78000, s4;
	[dreg:$0x12] =	wrdreg s9  }
0x1d: {  	s12 =	sadd.s32 $0x1000, s4;
	[dreg:$0x14] =	wrdreg s11  }
0x1e: {  	s13 =	sadd.s32 $0x9000, s4;
	[dreg:$0x15] =	wrdreg s12  }
0x1f: {  	s14 =	sadd.s32 $0x11000, s4;
	[dreg:$0x16] =	wrdreg s13  }
0x20: {  	s15 =	sadd.s32 $0x19000, s4;
	[dreg:$0x17] =	wrdreg s14  }
0x21: {  	s16 =	sadd.s32 $0x21000, s4;
	[dreg:$0x18] =	wrdreg s15  }
0x22: {  	s17 =	sadd.s32 $0x29000, s4;
	[dreg:$0x19] =	wrdreg s16  }
0x23: {  	s18 =	sadd.s32 $0x31000, s4;
	[dreg:$0x1a] =	wrdreg s17  }
0x24: {  	s1 =	sadd.s32 $0x69000, s4;
	[dreg:$0x1b] =	wrdreg s18  }
0x25: {  	s10 =	sshll.u32 s5, $0x6;
	s5 =	sadd.s32 $0x71000, s4;
	[smem:$0x7E9] =	sst s1  }
0x26: {  	s19 =	sadd.s32 $0x39000, s4;
	[smem:$0x7EA] =	sst s5  }
0x27: {  	s20 =	sadd.s32 $0x41000, s4;
	[dreg:$0x1c] =	wrdreg s19  }
0x28: {  	s21 =	sadd.s32 $0x49000, s4;
	[dreg:$0x1d] =	wrdreg s20  }
0x29: {  	s26 =	sadd.s32 $0x51000, s4;
	[dreg:$0x1e] =	wrdreg s21  }
0x2a: {  	s30 =	sadd.s32 $0x59000, s4;
	[dreg:$0x1f] =	wrdreg s26  }
0x2b: {  	s31 =	sadd.s32 $0x61000, s4;
	[smem:$0x7E7] =	sst s30  }
0x2c: {  	s6 =	sadd.s32 $0x79000, s4;
	[smem:$0x7E8] =	sst s31  }
0x2d: {  	s22 =	sxor.u32 $0x7E, s10;
	s7 =	sadd.s32 $0x2000, s4;
	[smem:$0x7EB] =	sst s6  }
0x2e: {  	s23 =	sxor.u32 $0x6F, s10;
	s8 =	sadd.s32 $0xA000, s4;
	[smem:$0x7EC] =	sst s7  }
0x2f: {  	s24 =	sxor.u32 $0x5F, s10;
	s9 =	sadd.s32 $0x12000, s4;
	[smem:$0x7ED] =	sst s8  }
0x30: {  	s25 =	sxor.u32 $0x4F, s10;
	s10 =	sadd.s32 $0x1A000, s4;
	[smem:$0x7EE] =	sst s9  }
0x31: {  	s11 =	sadd.s32 $0x22000, s4;
	[smem:$0x7EF] =	sst s10  }
0x32: {  	s12 =	sadd.s32 $0x2A000, s4;
	[smem:$0x7F0] =	sst s11  }
0x33: {  	s13 =	sadd.s32 $0x32000, s4;
	[smem:$0x7F1] =	sst s12  }
0x34: {  	s14 =	sadd.s32 $0x3A000, s4;
	[smem:$0x7F2] =	sst s13  }
0x35: {  	s15 =	sadd.s32 $0x42000, s4;
	[smem:$0x7F3] =	sst s14  }
0x36: {  	s28 =	simm.s32 $0x2;
	s16 =	sadd.s32 $0x4A000, s4;
	[smem:$0x7F4] =	sst s15  }
0x37: {  	s29 =	simm.s32 $0x0;
	s17 =	sadd.s32 $0x52000, s4;
	[smem:$0x7F5] =	sst s16  }
0x38: {  	s3 =	simm.s32 $0x1;
	s18 =	sadd.s32 $0x5A000, s4;
	[smem:$0x7F6] =	sst s17  }
0x39: {  	[smem:$0x7F7] =	sst s18;
	s19 =	sadd.s32 $0x62000, s4;
	s20 =	sadd.s32 $0x6A000, s4  }
0x3a: {  	s21 =	sadd.s32 $0x72000, s4;
	s26 =	sadd.s32 $0x7A000, s4;
	s30 =	sadd.s32 $0x3000, s4  }
0x3b: {  	s31 =	sadd.s32 $0xB000, s4;
	s8 =	sadd.s32 $0x13000, s4;
	[smem:$0x7F8] =	sst s19  }
0x3c: {  	s9 =	sadd.s32 $0x1B000, s4;
	s10 =	sadd.s32 $0x23000, s4;
	[smem:$0x7F9] =	sst s20  }
0x3d: {  	s11 =	sadd.s32 $0x2B000, s4;
	s12 =	sadd.s32 $0x33000, s4;
	[smem:$0x7FA] =	sst s21  }
0x3e: {  	s13 =	sadd.s32 $0x3B000, s4;
	s14 =	sadd.s32 $0x43000, s4;
	[smem:$0x7FB] =	sst s26  }
0x3f: {  	s15 =	sadd.s32 $0x4B000, s4;
	s16 =	sadd.s32 $0x53000, s4;
	[smem:$0x7FC] =	sst s30  }
0x40: {  	s17 =	sadd.s32 $0x5B000, s4;
	s18 =	sadd.s32 $0x63000, s4;
	[smem:$0x7FD] =	sst s31  }
0x41: {  	s19 =	sadd.s32 $0x6B000, s4;
	s20 =	sadd.s32 $0x73000, s4;
	s26 =	sadd.s32 $0x7B000, s4  }
.LBB2_1:
0x42: {  	s0 =	rddreg [dreg:$0x3];
	s6 =	simm.s32 $0x3  }
0x43: {  	[tilespmem:s2], [sflag:$0x3] =	stream.linear.gather [hbm4b:s0+s2], $0x1000, $0x38;
	v63 =	vld [tilespmem:$0x0]  }
0x44: {  	_ =	swait.ge [sflag:s6], $0x1000  }
0x45: {  	[sflag:s6] =	ssyncset.done $0x0  }
0x46: {  	s5 =	rddreg [dreg:$0x4];
	[sflag:s6] =	ssyncadd.s32 $0xFFFFF000  }
0x47: {  	v0 =	vld [tilespmem:s5+$0x0];
	_ =	sdelay $0x2  }
0x48: {  	s7 =	sand.u32 $0x70, s2;
	s1 =	sand.u32 $0x7C00, s2  }
0x49: {  	s0 =	sor.u32 s7, s1  }
0x4a: {  	[tilespmem:s0+$0x1000] =	vst v0  }
0x4b: {  	v0 =	vld [tilespmem:s22+$0x0];
	_ =	sdelay $0x4  }
0x4c: {  	[tilespmem:s0+$0x1080] =	vst v0  }
0x4d: {  	v0 =	vld [tilespmem:s22+$0xFFFFFFFF];
	_ =	sdelay $0x4  }
0x4e: {  	[tilespmem:s0+$0x1100] =	vst v0  }
0x4f: {  	v0 =	vld [tilespmem:s22+$0xFFFFFFFE];
	_ =	sdelay $0x4  }
0x50: {  	[tilespmem:s0+$0x1180] =	vst v0  }
0x51: {  	v0 =	vld [tilespmem:s22+$0xFFFFFFFD];
	_ =	sdelay $0x4  }
0x52: {  	[tilespmem:s0+$0x1200] =	vst v0  }
0x53: {  	v0 =	vld [tilespmem:s22+$0xFFFFFFFC];
	_ =	sdelay $0x4  }
0x54: {  	[tilespmem:s0+$0x1280] =	vst v0  }
0x55: {  	v0 =	vld [tilespmem:s22+$0xFFFFFFFB];
	_ =	sdelay $0x4  }
0x56: {  	[tilespmem:s0+$0x1300] =	vst v0  }
0x57: {  	v0 =	vld [tilespmem:s22+$0xFFFFFFFA]  }
0x58: {  	s21 =	sand.u32 $0x7, s2  }
0x59: {  	s1 =	sshll.u32 s21, $0x4  }
0x5a: {  	s1 =	sadd.s32 $0x0, s1  }
0x5b: {  	s1 =	sor.u32 $0x380, s1  }
0x5c: {  	[tilespmem:s1+$0x1000] =	vst v0  }
0x5d: {  	v0 =	vld [tilespmem:s22+$0xFFFFFFF9];
	_ =	sdelay $0x4  }
0x5e: {  	[tilespmem:s0+$0x8C00] =	vst v0  }
0x5f: {  	v0 =	vld [tilespmem:s22+$0xFFFFFFF8];
	_ =	sdelay $0x4  }
0x60: {  	[tilespmem:s0+$0x8C80] =	vst v0  }
0x61: {  	v0 =	vld [tilespmem:s22+$0xFFFFFFF7];
	_ =	sdelay $0x4  }
0x62: {  	[tilespmem:s0+$0x8D00] =	vst v0  }
0x63: {  	v0 =	vld [tilespmem:s22+$0xFFFFFFF6];
	_ =	sdelay $0x4  }
0x64: {  	[tilespmem:s0+$0x8D80] =	vst v0  }
0x65: {  	v0 =	vld [tilespmem:s22+$0xFFFFFFF5];
	_ =	sdelay $0x4  }
0x66: {  	[tilespmem:s0+$0x8E00] =	vst v0  }
0x67: {  	v0 =	vld [tilespmem:s22+$0xFFFFFFF4];
	_ =	sdelay $0x4  }
0x68: {  	[tilespmem:s0+$0x8E80] =	vst v0  }
0x69: {  	v0 =	vld [tilespmem:s22+$0xFFFFFFF3];
	_ =	sdelay $0x4  }
0x6a: {  	[tilespmem:s0+$0x8F00] =	vst v0  }
0x6b: {  	v0 =	vld [tilespmem:s22+$0xFFFFFFF2];
	_ =	sdelay $0x4  }
0x6c: {  	s31 =	smov.u32 s22;
	s30 =	simm.s32 $0x0;
	[tilespmem:s0+$0x8F80] =	vst v0;
	s0 =	sadd.s32 $0x10, s5  }
0x6d: {  	s21 =	simm.s32 $0x20;
	s1 =	simm.s32 $0x10;
	s5 =	simm.s32 $0x0;
	v0 =	vld [tilespmem:s0+$0x0]  }
.LBB2_2:
0x6e: {  	p0 =	sne.s32 s21, $0xF70  }
0x6f: {  	s5 =	sadd.s32 $0x80, s5  }
0x70: {  	s6 =	sand.u32 $0x70, s1;
	s1 =	smov.u32 s21;
	s7 =	sand.u32 $0x7C00, s5  }
0x71: {  	s6 =	sor.u32 s6, s7  }
0x72: {  	s31 =	sadd.s32 $0x10, s31;
	[tilespmem:s6+$0x1000] =	vst v0  }
0x73: {  	v0 =	vld [tilespmem:s31+$0x0];
	_ =	sdelay $0x4  }
0x74: {  	[tilespmem:s6+$0x1080] =	vst v0  }
0x75: {  	v0 =	vld [tilespmem:s31+$0xFFFFFFFF];
	_ =	sdelay $0x4  }
0x76: {  	[tilespmem:s6+$0x1100] =	vst v0  }
0x77: {  	v0 =	vld [tilespmem:s31+$0xFFFFFFFE];
	_ =	sdelay $0x4  }
0x78: {  	[tilespmem:s6+$0x1180] =	vst v0  }
0x79: {  	v0 =	vld [tilespmem:s31+$0xFFFFFFFD];
	_ =	sdelay $0x4  }
0x7a: {  	[tilespmem:s6+$0x1200] =	vst v0  }
0x7b: {  	v0 =	vld [tilespmem:s31+$0xFFFFFFFC];
	_ =	sdelay $0x4  }
0x7c: {  	[tilespmem:s6+$0x1280] =	vst v0  }
0x7d: {  	v0 =	vld [tilespmem:s31+$0xFFFFFFFB];
	_ =	sdelay $0x4  }
0x7e: {  	[tilespmem:s6+$0x1300] =	vst v0  }
0x7f: {  	s30 =	sadd.s32 $0x1, s30;
	v0 =	vld [tilespmem:s31+$0xFFFFFFFA]  }
0x80: {  	s7 =	sand.u32 $0x7, s30  }
0x81: {  	s7 =	sshll.u32 s7, $0x4  }
0x82: {  	s7 =	sadd.s32 s7, s5  }
0x83: {  	s7 =	sor.u32 $0x380, s7  }
0x84: {  	[tilespmem:s7+$0x1000] =	vst v0  }
0x85: {  	v0 =	vld [tilespmem:s31+$0xFFFFFFF9];
	_ =	sdelay $0x4  }
0x86: {  	[tilespmem:s6+$0x8C00] =	vst v0  }
0x87: {  	v0 =	vld [tilespmem:s31+$0xFFFFFFF8];
	_ =	sdelay $0x4  }
0x88: {  	[tilespmem:s6+$0x8C80] =	vst v0  }
0x89: {  	v0 =	vld [tilespmem:s31+$0xFFFFFFF7];
	_ =	sdelay $0x4  }
0x8a: {  	[tilespmem:s6+$0x8D00] =	vst v0  }
0x8b: {  	v0 =	vld [tilespmem:s31+$0xFFFFFFF6];
	_ =	sdelay $0x4  }
0x8c: {  	[tilespmem:s6+$0x8D80] =	vst v0  }
0x8d: {  	v0 =	vld [tilespmem:s31+$0xFFFFFFF5];
	_ =	sdelay $0x4  }
0x8e: {  	[tilespmem:s6+$0x8E00] =	vst v0  }
0x8f: {  	v0 =	vld [tilespmem:s31+$0xFFFFFFF4];
	_ =	sdelay $0x4  }
0x90: {  	[tilespmem:s6+$0x8E80] =	vst v0  }
0x91: {  	v0 =	vld [tilespmem:s31+$0xFFFFFFF3];
	_ =	sdelay $0x4  }
0x92: {  	[tilespmem:s6+$0x8F00] =	vst v0  }
0x93: {  	v0 =	vld [tilespmem:s31+$0xFFFFFFF2];
	_ =	sdelay $0x1  }
.Ltmp0:
0x94: {  	(pc) =	sbr.rel @p0 .LBB2_2-.Ltmp0, $3  }
0x95: {  	_ =	sdelay $0x1  }
0x96: {  	s0 =	sadd.s32 $0x10, s0;
	[tilespmem:s6+$0x8F80] =	vst v0  }
0x97: {  	s21 =	sadd.s32 $0x10, s21;
	v0 =	vld [tilespmem:s0+$0x0]  }
0x98: {  	_ = 	snop  }
0x99: {  	s0 =	sadd.s32 $0x80, s5  }
0x9a: {  	s1 =	sand.u32 $0x70, s1;
	s5 =	sand.u32 $0x7C00, s0  }
0x9b: {  	s1 =	sor.u32 s1, s5  }
0x9c: {  	s21 =	sadd.s32 $0x10, s31;
	[tilespmem:s1+$0x1000] =	vst v0  }
0x9d: {  	v0 =	vld [tilespmem:s21+$0x0];
	_ =	sdelay $0x4  }
0x9e: {  	[tilespmem:s1+$0x1080] =	vst v0  }
0x9f: {  	v0 =	vld [tilespmem:s21+$0xFFFFFFFF];
	_ =	sdelay $0x4  }
0xa0: {  	[tilespmem:s1+$0x1100] =	vst v0  }
0xa1: {  	v0 =	vld [tilespmem:s21+$0xFFFFFFFE];
	_ =	sdelay $0x4  }
0xa2: {  	[tilespmem:s1+$0x1180] =	vst v0  }
0xa3: {  	v0 =	vld [tilespmem:s21+$0xFFFFFFFD];
	_ =	sdelay $0x4  }
0xa4: {  	[tilespmem:s1+$0x1200] =	vst v0  }
0xa5: {  	v0 =	vld [tilespmem:s21+$0xFFFFFFFC];
	_ =	sdelay $0x4  }
0xa6: {  	[tilespmem:s1+$0x1280] =	vst v0  }
0xa7: {  	v0 =	vld [tilespmem:s21+$0xFFFFFFFB];
	_ =	sdelay $0x4  }
0xa8: {  	[tilespmem:s1+$0x1300] =	vst v0  }
0xa9: {  	s6 =	sadd.s32 $0x1, s30;
	v0 =	vld [tilespmem:s21+$0xFFFFFFFA]  }
0xaa: {  	s6 =	sand.u32 $0x7, s6  }
0xab: {  	s6 =	sshll.u32 s6, $0x4  }
0xac: {  	s0 =	sadd.s32 s6, s0  }
0xad: {  	s0 =	sor.u32 $0x380, s0  }
0xae: {  	[tilespmem:s0+$0x1000] =	vst v0  }
0xaf: {  	v0 =	vld [tilespmem:s21+$0xFFFFFFF9];
	_ =	sdelay $0x4  }
0xb0: {  	[tilespmem:s1+$0x8C00] =	vst v0  }
0xb1: {  	v0 =	vld [tilespmem:s21+$0xFFFFFFF8];
	_ =	sdelay $0x4  }
0xb2: {  	[tilespmem:s1+$0x8C80] =	vst v0  }
0xb3: {  	v0 =	vld [tilespmem:s21+$0xFFFFFFF7];
	_ =	sdelay $0x4  }
0xb4: {  	[tilespmem:s1+$0x8D00] =	vst v0  }
0xb5: {  	v0 =	vld [tilespmem:s21+$0xFFFFFFF6];
	_ =	sdelay $0x4  }
0xb6: {  	[tilespmem:s1+$0x8D80] =	vst v0  }
0xb7: {  	v0 =	vld [tilespmem:s21+$0xFFFFFFF5];
	_ =	sdelay $0x4  }
0xb8: {  	[tilespmem:s1+$0x8E00] =	vst v0  }
0xb9: {  	v0 =	vld [tilespmem:s21+$0xFFFFFFF4];
	_ =	sdelay $0x4  }
0xba: {  	[tilespmem:s1+$0x8E80] =	vst v0  }
0xbb: {  	v0 =	vld [tilespmem:s21+$0xFFFFFFF3];
	_ =	sdelay $0x4  }
0xbc: {  	[tilespmem:s1+$0x8F00] =	vst v0  }
0xbd: {  	v0 =	vld [tilespmem:s21+$0xFFFFFFF2];
	_ =	sdelay $0x4  }
0xbe: {  	s30 =	simm.s32 $0x0;
	s21 =	simm.s32 $0x4C00;
	[tilespmem:s1+$0x8F80] =	vst v0  }
0xbf: {  	[hbm4b:s4+s30] =	stream.linear.scatter [tilespmem:s21], [sflag:$0x1], $0x4000, $0x38;
	v63 =	vld [tilespmem:$0x0]  }
0xc0: {  	s7 =	simm.s32 $0xC800;
	s6 =	sadd.s32 $0x800, s4  }
0xc1: {  	[hbm4b:s6+s30] =	stream.linear.scatter [tilespmem:s7], [sflag:$0x1], $0x4000, $0x38;
	v63 =	vld [tilespmem:$0x0]  }
0xc2: {  	s5 =	rddreg [dreg:$0x5];
	s6 =	simm.s32 $0x4800  }
0xc3: {  	[hbm4b:s5+s30] =	stream.linear.scatter [tilespmem:s6], [sflag:$0x1], $0x4000, $0x38;
	v63 =	vld [tilespmem:$0x0]  }
0xc4: {  	s0 =	sadd.s32 $0x800, s5;
	s7 =	simm.s32 $0xC400  }
0xc5: {  	[hbm4b:s0+s30] =	stream.linear.scatter [tilespmem:s7], [sflag:$0x1], $0x4000, $0x38;
	v63 =	vld [tilespmem:$0x0]  }
0xc6: {  	s5 =	rddreg [dreg:$0x6];
	s6 =	simm.s32 $0x4400  }
0xc7: {  	[hbm4b:s5+s30] =	stream.linear.scatter [tilespmem:s6], [sflag:$0x1], $0x4000, $0x38;
	v63 =	vld [tilespmem:$0x0]  }
0xc8: {  	s0 =	sadd.s32 $0x800, s5;
	s7 =	simm.s32 $0xC000  }
0xc9: {  	[hbm4b:s0+s30] =	stream.linear.scatter [tilespmem:s7], [sflag:$0x1], $0x4000, $0x38;
	v63 =	vld [tilespmem:$0x0]  }
0xca: {  	s5 =	rddreg [dreg:$0x7];
	s6 =	simm.s32 $0x4000  }
0xcb: {  	[hbm4b:s5+s30] =	stream.linear.scatter [tilespmem:s6], [sflag:$0x1], $0x4000, $0x38;
	v63 =	vld [tilespmem:$0x0]  }
0xcc: {  	s0 =	sadd.s32 $0x800, s5;
	s7 =	simm.s32 $0xBC00  }
0xcd: {  	[hbm4b:s0+s30] =	stream.linear.scatter [tilespmem:s7], [sflag:$0x1], $0x4000, $0x38;
	v63 =	vld [tilespmem:$0x0]  }
0xce: {  	s5 =	rddreg [dreg:$0x8];
	s6 =	simm.s32 $0x3C00  }
0xcf: {  	[hbm4b:s5+s30] =	stream.linear.scatter [tilespmem:s6], [sflag:$0x1], $0x4000, $0x38;
	v63 =	vld [tilespmem:$0x0]  }
0xd0: {  	s0 =	sadd.s32 $0x800, s5;
	s7 =	simm.s32 $0xB800  }
0xd1: {  	[hbm4b:s0+s30] =	stream.linear.scatter [tilespmem:s7], [sflag:$0x1], $0x4000, $0x38;
	v63 =	vld [tilespmem:$0x0]  }
0xd2: {  	s5 =	rddreg [dreg:$0x9];
	s6 =	simm.s32 $0x3800  }
0xd3: {  	[hbm4b:s5+s30] =	stream.linear.scatter [tilespmem:s6], [sflag:$0x1], $0x4000, $0x38;
	v63 =	vld [tilespmem:$0x0]  }
0xd4: {  	s0 =	sadd.s32 $0x800, s5;
	s7 =	simm.s32 $0xB400  }
0xd5: {  	[hbm4b:s0+s30] =	stream.linear.scatter [tilespmem:s7], [sflag:$0x1], $0x4000, $0x38;
	v63 =	vld [tilespmem:$0x0]  }
0xd6: {  	s5 =	rddreg [dreg:$0xa];
	s6 =	simm.s32 $0x3400  }
0xd7: {  	[hbm4b:s5+s30] =	stream.linear.scatter [tilespmem:s6], [sflag:$0x1], $0x4000, $0x38;
	v63 =	vld [tilespmem:$0x0]  }
0xd8: {  	s0 =	sadd.s32 $0x800, s5;
	s7 =	simm.s32 $0xB000  }
0xd9: {  	[hbm4b:s0+s30] =	stream.linear.scatter [tilespmem:s7], [sflag:$0x1], $0x4000, $0x38;
	v63 =	vld [tilespmem:$0x0]  }
0xda: {  	s5 =	rddreg [dreg:$0xb];
	s6 =	simm.s32 $0x3000  }
0xdb: {  	[hbm4b:s5+s30] =	stream.linear.scatter [tilespmem:s6], [sflag:$0x1], $0x4000, $0x38;
	v63 =	vld [tilespmem:$0x0]  }
0xdc: {  	s0 =	sadd.s32 $0x800, s5;
	s7 =	simm.s32 $0xAC00  }
0xdd: {  	[hbm4b:s0+s30] =	stream.linear.scatter [tilespmem:s7], [sflag:$0x1], $0x4000, $0x38;
	v63 =	vld [tilespmem:$0x0]  }
0xde: {  	s5 =	rddreg [dreg:$0xc];
	s6 =	simm.s32 $0x2C00  }
0xdf: {  	[hbm4b:s5+s30] =	stream.linear.scatter [tilespmem:s6], [sflag:$0x1], $0x4000, $0x38;
	v63 =	vld [tilespmem:$0x0]  }
0xe0: {  	s0 =	sadd.s32 $0x800, s5;
	s7 =	simm.s32 $0xA800  }
0xe1: {  	[hbm4b:s0+s30] =	stream.linear.scatter [tilespmem:s7], [sflag:$0x1], $0x4000, $0x38;
	v63 =	vld [tilespmem:$0x0]  }
0xe2: {  	s5 =	rddreg [dreg:$0xd];
	s6 =	simm.s32 $0x2800  }
0xe3: {  	[hbm4b:s5+s30] =	stream.linear.scatter [tilespmem:s6], [sflag:$0x1], $0x4000, $0x38;
	v63 =	vld [tilespmem:$0x0]  }
0xe4: {  	s0 =	sadd.s32 $0x800, s5;
	s7 =	simm.s32 $0xA400  }
0xe5: {  	[hbm4b:s0+s30] =	stream.linear.scatter [tilespmem:s7], [sflag:$0x1], $0x4000, $0x38;
	v63 =	vld [tilespmem:$0x0]  }
0xe6: {  	s5 =	rddreg [dreg:$0xe];
	s6 =	simm.s32 $0x2400  }
0xe7: {  	[hbm4b:s5+s30] =	stream.linear.scatter [tilespmem:s6], [sflag:$0x1], $0x4000, $0x38;
	v63 =	vld [tilespmem:$0x0]  }
0xe8: {  	s0 =	sadd.s32 $0x800, s5;
	s7 =	simm.s32 $0xA000  }
0xe9: {  	[hbm4b:s0+s30] =	stream.linear.scatter [tilespmem:s7], [sflag:$0x1], $0x4000, $0x38;
	v63 =	vld [tilespmem:$0x0]  }
0xea: {  	s5 =	rddreg [dreg:$0xf];
	s6 =	simm.s32 $0x2000  }
0xeb: {  	[hbm4b:s5+s30] =	stream.linear.scatter [tilespmem:s6], [sflag:$0x1], $0x4000, $0x38;
	v63 =	vld [tilespmem:$0x0]  }
0xec: {  	s0 =	sadd.s32 $0x800, s5;
	s7 =	simm.s32 $0x9C00  }
0xed: {  	[hbm4b:s0+s30] =	stream.linear.scatter [tilespmem:s7], [sflag:$0x1], $0x4000, $0x38;
	v63 =	vld [tilespmem:$0x0]  }
0xee: {  	s5 =	rddreg [dreg:$0x10];
	s6 =	simm.s32 $0x1C00  }
0xef: {  	[hbm4b:s5+s30] =	stream.linear.scatter [tilespmem:s6], [sflag:$0x1], $0x4000, $0x38;
	v63 =	vld [tilespmem:$0x0]  }
0xf0: {  	s0 =	sadd.s32 $0x800, s5;
	s7 =	simm.s32 $0x9800  }
0xf1: {  	[hbm4b:s0+s30] =	stream.linear.scatter [tilespmem:s7], [sflag:$0x1], $0x4000, $0x38;
	v63 =	vld [tilespmem:$0x0]  }
0xf2: {  	s5 =	rddreg [dreg:$0x11];
	s6 =	simm.s32 $0x1800  }
0xf3: {  	[hbm4b:s5+s30] =	stream.linear.scatter [tilespmem:s6], [sflag:$0x1], $0x4000, $0x38;
	v63 =	vld [tilespmem:$0x0]  }
0xf4: {  	s0 =	sadd.s32 $0x800, s5;
	s7 =	simm.s32 $0x9400  }
0xf5: {  	[hbm4b:s0+s30] =	stream.linear.scatter [tilespmem:s7], [sflag:$0x1], $0x4000, $0x38;
	v63 =	vld [tilespmem:$0x0]  }
0xf6: {  	s5 =	rddreg [dreg:$0x12];
	s6 =	simm.s32 $0x1400  }
0xf7: {  	[hbm4b:s5+s30] =	stream.linear.scatter [tilespmem:s6], [sflag:$0x1], $0x4000, $0x38;
	v63 =	vld [tilespmem:$0x0]  }
0xf8: {  	s0 =	sadd.s32 $0x800, s5;
	s7 =	simm.s32 $0x9000  }
0xf9: {  	[hbm4b:s0+s30] =	stream.linear.scatter [tilespmem:s7], [sflag:$0x1], $0x4000, $0x38;
	v63 =	vld [tilespmem:$0x0]  }
0xfa: {  	s5 =	rddreg [dreg:$0x14];
	s6 =	simm.s32 $0x1000  }
0xfb: {  	[hbm4b:s5+s30] =	stream.linear.scatter [tilespmem:s6], [sflag:$0x1], $0x4000, $0x38;
	v63 =	vld [tilespmem:$0x0]  }
0xfc: {  	s0 =	sadd.s32 $0x800, s5;
	s7 =	simm.s32 $0x8C00  }
0xfd: {  	[hbm4b:s0+s30] =	stream.linear.scatter [tilespmem:s7], [sflag:$0x1], $0x4000, $0x38;
	v63 =	vld [tilespmem:$0x0]  }
0xfe: {  	v0 =	vld [tilespmem:s23+$0x0];
	_ =	sdelay $0x2  }
0xff: {  	s5 =	sand.u32 $0x70, s30;
	s6 =	sand.u32 $0x7C00, s30  }
0x100: {  	s31 =	sor.u32 s5, s6  }
0x101: {  	[tilespmem:s31+$0x10800] =	vst v0  }
0x102: {  	v0 =	vld [tilespmem:s23+$0xFFFFFFFF];
	_ =	sdelay $0x3  }
0x103: {  	s0 =	sadd.s32 $0x10800, s31  }
0x104: {  	[tilespmem:s0+$0x80] =	vst v0  }
0x105: {  	v0 =	vld [tilespmem:s23+$0xFFFFFFFE];
	_ =	sdelay $0x4  }
0x106: {  	[tilespmem:s0+$0x100] =	vst v0  }
0x107: {  	v0 =	vld [tilespmem:s23+$0xFFFFFFFD];
	_ =	sdelay $0x4  }
0x108: {  	[tilespmem:s0+$0x180] =	vst v0  }
0x109: {  	v0 =	vld [tilespmem:s23+$0xFFFFFFFC];
	_ =	sdelay $0x4  }
0x10a: {  	[tilespmem:s0+$0x200] =	vst v0  }
0x10b: {  	v0 =	vld [tilespmem:s23+$0xFFFFFFFB];
	_ =	sdelay $0x4  }
0x10c: {  	[tilespmem:s0+$0x280] =	vst v0  }
0x10d: {  	v0 =	vld [tilespmem:s23+$0xFFFFFFFA];
	_ =	sdelay $0x4  }
0x10e: {  	[tilespmem:s0+$0x300] =	vst v0  }
0x10f: {  	v0 =	vld [tilespmem:s23+$0xFFFFFFF9]  }
0x110: {  	s7 =	sand.u32 $0x7, s30  }
0x111: {  	s0 =	sshll.u32 s7, $0x4  }
0x112: {  	s0 =	sadd.s32 $0x0, s0  }
0x113: {  	s0 =	sor.u32 $0x380, s0  }
0x114: {  	[tilespmem:s0+$0x10800] =	vst v0  }
0x115: {  	v0 =	vld [tilespmem:s23+$0xFFFFFFF8];
	_ =	sdelay $0x4  }
0x116: {  	[tilespmem:s31+$0x18400] =	vst v0  }
0x117: {  	v0 =	vld [tilespmem:s23+$0xFFFFFFF7];
	_ =	sdelay $0x4  }
0x118: {  	[tilespmem:s31+$0x18480] =	vst v0  }
0x119: {  	v0 =	vld [tilespmem:s23+$0xFFFFFFF6];
	_ =	sdelay $0x4  }
0x11a: {  	[tilespmem:s31+$0x18500] =	vst v0  }
0x11b: {  	v0 =	vld [tilespmem:s23+$0xFFFFFFF5];
	_ =	sdelay $0x4  }
0x11c: {  	[tilespmem:s31+$0x18580] =	vst v0  }
0x11d: {  	v0 =	vld [tilespmem:s23+$0xFFFFFFF4];
	_ =	sdelay $0x4  }
0x11e: {  	[tilespmem:s31+$0x18600] =	vst v0  }
0x11f: {  	v0 =	vld [tilespmem:s23+$0xFFFFFFF3];
	_ =	sdelay $0x4  }
0x120: {  	[tilespmem:s31+$0x18680] =	vst v0  }
0x121: {  	v0 =	vld [tilespmem:s23+$0xFFFFFFF2];
	_ =	sdelay $0x4  }
0x122: {  	[tilespmem:s31+$0x18700] =	vst v0  }
0x123: {  	s1 =	simm.s32 $0x0;
	s5 =	smov.u32 s23;
	s0 =	simm.s32 $0x10;
	v0 =	vld [tilespmem:s23+$0xFFFFFFF1]  }
.LBB2_4:
0x124: {  	_ =	sdelay $0x3  }
0x125: {  	s30 =	sadd.s32 $0x80, s30;
	s1 =	sadd.s32 $0x1, s1;
	s5 =	sadd.s32 $0x10, s5;
	[tilespmem:s31+$0x18780] =	vst v0  }
0x126: {  	p0 =	sne.s32 s0, $0xF70;
	s6 =	smov.u32 s0;
	s0 =	sadd.s32 $0x10, s0;
	v0 =	vld [tilespmem:s5+$0x0]  }
0x127: {  	_ =	sdelay $0x1  }
0x128: {  	s6 =	sand.u32 $0x70, s6;
	s7 =	sand.u32 $0x7C00, s30  }
0x129: {  	s31 =	sor.u32 s6, s7  }
0x12a: {  	[tilespmem:s31+$0x10800] =	vst v0  }
0x12b: {  	v0 =	vld [tilespmem:s5+$0xFFFFFFFF];
	_ =	sdelay $0x3  }
0x12c: {  	s6 =	sadd.s32 $0x10800, s31  }
0x12d: {  	[tilespmem:s6+$0x80] =	vst v0  }
0x12e: {  	v0 =	vld [tilespmem:s5+$0xFFFFFFFE];
	_ =	sdelay $0x4  }
0x12f: {  	[tilespmem:s6+$0x100] =	vst v0  }
0x130: {  	v0 =	vld [tilespmem:s5+$0xFFFFFFFD];
	_ =	sdelay $0x4  }
0x131: {  	[tilespmem:s6+$0x180] =	vst v0  }
0x132: {  	v0 =	vld [tilespmem:s5+$0xFFFFFFFC];
	_ =	sdelay $0x4  }
0x133: {  	[tilespmem:s6+$0x200] =	vst v0  }
0x134: {  	v0 =	vld [tilespmem:s5+$0xFFFFFFFB];
	_ =	sdelay $0x4  }
0x135: {  	[tilespmem:s6+$0x280] =	vst v0  }
0x136: {  	v0 =	vld [tilespmem:s5+$0xFFFFFFFA];
	_ =	sdelay $0x4  }
0x137: {  	[tilespmem:s6+$0x300] =	vst v0  }
0x138: {  	v0 =	vld [tilespmem:s5+$0xFFFFFFF9]  }
0x139: {  	s6 =	sand.u32 $0x7, s1  }
0x13a: {  	s6 =	sshll.u32 s6, $0x4  }
0x13b: {  	s6 =	sadd.s32 s6, s30  }
0x13c: {  	s6 =	sor.u32 $0x380, s6  }
0x13d: {  	[tilespmem:s6+$0x10800] =	vst v0  }
0x13e: {  	v0 =	vld [tilespmem:s5+$0xFFFFFFF8];
	_ =	sdelay $0x4  }
0x13f: {  	[tilespmem:s31+$0x18400] =	vst v0  }
0x140: {  	v0 =	vld [tilespmem:s5+$0xFFFFFFF7];
	_ =	sdelay $0x4  }
0x141: {  	[tilespmem:s31+$0x18480] =	vst v0  }
0x142: {  	v0 =	vld [tilespmem:s5+$0xFFFFFFF6];
	_ =	sdelay $0x4  }
0x143: {  	[tilespmem:s31+$0x18500] =	vst v0  }
0x144: {  	v0 =	vld [tilespmem:s5+$0xFFFFFFF5];
	_ =	sdelay $0x4  }
0x145: {  	[tilespmem:s31+$0x18580] =	vst v0  }
0x146: {  	v0 =	vld [tilespmem:s5+$0xFFFFFFF4];
	_ =	sdelay $0x4  }
0x147: {  	[tilespmem:s31+$0x18600] =	vst v0  }
0x148: {  	v0 =	vld [tilespmem:s5+$0xFFFFFFF3];
	_ =	sdelay $0x4  }
0x149: {  	[tilespmem:s31+$0x18680] =	vst v0  }
0x14a: {  	v0 =	vld [tilespmem:s5+$0xFFFFFFF2];
	_ =	sdelay $0x1  }
.Ltmp1:
0x14b: {  	(pc) =	sbr.rel @p0 .LBB2_4-.Ltmp1, $3  }
0x14c: {  	_ =	sdelay $0x1  }
0x14d: {  	[tilespmem:s31+$0x18700] =	vst v0  }
0x14e: {  	v0 =	vld [tilespmem:s5+$0xFFFFFFF1]  }
0x14f: {  	_ =	sdelay $0x3  }
0x150: {  	s30 =	simm.s32 $0x0;
	s0 =	rddreg [dreg:$0x15];
	s1 =	simm.s32 $0x14400;
	[tilespmem:s31+$0x18780] =	vst v0  }
0x151: {  	[hbm4b:s0+s30] =	stream.linear.scatter [tilespmem:s1], [sflag:$0x2], $0x4000, $0x38;
	v63 =	vld [tilespmem:$0x0]  }
0x152: {  	s7 =	simm.s32 $0x1C000;
	s0 =	sadd.s32 $0x800, s0  }
0x153: {  	[hbm4b:s0+s30] =	stream.linear.scatter [tilespmem:s7], [sflag:$0x2], $0x4000, $0x38;
	v63 =	vld [tilespmem:$0x0]  }
0x154: {  	s5 =	rddreg [dreg:$0x16];
	s6 =	simm.s32 $0x14000  }
0x155: {  	[hbm4b:s5+s30] =	stream.linear.scatter [tilespmem:s6], [sflag:$0x2], $0x4000, $0x38;
	v63 =	vld [tilespmem:$0x0]  }
0x156: {  	s0 =	sadd.s32 $0x800, s5;
	s7 =	simm.s32 $0x1BC00  }
0x157: {  	[hbm4b:s0+s30] =	stream.linear.scatter [tilespmem:s7], [sflag:$0x2], $0x4000, $0x38;
	v63 =	vld [tilespmem:$0x0]  }
0x158: {  	s5 =	rddreg [dreg:$0x17];
	s6 =	simm.s32 $0x13C00  }
0x159: {  	[hbm4b:s5+s30] =	stream.linear.scatter [tilespmem:s6], [sflag:$0x2], $0x4000, $0x38;
	v63 =	vld [tilespmem:$0x0]  }
0x15a: {  	s0 =	sadd.s32 $0x800, s5;
	s7 =	simm.s32 $0x1B800  }
0x15b: {  	[hbm4b:s0+s30] =	stream.linear.scatter [tilespmem:s7], [sflag:$0x2], $0x4000, $0x38;
	v63 =	vld [tilespmem:$0x0]  }
0x15c: {  	s5 =	rddreg [dreg:$0x18];
	s6 =	simm.s32 $0x13800  }
0x15d: {  	[hbm4b:s5+s30] =	stream.linear.scatter [tilespmem:s6], [sflag:$0x2], $0x4000, $0x38;
	v63 =	vld [tilespmem:$0x0]  }
0x15e: {  	s0 =	sadd.s32 $0x800, s5;
	s7 =	simm.s32 $0x1B400  }
0x15f: {  	[hbm4b:s0+s30] =	stream.linear.scatter [tilespmem:s7], [sflag:$0x2], $0x4000, $0x38;
	v63 =	vld [tilespmem:$0x0]  }
0x160: {  	s5 =	rddreg [dreg:$0x19];
	s6 =	simm.s32 $0x13400  }
0x161: {  	[hbm4b:s5+s30] =	stream.linear.scatter [tilespmem:s6], [sflag:$0x2], $0x4000, $0x38;
	v63 =	vld [tilespmem:$0x0]  }
0x162: {  	s0 =	sadd.s32 $0x800, s5;
	s7 =	simm.s32 $0x1B000  }
0x163: {  	[hbm4b:s0+s30] =	stream.linear.scatter [tilespmem:s7], [sflag:$0x2], $0x4000, $0x38;
	v63 =	vld [tilespmem:$0x0]  }
0x164: {  	s5 =	rddreg [dreg:$0x1a];
	s6 =	simm.s32 $0x13000  }
0x165: {  	[hbm4b:s5+s30] =	stream.linear.scatter [tilespmem:s6], [sflag:$0x2], $0x4000, $0x38;
	v63 =	vld [tilespmem:$0x0]  }
0x166: {  	s0 =	sadd.s32 $0x800, s5;
	s7 =	simm.s32 $0x1AC00  }
0x167: {  	[hbm4b:s0+s30] =	stream.linear.scatter [tilespmem:s7], [sflag:$0x2], $0x4000, $0x38;
	v63 =	vld [tilespmem:$0x0]  }
0x168: {  	s5 =	rddreg [dreg:$0x1b];
	s6 =	simm.s32 $0x12C00  }
0x169: {  	[hbm4b:s5+s30] =	stream.linear.scatter [tilespmem:s6], [sflag:$0x2], $0x4000, $0x38;
	v63 =	vld [tilespmem:$0x0]  }
0x16a: {  	s0 =	sadd.s32 $0x800, s5;
	s7 =	simm.s32 $0x1A800  }
0x16b: {  	[hbm4b:s0+s30] =	stream.linear.scatter [tilespmem:s7], [sflag:$0x2], $0x4000, $0x38;
	v63 =	vld [tilespmem:$0x0]  }
0x16c: {  	s5 =	rddreg [dreg:$0x1c];
	s6 =	simm.s32 $0x12800  }
0x16d: {  	[hbm4b:s5+s30] =	stream.linear.scatter [tilespmem:s6], [sflag:$0x2], $0x4000, $0x38;
	v63 =	vld [tilespmem:$0x0]  }
0x16e: {  	s0 =	sadd.s32 $0x800, s5;
	s7 =	simm.s32 $0x1A400  }
0x16f: {  	[hbm4b:s0+s30] =	stream.linear.scatter [tilespmem:s7], [sflag:$0x2], $0x4000, $0x38;
	v63 =	vld [tilespmem:$0x0]  }
0x170: {  	s5 =	rddreg [dreg:$0x1d];
	s6 =	simm.s32 $0x12400  }
0x171: {  	[hbm4b:s5+s30] =	stream.linear.scatter [tilespmem:s6], [sflag:$0x2], $0x4000, $0x38;
	v63 =	vld [tilespmem:$0x0]  }
0x172: {  	s0 =	sadd.s32 $0x800, s5;
	s7 =	simm.s32 $0x1A000  }
0x173: {  	[hbm4b:s0+s30] =	stream.linear.scatter [tilespmem:s7], [sflag:$0x2], $0x4000, $0x38;
	v63 =	vld [tilespmem:$0x0]  }
0x174: {  	s5 =	rddreg [dreg:$0x1e];
	s6 =	simm.s32 $0x12000  }
0x175: {  	[hbm4b:s5+s30] =	stream.linear.scatter [tilespmem:s6], [sflag:$0x2], $0x4000, $0x38;
	v63 =	vld [tilespmem:$0x0]  }
0x176: {  	s0 =	sadd.s32 $0x800, s5;
	s7 =	simm.s32 $0x19C00  }
0x177: {  	[hbm4b:s0+s30] =	stream.linear.scatter [tilespmem:s7], [sflag:$0x2], $0x4000, $0x38;
	v63 =	vld [tilespmem:$0x0]  }
0x178: {  	s5 =	rddreg [dreg:$0x1f];
	s6 =	simm.s32 $0x11C00  }
0x179: {  	[hbm4b:s5+s30] =	stream.linear.scatter [tilespmem:s6], [sflag:$0x2], $0x4000, $0x38;
	v63 =	vld [tilespmem:$0x0]  }
0x17a: {  	s0 =	sadd.s32 $0x800, s5;
	s7 =	simm.s32 $0x19800;
	s5 =	sld [smem:$0x7E7]  }
0x17b: {  	[hbm4b:s0+s30] =	stream.linear.scatter [tilespmem:s7], [sflag:$0x2], $0x4000, $0x38;
	v63 =	vld [tilespmem:$0x0]  }
0x17c: {  	s6 =	simm.s32 $0x11800  }
0x17d: {  	[hbm4b:s5+s30] =	stream.linear.scatter [tilespmem:s6], [sflag:$0x2], $0x4000, $0x38;
	v63 =	vld [tilespmem:$0x0]  }
0x17e: {  	s7 =	simm.s32 $0x19400;
	s0 =	sadd.s32 $0x800, s5;
	s5 =	sld [smem:$0x7E8]  }
0x17f: {  	[hbm4b:s0+s30] =	stream.linear.scatter [tilespmem:s7], [sflag:$0x2], $0x4000, $0x38;
	v63 =	vld [tilespmem:$0x0]  }
0x180: {  	s6 =	simm.s32 $0x11400  }
0x181: {  	[hbm4b:s5+s30] =	stream.linear.scatter [tilespmem:s6], [sflag:$0x2], $0x4000, $0x38;
	v63 =	vld [tilespmem:$0x0]  }
0x182: {  	s7 =	simm.s32 $0x19000;
	s0 =	sadd.s32 $0x800, s5;
	s5 =	sld [smem:$0x7E9]  }
0x183: {  	[hbm4b:s0+s30] =	stream.linear.scatter [tilespmem:s7], [sflag:$0x2], $0x4000, $0x38;
	v63 =	vld [tilespmem:$0x0]  }
0x184: {  	s6 =	simm.s32 $0x11000  }
0x185: {  	[hbm4b:s5+s30] =	stream.linear.scatter [tilespmem:s6], [sflag:$0x2], $0x4000, $0x38;
	v63 =	vld [tilespmem:$0x0]  }
0x186: {  	s7 =	simm.s32 $0x18C00;
	s0 =	sadd.s32 $0x800, s5;
	s5 =	sld [smem:$0x7EA]  }
0x187: {  	[hbm4b:s0+s30] =	stream.linear.scatter [tilespmem:s7], [sflag:$0x2], $0x4000, $0x38;
	v63 =	vld [tilespmem:$0x0]  }
0x188: {  	s6 =	simm.s32 $0x10C00  }
0x189: {  	[hbm4b:s5+s30] =	stream.linear.scatter [tilespmem:s6], [sflag:$0x2], $0x4000, $0x38;
	v63 =	vld [tilespmem:$0x0]  }
0x18a: {  	s7 =	simm.s32 $0x18800;
	s0 =	sadd.s32 $0x800, s5;
	s5 =	sld [smem:$0x7EB]  }
0x18b: {  	[hbm4b:s0+s30] =	stream.linear.scatter [tilespmem:s7], [sflag:$0x2], $0x4000, $0x38;
	v63 =	vld [tilespmem:$0x0]  }
0x18c: {  	s6 =	simm.s32 $0x10800  }
0x18d: {  	[hbm4b:s5+s30] =	stream.linear.scatter [tilespmem:s6], [sflag:$0x2], $0x4000, $0x38;
	v63 =	vld [tilespmem:$0x0]  }
0x18e: {  	s7 =	simm.s32 $0x18400;
	s0 =	sadd.s32 $0x800, s5  }
0x18f: {  	[hbm4b:s0+s30] =	stream.linear.scatter [tilespmem:s7], [sflag:$0x2], $0x4000, $0x38;
	v63 =	vld [tilespmem:$0x0]  }
0x190: {  	_ =	swait.ge [sflag:s3], $0x8000  }
0x191: {  	[sflag:s3] =	ssyncset.done $0x0  }
0x192: {  	[sflag:s3] =	ssyncadd.s32 $0xFFFF8000  }
0x193: {  	_ =	swait.ge [sflag:s3], $0x8000  }
0x194: {  	[sflag:s3] =	ssyncset.done $0x0  }
0x195: {  	[sflag:s3] =	ssyncadd.s32 $0xFFFF8000  }
0x196: {  	_ =	swait.ge [sflag:s3], $0x8000  }
0x197: {  	[sflag:s3] =	ssyncset.done $0x0  }
0x198: {  	[sflag:s3] =	ssyncadd.s32 $0xFFFF8000  }
0x199: {  	_ =	swait.ge [sflag:s3], $0x8000  }
0x19a: {  	[sflag:s3] =	ssyncset.done $0x0  }
0x19b: {  	[sflag:s3] =	ssyncadd.s32 $0xFFFF8000  }
0x19c: {  	_ =	swait.ge [sflag:s3], $0x8000  }
0x19d: {  	[sflag:s3] =	ssyncset.done $0x0  }
0x19e: {  	[sflag:s3] =	ssyncadd.s32 $0xFFFF8000  }
0x19f: {  	_ =	swait.ge [sflag:s3], $0x8000  }
0x1a0: {  	[sflag:s3] =	ssyncset.done $0x0  }
0x1a1: {  	[sflag:s3] =	ssyncadd.s32 $0xFFFF8000  }
0x1a2: {  	_ =	swait.ge [sflag:s3], $0x8000  }
0x1a3: {  	[sflag:s3] =	ssyncset.done $0x0  }
0x1a4: {  	[sflag:s3] =	ssyncadd.s32 $0xFFFF8000  }
0x1a5: {  	_ =	swait.ge [sflag:s3], $0x8000  }
0x1a6: {  	[sflag:s3] =	ssyncset.done $0x0  }
0x1a7: {  	[sflag:s3] =	ssyncadd.s32 $0xFFFF8000  }
0x1a8: {  	_ =	swait.ge [sflag:s3], $0x8000  }
0x1a9: {  	[sflag:s3] =	ssyncset.done $0x0  }
0x1aa: {  	[sflag:s3] =	ssyncadd.s32 $0xFFFF8000  }
0x1ab: {  	_ =	swait.ge [sflag:s3], $0x8000  }
0x1ac: {  	[sflag:s3] =	ssyncset.done $0x0  }
0x1ad: {  	[sflag:s3] =	ssyncadd.s32 $0xFFFF8000  }
0x1ae: {  	_ =	swait.ge [sflag:s3], $0x8000  }
0x1af: {  	[sflag:s3] =	ssyncset.done $0x0  }
0x1b0: {  	[sflag:s3] =	ssyncadd.s32 $0xFFFF8000  }
0x1b1: {  	_ =	swait.ge [sflag:s3], $0x8000  }
0x1b2: {  	[sflag:s3] =	ssyncset.done $0x0  }
0x1b3: {  	[sflag:s3] =	ssyncadd.s32 $0xFFFF8000  }
0x1b4: {  	_ =	swait.ge [sflag:s3], $0x8000  }
0x1b5: {  	[sflag:s3] =	ssyncset.done $0x0  }
0x1b6: {  	[sflag:s3] =	ssyncadd.s32 $0xFFFF8000  }
0x1b7: {  	_ =	swait.ge [sflag:s3], $0x8000  }
0x1b8: {  	[sflag:s3] =	ssyncset.done $0x0  }
0x1b9: {  	[sflag:s3] =	ssyncadd.s32 $0xFFFF8000  }
0x1ba: {  	_ =	swait.ge [sflag:s3], $0x8000  }
0x1bb: {  	[sflag:s3] =	ssyncset.done $0x0  }
0x1bc: {  	[sflag:s3] =	ssyncadd.s32 $0xFFFF8000  }
0x1bd: {  	_ =	swait.ge [sflag:s3], $0x8000  }
0x1be: {  	[sflag:s3] =	ssyncset.done $0x0  }
0x1bf: {  	[sflag:s3] =	ssyncadd.s32 $0xFFFF8000  }
0x1c0: {  	v0 =	vld [tilespmem:s24+$0x0];
	_ =	sdelay $0x2  }
0x1c1: {  	s5 =	sand.u32 $0x70, s30;
	s6 =	sand.u32 $0x7C00, s30  }
0x1c2: {  	s0 =	sor.u32 s5, s6  }
0x1c3: {  	[tilespmem:s0+$0x1000] =	vst v0  }
0x1c4: {  	v0 =	vld [tilespmem:s24+$0xFFFFFFFF];
	_ =	sdelay $0x4  }
0x1c5: {  	[tilespmem:s0+$0x1080] =	vst v0  }
0x1c6: {  	v0 =	vld [tilespmem:s24+$0xFFFFFFFE];
	_ =	sdelay $0x4  }
0x1c7: {  	[tilespmem:s0+$0x1100] =	vst v0  }
0x1c8: {  	v0 =	vld [tilespmem:s24+$0xFFFFFFFD];
	_ =	sdelay $0x4  }
0x1c9: {  	[tilespmem:s0+$0x1180] =	vst v0  }
0x1ca: {  	v0 =	vld [tilespmem:s24+$0xFFFFFFFC];
	_ =	sdelay $0x4  }
0x1cb: {  	[tilespmem:s0+$0x1200] =	vst v0  }
0x1cc: {  	v0 =	vld [tilespmem:s24+$0xFFFFFFFB];
	_ =	sdelay $0x4  }
0x1cd: {  	[tilespmem:s0+$0x1280] =	vst v0  }
0x1ce: {  	v0 =	vld [tilespmem:s24+$0xFFFFFFFA];
	_ =	sdelay $0x4  }
0x1cf: {  	[tilespmem:s0+$0x1300] =	vst v0  }
0x1d0: {  	v0 =	vld [tilespmem:s24+$0xFFFFFFF9]  }
0x1d1: {  	s7 =	sand.u32 $0x7, s30  }
0x1d2: {  	s1 =	sshll.u32 s7, $0x4  }
0x1d3: {  	s1 =	sadd.s32 $0x0, s1  }
0x1d4: {  	s1 =	sor.u32 $0x380, s1  }
0x1d5: {  	[tilespmem:s1+$0x1000] =	vst v0  }
0x1d6: {  	v0 =	vld [tilespmem:s24+$0xFFFFFFF8];
	_ =	sdelay $0x4  }
0x1d7: {  	[tilespmem:s0+$0x8C00] =	vst v0  }
0x1d8: {  	v0 =	vld [tilespmem:s24+$0xFFFFFFF7];
	_ =	sdelay $0x4  }
0x1d9: {  	[tilespmem:s0+$0x8C80] =	vst v0  }
0x1da: {  	v0 =	vld [tilespmem:s24+$0xFFFFFFF6];
	_ =	sdelay $0x4  }
0x1db: {  	[tilespmem:s0+$0x8D00] =	vst v0  }
0x1dc: {  	v0 =	vld [tilespmem:s24+$0xFFFFFFF5];
	_ =	sdelay $0x4  }
0x1dd: {  	[tilespmem:s0+$0x8D80] =	vst v0  }
0x1de: {  	v0 =	vld [tilespmem:s24+$0xFFFFFFF4];
	_ =	sdelay $0x4  }
0x1df: {  	[tilespmem:s0+$0x8E00] =	vst v0  }
0x1e0: {  	v0 =	vld [tilespmem:s24+$0xFFFFFFF3];
	_ =	sdelay $0x4  }
0x1e1: {  	[tilespmem:s0+$0x8E80] =	vst v0  }
0x1e2: {  	v0 =	vld [tilespmem:s24+$0xFFFFFFF2];
	_ =	sdelay $0x4  }
0x1e3: {  	[tilespmem:s0+$0x8F00] =	vst v0  }
0x1e4: {  	v0 =	vld [tilespmem:s24+$0xFFFFFFF1];
	_ =	sdelay $0x4  }
0x1e5: {  	s31 =	sadd.s32 $0x10, s24;
	[tilespmem:s0+$0x8F80] =	vst v0  }
0x1e6: {  	s5 =	simm.s32 $0x20;
	s1 =	simm.s32 $0x0;
	s0 =	simm.s32 $0x10;
	v0 =	vld [tilespmem:s31+$0x0]  }
.LBB2_6:
0x1e7: {  	p0 =	sne.s32 s5, $0xF70  }
0x1e8: {  	s30 =	sadd.s32 $0x80, s30  }
0x1e9: {  	s6 =	sand.u32 $0x70, s0;
	s0 =	smov.u32 s5;
	s7 =	sand.u32 $0x7C00, s30  }
0x1ea: {  	s6 =	sor.u32 s6, s7  }
0x1eb: {  	[tilespmem:s6+$0x1000] =	vst v0  }
0x1ec: {  	v0 =	vld [tilespmem:s31+$0xFFFFFFFF];
	_ =	sdelay $0x4  }
0x1ed: {  	[tilespmem:s6+$0x1080] =	vst v0  }
0x1ee: {  	v0 =	vld [tilespmem:s31+$0xFFFFFFFE];
	_ =	sdelay $0x4  }
0x1ef: {  	[tilespmem:s6+$0x1100] =	vst v0  }
0x1f0: {  	v0 =	vld [tilespmem:s31+$0xFFFFFFFD];
	_ =	sdelay $0x4  }
0x1f1: {  	[tilespmem:s6+$0x1180] =	vst v0  }
0x1f2: {  	v0 =	vld [tilespmem:s31+$0xFFFFFFFC];
	_ =	sdelay $0x4  }
0x1f3: {  	[tilespmem:s6+$0x1200] =	vst v0  }
0x1f4: {  	v0 =	vld [tilespmem:s31+$0xFFFFFFFB];
	_ =	sdelay $0x4  }
0x1f5: {  	[tilespmem:s6+$0x1280] =	vst v0  }
0x1f6: {  	v0 =	vld [tilespmem:s31+$0xFFFFFFFA];
	_ =	sdelay $0x4  }
0x1f7: {  	[tilespmem:s6+$0x1300] =	vst v0  }
0x1f8: {  	s1 =	sadd.s32 $0x1, s1;
	v0 =	vld [tilespmem:s31+$0xFFFFFFF9]  }
0x1f9: {  	s7 =	sand.u32 $0x7, s1  }
0x1fa: {  	s7 =	sshll.u32 s7, $0x4  }
0x1fb: {  	s7 =	sadd.s32 s7, s30  }
0x1fc: {  	s7 =	sor.u32 $0x380, s7  }
0x1fd: {  	[tilespmem:s7+$0x1000] =	vst v0  }
0x1fe: {  	v0 =	vld [tilespmem:s31+$0xFFFFFFF8];
	_ =	sdelay $0x4  }
0x1ff: {  	[tilespmem:s6+$0x8C00] =	vst v0  }
0x200: {  	v0 =	vld [tilespmem:s31+$0xFFFFFFF7];
	_ =	sdelay $0x4  }
0x201: {  	[tilespmem:s6+$0x8C80] =	vst v0  }
0x202: {  	v0 =	vld [tilespmem:s31+$0xFFFFFFF6];
	_ =	sdelay $0x4  }
0x203: {  	[tilespmem:s6+$0x8D00] =	vst v0  }
0x204: {  	v0 =	vld [tilespmem:s31+$0xFFFFFFF5];
	_ =	sdelay $0x4  }
0x205: {  	[tilespmem:s6+$0x8D80] =	vst v0  }
0x206: {  	v0 =	vld [tilespmem:s31+$0xFFFFFFF4];
	_ =	sdelay $0x4  }
0x207: {  	[tilespmem:s6+$0x8E00] =	vst v0  }
0x208: {  	v0 =	vld [tilespmem:s31+$0xFFFFFFF3];
	_ =	sdelay $0x4  }
0x209: {  	[tilespmem:s6+$0x8E80] =	vst v0  }
0x20a: {  	v0 =	vld [tilespmem:s31+$0xFFFFFFF2];
	_ =	sdelay $0x4  }
0x20b: {  	[tilespmem:s6+$0x8F00] =	vst v0  }
0x20c: {  	v0 =	vld [tilespmem:s31+$0xFFFFFFF1];
	_ =	sdelay $0x1  }
.Ltmp2:
0x20d: {  	(pc) =	sbr.rel @p0 .LBB2_6-.Ltmp2, $3  }
0x20e: {  	_ =	sdelay $0x1  }
0x20f: {  	s31 =	sadd.s32 $0x10, s31;
	[tilespmem:s6+$0x8F80] =	vst v0  }
0x210: {  	s5 =	sadd.s32 $0x10, s5;
	v0 =	vld [tilespmem:s31+$0x0]  }
0x211: {  	_ = 	snop  }
0x212: {  	s5 =	sadd.s32 $0x80, s30  }
0x213: {  	s0 =	sand.u32 $0x70, s0;
	s6 =	sand.u32 $0x7C00, s5  }
0x214: {  	s0 =	sor.u32 s0, s6  }
0x215: {  	[tilespmem:s0+$0x1000] =	vst v0  }
0x216: {  	v0 =	vld [tilespmem:s31+$0xFFFFFFFF];
	_ =	sdelay $0x4  }
0x217: {  	[tilespmem:s0+$0x1080] =	vst v0  }
0x218: {  	v0 =	vld [tilespmem:s31+$0xFFFFFFFE];
	_ =	sdelay $0x4  }
0x219: {  	[tilespmem:s0+$0x1100] =	vst v0  }
0x21a: {  	v0 =	vld [tilespmem:s31+$0xFFFFFFFD];
	_ =	sdelay $0x4  }
0x21b: {  	[tilespmem:s0+$0x1180] =	vst v0  }
0x21c: {  	v0 =	vld [tilespmem:s31+$0xFFFFFFFC];
	_ =	sdelay $0x4  }
0x21d: {  	[tilespmem:s0+$0x1200] =	vst v0  }
0x21e: {  	v0 =	vld [tilespmem:s31+$0xFFFFFFFB];
	_ =	sdelay $0x4  }
0x21f: {  	[tilespmem:s0+$0x1280] =	vst v0  }
0x220: {  	v0 =	vld [tilespmem:s31+$0xFFFFFFFA];
	_ =	sdelay $0x4  }
0x221: {  	[tilespmem:s0+$0x1300] =	vst v0  }
0x222: {  	s1 =	sadd.s32 $0x1, s1;
	v0 =	vld [tilespmem:s31+$0xFFFFFFF9]  }
0x223: {  	s1 =	sand.u32 $0x7, s1  }
0x224: {  	s1 =	sshll.u32 s1, $0x4  }
0x225: {  	s1 =	sadd.s32 s1, s5  }
0x226: {  	s1 =	sor.u32 $0x380, s1  }
0x227: {  	[tilespmem:s1+$0x1000] =	vst v0  }
0x228: {  	v0 =	vld [tilespmem:s31+$0xFFFFFFF8];
	_ =	sdelay $0x4  }
0x229: {  	[tilespmem:s0+$0x8C00] =	vst v0  }
0x22a: {  	v0 =	vld [tilespmem:s31+$0xFFFFFFF7];
	_ =	sdelay $0x4  }
0x22b: {  	[tilespmem:s0+$0x8C80] =	vst v0  }
0x22c: {  	v0 =	vld [tilespmem:s31+$0xFFFFFFF6];
	_ =	sdelay $0x4  }
0x22d: {  	[tilespmem:s0+$0x8D00] =	vst v0  }
0x22e: {  	v0 =	vld [tilespmem:s31+$0xFFFFFFF5];
	_ =	sdelay $0x4  }
0x22f: {  	[tilespmem:s0+$0x8D80] =	vst v0  }
0x230: {  	v0 =	vld [tilespmem:s31+$0xFFFFFFF4];
	_ =	sdelay $0x4  }
0x231: {  	[tilespmem:s0+$0x8E00] =	vst v0  }
0x232: {  	v0 =	vld [tilespmem:s31+$0xFFFFFFF3];
	_ =	sdelay $0x4  }
0x233: {  	[tilespmem:s0+$0x8E80] =	vst v0  }
0x234: {  	v0 =	vld [tilespmem:s31+$0xFFFFFFF2];
	_ =	sdelay $0x4  }
0x235: {  	[tilespmem:s0+$0x8F00] =	vst v0  }
0x236: {  	v0 =	vld [tilespmem:s31+$0xFFFFFFF1];
	_ =	sdelay $0x2  }
0x237: {  	s7 =	sld [smem:$0x7EC];
	_ =	sdelay $0x1  }
0x238: {  	s30 =	simm.s32 $0x0;
	[tilespmem:s0+$0x8F80] =	vst v0  }
0x239: {  	[hbm4b:s7+s30] =	stream.linear.scatter [tilespmem:s21], [sflag:$0x1], $0x4000, $0x38;
	v63 =	vld [tilespmem:$0x0]  }
0x23a: {  	s5 =	sld [smem:$0x7ED];
	s0 =	sadd.s32 $0x800, s7;
	s21 =	simm.s32 $0xC800  }
0x23b: {  	[hbm4b:s0+s30] =	stream.linear.scatter [tilespmem:s21], [sflag:$0x1], $0x4000, $0x38;
	v63 =	vld [tilespmem:$0x0]  }
0x23c: {  	s6 =	simm.s32 $0x4800  }
0x23d: {  	[hbm4b:s5+s30] =	stream.linear.scatter [tilespmem:s6], [sflag:$0x1], $0x4000, $0x38;
	v63 =	vld [tilespmem:$0x0]  }
0x23e: {  	s7 =	simm.s32 $0xC400;
	s0 =	sadd.s32 $0x800, s5;
	s21 =	sld [smem:$0x7EE]  }
0x23f: {  	[hbm4b:s0+s30] =	stream.linear.scatter [tilespmem:s7], [sflag:$0x1], $0x4000, $0x38;
	v63 =	vld [tilespmem:$0x0]  }
0x240: {  	s5 =	simm.s32 $0x4400  }
0x241: {  	[hbm4b:s21+s30] =	stream.linear.scatter [tilespmem:s5], [sflag:$0x1], $0x4000, $0x38;
	v63 =	vld [tilespmem:$0x0]  }
0x242: {  	s6 =	simm.s32 $0xC000;
	s0 =	sadd.s32 $0x800, s21;
	s7 =	sld [smem:$0x7EF]  }
0x243: {  	[hbm4b:s0+s30] =	stream.linear.scatter [tilespmem:s6], [sflag:$0x1], $0x4000, $0x38;
	v63 =	vld [tilespmem:$0x0]  }
0x244: {  	s21 =	simm.s32 $0x4000  }
0x245: {  	[hbm4b:s7+s30] =	stream.linear.scatter [tilespmem:s21], [sflag:$0x1], $0x4000, $0x38;
	v63 =	vld [tilespmem:$0x0]  }
0x246: {  	s5 =	simm.s32 $0xBC00;
	s0 =	sadd.s32 $0x800, s7;
	s6 =	sld [smem:$0x7F0]  }
0x247: {  	[hbm4b:s0+s30] =	stream.linear.scatter [tilespmem:s5], [sflag:$0x1], $0x4000, $0x38;
	v63 =	vld [tilespmem:$0x0]  }
0x248: {  	s7 =	simm.s32 $0x3C00  }
0x249: {  	[hbm4b:s6+s30] =	stream.linear.scatter [tilespmem:s7], [sflag:$0x1], $0x4000, $0x38;
	v63 =	vld [tilespmem:$0x0]  }
0x24a: {  	s21 =	simm.s32 $0xB800;
	s0 =	sadd.s32 $0x800, s6;
	s5 =	sld [smem:$0x7F1]  }
0x24b: {  	[hbm4b:s0+s30] =	stream.linear.scatter [tilespmem:s21], [sflag:$0x1], $0x4000, $0x38;
	v63 =	vld [tilespmem:$0x0]  }
0x24c: {  	s6 =	simm.s32 $0x3800  }
0x24d: {  	[hbm4b:s5+s30] =	stream.linear.scatter [tilespmem:s6], [sflag:$0x1], $0x4000, $0x38;
	v63 =	vld [tilespmem:$0x0]  }
0x24e: {  	s7 =	simm.s32 $0xB400;
	s0 =	sadd.s32 $0x800, s5;
	s21 =	sld [smem:$0x7F2]  }
0x24f: {  	[hbm4b:s0+s30] =	stream.linear.scatter [tilespmem:s7], [sflag:$0x1], $0x4000, $0x38;
	v63 =	vld [tilespmem:$0x0]  }
0x250: {  	s5 =	simm.s32 $0x3400  }
0x251: {  	[hbm4b:s21+s30] =	stream.linear.scatter [tilespmem:s5], [sflag:$0x1], $0x4000, $0x38;
	v63 =	vld [tilespmem:$0x0]  }
0x252: {  	s6 =	simm.s32 $0xB000;
	s0 =	sadd.s32 $0x800, s21;
	s7 =	sld [smem:$0x7F3]  }
0x253: {  	[hbm4b:s0+s30] =	stream.linear.scatter [tilespmem:s6], [sflag:$0x1], $0x4000, $0x38;
	v63 =	vld [tilespmem:$0x0]  }
0x254: {  	s21 =	simm.s32 $0x3000  }
0x255: {  	[hbm4b:s7+s30] =	stream.linear.scatter [tilespmem:s21], [sflag:$0x1], $0x4000, $0x38;
	v63 =	vld [tilespmem:$0x0]  }
0x256: {  	s5 =	simm.s32 $0xAC00;
	s0 =	sadd.s32 $0x800, s7;
	s6 =	sld [smem:$0x7F4]  }
0x257: {  	[hbm4b:s0+s30] =	stream.linear.scatter [tilespmem:s5], [sflag:$0x1], $0x4000, $0x38;
	v63 =	vld [tilespmem:$0x0]  }
0x258: {  	s7 =	simm.s32 $0x2C00  }
0x259: {  	[hbm4b:s6+s30] =	stream.linear.scatter [tilespmem:s7], [sflag:$0x1], $0x4000, $0x38;
	v63 =	vld [tilespmem:$0x0]  }
0x25a: {  	s21 =	simm.s32 $0xA800;
	s0 =	sadd.s32 $0x800, s6;
	s5 =	sld [smem:$0x7F5]  }
0x25b: {  	[hbm4b:s0+s30] =	stream.linear.scatter [tilespmem:s21], [sflag:$0x1], $0x4000, $0x38;
	v63 =	vld [tilespmem:$0x0]  }
0x25c: {  	s6 =	simm.s32 $0x2800  }
0x25d: {  	[hbm4b:s5+s30] =	stream.linear.scatter [tilespmem:s6], [sflag:$0x1], $0x4000, $0x38;
	v63 =	vld [tilespmem:$0x0]  }
0x25e: {  	s7 =	simm.s32 $0xA400;
	s0 =	sadd.s32 $0x800, s5;
	s21 =	sld [smem:$0x7F6]  }
0x25f: {  	[hbm4b:s0+s30] =	stream.linear.scatter [tilespmem:s7], [sflag:$0x1], $0x4000, $0x38;
	v63 =	vld [tilespmem:$0x0]  }
0x260: {  	s5 =	simm.s32 $0x2400  }
0x261: {  	[hbm4b:s21+s30] =	stream.linear.scatter [tilespmem:s5], [sflag:$0x1], $0x4000, $0x38;
	v63 =	vld [tilespmem:$0x0]  }
0x262: {  	s6 =	simm.s32 $0xA000;
	s0 =	sadd.s32 $0x800, s21;
	s7 =	sld [smem:$0x7F7]  }
0x263: {  	[hbm4b:s0+s30] =	stream.linear.scatter [tilespmem:s6], [sflag:$0x1], $0x4000, $0x38;
	v63 =	vld [tilespmem:$0x0]  }
0x264: {  	s21 =	simm.s32 $0x2000  }
0x265: {  	[hbm4b:s7+s30] =	stream.linear.scatter [tilespmem:s21], [sflag:$0x1], $0x4000, $0x38;
	v63 =	vld [tilespmem:$0x0]  }
0x266: {  	s5 =	simm.s32 $0x9C00;
	s0 =	sadd.s32 $0x800, s7;
	s6 =	sld [smem:$0x7F8]  }
0x267: {  	[hbm4b:s0+s30] =	stream.linear.scatter [tilespmem:s5], [sflag:$0x1], $0x4000, $0x38;
	v63 =	vld [tilespmem:$0x0]  }
0x268: {  	s7 =	simm.s32 $0x1C00  }
0x269: {  	[hbm4b:s6+s30] =	stream.linear.scatter [tilespmem:s7], [sflag:$0x1], $0x4000, $0x38;
	v63 =	vld [tilespmem:$0x0]  }
0x26a: {  	s21 =	simm.s32 $0x9800;
	s0 =	sadd.s32 $0x800, s6;
	s5 =	sld [smem:$0x7F9]  }
0x26b: {  	[hbm4b:s0+s30] =	stream.linear.scatter [tilespmem:s21], [sflag:$0x1], $0x4000, $0x38;
	v63 =	vld [tilespmem:$0x0]  }
0x26c: {  	s6 =	simm.s32 $0x1800  }
0x26d: {  	[hbm4b:s5+s30] =	stream.linear.scatter [tilespmem:s6], [sflag:$0x1], $0x4000, $0x38;
	v63 =	vld [tilespmem:$0x0]  }
0x26e: {  	s7 =	simm.s32 $0x9400;
	s0 =	sadd.s32 $0x800, s5;
	s21 =	sld [smem:$0x7FA]  }
0x26f: {  	[hbm4b:s0+s30] =	stream.linear.scatter [tilespmem:s7], [sflag:$0x1], $0x4000, $0x38;
	v63 =	vld [tilespmem:$0x0]  }
0x270: {  	s5 =	simm.s32 $0x1400  }
0x271: {  	[hbm4b:s21+s30] =	stream.linear.scatter [tilespmem:s5], [sflag:$0x1], $0x4000, $0x38;
	v63 =	vld [tilespmem:$0x0]  }
0x272: {  	s6 =	simm.s32 $0x9000;
	s0 =	sadd.s32 $0x800, s21;
	s7 =	sld [smem:$0x7FB]  }
0x273: {  	[hbm4b:s0+s30] =	stream.linear.scatter [tilespmem:s6], [sflag:$0x1], $0x4000, $0x38;
	v63 =	vld [tilespmem:$0x0]  }
0x274: {  	s21 =	simm.s32 $0x1000  }
0x275: {  	[hbm4b:s7+s30] =	stream.linear.scatter [tilespmem:s21], [sflag:$0x1], $0x4000, $0x38;
	v63 =	vld [tilespmem:$0x0]  }
0x276: {  	s5 =	simm.s32 $0x8C00;
	s0 =	sadd.s32 $0x800, s7  }
0x277: {  	[hbm4b:s0+s30] =	stream.linear.scatter [tilespmem:s5], [sflag:$0x1], $0x4000, $0x38;
	v63 =	vld [tilespmem:$0x0]  }
0x278: {  	_ =	swait.ge [sflag:s28], $0x8000  }
0x279: {  	[sflag:s28] =	ssyncset.done $0x0  }
0x27a: {  	[sflag:s28] =	ssyncadd.s32 $0xFFFF8000  }
0x27b: {  	_ =	swait.ge [sflag:s28], $0x8000  }
0x27c: {  	[sflag:s28] =	ssyncset.done $0x0  }
0x27d: {  	[sflag:s28] =	ssyncadd.s32 $0xFFFF8000  }
0x27e: {  	_ =	swait.ge [sflag:s28], $0x8000  }
0x27f: {  	[sflag:s28] =	ssyncset.done $0x0  }
0x280: {  	[sflag:s28] =	ssyncadd.s32 $0xFFFF8000  }
0x281: {  	_ =	swait.ge [sflag:s28], $0x8000  }
0x282: {  	[sflag:s28] =	ssyncset.done $0x0  }
0x283: {  	[sflag:s28] =	ssyncadd.s32 $0xFFFF8000  }
0x284: {  	_ =	swait.ge [sflag:s28], $0x8000  }
0x285: {  	[sflag:s28] =	ssyncset.done $0x0  }
0x286: {  	[sflag:s28] =	ssyncadd.s32 $0xFFFF8000  }
0x287: {  	_ =	swait.ge [sflag:s28], $0x8000  }
0x288: {  	[sflag:s28] =	ssyncset.done $0x0  }
0x289: {  	[sflag:s28] =	ssyncadd.s32 $0xFFFF8000  }
0x28a: {  	_ =	swait.ge [sflag:s28], $0x8000  }
0x28b: {  	[sflag:s28] =	ssyncset.done $0x0  }
0x28c: {  	[sflag:s28] =	ssyncadd.s32 $0xFFFF8000  }
0x28d: {  	_ =	swait.ge [sflag:s28], $0x8000  }
0x28e: {  	[sflag:s28] =	ssyncset.done $0x0  }
0x28f: {  	[sflag:s28] =	ssyncadd.s32 $0xFFFF8000  }
0x290: {  	_ =	swait.ge [sflag:s28], $0x8000  }
0x291: {  	[sflag:s28] =	ssyncset.done $0x0  }
0x292: {  	[sflag:s28] =	ssyncadd.s32 $0xFFFF8000  }
0x293: {  	_ =	swait.ge [sflag:s28], $0x8000  }
0x294: {  	[sflag:s28] =	ssyncset.done $0x0  }
0x295: {  	[sflag:s28] =	ssyncadd.s32 $0xFFFF8000  }
0x296: {  	_ =	swait.ge [sflag:s28], $0x8000  }
0x297: {  	[sflag:s28] =	ssyncset.done $0x0  }
0x298: {  	[sflag:s28] =	ssyncadd.s32 $0xFFFF8000  }
0x299: {  	_ =	swait.ge [sflag:s28], $0x8000  }
0x29a: {  	[sflag:s28] =	ssyncset.done $0x0  }
0x29b: {  	[sflag:s28] =	ssyncadd.s32 $0xFFFF8000  }
0x29c: {  	_ =	swait.ge [sflag:s28], $0x8000  }
0x29d: {  	[sflag:s28] =	ssyncset.done $0x0  }
0x29e: {  	[sflag:s28] =	ssyncadd.s32 $0xFFFF8000  }
0x29f: {  	_ =	swait.ge [sflag:s28], $0x8000  }
0x2a0: {  	[sflag:s28] =	ssyncset.done $0x0  }
0x2a1: {  	[sflag:s28] =	ssyncadd.s32 $0xFFFF8000  }
0x2a2: {  	_ =	swait.ge [sflag:s28], $0x8000  }
0x2a3: {  	[sflag:s28] =	ssyncset.done $0x0  }
0x2a4: {  	[sflag:s28] =	ssyncadd.s32 $0xFFFF8000  }
0x2a5: {  	_ =	swait.ge [sflag:s28], $0x8000  }
0x2a6: {  	[sflag:s28] =	ssyncset.done $0x0  }
0x2a7: {  	[sflag:s28] =	ssyncadd.s32 $0xFFFF8000  }
0x2a8: {  	v0 =	vld [tilespmem:s25+$0x0];
	_ =	sdelay $0x2  }
0x2a9: {  	s6 =	sand.u32 $0x70, s30;
	s7 =	sand.u32 $0x7C00, s30  }
0x2aa: {  	s31 =	sor.u32 s6, s7  }
0x2ab: {  	[tilespmem:s31+$0x10800] =	vst v0  }
0x2ac: {  	v0 =	vld [tilespmem:s25+$0xFFFFFFFF];
	_ =	sdelay $0x3  }
0x2ad: {  	s0 =	sadd.s32 $0x10800, s31  }
0x2ae: {  	[tilespmem:s0+$0x80] =	vst v0  }
0x2af: {  	v0 =	vld [tilespmem:s25+$0xFFFFFFFE];
	_ =	sdelay $0x4  }
0x2b0: {  	[tilespmem:s0+$0x100] =	vst v0  }
0x2b1: {  	v0 =	vld [tilespmem:s25+$0xFFFFFFFD];
	_ =	sdelay $0x4  }
0x2b2: {  	[tilespmem:s0+$0x180] =	vst v0  }
0x2b3: {  	v0 =	vld [tilespmem:s25+$0xFFFFFFFC];
	_ =	sdelay $0x4  }
0x2b4: {  	[tilespmem:s0+$0x200] =	vst v0  }
0x2b5: {  	v0 =	vld [tilespmem:s25+$0xFFFFFFFB];
	_ =	sdelay $0x4  }
0x2b6: {  	[tilespmem:s0+$0x280] =	vst v0  }
0x2b7: {  	v0 =	vld [tilespmem:s25+$0xFFFFFFFA];
	_ =	sdelay $0x4  }
0x2b8: {  	[tilespmem:s0+$0x300] =	vst v0  }
0x2b9: {  	v0 =	vld [tilespmem:s25+$0xFFFFFFF9]  }
0x2ba: {  	s21 =	sand.u32 $0x7, s30  }
0x2bb: {  	s0 =	sshll.u32 s21, $0x4  }
0x2bc: {  	s0 =	sadd.s32 $0x0, s0  }
0x2bd: {  	s0 =	sor.u32 $0x380, s0  }
0x2be: {  	[tilespmem:s0+$0x10800] =	vst v0  }
0x2bf: {  	v0 =	vld [tilespmem:s25+$0xFFFFFFF8];
	_ =	sdelay $0x4  }
0x2c0: {  	[tilespmem:s31+$0x18400] =	vst v0  }
0x2c1: {  	v0 =	vld [tilespmem:s25+$0xFFFFFFF7];
	_ =	sdelay $0x4  }
0x2c2: {  	[tilespmem:s31+$0x18480] =	vst v0  }
0x2c3: {  	v0 =	vld [tilespmem:s25+$0xFFFFFFF6];
	_ =	sdelay $0x4  }
0x2c4: {  	[tilespmem:s31+$0x18500] =	vst v0  }
0x2c5: {  	v0 =	vld [tilespmem:s25+$0xFFFFFFF5];
	_ =	sdelay $0x4  }
0x2c6: {  	[tilespmem:s31+$0x18580] =	vst v0  }
0x2c7: {  	v0 =	vld [tilespmem:s25+$0xFFFFFFF4];
	_ =	sdelay $0x4  }
0x2c8: {  	[tilespmem:s31+$0x18600] =	vst v0  }
0x2c9: {  	v0 =	vld [tilespmem:s25+$0xFFFFFFF3];
	_ =	sdelay $0x4  }
0x2ca: {  	[tilespmem:s31+$0x18680] =	vst v0  }
0x2cb: {  	v0 =	vld [tilespmem:s25+$0xFFFFFFF2];
	_ =	sdelay $0x4  }
0x2cc: {  	[tilespmem:s31+$0x18700] =	vst v0  }
0x2cd: {  	s1 =	simm.s32 $0x0;
	s5 =	smov.u32 s25;
	s0 =	simm.s32 $0x10;
	v0 =	vld [tilespmem:s25+$0xFFFFFFF1]  }
.LBB2_8:
0x2ce: {  	_ =	sdelay $0x3  }
0x2cf: {  	s30 =	sadd.s32 $0x80, s30;
	s1 =	sadd.s32 $0x1, s1;
	s5 =	sadd.s32 $0x10, s5;
	[tilespmem:s31+$0x18780] =	vst v0  }
0x2d0: {  	p0 =	sne.s32 s0, $0xF70;
	s6 =	smov.u32 s0;
	s0 =	sadd.s32 $0x10, s0;
	v0 =	vld [tilespmem:s5+$0x0]  }
0x2d1: {  	_ =	sdelay $0x1  }
0x2d2: {  	s6 =	sand.u32 $0x70, s6;
	s7 =	sand.u32 $0x7C00, s30  }
0x2d3: {  	s31 =	sor.u32 s6, s7  }
0x2d4: {  	[tilespmem:s31+$0x10800] =	vst v0  }
0x2d5: {  	v0 =	vld [tilespmem:s5+$0xFFFFFFFF];
	_ =	sdelay $0x3  }
0x2d6: {  	s6 =	sadd.s32 $0x10800, s31  }
0x2d7: {  	[tilespmem:s6+$0x80] =	vst v0  }
0x2d8: {  	v0 =	vld [tilespmem:s5+$0xFFFFFFFE];
	_ =	sdelay $0x4  }
0x2d9: {  	[tilespmem:s6+$0x100] =	vst v0  }
0x2da: {  	v0 =	vld [tilespmem:s5+$0xFFFFFFFD];
	_ =	sdelay $0x4  }
0x2db: {  	[tilespmem:s6+$0x180] =	vst v0  }
0x2dc: {  	v0 =	vld [tilespmem:s5+$0xFFFFFFFC];
	_ =	sdelay $0x4  }
0x2dd: {  	[tilespmem:s6+$0x200] =	vst v0  }
0x2de: {  	v0 =	vld [tilespmem:s5+$0xFFFFFFFB];
	_ =	sdelay $0x4  }
0x2df: {  	[tilespmem:s6+$0x280] =	vst v0  }
0x2e0: {  	v0 =	vld [tilespmem:s5+$0xFFFFFFFA];
	_ =	sdelay $0x4  }
0x2e1: {  	[tilespmem:s6+$0x300] =	vst v0  }
0x2e2: {  	v0 =	vld [tilespmem:s5+$0xFFFFFFF9]  }
0x2e3: {  	s6 =	sand.u32 $0x7, s1  }
0x2e4: {  	s6 =	sshll.u32 s6, $0x4  }
0x2e5: {  	s6 =	sadd.s32 s6, s30  }
0x2e6: {  	s6 =	sor.u32 $0x380, s6  }
0x2e7: {  	[tilespmem:s6+$0x10800] =	vst v0  }
0x2e8: {  	v0 =	vld [tilespmem:s5+$0xFFFFFFF8];
	_ =	sdelay $0x4  }
0x2e9: {  	[tilespmem:s31+$0x18400] =	vst v0  }
0x2ea: {  	v0 =	vld [tilespmem:s5+$0xFFFFFFF7];
	_ =	sdelay $0x4  }
0x2eb: {  	[tilespmem:s31+$0x18480] =	vst v0  }
0x2ec: {  	v0 =	vld [tilespmem:s5+$0xFFFFFFF6];
	_ =	sdelay $0x4  }
0x2ed: {  	[tilespmem:s31+$0x18500] =	vst v0  }
0x2ee: {  	v0 =	vld [tilespmem:s5+$0xFFFFFFF5];
	_ =	sdelay $0x4  }
0x2ef: {  	[tilespmem:s31+$0x18580] =	vst v0  }
0x2f0: {  	v0 =	vld [tilespmem:s5+$0xFFFFFFF4];
	_ =	sdelay $0x4  }
0x2f1: {  	[tilespmem:s31+$0x18600] =	vst v0  }
0x2f2: {  	v0 =	vld [tilespmem:s5+$0xFFFFFFF3];
	_ =	sdelay $0x4  }
0x2f3: {  	[tilespmem:s31+$0x18680] =	vst v0  }
0x2f4: {  	v0 =	vld [tilespmem:s5+$0xFFFFFFF2];
	_ =	sdelay $0x1  }
.Ltmp3:
0x2f5: {  	(pc) =	sbr.rel @p0 .LBB2_8-.Ltmp3, $3  }
0x2f6: {  	_ =	sdelay $0x1  }
0x2f7: {  	[tilespmem:s31+$0x18700] =	vst v0  }
0x2f8: {  	v0 =	vld [tilespmem:s5+$0xFFFFFFF1]  }
0x2f9: {  	_ =	sdelay $0x1  }
0x2fa: {  	s0 =	sld [smem:$0x7FC];
	_ =	sdelay $0x1  }
0x2fb: {  	s1 =	simm.s32 $0x14400;
	[tilespmem:s31+$0x18780] =	vst v0  }
0x2fc: {  	[hbm4b:s0+s2] =	stream.linear.scatter [tilespmem:s1], [sflag:$0x2], $0x4000, $0x38;
	v63 =	vld [tilespmem:$0x0]  }
0x2fd: {  	s7 =	simm.s32 $0x1C000;
	s21 =	sld [smem:$0x7FD];
	s0 =	sadd.s32 $0x800, s0  }
0x2fe: {  	[hbm4b:s0+s2] =	stream.linear.scatter [tilespmem:s7], [sflag:$0x2], $0x4000, $0x38;
	v63 =	vld [tilespmem:$0x0]  }
0x2ff: {  	s30 =	simm.s32 $0x14000  }
0x300: {  	[hbm4b:s21+s2] =	stream.linear.scatter [tilespmem:s30], [sflag:$0x2], $0x4000, $0x38;
	v63 =	vld [tilespmem:$0x0]  }
0x301: {  	s31 =	simm.s32 $0x1BC00;
	s0 =	sadd.s32 $0x800, s21  }
0x302: {  	[hbm4b:s0+s2] =	stream.linear.scatter [tilespmem:s31], [sflag:$0x2], $0x4000, $0x38;
	v63 =	vld [tilespmem:$0x0]  }
0x303: {  	s5 =	simm.s32 $0x13C00  }
0x304: {  	[hbm4b:s8+s2] =	stream.linear.scatter [tilespmem:s5], [sflag:$0x2], $0x4000, $0x38;
	v63 =	vld [tilespmem:$0x0]  }
0x305: {  	s6 =	sadd.s32 $0x800, s8;
	s7 =	simm.s32 $0x1B800  }
0x306: {  	[hbm4b:s6+s2] =	stream.linear.scatter [tilespmem:s7], [sflag:$0x2], $0x4000, $0x38;
	v63 =	vld [tilespmem:$0x0]  }
0x307: {  	s21 =	simm.s32 $0x13800  }
0x308: {  	[hbm4b:s9+s2] =	stream.linear.scatter [tilespmem:s21], [sflag:$0x2], $0x4000, $0x38;
	v63 =	vld [tilespmem:$0x0]  }
0x309: {  	s30 =	sadd.s32 $0x800, s9;
	s31 =	simm.s32 $0x1B400  }
0x30a: {  	[hbm4b:s30+s2] =	stream.linear.scatter [tilespmem:s31], [sflag:$0x2], $0x4000, $0x38;
	v63 =	vld [tilespmem:$0x0]  }
0x30b: {  	s5 =	simm.s32 $0x13400  }
0x30c: {  	[hbm4b:s10+s2] =	stream.linear.scatter [tilespmem:s5], [sflag:$0x2], $0x4000, $0x38;
	v63 =	vld [tilespmem:$0x0]  }
0x30d: {  	s6 =	sadd.s32 $0x800, s10;
	s7 =	simm.s32 $0x1B000  }
0x30e: {  	[hbm4b:s6+s2] =	stream.linear.scatter [tilespmem:s7], [sflag:$0x2], $0x4000, $0x38;
	v63 =	vld [tilespmem:$0x0]  }
0x30f: {  	s21 =	simm.s32 $0x13000  }
0x310: {  	[hbm4b:s11+s2] =	stream.linear.scatter [tilespmem:s21], [sflag:$0x2], $0x4000, $0x38;
	v63 =	vld [tilespmem:$0x0]  }
0x311: {  	s30 =	sadd.s32 $0x800, s11;
	s31 =	simm.s32 $0x1AC00  }
0x312: {  	[hbm4b:s30+s2] =	stream.linear.scatter [tilespmem:s31], [sflag:$0x2], $0x4000, $0x38;
	v63 =	vld [tilespmem:$0x0]  }
0x313: {  	s5 =	simm.s32 $0x12C00  }
0x314: {  	[hbm4b:s12+s2] =	stream.linear.scatter [tilespmem:s5], [sflag:$0x2], $0x4000, $0x38;
	v63 =	vld [tilespmem:$0x0]  }
0x315: {  	s6 =	sadd.s32 $0x800, s12;
	s7 =	simm.s32 $0x1A800  }
0x316: {  	[hbm4b:s6+s2] =	stream.linear.scatter [tilespmem:s7], [sflag:$0x2], $0x4000, $0x38;
	v63 =	vld [tilespmem:$0x0]  }
0x317: {  	s21 =	simm.s32 $0x12800  }
0x318: {  	[hbm4b:s13+s2] =	stream.linear.scatter [tilespmem:s21], [sflag:$0x2], $0x4000, $0x38;
	v63 =	vld [tilespmem:$0x0]  }
0x319: {  	s30 =	sadd.s32 $0x800, s13;
	s31 =	simm.s32 $0x1A400  }
0x31a: {  	[hbm4b:s30+s2] =	stream.linear.scatter [tilespmem:s31], [sflag:$0x2], $0x4000, $0x38;
	v63 =	vld [tilespmem:$0x0]  }
0x31b: {  	s5 =	simm.s32 $0x12400  }
0x31c: {  	[hbm4b:s14+s2] =	stream.linear.scatter [tilespmem:s5], [sflag:$0x2], $0x4000, $0x38;
	v63 =	vld [tilespmem:$0x0]  }
0x31d: {  	s6 =	sadd.s32 $0x800, s14;
	s7 =	simm.s32 $0x1A000  }
0x31e: {  	[hbm4b:s6+s2] =	stream.linear.scatter [tilespmem:s7], [sflag:$0x2], $0x4000, $0x38;
	v63 =	vld [tilespmem:$0x0]  }
0x31f: {  	s21 =	simm.s32 $0x12000  }
0x320: {  	[hbm4b:s15+s2] =	stream.linear.scatter [tilespmem:s21], [sflag:$0x2], $0x4000, $0x38;
	v63 =	vld [tilespmem:$0x0]  }
0x321: {  	s30 =	sadd.s32 $0x800, s15;
	s31 =	simm.s32 $0x19C00  }
0x322: {  	[hbm4b:s30+s2] =	stream.linear.scatter [tilespmem:s31], [sflag:$0x2], $0x4000, $0x38;
	v63 =	vld [tilespmem:$0x0]  }
0x323: {  	s5 =	simm.s32 $0x11C00  }
0x324: {  	[hbm4b:s16+s2] =	stream.linear.scatter [tilespmem:s5], [sflag:$0x2], $0x4000, $0x38;
	v63 =	vld [tilespmem:$0x0]  }
0x325: {  	s6 =	sadd.s32 $0x800, s16;
	s7 =	simm.s32 $0x19800  }
0x326: {  	[hbm4b:s6+s2] =	stream.linear.scatter [tilespmem:s7], [sflag:$0x2], $0x4000, $0x38;
	v63 =	vld [tilespmem:$0x0]  }
0x327: {  	s21 =	simm.s32 $0x11800  }
0x328: {  	[hbm4b:s17+s2] =	stream.linear.scatter [tilespmem:s21], [sflag:$0x2], $0x4000, $0x38;
	v63 =	vld [tilespmem:$0x0]  }
0x329: {  	s30 =	sadd.s32 $0x800, s17;
	s31 =	simm.s32 $0x19400  }
0x32a: {  	[hbm4b:s30+s2] =	stream.linear.scatter [tilespmem:s31], [sflag:$0x2], $0x4000, $0x38;
	v63 =	vld [tilespmem:$0x0]  }
0x32b: {  	s5 =	simm.s32 $0x11400  }
0x32c: {  	[hbm4b:s18+s2] =	stream.linear.scatter [tilespmem:s5], [sflag:$0x2], $0x4000, $0x38;
	v63 =	vld [tilespmem:$0x0]  }
0x32d: {  	s6 =	sadd.s32 $0x800, s18;
	s7 =	simm.s32 $0x19000  }
0x32e: {  	[hbm4b:s6+s2] =	stream.linear.scatter [tilespmem:s7], [sflag:$0x2], $0x4000, $0x38;
	v63 =	vld [tilespmem:$0x0]  }
0x32f: {  	s21 =	simm.s32 $0x11000  }
0x330: {  	[hbm4b:s19+s2] =	stream.linear.scatter [tilespmem:s21], [sflag:$0x2], $0x4000, $0x38;
	v63 =	vld [tilespmem:$0x0]  }
0x331: {  	s30 =	sadd.s32 $0x800, s19;
	s31 =	simm.s32 $0x18C00  }
0x332: {  	[hbm4b:s30+s2] =	stream.linear.scatter [tilespmem:s31], [sflag:$0x2], $0x4000, $0x38;
	v63 =	vld [tilespmem:$0x0]  }
0x333: {  	s1 =	simm.s32 $0x10C00  }
0x334: {  	[hbm4b:s20+s2] =	stream.linear.scatter [tilespmem:s1], [sflag:$0x2], $0x4000, $0x38;
	v63 =	vld [tilespmem:$0x0]  }
0x335: {  	s5 =	sadd.s32 $0x800, s20;
	s6 =	simm.s32 $0x18800  }
0x336: {  	[hbm4b:s5+s2] =	stream.linear.scatter [tilespmem:s6], [sflag:$0x2], $0x4000, $0x38;
	v63 =	vld [tilespmem:$0x0]  }
0x337: {  	s7 =	simm.s32 $0x10800  }
0x338: {  	[hbm4b:s26+s2] =	stream.linear.scatter [tilespmem:s7], [sflag:$0x2], $0x4000, $0x38;
	v63 =	vld [tilespmem:$0x0]  }
0x339: {  	s21 =	sadd.s32 $0x800, s26;
	s30 =	simm.s32 $0x18400  }
0x33a: {  	[hbm4b:s21+s2] =	stream.linear.scatter [tilespmem:s30], [sflag:$0x2], $0x4000, $0x38;
	v63 =	vld [tilespmem:$0x0]  }
0x33b: {  	_ =	swait.ge [sflag:s3], $0x8000  }
0x33c: {  	[sflag:s3] =	ssyncset.done $0x0  }
0x33d: {  	[sflag:s3] =	ssyncadd.s32 $0xFFFF8000  }
0x33e: {  	_ =	swait.ge [sflag:s3], $0x8000  }
0x33f: {  	[sflag:s3] =	ssyncset.done $0x0  }
0x340: {  	[sflag:s3] =	ssyncadd.s32 $0xFFFF8000  }
0x341: {  	_ =	swait.ge [sflag:s3], $0x8000  }
0x342: {  	[sflag:s3] =	ssyncset.done $0x0  }
0x343: {  	[sflag:s3] =	ssyncadd.s32 $0xFFFF8000  }
0x344: {  	_ =	swait.ge [sflag:s3], $0x8000  }
0x345: {  	[sflag:s3] =	ssyncset.done $0x0  }
0x346: {  	[sflag:s3] =	ssyncadd.s32 $0xFFFF8000  }
0x347: {  	_ =	swait.ge [sflag:s3], $0x8000  }
0x348: {  	[sflag:s3] =	ssyncset.done $0x0  }
0x349: {  	[sflag:s3] =	ssyncadd.s32 $0xFFFF8000  }
0x34a: {  	_ =	swait.ge [sflag:s3], $0x8000  }
0x34b: {  	[sflag:s3] =	ssyncset.done $0x0  }
0x34c: {  	[sflag:s3] =	ssyncadd.s32 $0xFFFF8000  }
0x34d: {  	_ =	swait.ge [sflag:s3], $0x8000  }
0x34e: {  	[sflag:s3] =	ssyncset.done $0x0  }
0x34f: {  	[sflag:s3] =	ssyncadd.s32 $0xFFFF8000  }
0x350: {  	_ =	swait.ge [sflag:s3], $0x8000  }
0x351: {  	[sflag:s3] =	ssyncset.done $0x0  }
0x352: {  	[sflag:s3] =	ssyncadd.s32 $0xFFFF8000  }
0x353: {  	_ =	swait.ge [sflag:s3], $0x8000  }
0x354: {  	[sflag:s3] =	ssyncset.done $0x0  }
0x355: {  	[sflag:s3] =	ssyncadd.s32 $0xFFFF8000  }
0x356: {  	_ =	swait.ge [sflag:s3], $0x8000  }
0x357: {  	[sflag:s3] =	ssyncset.done $0x0  }
0x358: {  	[sflag:s3] =	ssyncadd.s32 $0xFFFF8000  }
0x359: {  	_ =	swait.ge [sflag:s3], $0x8000  }
0x35a: {  	[sflag:s3] =	ssyncset.done $0x0  }
0x35b: {  	[sflag:s3] =	ssyncadd.s32 $0xFFFF8000  }
0x35c: {  	_ =	swait.ge [sflag:s3], $0x8000  }
0x35d: {  	[sflag:s3] =	ssyncset.done $0x0  }
0x35e: {  	[sflag:s3] =	ssyncadd.s32 $0xFFFF8000  }
0x35f: {  	_ =	swait.ge [sflag:s3], $0x8000  }
0x360: {  	[sflag:s3] =	ssyncset.done $0x0  }
0x361: {  	[sflag:s3] =	ssyncadd.s32 $0xFFFF8000  }
0x362: {  	_ =	swait.ge [sflag:s3], $0x8000  }
0x363: {  	[sflag:s3] =	ssyncset.done $0x0  }
0x364: {  	[sflag:s3] =	ssyncadd.s32 $0xFFFF8000  }
0x365: {  	_ =	swait.ge [sflag:s3], $0x8000  }
0x366: {  	[sflag:s3] =	ssyncset.done $0x0  }
0x367: {  	[sflag:s3] =	ssyncadd.s32 $0xFFFF8000  }
0x368: {  	_ =	swait.ge [sflag:s3], $0x8000  }
0x369: {  	[sflag:s3] =	ssyncset.done $0x0  }
0x36a: {  	[sflag:s3] =	ssyncadd.s32 $0xFFFF8000  }
0x36b: {  	_ =	swait.ge [sflag:s28], $0x8000  }
0x36c: {  	[sflag:s28] =	ssyncset.done $0x0  }
0x36d: {  	[sflag:s28] =	ssyncadd.s32 $0xFFFF8000  }
0x36e: {  	_ =	swait.ge [sflag:s28], $0x8000  }
0x36f: {  	[sflag:s28] =	ssyncset.done $0x0  }
0x370: {  	[sflag:s28] =	ssyncadd.s32 $0xFFFF8000  }
0x371: {  	_ =	swait.ge [sflag:s28], $0x8000  }
0x372: {  	[sflag:s28] =	ssyncset.done $0x0  }
0x373: {  	[sflag:s28] =	ssyncadd.s32 $0xFFFF8000  }
0x374: {  	_ =	swait.ge [sflag:s28], $0x8000  }
0x375: {  	[sflag:s28] =	ssyncset.done $0x0  }
0x376: {  	[sflag:s28] =	ssyncadd.s32 $0xFFFF8000  }
0x377: {  	_ =	swait.ge [sflag:s28], $0x8000  }
0x378: {  	[sflag:s28] =	ssyncset.done $0x0  }
0x379: {  	[sflag:s28] =	ssyncadd.s32 $0xFFFF8000  }
0x37a: {  	_ =	swait.ge [sflag:s28], $0x8000  }
0x37b: {  	[sflag:s28] =	ssyncset.done $0x0  }
0x37c: {  	[sflag:s28] =	ssyncadd.s32 $0xFFFF8000  }
0x37d: {  	_ =	swait.ge [sflag:s28], $0x8000  }
0x37e: {  	[sflag:s28] =	ssyncset.done $0x0  }
0x37f: {  	[sflag:s28] =	ssyncadd.s32 $0xFFFF8000  }
0x380: {  	_ =	swait.ge [sflag:s28], $0x8000  }
0x381: {  	[sflag:s28] =	ssyncset.done $0x0  }
0x382: {  	[sflag:s28] =	ssyncadd.s32 $0xFFFF8000  }
0x383: {  	_ =	swait.ge [sflag:s28], $0x8000  }
0x384: {  	[sflag:s28] =	ssyncset.done $0x0  }
0x385: {  	[sflag:s28] =	ssyncadd.s32 $0xFFFF8000  }
0x386: {  	_ =	swait.ge [sflag:s28], $0x8000  }
0x387: {  	[sflag:s28] =	ssyncset.done $0x0  }
0x388: {  	[sflag:s28] =	ssyncadd.s32 $0xFFFF8000  }
0x389: {  	_ =	swait.ge [sflag:s28], $0x8000  }
0x38a: {  	[sflag:s28] =	ssyncset.done $0x0  }
0x38b: {  	[sflag:s28] =	ssyncadd.s32 $0xFFFF8000  }
0x38c: {  	_ =	swait.ge [sflag:s28], $0x8000  }
0x38d: {  	[sflag:s28] =	ssyncset.done $0x0  }
0x38e: {  	[sflag:s28] =	ssyncadd.s32 $0xFFFF8000  }
0x38f: {  	_ =	swait.ge [sflag:s28], $0x8000  }
0x390: {  	[sflag:s28] =	ssyncset.done $0x0  }
0x391: {  	[sflag:s28] =	ssyncadd.s32 $0xFFFF8000  }
0x392: {  	_ =	swait.ge [sflag:s28], $0x8000  }
0x393: {  	[sflag:s28] =	ssyncset.done $0x0  }
0x394: {  	[sflag:s28] =	ssyncadd.s32 $0xFFFF8000  }
0x395: {  	_ =	swait.ge [sflag:s28], $0x8000  }
0x396: {  	[sflag:s28] =	ssyncset.done $0x0  }
0x397: {  	[sflag:s28] =	ssyncadd.s32 $0xFFFF8000  }
0x398: {  	_ =	swait.ge [sflag:s28], $0x8000  }
0x399: {  	s29 =	sadd.s32 $0x1, s29;
	s31 =	rddreg [dreg:$0x13]  }
0x39a: {  	p0 =	sne.s32 s29, s31  }
.Ltmp4:
0x39b: {  	_ = 	snop;
	(pc) =	sbr.rel @p0 .LBB2_1-.Ltmp4, $3  }
0x39c: {  	_ =	sdelay $0x1  }
0x39d: {  	[sflag:s28] =	ssyncset.done $0x0  }
0x39e: {  	[sflag:s28] =	ssyncadd.s32 $0xFFFF8000  }
0x39f: {  	_ =	sfence.sel $0x180000  }
0x3a0: {  	[bflag:$0x0] =	sbarrier.arrive $0xFFFF  }
0x3a1: {  	_ =	strace $0x90000047  }
0x3a2: {  	s0 =	stileid.u32;
	[bflag:$0x2] =	sbarrier.arrive $0xFFFF  }
0x3a3: {  	p0 =	sne.s32 s0, $0x0;
	s0 =	rddreg [dreg:$0x2]  }
0x3a4: {  	s0 =	sadd.s32 @!p0 $0x100000, s0  }
0x3a5: {  	[sflag:s0] =	ssyncadd.tile.s32 @!p0 $0x1;
	_ =	shalt  }
.Lfunc_end2:
_tile_overlayer_lowered:
.L_overlay_start_2:
0x3a6: {  	(tag) =	ssettag $0x2  }
0x3a7: {  	s0 =	rddreg [dreg:$0x0];
	s2 =	stileid.u32  }
0x3a8: {  	s1 =	rddreg [dreg:$0x1];
	p0 =	sne.s32 s2, $0x0  }
0x3a9: {  	s3 =	rddreg [dreg:$0x2];
	[bflag:$0x3] =	sbarrier.arrive $0xFFFF;
	s2 =	simm.s32 @!p0 $0x1C03  }
0x3aa: {  	[timem:s3], [sflag:s2] =	dma.local @!p0 [hbm:s0], s1  }
0x3ab: {  	s0 =	simm.s32 @!p0 $0x3  }
0x3ac: {  	_ =	swait.ge @!p0 [sflag:s0], s1  }
0x3ad: {  	s1 =	ssub.s32 @!p0 $0x0, s1;
	[sflag:s0] =	ssyncset.done @!p0 $0x0  }
0x3ae: {  	[sflag:s0] =	ssyncadd.s32 @!p0 s1  }
0x3af: {  	[bflag:$0x3] =	sbarrier.arrive $0xFFFF  }
0x3b0: {  	_ =	shalt  }

</sc_bundles>
